<compile_context>
chip_gen: v7x
topology: tpu7x:2x2x1
jax: 0.10.2.dev20260603
libtpu: 0.0.44.dev20260713+nightly
codegen_flags: <defaults>
</compile_context>

<pallas_src>
import functools

import jax
import jax.numpy as jnp
from jax import lax
from jax.experimental import pallas as pl
from jax.experimental.pallas import tpu as pltpu
from jax.experimental.pallas import tpu_sc as plsc

STD_ = 3.0
MS = 6
B, T, C = 64, 2048, 256
NC, NS = 2, 16
NW = NC * NS
BPW = B // NW
R = 64
NCHUNK = T // R
NR = 256
H = 8
L = 16
NG = C // L

_mesh = plsc.VectorSubcoreMesh(core_axis_name="core", subcore_axis_name="sub")


@functools.partial(
    pl.kernel,
    out_type=jax.ShapeDtypeStruct((B, T, C), jnp.float32),
    mesh=_mesh,
    scratch_types=[
        pltpu.VMEM((C,), jnp.int32),
        pltpu.VMEM((NR, C), jnp.float32),
        pltpu.VMEM((R, C), jnp.float32),
        pltpu.VMEM((R, C), jnp.float32),
        pltpu.SemaphoreType.DMA((2,)),
        pltpu.SemaphoreType.DMA((2,)),
    ],
    compiler_params=pltpu.CompilerParams(needs_layout_passes=False,
                                         use_tc_tiling_on_sc=True),
)
def _shift_sc(data_hbm, wbase_hbm, out_hbm, wbase_v, ring, out_0, out_1,
              sin, sout):
    outs = [out_0, out_1]
    wid = lax.axis_index("sub") * NC + lax.axis_index("core")

    for bi in range(BPW):
        b = wid * BPW + bi
        pltpu.sync_copy(wbase_hbm.at[b], wbase_v)
        wregs = [wbase_v[pl.ds(g * L, L)] for g in range(NG)]
        cregs = [lax.iota(jnp.int32, L) + g * L for g in range(NG)]

        def load_chunk(ci):
            pltpu.async_copy(data_hbm.at[b, pl.ds(ci * R, R)],
                             ring.at[pl.ds((ci * R) % NR, R)],
                             sin.at[ci % 2])

        pltpu.async_copy(data_hbm.at[b, pl.ds(T - H, H)],
                         ring.at[pl.ds(NR - H, H)], sin.at[1])
        load_chunk(0)
        load_chunk(1)

        def chunk_pair(ci2, carry):
            for k in range(2):
                ci = ci2 * 2 + k
                t0 = ci * R

                @pl.when(ci == 0)
                def _():
                    pltpu.make_async_copy(data_hbm.at[b, pl.ds(0, H)],
                                          ring.at[pl.ds(0, H)],
                                          sin.at[1]).wait()
                    pltpu.make_async_copy(data_hbm.at[b, pl.ds(0, R)],
                                          ring.at[pl.ds(0, R)],
                                          sin.at[0]).wait()

                @pl.when(ci < NCHUNK - 1)
                def _():
                    pltpu.make_async_copy(data_hbm.at[b, pl.ds(0, R)],
                                          ring.at[pl.ds(0, R)],
                                          sin.at[(ci + 1) % 2]).wait()

                @pl.when(ci == NCHUNK - 1)
                def _():
                    pltpu.make_async_copy(data_hbm.at[b, pl.ds(0, H)],
                                          ring.at[pl.ds(0, H)],
                                          sin.at[(ci + 1) % 2]).wait()

                @pl.when(ci + 2 < NCHUNK)
                def _():
                    load_chunk(ci + 2)

                @pl.when(ci + 2 == NCHUNK)
                def _():
                    pltpu.async_copy(data_hbm.at[b, pl.ds(0, H)],
                                     ring.at[pl.ds(0, H)], sin.at[ci % 2])

                @pl.when(ci >= 2)
                def _():
                    pltpu.make_async_copy(outs[k],
                                          out_hbm.at[b, pl.ds(0, R)],
                                          sout.at[k]).wait()

                def row_body(r, c2):
                    t_abs = t0 + r
                    vals = [plsc.load_gather(
                                ring, [(wregs[g] + t_abs) & (NR - 1), cregs[g]])
                            for g in range(NG)]
                    for g in range(NG):
                        outs[k][r, pl.ds(g * L, L)] = vals[g]
                    return c2

                lax.fori_loop(0, R, row_body, 0, unroll=4)
                pltpu.async_copy(outs[k], out_hbm.at[b, pl.ds(t0, R)],
                                 sout.at[k])
            return carry

        lax.fori_loop(0, NCHUNK // 2, chunk_pair, 0)
        for k in range(2):
            pltpu.make_async_copy(outs[k], out_hbm.at[b, pl.ds(0, R)],
                                  sout.at[k]).wait()


def kernel(data):
    skey = jax.random.key(42)
    shifts = jax.random.normal(skey, (B, 1, C), dtype=jnp.float32) * STD_
    shifts = jnp.clip(jnp.round(shifts).astype(jnp.int32), -MS, MS)[:, 0, :]
    wbase = -shifts
    return _shift_sc(data, wbase)

# --- scband reference (transcript-rebuilt; emitter-appended) ---
"""Pipeline reference for scband-temporal-shift-7816840479178 (READ-ONLY COPY).

The authoritative reference and input builder live on the scoring server;
editing this copy changes nothing except your own understanding.
"""

import jax, jax.numpy as jnp
import numpy as np

STD = 3.0
MAX_SHIFT = 6

def setup_inputs(seed: int = 0) -> dict:
    key = jax.random.key(seed)
    data = jax.random.normal(key, (64, 2048, 256), dtype=jnp.float32)
    return {"data": data}

def reference(data):
    batch_size, n_steps, n_channels = data.shape
    # per-(batch, channel) random temporal shift, mirroring torch.normal(mean=0, std=STD)
    skey = jax.random.key(42)
    shifts = jax.random.normal(skey, (batch_size, 1, n_channels), dtype=jnp.float32) * STD
    shifts = jnp.clip(jnp.round(shifts).astype(jnp.int32), -MAX_SHIFT, MAX_SHIFT)
    indices = jnp.arange(n_steps, dtype=jnp.int32)[None, :, None]
    indices = jnp.broadcast_to(indices, (batch_size, n_steps, n_channels))
    shifted_indices = jnp.mod(indices - shifts, n_steps)
    shifted_data = jnp.take_along_axis(data, shifted_indices, axis=1)
    return shifted_data

if __name__ == "__main__":
    import jax
    _d = setup_inputs()
    print(jax.jit(kernel)(*tuple(_d.values())))

</pallas_src>

<mosaic_0001>
#map = affine_map<(d0, d1) -> (0, 0, 0)>
#map1 = affine_map<(d0, d1) -> (0, 0)>
module attributes {stable_mosaic.version = 14 : i64} {
  func.func @_shift_sc(%arg0: i32, %arg1: i32, %arg2: memref<64x2048x256xf32, #tpu.memory_space<hbm>>, %arg3: memref<64x256xi32, #tpu.memory_space<hbm>>, %arg4: memref<64x2048x256xf32, #tpu.memory_space<hbm>>, %arg5: memref<256xi32, #tpu.memory_space<vmem>>, %arg6: memref<256x256xf32, #tpu.memory_space<vmem>>, %arg7: memref<64x256xf32, #tpu.memory_space<vmem>>, %arg8: memref<64x256xf32, #tpu.memory_space<vmem>>, %arg9: memref<2x!tpu.dma_semaphore, #tpu.memory_space<semaphore_mem>>, %arg10: memref<2x!tpu.dma_semaphore, #tpu.memory_space<semaphore_mem>>) attributes {dimension_semantics = [#tpu.dimension_semantics<core_parallel>, #tpu.dimension_semantics<subcore_parallel>], iteration_bounds = array<i64: 2, 16>, scalar_prefetch = 0 : i64, scratch_operands = 6 : i64, tpu.core_type = #tpu.core_type<sc_vector_subcore>, window_params = [{transform_indices = #map}, {transform_indices = #map1}, {transform_indices = #map}]} {
    %mul3A = arith.constant 2 : i32
    %mul3A_0 = arith.muli %arg1, %mul3A : i32
    %add3A = arith.addi %mul3A_0, %arg0 : i32
    %mul3A_1 = arith.constant 2 : i32
    %mul3A_2 = arith.muli %add3A, %mul3A_1 : i32
    %add3A_3 = arith.constant 0 : i32
    %add3A_4 = arith.addi %mul3A_2, %add3A_3 : i32
    "tpu.region"() ({
      %run_scoped3A = tpu.sem_alloc : memref<!tpu.dma_semaphore, #tpu.memory_space<semaphore_mem>>
      %dma_start3A_354 = arith.constant 0 : i32
      %dma_start3A_355 = tpu.memref_slice %arg3[%add3A_4, %dma_start3A_354] : memref<64x256xi32, #tpu.memory_space<hbm>> -> memref<1x256xi32, #tpu.memory_space<hbm>>
      %dma_start3A_356 = tpu.memref_squeeze %dma_start3A_355 : memref<1x256xi32, #tpu.memory_space<hbm>> -> memref<256xi32, #tpu.memory_space<hbm>>
      %dma_start3A_357 = arith.constant 0 : i32
      %dma_start3A_358 = tpu.memref_slice %arg3[%add3A_4, %dma_start3A_357] : memref<64x256xi32, #tpu.memory_space<hbm>> -> memref<1x256xi32, #tpu.memory_space<hbm>>
      %dma_start3A_359 = tpu.memref_squeeze %dma_start3A_358 : memref<1x256xi32, #tpu.memory_space<hbm>> -> memref<256xi32, #tpu.memory_space<hbm>>
      tpu.enqueue_dma source(%dma_start3A_359 : memref<256xi32, #tpu.memory_space<hbm>>) target(%arg5 : memref<256xi32, #tpu.memory_space<vmem>>) target_semaphore(%run_scoped3A : memref<!tpu.dma_semaphore, #tpu.memory_space<semaphore_mem>>)
      %dma_wait3A_360 = arith.constant 0 : i32
      %dma_wait3A_361 = tpu.memref_slice %arg3[%add3A_4, %dma_wait3A_360] : memref<64x256xi32, #tpu.memory_space<hbm>> -> memref<1x256xi32, #tpu.memory_space<hbm>>
      %dma_wait3A_362 = tpu.memref_squeeze %dma_wait3A_361 : memref<1x256xi32, #tpu.memory_space<hbm>> -> memref<256xi32, #tpu.memory_space<hbm>>
      %dma_wait3A_363 = arith.constant 0 : i32
      %dma_wait3A_364 = tpu.memref_slice %arg3[%add3A_4, %dma_wait3A_363] : memref<64x256xi32, #tpu.memory_space<hbm>> -> memref<1x256xi32, #tpu.memory_space<hbm>>
      %dma_wait3A_365 = tpu.memref_squeeze %dma_wait3A_364 : memref<1x256xi32, #tpu.memory_space<hbm>> -> memref<256xi32, #tpu.memory_space<hbm>>
      tpu.wait_dma2 semaphore(%run_scoped3A : memref<!tpu.dma_semaphore, #tpu.memory_space<semaphore_mem>>) src(%dma_wait3A_365 : memref<256xi32, #tpu.memory_space<hbm>>) dst(%arg5 : memref<256xi32, #tpu.memory_space<vmem>>)
      tpu.yield
    }) : () -> ()
    %get3A = arith.constant 0 : index
    %get3A_5 = tpu.vector_load %arg5[%get3A] {strides = array<i32>} : memref<256xi32, #tpu.memory_space<vmem>>, vector<16xi32>,
    %get3A_6 = arith.constant 16 : index
    %get3A_7 = tpu.vector_load %arg5[%get3A_6] {strides = array<i32>} : memref<256xi32, #tpu.memory_space<vmem>>, vector<16xi32>,
    %get3A_8 = arith.constant 32 : index
    %get3A_9 = tpu.vector_load %arg5[%get3A_8] {strides = array<i32>} : memref<256xi32, #tpu.memory_space<vmem>>, vector<16xi32>,
    %get3A_10 = arith.constant 48 : index
    %get3A_11 = tpu.vector_load %arg5[%get3A_10] {strides = array<i32>} : memref<256xi32, #tpu.memory_space<vmem>>, vector<16xi32>,
    %get3A_12 = arith.constant 64 : index
    %get3A_13 = tpu.vector_load %arg5[%get3A_12] {strides = array<i32>} : memref<256xi32, #tpu.memory_space<vmem>>, vector<16xi32>,
    %get3A_14 = arith.constant 80 : index
    %get3A_15 = tpu.vector_load %arg5[%get3A_14] {strides = array<i32>} : memref<256xi32, #tpu.memory_space<vmem>>, vector<16xi32>,
    %get3A_16 = arith.constant 96 : index
    %get3A_17 = tpu.vector_load %arg5[%get3A_16] {strides = array<i32>} : memref<256xi32, #tpu.memory_space<vmem>>, vector<16xi32>,
    %get3A_18 = arith.constant 112 : index
    %get3A_19 = tpu.vector_load %arg5[%get3A_18] {strides = array<i32>} : memref<256xi32, #tpu.memory_space<vmem>>, vector<16xi32>,
    %get3A_20 = arith.constant 128 : index
    %get3A_21 = tpu.vector_load %arg5[%get3A_20] {strides = array<i32>} : memref<256xi32, #tpu.memory_space<vmem>>, vector<16xi32>,
    %get3A_22 = arith.constant 144 : index
    %get3A_23 = tpu.vector_load %arg5[%get3A_22] {strides = array<i32>} : memref<256xi32, #tpu.memory_space<vmem>>, vector<16xi32>,
    %get3A_24 = arith.constant 160 : index
    %get3A_25 = tpu.vector_load %arg5[%get3A_24] {strides = array<i32>} : memref<256xi32, #tpu.memory_space<vmem>>, vector<16xi32>,
    %get3A_26 = arith.constant 176 : index
    %get3A_27 = tpu.vector_load %arg5[%get3A_26] {strides = array<i32>} : memref<256xi32, #tpu.memory_space<vmem>>, vector<16xi32>,
    %get3A_28 = arith.constant 192 : index
    %get3A_29 = tpu.vector_load %arg5[%get3A_28] {strides = array<i32>} : memref<256xi32, #tpu.memory_space<vmem>>, vector<16xi32>,
    %get3A_30 = arith.constant 208 : index
    %get3A_31 = tpu.vector_load %arg5[%get3A_30] {strides = array<i32>} : memref<256xi32, #tpu.memory_space<vmem>>, vector<16xi32>,
    %get3A_32 = arith.constant 224 : index
    %get3A_33 = tpu.vector_load %arg5[%get3A_32] {strides = array<i32>} : memref<256xi32, #tpu.memory_space<vmem>>, vector<16xi32>,
    %get3A_34 = arith.constant 240 : index
    %get3A_35 = tpu.vector_load %arg5[%get3A_34] {strides = array<i32>} : memref<256xi32, #tpu.memory_space<vmem>>, vector<16xi32>,
    %iota3A = tpu.iota {dimensions = array<i32: 0>} : vector<16xi32>
    %add3A_36 = arith.constant 0 : i32
    %add3A_37 = vector.broadcast %add3A_36 : i32 to vector<16xi32>
    %add3A_38 = arith.addi %iota3A, %add3A_37 : vector<16xi32>
    %iota3A_39 = tpu.iota {dimensions = array<i32: 0>} : vector<16xi32>
    %add3A_40 = arith.constant 16 : i32
    %add3A_41 = vector.broadcast %add3A_40 : i32 to vector<16xi32>
    %add3A_42 = arith.addi %iota3A_39, %add3A_41 : vector<16xi32>
    %iota3A_43 = tpu.iota {dimensions = array<i32: 0>} : vector<16xi32>
    %add3A_44 = arith.constant 32 : i32
    %add3A_45 = vector.broadcast %add3A_44 : i32 to vector<16xi32>
    %add3A_46 = arith.addi %iota3A_43, %add3A_45 : vector<16xi32>
    %iota3A_47 = tpu.iota {dimensions = array<i32: 0>} : vector<16xi32>
    %add3A_48 = arith.constant 48 : i32
    %add3A_49 = vector.broadcast %add3A_48 : i32 to vector<16xi32>
    %add3A_50 = arith.addi %iota3A_47, %add3A_49 : vector<16xi32>
    %iota3A_51 = tpu.iota {dimensions = array<i32: 0>} : vector<16xi32>
    %add3A_52 = arith.constant 64 : i32
    %add3A_53 = vector.broadcast %add3A_52 : i32 to vector<16xi32>
    %add3A_54 = arith.addi %iota3A_51, %add3A_53 : vector<16xi32>
    %iota3A_55 = tpu.iota {dimensions = array<i32: 0>} : vector<16xi32>
    %add3A_56 = arith.constant 80 : i32
    %add3A_57 = vector.broadcast %add3A_56 : i32 to vector<16xi32>
    %add3A_58 = arith.addi %iota3A_55, %add3A_57 : vector<16xi32>
    %iota3A_59 = tpu.iota {dimensions = array<i32: 0>} : vector<16xi32>
    %add3A_60 = arith.constant 96 : i32
    %add3A_61 = vector.broadcast %add3A_60 : i32 to vector<16xi32>
    %add3A_62 = arith.addi %iota3A_59, %add3A_61 : vector<16xi32>
    %iota3A_63 = tpu.iota {dimensions = array<i32: 0>} : vector<16xi32>
    %add3A_64 = arith.constant 112 : i32
    %add3A_65 = vector.broadcast %add3A_64 : i32 to vector<16xi32>
    %add3A_66 = arith.addi %iota3A_63, %add3A_65 : vector<16xi32>
    %iota3A_67 = tpu.iota {dimensions = array<i32: 0>} : vector<16xi32>
    %add3A_68 = arith.constant 128 : i32
    %add3A_69 = vector.broadcast %add3A_68 : i32 to vector<16xi32>
    %add3A_70 = arith.addi %iota3A_67, %add3A_69 : vector<16xi32>
    %iota3A_71 = tpu.iota {dimensions = array<i32: 0>} : vector<16xi32>
    %add3A_72 = arith.constant 144 : i32
    %add3A_73 = vector.broadcast %add3A_72 : i32 to vector<16xi32>
    %add3A_74 = arith.addi %iota3A_71, %add3A_73 : vector<16xi32>
    %iota3A_75 = tpu.iota {dimensions = array<i32: 0>} : vector<16xi32>
    %add3A_76 = arith.constant 160 : i32
    %add3A_77 = vector.broadcast %add3A_76 : i32 to vector<16xi32>
    %add3A_78 = arith.addi %iota3A_75, %add3A_77 : vector<16xi32>
    %iota3A_79 = tpu.iota {dimensions = array<i32: 0>} : vector<16xi32>
    %add3A_80 = arith.constant 176 : i32
    %add3A_81 = vector.broadcast %add3A_80 : i32 to vector<16xi32>
    %add3A_82 = arith.addi %iota3A_79, %add3A_81 : vector<16xi32>
    %iota3A_83 = tpu.iota {dimensions = array<i32: 0>} : vector<16xi32>
    %add3A_84 = arith.constant 192 : i32
    %add3A_85 = vector.broadcast %add3A_84 : i32 to vector<16xi32>
    %add3A_86 = arith.addi %iota3A_83, %add3A_85 : vector<16xi32>
    %iota3A_87 = tpu.iota {dimensions = array<i32: 0>} : vector<16xi32>
    %add3A_88 = arith.constant 208 : i32
    %add3A_89 = vector.broadcast %add3A_88 : i32 to vector<16xi32>
    %add3A_90 = arith.addi %iota3A_87, %add3A_89 : vector<16xi32>
    %iota3A_91 = tpu.iota {dimensions = array<i32: 0>} : vector<16xi32>
    %add3A_92 = arith.constant 224 : i32
    %add3A_93 = vector.broadcast %add3A_92 : i32 to vector<16xi32>
    %add3A_94 = arith.addi %iota3A_91, %add3A_93 : vector<16xi32>
    %iota3A_95 = tpu.iota {dimensions = array<i32: 0>} : vector<16xi32>
    %add3A_96 = arith.constant 240 : i32
    %add3A_97 = vector.broadcast %add3A_96 : i32 to vector<16xi32>
    %add3A_98 = arith.addi %iota3A_95, %add3A_97 : vector<16xi32>
    %dma_start3A = arith.constant 1 : i32
    %dma_start3A_99 = arith.constant 248 : i32
    %dma_start3A_100 = arith.constant 0 : i32
    %dma_start3A_101 = tpu.memref_slice %arg6[%dma_start3A_99, %dma_start3A_100] : memref<256x256xf32, #tpu.memory_space<vmem>> -> memref<8x256xf32, #tpu.memory_space<vmem>>
    %dma_start3A_102 = arith.constant 2040 : i32
    %dma_start3A_103 = arith.constant 0 : i32
    %dma_start3A_104 = tpu.memref_slice %arg2[%add3A_4, %dma_start3A_102, %dma_start3A_103] : memref<64x2048x256xf32, #tpu.memory_space<hbm>> -> memref<1x8x256xf32, #tpu.memory_space<hbm>>
    %dma_start3A_105 = tpu.memref_squeeze %dma_start3A_104 : memref<1x8x256xf32, #tpu.memory_space<hbm>> -> memref<8x256xf32, #tpu.memory_space<hbm>>
    %dma_start3A_106 = tpu.memref_slice %arg9[%dma_start3A] : memref<2x!tpu.dma_semaphore, #tpu.memory_space<semaphore_mem>> -> memref<1x!tpu.dma_semaphore, #tpu.memory_space<semaphore_mem>>
    %dma_start3A_107 = tpu.memref_squeeze %dma_start3A_106 : memref<1x!tpu.dma_semaphore, #tpu.memory_space<semaphore_mem>> -> memref<!tpu.dma_semaphore, #tpu.memory_space<semaphore_mem>>
    %dma_start3A_108 = arith.constant 248 : i32
    %dma_start3A_109 = arith.constant 0 : i32
    %dma_start3A_110 = tpu.memref_slice %arg6[%dma_start3A_108, %dma_start3A_109] : memref<256x256xf32, #tpu.memory_space<vmem>> -> memref<8x256xf32, #tpu.memory_space<vmem>>
    %dma_start3A_111 = arith.constant 2040 : i32
    %dma_start3A_112 = arith.constant 0 : i32
    %dma_start3A_113 = tpu.memref_slice %arg2[%add3A_4, %dma_start3A_111, %dma_start3A_112] : memref<64x2048x256xf32, #tpu.memory_space<hbm>> -> memref<1x8x256xf32, #tpu.memory_space<hbm>>
    %dma_start3A_114 = tpu.memref_squeeze %dma_start3A_113 : memref<1x8x256xf32, #tpu.memory_space<hbm>> -> memref<8x256xf32, #tpu.memory_space<hbm>>
    tpu.enqueue_dma source(%dma_start3A_114 : memref<8x256xf32, #tpu.memory_space<hbm>>) target(%dma_start3A_110 : memref<8x256xf32, #tpu.memory_space<vmem>>) target_semaphore(%dma_start3A_107 : memref<!tpu.dma_semaphore, #tpu.memory_space<semaphore_mem>>)
    %dma_start3A_115 = arith.constant 0 : i32
    %dma_start3A_116 = arith.constant 0 : i32
    %dma_start3A_117 = arith.constant 0 : i32
    %dma_start3A_118 = tpu.memref_slice %arg6[%dma_start3A_116, %dma_start3A_117] : memref<256x256xf32, #tpu.memory_space<vmem>> -> memref<64x256xf32, #tpu.memory_space<vmem>>
    %dma_start3A_119 = arith.constant 0 : i32
    %dma_start3A_120 = arith.constant 0 : i32
    %dma_start3A_121 = tpu.memref_slice %arg2[%add3A_4, %dma_start3A_119, %dma_start3A_120] : memref<64x2048x256xf32, #tpu.memory_space<hbm>> -> memref<1x64x256xf32, #tpu.memory_space<hbm>>
    %dma_start3A_122 = tpu.memref_squeeze %dma_start3A_121 : memref<1x64x256xf32, #tpu.memory_space<hbm>> -> memref<64x256xf32, #tpu.memory_space<hbm>>
    %dma_start3A_123 = tpu.memref_slice %arg9[%dma_start3A_115] : memref<2x!tpu.dma_semaphore, #tpu.memory_space<semaphore_mem>> -> memref<1x!tpu.dma_semaphore, #tpu.memory_space<semaphore_mem>>
    %dma_start3A_124 = tpu.memref_squeeze %dma_start3A_123 : memref<1x!tpu.dma_semaphore, #tpu.memory_space<semaphore_mem>> -> memref<!tpu.dma_semaphore, #tpu.memory_space<semaphore_mem>>
    %dma_start3A_125 = arith.constant 0 : i32
    %dma_start3A_126 = arith.constant 0 : i32
    %dma_start3A_127 = tpu.memref_slice %arg6[%dma_start3A_125, %dma_start3A_126] : memref<256x256xf32, #tpu.memory_space<vmem>> -> memref<64x256xf32, #tpu.memory_space<vmem>>
    %dma_start3A_128 = arith.constant 0 : i32
    %dma_start3A_129 = arith.constant 0 : i32
    %dma_start3A_130 = tpu.memref_slice %arg2[%add3A_4, %dma_start3A_128, %dma_start3A_129] : memref<64x2048x256xf32, #tpu.memory_space<hbm>> -> memref<1x64x256xf32, #tpu.memory_space<hbm>>
    %dma_start3A_131 = tpu.memref_squeeze %dma_start3A_130 : memref<1x64x256xf32, #tpu.memory_space<hbm>> -> memref<64x256xf32, #tpu.memory_space<hbm>>
    tpu.enqueue_dma source(%dma_start3A_131 : memref<64x256xf32, #tpu.memory_space<hbm>>) target(%dma_start3A_127 : memref<64x256xf32, #tpu.memory_space<vmem>>) target_semaphore(%dma_start3A_124 : memref<!tpu.dma_semaphore, #tpu.memory_space<semaphore_mem>>)
    %dma_start3A_132 = arith.constant 1 : i32
    %dma_start3A_133 = arith.constant 64 : i32
    %dma_start3A_134 = arith.constant 0 : i32
    %dma_start3A_135 = tpu.memref_slice %arg6[%dma_start3A_133, %dma_start3A_134] : memref<256x256xf32, #tpu.memory_space<vmem>> -> memref<64x256xf32, #tpu.memory_space<vmem>>
    %dma_start3A_136 = arith.constant 64 : i32
    %dma_start3A_137 = arith.constant 0 : i32
    %dma_start3A_138 = tpu.memref_slice %arg2[%add3A_4, %dma_start3A_136, %dma_start3A_137] : memref<64x2048x256xf32, #tpu.memory_space<hbm>> -> memref<1x64x256xf32, #tpu.memory_space<hbm>>
    %dma_start3A_139 = tpu.memref_squeeze %dma_start3A_138 : memref<1x64x256xf32, #tpu.memory_space<hbm>> -> memref<64x256xf32, #tpu.memory_space<hbm>>
    %dma_start3A_140 = tpu.memref_slice %arg9[%dma_start3A_132] : memref<2x!tpu.dma_semaphore, #tpu.memory_space<semaphore_mem>> -> memref<1x!tpu.dma_semaphore, #tpu.memory_space<semaphore_mem>>
    %dma_start3A_141 = tpu.memref_squeeze %dma_start3A_140 : memref<1x!tpu.dma_semaphore, #tpu.memory_space<semaphore_mem>> -> memref<!tpu.dma_semaphore, #tpu.memory_space<semaphore_mem>>
    %dma_start3A_142 = arith.constant 64 : i32
    %dma_start3A_143 = arith.constant 0 : i32
    %dma_start3A_144 = tpu.memref_slice %arg6[%dma_start3A_142, %dma_start3A_143] : memref<256x256xf32, #tpu.memory_space<vmem>> -> memref<64x256xf32, #tpu.memory_space<vmem>>
    %dma_start3A_145 = arith.constant 64 : i32
    %dma_start3A_146 = arith.constant 0 : i32
    %dma_start3A_147 = tpu.memref_slice %arg2[%add3A_4, %dma_start3A_145, %dma_start3A_146] : memref<64x2048x256xf32, #tpu.memory_space<hbm>> -> memref<1x64x256xf32, #tpu.memory_space<hbm>>
    %dma_start3A_148 = tpu.memref_squeeze %dma_start3A_147 : memref<1x64x256xf32, #tpu.memory_space<hbm>> -> memref<64x256xf32, #tpu.memory_space<hbm>>
    tpu.enqueue_dma source(%dma_start3A_148 : memref<64x256xf32, #tpu.memory_space<hbm>>) target(%dma_start3A_144 : memref<64x256xf32, #tpu.memory_space<vmem>>) target_semaphore(%dma_start3A_141 : memref<!tpu.dma_semaphore, #tpu.memory_space<semaphore_mem>>)
    %scan3A = arith.constant 0 : i32
    %scan3A_149 = arith.constant 0 : i32
    %scan3A_150 = arith.constant 16 : i32
    %scan3A_151 = arith.addi %scan3A_149, %scan3A_150 : i32
    %scan3A_152 = arith.constant 1 : i32
    scf.for %scan3A_354 = %scan3A_149 to %scan3A_151 step %scan3A_152  : i32 {
      %mul3A_355 = arith.constant 2 : i32
      %mul3A_356 = arith.muli %scan3A_354, %mul3A_355 : i32
      %add3A_357 = arith.constant 0 : i32
      %add3A_358 = arith.addi %mul3A_356, %add3A_357 : i32
      %mul3A_359 = arith.constant 64 : i32
      %mul3A_360 = arith.muli %add3A_358, %mul3A_359 : i32
      %eq3A = arith.constant 0 : i32
      %eq3A_361 = arith.cmpi eq, %add3A_358, %eq3A : i32
      %convert_element_type3A = arith.extui %eq3A_361 : i1 to i32
      %cond3A = arith.constant 0 : i32
      %cond3A_362 = arith.cmpi ne, %convert_element_type3A, %cond3A : i32
      scf.if %cond3A_362 {
        %dma_wait3A_460 = arith.constant 1 : i32
        %dma_wait3A_461 = arith.constant 0 : i32
        %dma_wait3A_462 = arith.constant 0 : i32
        %dma_wait3A_463 = tpu.memref_slice %arg6[%dma_wait3A_461, %dma_wait3A_462] : memref<256x256xf32, #tpu.memory_space<vmem>> -> memref<8x256xf32, #tpu.memory_space<vmem>>
        %dma_wait3A_464 = arith.constant 0 : i32
        %dma_wait3A_465 = arith.constant 0 : i32
        %dma_wait3A_466 = tpu.memref_slice %arg2[%add3A_4, %dma_wait3A_464, %dma_wait3A_465] : memref<64x2048x256xf32, #tpu.memory_space<hbm>> -> memref<1x8x256xf32, #tpu.memory_space<hbm>>
        %dma_wait3A_467 = tpu.memref_squeeze %dma_wait3A_466 : memref<1x8x256xf32, #tpu.memory_space<hbm>> -> memref<8x256xf32, #tpu.memory_space<hbm>>
        %dma_wait3A_468 = tpu.memref_slice %arg9[%dma_wait3A_460] : memref<2x!tpu.dma_semaphore, #tpu.memory_space<semaphore_mem>> -> memref<1x!tpu.dma_semaphore, #tpu.memory_space<semaphore_mem>>
        %dma_wait3A_469 = tpu.memref_squeeze %dma_wait3A_468 : memref<1x!tpu.dma_semaphore, #tpu.memory_space<semaphore_mem>> -> memref<!tpu.dma_semaphore, #tpu.memory_space<semaphore_mem>>
        %dma_wait3A_470 = arith.constant 0 : i32
        %dma_wait3A_471 = arith.constant 0 : i32
        %dma_wait3A_472 = tpu.memref_slice %arg6[%dma_wait3A_470, %dma_wait3A_471] : memref<256x256xf32, #tpu.memory_space<vmem>> -> memref<8x256xf32, #tpu.memory_space<vmem>>
        %dma_wait3A_473 = arith.constant 0 : i32
        %dma_wait3A_474 = arith.constant 0 : i32
        %dma_wait3A_475 = tpu.memref_slice %arg2[%add3A_4, %dma_wait3A_473, %dma_wait3A_474] : memref<64x2048x256xf32, #tpu.memory_space<hbm>> -> memref<1x8x256xf32, #tpu.memory_space<hbm>>
        %dma_wait3A_476 = tpu.memref_squeeze %dma_wait3A_475 : memref<1x8x256xf32, #tpu.memory_space<hbm>> -> memref<8x256xf32, #tpu.memory_space<hbm>>
        tpu.wait_dma2 semaphore(%dma_wait3A_469 : memref<!tpu.dma_semaphore, #tpu.memory_space<semaphore_mem>>) src(%dma_wait3A_476 : memref<8x256xf32, #tpu.memory_space<hbm>>) dst(%dma_wait3A_472 : memref<8x256xf32, #tpu.memory_space<vmem>>)
        %dma_wait3A_477 = arith.constant 0 : i32
        %dma_wait3A_478 = arith.constant 0 : i32
        %dma_wait3A_479 = arith.constant 0 : i32
        %dma_wait3A_480 = tpu.memref_slice %arg6[%dma_wait3A_478, %dma_wait3A_479] : memref<256x256xf32, #tpu.memory_space<vmem>> -> memref<64x256xf32, #tpu.memory_space<vmem>>
        %dma_wait3A_481 = arith.constant 0 : i32
        %dma_wait3A_482 = arith.constant 0 : i32
        %dma_wait3A_483 = tpu.memref_slice %arg2[%add3A_4, %dma_wait3A_481, %dma_wait3A_482] : memref<64x2048x256xf32, #tpu.memory_space<hbm>> -> memref<1x64x256xf32, #tpu.memory_space<hbm>>
        %dma_wait3A_484 = tpu.memref_squeeze %dma_wait3A_483 : memref<1x64x256xf32, #tpu.memory_space<hbm>> -> memref<64x256xf32, #tpu.memory_space<hbm>>
        %dma_wait3A_485 = tpu.memref_slice %arg9[%dma_wait3A_477] : memref<2x!tpu.dma_semaphore, #tpu.memory_space<semaphore_mem>> -> memref<1x!tpu.dma_semaphore, #tpu.memory_space<semaphore_mem>>
        %dma_wait3A_486 = tpu.memref_squeeze %dma_wait3A_485 : memref<1x!tpu.dma_semaphore, #tpu.memory_space<semaphore_mem>> -> memref<!tpu.dma_semaphore, #tpu.memory_space<semaphore_mem>>
        %dma_wait3A_487 = arith.constant 0 : i32
        %dma_wait3A_488 = arith.constant 0 : i32
        %dma_wait3A_489 = tpu.memref_slice %arg6[%dma_wait3A_487, %dma_wait3A_488] : memref<256x256xf32, #tpu.memory_space<vmem>> -> memref<64x256xf32, #tpu.memory_space<vmem>>
        %dma_wait3A_490 = arith.constant 0 : i32
        %dma_wait3A_491 = arith.constant 0 : i32
        %dma_wait3A_492 = tpu.memref_slice %arg2[%add3A_4, %dma_wait3A_490, %dma_wait3A_491] : memref<64x2048x256xf32, #tpu.memory_space<hbm>> -> memref<1x64x256xf32, #tpu.memory_space<hbm>>
        %dma_wait3A_493 = tpu.memref_squeeze %dma_wait3A_492 : memref<1x64x256xf32, #tpu.memory_space<hbm>> -> memref<64x256xf32, #tpu.memory_space<hbm>>
        tpu.wait_dma2 semaphore(%dma_wait3A_486 : memref<!tpu.dma_semaphore, #tpu.memory_space<semaphore_mem>>) src(%dma_wait3A_493 : memref<64x256xf32, #tpu.memory_space<hbm>>) dst(%dma_wait3A_489 : memref<64x256xf32, #tpu.memory_space<vmem>>)
      } else {
      }
      %lt3A = arith.constant 31 : i32
      %lt3A_363 = arith.cmpi slt, %add3A_358, %lt3A : i32
      %convert_element_type3A_364 = arith.extui %lt3A_363 : i1 to i32
      %cond3A_365 = arith.constant 0 : i32
      %cond3A_366 = arith.cmpi ne, %convert_element_type3A_364, %cond3A_365 : i32
      scf.if %cond3A_366 {
        %add3A_460 = arith.constant 1 : i32
        %add3A_461 = arith.addi %add3A_358, %add3A_460 : i32
        %jit3A = arith.constant 2 : i32
        %eq3A_462 = arith.constant 0 : i32
        %eq3A_463 = arith.cmpi eq, %jit3A, %eq3A_462 : i32
        %jit3A_464 = arith.constant 1 : i32
        %select_n3A = arith.select %eq3A_463, %jit3A_464, %jit3A : i32
        %rem3A = arith.remsi %add3A_461, %select_n3A : i32
        %ne3A = arith.constant 0 : i32
        %ne3A_465 = arith.cmpi ne, %rem3A, %ne3A : i32
        %lt3A_466 = arith.constant 0 : i32
        %lt3A_467 = arith.cmpi slt, %rem3A, %lt3A_466 : i32
        %lt3A_468 = arith.constant 0 : i32
        %lt3A_469 = arith.cmpi slt, %select_n3A, %lt3A_468 : i32
        %ne3A_470 = arith.xori %lt3A_467, %lt3A_469 : i1
        %and3A = arith.andi %ne3A_470, %ne3A_465 : i1
        %add3A_471 = arith.addi %rem3A, %select_n3A : i32
        %select_n3A_472 = arith.select %and3A, %add3A_471, %rem3A : i32
        %dma_wait3A_473 = arith.constant 0 : i32
        %dma_wait3A_474 = arith.constant 0 : i32
        %dma_wait3A_475 = tpu.memref_slice %arg6[%dma_wait3A_473, %dma_wait3A_474] : memref<256x256xf32, #tpu.memory_space<vmem>> -> memref<64x256xf32, #tpu.memory_space<vmem>>
        %dma_wait3A_476 = arith.constant 0 : i32
        %dma_wait3A_477 = arith.constant 0 : i32
        %dma_wait3A_478 = tpu.memref_slice %arg2[%add3A_4, %dma_wait3A_476, %dma_wait3A_477] : memref<64x2048x256xf32, #tpu.memory_space<hbm>> -> memref<1x64x256xf32, #tpu.memory_space<hbm>>
        %dma_wait3A_479 = tpu.memref_squeeze %dma_wait3A_478 : memref<1x64x256xf32, #tpu.memory_space<hbm>> -> memref<64x256xf32, #tpu.memory_space<hbm>>
        %dma_wait3A_480 = tpu.memref_slice %arg9[%select_n3A_472] : memref<2x!tpu.dma_semaphore, #tpu.memory_space<semaphore_mem>> -> memref<1x!tpu.dma_semaphore, #tpu.memory_space<semaphore_mem>>
        %dma_wait3A_481 = tpu.memref_squeeze %dma_wait3A_480 : memref<1x!tpu.dma_semaphore, #tpu.memory_space<semaphore_mem>> -> memref<!tpu.dma_semaphore, #tpu.memory_space<semaphore_mem>>
        %dma_wait3A_482 = arith.constant 0 : i32
        %dma_wait3A_483 = arith.constant 0 : i32
        %dma_wait3A_484 = tpu.memref_slice %arg6[%dma_wait3A_482, %dma_wait3A_483] : memref<256x256xf32, #tpu.memory_space<vmem>> -> memref<64x256xf32, #tpu.memory_space<vmem>>
        %dma_wait3A_485 = arith.constant 0 : i32
        %dma_wait3A_486 = arith.constant 0 : i32
        %dma_wait3A_487 = tpu.memref_slice %arg2[%add3A_4, %dma_wait3A_485, %dma_wait3A_486] : memref<64x2048x256xf32, #tpu.memory_space<hbm>> -> memref<1x64x256xf32, #tpu.memory_space<hbm>>
        %dma_wait3A_488 = tpu.memref_squeeze %dma_wait3A_487 : memref<1x64x256xf32, #tpu.memory_space<hbm>> -> memref<64x256xf32, #tpu.memory_space<hbm>>
        tpu.wait_dma2 semaphore(%dma_wait3A_481 : memref<!tpu.dma_semaphore, #tpu.memory_space<semaphore_mem>>) src(%dma_wait3A_488 : memref<64x256xf32, #tpu.memory_space<hbm>>) dst(%dma_wait3A_484 : memref<64x256xf32, #tpu.memory_space<vmem>>)
      } else {
      }
      %eq3A_367 = arith.constant 31 : i32
      %eq3A_368 = arith.cmpi eq, %add3A_358, %eq3A_367 : i32
      %convert_element_type3A_369 = arith.extui %eq3A_368 : i1 to i32
      %cond3A_370 = arith.constant 0 : i32
      %cond3A_371 = arith.cmpi ne, %convert_element_type3A_369, %cond3A_370 : i32
      scf.if %cond3A_371 {
        %add3A_460 = arith.constant 1 : i32
        %add3A_461 = arith.addi %add3A_358, %add3A_460 : i32
        %jit3A = arith.constant 2 : i32
        %eq3A_462 = arith.constant 0 : i32
        %eq3A_463 = arith.cmpi eq, %jit3A, %eq3A_462 : i32
        %jit3A_464 = arith.constant 1 : i32
        %select_n3A = arith.select %eq3A_463, %jit3A_464, %jit3A : i32
        %rem3A = arith.remsi %add3A_461, %select_n3A : i32
        %ne3A = arith.constant 0 : i32
        %ne3A_465 = arith.cmpi ne, %rem3A, %ne3A : i32
        %lt3A_466 = arith.constant 0 : i32
        %lt3A_467 = arith.cmpi slt, %rem3A, %lt3A_466 : i32
        %lt3A_468 = arith.constant 0 : i32
        %lt3A_469 = arith.cmpi slt, %select_n3A, %lt3A_468 : i32
        %ne3A_470 = arith.xori %lt3A_467, %lt3A_469 : i1
        %and3A = arith.andi %ne3A_470, %ne3A_465 : i1
        %add3A_471 = arith.addi %rem3A, %select_n3A : i32
        %select_n3A_472 = arith.select %and3A, %add3A_471, %rem3A : i32
        %dma_wait3A_473 = arith.constant 0 : i32
        %dma_wait3A_474 = arith.constant 0 : i32
        %dma_wait3A_475 = tpu.memref_slice %arg6[%dma_wait3A_473, %dma_wait3A_474] : memref<256x256xf32, #tpu.memory_space<vmem>> -> memref<8x256xf32, #tpu.memory_space<vmem>>
        %dma_wait3A_476 = arith.constant 0 : i32
        %dma_wait3A_477 = arith.constant 0 : i32
        %dma_wait3A_478 = tpu.memref_slice %arg2[%add3A_4, %dma_wait3A_476, %dma_wait3A_477] : memref<64x2048x256xf32, #tpu.memory_space<hbm>> -> memref<1x8x256xf32, #tpu.memory_space<hbm>>
        %dma_wait3A_479 = tpu.memref_squeeze %dma_wait3A_478 : memref<1x8x256xf32, #tpu.memory_space<hbm>> -> memref<8x256xf32, #tpu.memory_space<hbm>>
        %dma_wait3A_480 = tpu.memref_slice %arg9[%select_n3A_472] : memref<2x!tpu.dma_semaphore, #tpu.memory_space<semaphore_mem>> -> memref<1x!tpu.dma_semaphore, #tpu.memory_space<semaphore_mem>>
        %dma_wait3A_481 = tpu.memref_squeeze %dma_wait3A_480 : memref<1x!tpu.dma_semaphore, #tpu.memory_space<semaphore_mem>> -> memref<!tpu.dma_semaphore, #tpu.memory_space<semaphore_mem>>
        %dma_wait3A_482 = arith.constant 0 : i32
        %dma_wait3A_483 = arith.constant 0 : i32
        %dma_wait3A_484 = tpu.memref_slice %arg6[%dma_wait3A_482, %dma_wait3A_483] : memref<256x256xf32, #tpu.memory_space<vmem>> -> memref<8x256xf32, #tpu.memory_space<vmem>>
        %dma_wait3A_485 = arith.constant 0 : i32
        %dma_wait3A_486 = arith.constant 0 : i32
        %dma_wait3A_487 = tpu.memref_slice %arg2[%add3A_4, %dma_wait3A_485, %dma_wait3A_486] : memref<64x2048x256xf32, #tpu.memory_space<hbm>> -> memref<1x8x256xf32, #tpu.memory_space<hbm>>
        %dma_wait3A_488 = tpu.memref_squeeze %dma_wait3A_487 : memref<1x8x256xf32, #tpu.memory_space<hbm>> -> memref<8x256xf32, #tpu.memory_space<hbm>>
        tpu.wait_dma2 semaphore(%dma_wait3A_481 : memref<!tpu.dma_semaphore, #tpu.memory_space<semaphore_mem>>) src(%dma_wait3A_488 : memref<8x256xf32, #tpu.memory_space<hbm>>) dst(%dma_wait3A_484 : memref<8x256xf32, #tpu.memory_space<vmem>>)
      } else {
      }
      %add3A_372 = arith.constant 2 : i32
      %add3A_373 = arith.addi %add3A_358, %add3A_372 : i32
      %lt3A_374 = arith.constant 32 : i32
      %lt3A_375 = arith.cmpi slt, %add3A_373, %lt3A_374 : i32
      %convert_element_type3A_376 = arith.extui %lt3A_375 : i1 to i32
      %cond3A_377 = arith.constant 0 : i32
      %cond3A_378 = arith.cmpi ne, %convert_element_type3A_376, %cond3A_377 : i32
      scf.if %cond3A_378 {
        %add3A_460 = arith.constant 2 : i32
        %add3A_461 = arith.addi %add3A_358, %add3A_460 : i32
        %mul3A_462 = arith.constant 64 : i32
        %mul3A_463 = arith.muli %add3A_461, %mul3A_462 : i32
        %mul3A_464 = arith.constant 64 : i32
        %mul3A_465 = arith.muli %add3A_461, %mul3A_464 : i32
        %jit3A = arith.constant 256 : i32
        %eq3A_466 = arith.constant 0 : i32
        %eq3A_467 = arith.cmpi eq, %jit3A, %eq3A_466 : i32
        %jit3A_468 = arith.constant 1 : i32
        %select_n3A = arith.select %eq3A_467, %jit3A_468, %jit3A : i32
        %rem3A = arith.remsi %mul3A_465, %select_n3A : i32
        %ne3A = arith.constant 0 : i32
        %ne3A_469 = arith.cmpi ne, %rem3A, %ne3A : i32
        %lt3A_470 = arith.constant 0 : i32
        %lt3A_471 = arith.cmpi slt, %rem3A, %lt3A_470 : i32
        %lt3A_472 = arith.constant 0 : i32
        %lt3A_473 = arith.cmpi slt, %select_n3A, %lt3A_472 : i32
        %ne3A_474 = arith.xori %lt3A_471, %lt3A_473 : i1
        %and3A = arith.andi %ne3A_474, %ne3A_469 : i1
        %add3A_475 = arith.addi %rem3A, %select_n3A : i32
        %select_n3A_476 = arith.select %and3A, %add3A_475, %rem3A : i32
        %jit3A_477 = arith.constant 2 : i32
        %eq3A_478 = arith.constant 0 : i32
        %eq3A_479 = arith.cmpi eq, %jit3A_477, %eq3A_478 : i32
        %jit3A_480 = arith.constant 1 : i32
        %select_n3A_481 = arith.select %eq3A_479, %jit3A_480, %jit3A_477 : i32
        %rem3A_482 = arith.remsi %add3A_461, %select_n3A_481 : i32
        %ne3A_483 = arith.constant 0 : i32
        %ne3A_484 = arith.cmpi ne, %rem3A_482, %ne3A_483 : i32
        %lt3A_485 = arith.constant 0 : i32
        %lt3A_486 = arith.cmpi slt, %rem3A_482, %lt3A_485 : i32
        %lt3A_487 = arith.constant 0 : i32
        %lt3A_488 = arith.cmpi slt, %select_n3A_481, %lt3A_487 : i32
        %ne3A_489 = arith.xori %lt3A_486, %lt3A_488 : i1
        %and3A_490 = arith.andi %ne3A_489, %ne3A_484 : i1
        %add3A_491 = arith.addi %rem3A_482, %select_n3A_481 : i32
        %select_n3A_492 = arith.select %and3A_490, %add3A_491, %rem3A_482 : i32
        %dma_start3A_493 = arith.constant 0 : i32
        %dma_start3A_494 = tpu.memref_slice %arg6[%select_n3A_476, %dma_start3A_493] : memref<256x256xf32, #tpu.memory_space<vmem>> -> memref<64x256xf32, #tpu.memory_space<vmem>>
        %dma_start3A_495 = arith.constant 0 : i32
        %dma_start3A_496 = tpu.memref_slice %arg2[%add3A_4, %mul3A_463, %dma_start3A_495] : memref<64x2048x256xf32, #tpu.memory_space<hbm>> -> memref<1x64x256xf32, #tpu.memory_space<hbm>>
        %dma_start3A_497 = tpu.memref_squeeze %dma_start3A_496 : memref<1x64x256xf32, #tpu.memory_space<hbm>> -> memref<64x256xf32, #tpu.memory_space<hbm>>
        %dma_start3A_498 = tpu.memref_slice %arg9[%select_n3A_492] : memref<2x!tpu.dma_semaphore, #tpu.memory_space<semaphore_mem>> -> memref<1x!tpu.dma_semaphore, #tpu.memory_space<semaphore_mem>>
        %dma_start3A_499 = tpu.memref_squeeze %dma_start3A_498 : memref<1x!tpu.dma_semaphore, #tpu.memory_space<semaphore_mem>> -> memref<!tpu.dma_semaphore, #tpu.memory_space<semaphore_mem>>
        %dma_start3A_500 = arith.constant 0 : i32
        %dma_start3A_501 = tpu.memref_slice %arg6[%select_n3A_476, %dma_start3A_500] : memref<256x256xf32, #tpu.memory_space<vmem>> -> memref<64x256xf32, #tpu.memory_space<vmem>>
        %dma_start3A_502 = arith.constant 0 : i32
        %dma_start3A_503 = tpu.memref_slice %arg2[%add3A_4, %mul3A_463, %dma_start3A_502] : memref<64x2048x256xf32, #tpu.memory_space<hbm>> -> memref<1x64x256xf32, #tpu.memory_space<hbm>>
        %dma_start3A_504 = tpu.memref_squeeze %dma_start3A_503 : memref<1x64x256xf32, #tpu.memory_space<hbm>> -> memref<64x256xf32, #tpu.memory_space<hbm>>
        tpu.enqueue_dma source(%dma_start3A_504 : memref<64x256xf32, #tpu.memory_space<hbm>>) target(%dma_start3A_501 : memref<64x256xf32, #tpu.memory_space<vmem>>) target_semaphore(%dma_start3A_499 : memref<!tpu.dma_semaphore, #tpu.memory_space<semaphore_mem>>)
      } else {
      }
      %add3A_379 = arith.constant 2 : i32
      %add3A_380 = arith.addi %add3A_358, %add3A_379 : i32
      %eq3A_381 = arith.constant 32 : i32
      %eq3A_382 = arith.cmpi eq, %add3A_380, %eq3A_381 : i32
      %convert_element_type3A_383 = arith.extui %eq3A_382 : i1 to i32
      %cond3A_384 = arith.constant 0 : i32
      %cond3A_385 = arith.cmpi ne, %convert_element_type3A_383, %cond3A_384 : i32
      scf.if %cond3A_385 {
        %jit3A = arith.constant 2 : i32
        %eq3A_460 = arith.constant 0 : i32
        %eq3A_461 = arith.cmpi eq, %jit3A, %eq3A_460 : i32
        %jit3A_462 = arith.constant 1 : i32
        %select_n3A = arith.select %eq3A_461, %jit3A_462, %jit3A : i32
        %rem3A = arith.remsi %add3A_358, %select_n3A : i32
        %ne3A = arith.constant 0 : i32
        %ne3A_463 = arith.cmpi ne, %rem3A, %ne3A : i32
        %lt3A_464 = arith.constant 0 : i32
        %lt3A_465 = arith.cmpi slt, %rem3A, %lt3A_464 : i32
        %lt3A_466 = arith.constant 0 : i32
        %lt3A_467 = arith.cmpi slt, %select_n3A, %lt3A_466 : i32
        %ne3A_468 = arith.xori %lt3A_465, %lt3A_467 : i1
        %and3A = arith.andi %ne3A_468, %ne3A_463 : i1
        %add3A_469 = arith.addi %rem3A, %select_n3A : i32
        %select_n3A_470 = arith.select %and3A, %add3A_469, %rem3A : i32
        %dma_start3A_471 = arith.constant 0 : i32
        %dma_start3A_472 = arith.constant 0 : i32
        %dma_start3A_473 = tpu.memref_slice %arg6[%dma_start3A_471, %dma_start3A_472] : memref<256x256xf32, #tpu.memory_space<vmem>> -> memref<8x256xf32, #tpu.memory_space<vmem>>
        %dma_start3A_474 = arith.constant 0 : i32
        %dma_start3A_475 = arith.constant 0 : i32
        %dma_start3A_476 = tpu.memref_slice %arg2[%add3A_4, %dma_start3A_474, %dma_start3A_475] : memref<64x2048x256xf32, #tpu.memory_space<hbm>> -> memref<1x8x256xf32, #tpu.memory_space<hbm>>
        %dma_start3A_477 = tpu.memref_squeeze %dma_start3A_476 : memref<1x8x256xf32, #tpu.memory_space<hbm>> -> memref<8x256xf32, #tpu.memory_space<hbm>>
        %dma_start3A_478 = tpu.memref_slice %arg9[%select_n3A_470] : memref<2x!tpu.dma_semaphore, #tpu.memory_space<semaphore_mem>> -> memref<1x!tpu.dma_semaphore, #tpu.memory_space<semaphore_mem>>
        %dma_start3A_479 = tpu.memref_squeeze %dma_start3A_478 : memref<1x!tpu.dma_semaphore, #tpu.memory_space<semaphore_mem>> -> memref<!tpu.dma_semaphore, #tpu.memory_space<semaphore_mem>>
        %dma_start3A_480 = arith.constant 0 : i32
        %dma_start3A_481 = arith.constant 0 : i32
        %dma_start3A_482 = tpu.memref_slice %arg6[%dma_start3A_480, %dma_start3A_481] : memref<256x256xf32, #tpu.memory_space<vmem>> -> memref<8x256xf32, #tpu.memory_space<vmem>>
        %dma_start3A_483 = arith.constant 0 : i32
        %dma_start3A_484 = arith.constant 0 : i32
        %dma_start3A_485 = tpu.memref_slice %arg2[%add3A_4, %dma_start3A_483, %dma_start3A_484] : memref<64x2048x256xf32, #tpu.memory_space<hbm>> -> memref<1x8x256xf32, #tpu.memory_space<hbm>>
        %dma_start3A_486 = tpu.memref_squeeze %dma_start3A_485 : memref<1x8x256xf32, #tpu.memory_space<hbm>> -> memref<8x256xf32, #tpu.memory_space<hbm>>
        tpu.enqueue_dma source(%dma_start3A_486 : memref<8x256xf32, #tpu.memory_space<hbm>>) target(%dma_start3A_482 : memref<8x256xf32, #tpu.memory_space<vmem>>) target_semaphore(%dma_start3A_479 : memref<!tpu.dma_semaphore, #tpu.memory_space<semaphore_mem>>)
      } else {
      }
      %ge3A = arith.constant 2 : i32
      %ge3A_386 = arith.cmpi sge, %add3A_358, %ge3A : i32
      %convert_element_type3A_387 = arith.extui %ge3A_386 : i1 to i32
      %cond3A_388 = arith.constant 0 : i32
      %cond3A_389 = arith.cmpi ne, %convert_element_type3A_387, %cond3A_388 : i32
      scf.if %cond3A_389 {
        %dma_wait3A_460 = arith.constant 0 : i32
        %dma_wait3A_461 = arith.constant 0 : i32
        %dma_wait3A_462 = arith.constant 0 : i32
        %dma_wait3A_463 = tpu.memref_slice %arg4[%add3A_4, %dma_wait3A_461, %dma_wait3A_462] : memref<64x2048x256xf32, #tpu.memory_space<hbm>> -> memref<1x64x256xf32, #tpu.memory_space<hbm>>
        %dma_wait3A_464 = tpu.memref_squeeze %dma_wait3A_463 : memref<1x64x256xf32, #tpu.memory_space<hbm>> -> memref<64x256xf32, #tpu.memory_space<hbm>>
        %dma_wait3A_465 = tpu.memref_slice %arg10[%dma_wait3A_460] : memref<2x!tpu.dma_semaphore, #tpu.memory_space<semaphore_mem>> -> memref<1x!tpu.dma_semaphore, #tpu.memory_space<semaphore_mem>>
        %dma_wait3A_466 = tpu.memref_squeeze %dma_wait3A_465 : memref<1x!tpu.dma_semaphore, #tpu.memory_space<semaphore_mem>> -> memref<!tpu.dma_semaphore, #tpu.memory_space<semaphore_mem>>
        %dma_wait3A_467 = arith.constant 0 : i32
        %dma_wait3A_468 = arith.constant 0 : i32
        %dma_wait3A_469 = tpu.memref_slice %arg4[%add3A_4, %dma_wait3A_467, %dma_wait3A_468] : memref<64x2048x256xf32, #tpu.memory_space<hbm>> -> memref<1x64x256xf32, #tpu.memory_space<hbm>>
        %dma_wait3A_470 = tpu.memref_squeeze %dma_wait3A_469 : memref<1x64x256xf32, #tpu.memory_space<hbm>> -> memref<64x256xf32, #tpu.memory_space<hbm>>
        tpu.wait_dma2 semaphore(%dma_wait3A_466 : memref<!tpu.dma_semaphore, #tpu.memory_space<semaphore_mem>>) src(%arg7 : memref<64x256xf32, #tpu.memory_space<vmem>>) dst(%dma_wait3A_470 : memref<64x256xf32, #tpu.memory_space<hbm>>)
      } else {
      }
      %scan3A_390 = arith.constant 0 : i32
      %scan3A_391 = arith.constant 0 : i32
      %scan3A_392 = arith.constant 64 : i32
      %scan3A_393 = arith.addi %scan3A_391, %scan3A_392 : i32
      %scan3A_394 = arith.constant 4 : i32
      scf.for %scan3A_460 = %scan3A_391 to %scan3A_393 step %scan3A_394  : i32 {
        %add3A_461 = arith.addi %mul3A_360, %scan3A_460 : i32
        %add3A_462 = vector.broadcast %add3A_461 : i32 to vector<16xi32>
        %add3A_463 = arith.addi %get3A_5, %add3A_462 : vector<16xi32>
        %and3A = arith.constant 255 : i32
        %and3A_464 = vector.broadcast %and3A : i32 to vector<16xi32>
        %and3A_465 = arith.andi %add3A_463, %and3A_464 : vector<16xi32>
        %gather3A = tpu.vector_load_idx %arg6[%and3A_465, %add3A_38] : memref<256x256xf32, #tpu.memory_space<vmem>>[vector<16xi32>, vector<16xi32>], vector<16xf32>,
        %add3A_466 = vector.broadcast %add3A_461 : i32 to vector<16xi32>
        %add3A_467 = arith.addi %get3A_7, %add3A_466 : vector<16xi32>
        %and3A_468 = arith.constant 255 : i32
        %and3A_469 = vector.broadcast %and3A_468 : i32 to vector<16xi32>
        %and3A_470 = arith.andi %add3A_467, %and3A_469 : vector<16xi32>
        %gather3A_471 = tpu.vector_load_idx %arg6[%and3A_470, %add3A_42] : memref<256x256xf32, #tpu.memory_space<vmem>>[vector<16xi32>, vector<16xi32>], vector<16xf32>,
        %add3A_472 = vector.broadcast %add3A_461 : i32 to vector<16xi32>
        %add3A_473 = arith.addi %get3A_9, %add3A_472 : vector<16xi32>
        %and3A_474 = arith.constant 255 : i32
        %and3A_475 = vector.broadcast %and3A_474 : i32 to vector<16xi32>
        %and3A_476 = arith.andi %add3A_473, %and3A_475 : vector<16xi32>
        %gather3A_477 = tpu.vector_load_idx %arg6[%and3A_476, %add3A_46] : memref<256x256xf32, #tpu.memory_space<vmem>>[vector<16xi32>, vector<16xi32>], vector<16xf32>,
        %add3A_478 = vector.broadcast %add3A_461 : i32 to vector<16xi32>
        %add3A_479 = arith.addi %get3A_11, %add3A_478 : vector<16xi32>
        %and3A_480 = arith.constant 255 : i32
        %and3A_481 = vector.broadcast %and3A_480 : i32 to vector<16xi32>
        %and3A_482 = arith.andi %add3A_479, %and3A_481 : vector<16xi32>
        %gather3A_483 = tpu.vector_load_idx %arg6[%and3A_482, %add3A_50] : memref<256x256xf32, #tpu.memory_space<vmem>>[vector<16xi32>, vector<16xi32>], vector<16xf32>,
        %add3A_484 = vector.broadcast %add3A_461 : i32 to vector<16xi32>
        %add3A_485 = arith.addi %get3A_13, %add3A_484 : vector<16xi32>
        %and3A_486 = arith.constant 255 : i32
        %and3A_487 = vector.broadcast %and3A_486 : i32 to vector<16xi32>
        %and3A_488 = arith.andi %add3A_485, %and3A_487 : vector<16xi32>
        %gather3A_489 = tpu.vector_load_idx %arg6[%and3A_488, %add3A_54] : memref<256x256xf32, #tpu.memory_space<vmem>>[vector<16xi32>, vector<16xi32>], vector<16xf32>,
        %add3A_490 = vector.broadcast %add3A_461 : i32 to vector<16xi32>
        %add3A_491 = arith.addi %get3A_15, %add3A_490 : vector<16xi32>
        %and3A_492 = arith.constant 255 : i32
        %and3A_493 = vector.broadcast %and3A_492 : i32 to vector<16xi32>
        %and3A_494 = arith.andi %add3A_491, %and3A_493 : vector<16xi32>
        %gather3A_495 = tpu.vector_load_idx %arg6[%and3A_494, %add3A_58] : memref<256x256xf32, #tpu.memory_space<vmem>>[vector<16xi32>, vector<16xi32>], vector<16xf32>,
        %add3A_496 = vector.broadcast %add3A_461 : i32 to vector<16xi32>
        %add3A_497 = arith.addi %get3A_17, %add3A_496 : vector<16xi32>
        %and3A_498 = arith.constant 255 : i32
        %and3A_499 = vector.broadcast %and3A_498 : i32 to vector<16xi32>
        %and3A_500 = arith.andi %add3A_497, %and3A_499 : vector<16xi32>
        %gather3A_501 = tpu.vector_load_idx %arg6[%and3A_500, %add3A_62] : memref<256x256xf32, #tpu.memory_space<vmem>>[vector<16xi32>, vector<16xi32>], vector<16xf32>,
        %add3A_502 = vector.broadcast %add3A_461 : i32 to vector<16xi32>
        %add3A_503 = arith.addi %get3A_19, %add3A_502 : vector<16xi32>
        %and3A_504 = arith.constant 255 : i32
        %and3A_505 = vector.broadcast %and3A_504 : i32 to vector<16xi32>
        %and3A_506 = arith.andi %add3A_503, %and3A_505 : vector<16xi32>
        %gather3A_507 = tpu.vector_load_idx %arg6[%and3A_506, %add3A_66] : memref<256x256xf32, #tpu.memory_space<vmem>>[vector<16xi32>, vector<16xi32>], vector<16xf32>,
        %add3A_508 = vector.broadcast %add3A_461 : i32 to vector<16xi32>
        %add3A_509 = arith.addi %get3A_21, %add3A_508 : vector<16xi32>
        %and3A_510 = arith.constant 255 : i32
        %and3A_511 = vector.broadcast %and3A_510 : i32 to vector<16xi32>
        %and3A_512 = arith.andi %add3A_509, %and3A_511 : vector<16xi32>
        %gather3A_513 = tpu.vector_load_idx %arg6[%and3A_512, %add3A_70] : memref<256x256xf32, #tpu.memory_space<vmem>>[vector<16xi32>, vector<16xi32>], vector<16xf32>,
        %add3A_514 = vector.broadcast %add3A_461 : i32 to vector<16xi32>
        %add3A_515 = arith.addi %get3A_23, %add3A_514 : vector<16xi32>
        %and3A_516 = arith.constant 255 : i32
        %and3A_517 = vector.broadcast %and3A_516 : i32 to vector<16xi32>
        %and3A_518 = arith.andi %add3A_515, %and3A_517 : vector<16xi32>
        %gather3A_519 = tpu.vector_load_idx %arg6[%and3A_518, %add3A_74] : memref<256x256xf32, #tpu.memory_space<vmem>>[vector<16xi32>, vector<16xi32>], vector<16xf32>,
        %add3A_520 = vector.broadcast %add3A_461 : i32 to vector<16xi32>
        %add3A_521 = arith.addi %get3A_25, %add3A_520 : vector<16xi32>
        %and3A_522 = arith.constant 255 : i32
        %and3A_523 = vector.broadcast %and3A_522 : i32 to vector<16xi32>
        %and3A_524 = arith.andi %add3A_521, %and3A_523 : vector<16xi32>
        %gather3A_525 = tpu.vector_load_idx %arg6[%and3A_524, %add3A_78] : memref<256x256xf32, #tpu.memory_space<vmem>>[vector<16xi32>, vector<16xi32>], vector<16xf32>,
        %add3A_526 = vector.broadcast %add3A_461 : i32 to vector<16xi32>
        %add3A_527 = arith.addi %get3A_27, %add3A_526 : vector<16xi32>
        %and3A_528 = arith.constant 255 : i32
        %and3A_529 = vector.broadcast %and3A_528 : i32 to vector<16xi32>
        %and3A_530 = arith.andi %add3A_527, %and3A_529 : vector<16xi32>
        %gather3A_531 = tpu.vector_load_idx %arg6[%and3A_530, %add3A_82] : memref<256x256xf32, #tpu.memory_space<vmem>>[vector<16xi32>, vector<16xi32>], vector<16xf32>,
        %add3A_532 = vector.broadcast %add3A_461 : i32 to vector<16xi32>
        %add3A_533 = arith.addi %get3A_29, %add3A_532 : vector<16xi32>
        %and3A_534 = arith.constant 255 : i32
        %and3A_535 = vector.broadcast %and3A_534 : i32 to vector<16xi32>
        %and3A_536 = arith.andi %add3A_533, %and3A_535 : vector<16xi32>
        %gather3A_537 = tpu.vector_load_idx %arg6[%and3A_536, %add3A_86] : memref<256x256xf32, #tpu.memory_space<vmem>>[vector<16xi32>, vector<16xi32>], vector<16xf32>,
        %add3A_538 = vector.broadcast %add3A_461 : i32 to vector<16xi32>
        %add3A_539 = arith.addi %get3A_31, %add3A_538 : vector<16xi32>
        %and3A_540 = arith.constant 255 : i32
        %and3A_541 = vector.broadcast %and3A_540 : i32 to vector<16xi32>
        %and3A_542 = arith.andi %add3A_539, %and3A_541 : vector<16xi32>
        %gather3A_543 = tpu.vector_load_idx %arg6[%and3A_542, %add3A_90] : memref<256x256xf32, #tpu.memory_space<vmem>>[vector<16xi32>, vector<16xi32>], vector<16xf32>,
        %add3A_544 = vector.broadcast %add3A_461 : i32 to vector<16xi32>
        %add3A_545 = arith.addi %get3A_33, %add3A_544 : vector<16xi32>
        %and3A_546 = arith.constant 255 : i32
        %and3A_547 = vector.broadcast %and3A_546 : i32 to vector<16xi32>
        %and3A_548 = arith.andi %add3A_545, %and3A_547 : vector<16xi32>
        %gather3A_549 = tpu.vector_load_idx %arg6[%and3A_548, %add3A_94] : memref<256x256xf32, #tpu.memory_space<vmem>>[vector<16xi32>, vector<16xi32>], vector<16xf32>,
        %add3A_550 = vector.broadcast %add3A_461 : i32 to vector<16xi32>
        %add3A_551 = arith.addi %get3A_35, %add3A_550 : vector<16xi32>
        %and3A_552 = arith.constant 255 : i32
        %and3A_553 = vector.broadcast %and3A_552 : i32 to vector<16xi32>
        %and3A_554 = arith.andi %add3A_551, %and3A_553 : vector<16xi32>
        %gather3A_555 = tpu.vector_load_idx %arg6[%and3A_554, %add3A_98] : memref<256x256xf32, #tpu.memory_space<vmem>>[vector<16xi32>, vector<16xi32>], vector<16xf32>,
        %swap3A = arith.index_cast %scan3A_460 : i32 to index
        %swap3A_556 = arith.constant 0 : index
        %swap3A_557 = tpu.vector_load %arg7[%swap3A, %swap3A_556] {strides = array<i32>} : memref<64x256xf32, #tpu.memory_space<vmem>>, vector<16xf32>,
        tpu.vector_store %arg7[%swap3A, %swap3A_556], %gather3A {strides = array<i32>} : memref<64x256xf32, #tpu.memory_space<vmem>>, vector<16xf32>,
        %swap3A_558 = arith.index_cast %scan3A_460 : i32 to index
        %swap3A_559 = arith.constant 16 : index
        %swap3A_560 = tpu.vector_load %arg7[%swap3A_558, %swap3A_559] {strides = array<i32>} : memref<64x256xf32, #tpu.memory_space<vmem>>, vector<16xf32>,
        tpu.vector_store %arg7[%swap3A_558, %swap3A_559], %gather3A_471 {strides = array<i32>} : memref<64x256xf32, #tpu.memory_space<vmem>>, vector<16xf32>,
        %swap3A_561 = arith.index_cast %scan3A_460 : i32 to index
        %swap3A_562 = arith.constant 32 : index
        %swap3A_563 = tpu.vector_load %arg7[%swap3A_561, %swap3A_562] {strides = array<i32>} : memref<64x256xf32, #tpu.memory_space<vmem>>, vector<16xf32>,
        tpu.vector_store %arg7[%swap3A_561, %swap3A_562], %gather3A_477 {strides = array<i32>} : memref<64x256xf32, #tpu.memory_space<vmem>>, vector<16xf32>,
        %swap3A_564 = arith.index_cast %scan3A_460 : i32 to index
        %swap3A_565 = arith.constant 48 : index
        %swap3A_566 = tpu.vector_load %arg7[%swap3A_564, %swap3A_565] {strides = array<i32>} : memref<64x256xf32, #tpu.memory_space<vmem>>, vector<16xf32>,
        tpu.vector_store %arg7[%swap3A_564, %swap3A_565], %gather3A_483 {strides = array<i32>} : memref<64x256xf32, #tpu.memory_space<vmem>>, vector<16xf32>,
        %swap3A_567 = arith.index_cast %scan3A_460 : i32 to index
        %swap3A_568 = arith.constant 64 : index
        %swap3A_569 = tpu.vector_load %arg7[%swap3A_567, %swap3A_568] {strides = array<i32>} : memref<64x256xf32, #tpu.memory_space<vmem>>, vector<16xf32>,
        tpu.vector_store %arg7[%swap3A_567, %swap3A_568], %gather3A_489 {strides = array<i32>} : memref<64x256xf32, #tpu.memory_space<vmem>>, vector<16xf32>,
        %swap3A_570 = arith.index_cast %scan3A_460 : i32 to index
        %swap3A_571 = arith.constant 80 : index
        %swap3A_572 = tpu.vector_load %arg7[%swap3A_570, %swap3A_571] {strides = array<i32>} : memref<64x256xf32, #tpu.memory_space<vmem>>, vector<16xf32>,
        tpu.vector_store %arg7[%swap3A_570, %swap3A_571], %gather3A_495 {strides = array<i32>} : memref<64x256xf32, #tpu.memory_space<vmem>>, vector<16xf32>,
        %swap3A_573 = arith.index_cast %scan3A_460 : i32 to index
        %swap3A_574 = arith.constant 96 : index
        %swap3A_575 = tpu.vector_load %arg7[%swap3A_573, %swap3A_574] {strides = array<i32>} : memref<64x256xf32, #tpu.memory_space<vmem>>, vector<16xf32>,
        tpu.vector_store %arg7[%swap3A_573, %swap3A_574], %gather3A_501 {strides = array<i32>} : memref<64x256xf32, #tpu.memory_space<vmem>>, vector<16xf32>,
        %swap3A_576 = arith.index_cast %scan3A_460 : i32 to index
        %swap3A_577 = arith.constant 112 : index
        %swap3A_578 = tpu.vector_load %arg7[%swap3A_576, %swap3A_577] {strides = array<i32>} : memref<64x256xf32, #tpu.memory_space<vmem>>, vector<16xf32>,
        tpu.vector_store %arg7[%swap3A_576, %swap3A_577], %gather3A_507 {strides = array<i32>} : memref<64x256xf32, #tpu.memory_space<vmem>>, vector<16xf32>,
        %swap3A_579 = arith.index_cast %scan3A_460 : i32 to index
        %swap3A_580 = arith.constant 128 : index
        %swap3A_581 = tpu.vector_load %arg7[%swap3A_579, %swap3A_580] {strides = array<i32>} : memref<64x256xf32, #tpu.memory_space<vmem>>, vector<16xf32>,
        tpu.vector_store %arg7[%swap3A_579, %swap3A_580], %gather3A_513 {strides = array<i32>} : memref<64x256xf32, #tpu.memory_space<vmem>>, vector<16xf32>,
        %swap3A_582 = arith.index_cast %scan3A_460 : i32 to index
        %swap3A_583 = arith.constant 144 : index
        %swap3A_584 = tpu.vector_load %arg7[%swap3A_582, %swap3A_583] {strides = array<i32>} : memref<64x256xf32, #tpu.memory_space<vmem>>, vector<16xf32>,
        tpu.vector_store %arg7[%swap3A_582, %swap3A_583], %gather3A_519 {strides = array<i32>} : memref<64x256xf32, #tpu.memory_space<vmem>>, vector<16xf32>,
        %swap3A_585 = arith.index_cast %scan3A_460 : i32 to index
        %swap3A_586 = arith.constant 160 : index
        %swap3A_587 = tpu.vector_load %arg7[%swap3A_585, %swap3A_586] {strides = array<i32>} : memref<64x256xf32, #tpu.memory_space<vmem>>, vector<16xf32>,
        tpu.vector_store %arg7[%swap3A_585, %swap3A_586], %gather3A_525 {strides = array<i32>} : memref<64x256xf32, #tpu.memory_space<vmem>>, vector<16xf32>,
        %swap3A_588 = arith.index_cast %scan3A_460 : i32 to index
        %swap3A_589 = arith.constant 176 : index
        %swap3A_590 = tpu.vector_load %arg7[%swap3A_588, %swap3A_589] {strides = array<i32>} : memref<64x256xf32, #tpu.memory_space<vmem>>, vector<16xf32>,
        tpu.vector_store %arg7[%swap3A_588, %swap3A_589], %gather3A_531 {strides = array<i32>} : memref<64x256xf32, #tpu.memory_space<vmem>>, vector<16xf32>,
        %swap3A_591 = arith.index_cast %scan3A_460 : i32 to index
        %swap3A_592 = arith.constant 192 : index
        %swap3A_593 = tpu.vector_load %arg7[%swap3A_591, %swap3A_592] {strides = array<i32>} : memref<64x256xf32, #tpu.memory_space<vmem>>, vector<16xf32>,
        tpu.vector_store %arg7[%swap3A_591, %swap3A_592], %gather3A_537 {strides = array<i32>} : memref<64x256xf32, #tpu.memory_space<vmem>>, vector<16xf32>,
        %swap3A_594 = arith.index_cast %scan3A_460 : i32 to index
        %swap3A_595 = arith.constant 208 : index
        %swap3A_596 = tpu.vector_load %arg7[%swap3A_594, %swap3A_595] {strides = array<i32>} : memref<64x256xf32, #tpu.memory_space<vmem>>, vector<16xf32>,
        tpu.vector_store %arg7[%swap3A_594, %swap3A_595], %gather3A_543 {strides = array<i32>} : memref<64x256xf32, #tpu.memory_space<vmem>>, vector<16xf32>,
        %swap3A_597 = arith.index_cast %scan3A_460 : i32 to index
        %swap3A_598 = arith.constant 224 : index
        %swap3A_599 = tpu.vector_load %arg7[%swap3A_597, %swap3A_598] {strides = array<i32>} : memref<64x256xf32, #tpu.memory_space<vmem>>, vector<16xf32>,
        tpu.vector_store %arg7[%swap3A_597, %swap3A_598], %gather3A_549 {strides = array<i32>} : memref<64x256xf32, #tpu.memory_space<vmem>>, vector<16xf32>,
        %swap3A_600 = arith.index_cast %scan3A_460 : i32 to index
        %swap3A_601 = arith.constant 240 : index
        %swap3A_602 = tpu.vector_load %arg7[%swap3A_600, %swap3A_601] {strides = array<i32>} : memref<64x256xf32, #tpu.memory_space<vmem>>, vector<16xf32>,
        tpu.vector_store %arg7[%swap3A_600, %swap3A_601], %gather3A_555 {strides = array<i32>} : memref<64x256xf32, #tpu.memory_space<vmem>>, vector<16xf32>,
        %scan3A_603 = arith.constant 1 : i32
        %scan3A_604 = arith.addi %scan3A_460, %scan3A_603 : i32
        %add3A_605 = arith.addi %mul3A_360, %scan3A_604 : i32
        %add3A_606 = vector.broadcast %add3A_605 : i32 to vector<16xi32>
        %add3A_607 = arith.addi %get3A_5, %add3A_606 : vector<16xi32>
        %and3A_608 = arith.constant 255 : i32
        %and3A_609 = vector.broadcast %and3A_608 : i32 to vector<16xi32>
        %and3A_610 = arith.andi %add3A_607, %and3A_609 : vector<16xi32>
        %gather3A_611 = tpu.vector_load_idx %arg6[%and3A_610, %add3A_38] : memref<256x256xf32, #tpu.memory_space<vmem>>[vector<16xi32>, vector<16xi32>], vector<16xf32>,
        %add3A_612 = vector.broadcast %add3A_605 : i32 to vector<16xi32>
        %add3A_613 = arith.addi %get3A_7, %add3A_612 : vector<16xi32>
        %and3A_614 = arith.constant 255 : i32
        %and3A_615 = vector.broadcast %and3A_614 : i32 to vector<16xi32>
        %and3A_616 = arith.andi %add3A_613, %and3A_615 : vector<16xi32>
        %gather3A_617 = tpu.vector_load_idx %arg6[%and3A_616, %add3A_42] : memref<256x256xf32, #tpu.memory_space<vmem>>[vector<16xi32>, vector<16xi32>], vector<16xf32>,
        %add3A_618 = vector.broadcast %add3A_605 : i32 to vector<16xi32>
        %add3A_619 = arith.addi %get3A_9, %add3A_618 : vector<16xi32>
        %and3A_620 = arith.constant 255 : i32
        %and3A_621 = vector.broadcast %and3A_620 : i32 to vector<16xi32>
        %and3A_622 = arith.andi %add3A_619, %and3A_621 : vector<16xi32>
        %gather3A_623 = tpu.vector_load_idx %arg6[%and3A_622, %add3A_46] : memref<256x256xf32, #tpu.memory_space<vmem>>[vector<16xi32>, vector<16xi32>], vector<16xf32>,
        %add3A_624 = vector.broadcast %add3A_605 : i32 to vector<16xi32>
        %add3A_625 = arith.addi %get3A_11, %add3A_624 : vector<16xi32>
        %and3A_626 = arith.constant 255 : i32
        %and3A_627 = vector.broadcast %and3A_626 : i32 to vector<16xi32>
        %and3A_628 = arith.andi %add3A_625, %and3A_627 : vector<16xi32>
        %gather3A_629 = tpu.vector_load_idx %arg6[%and3A_628, %add3A_50] : memref<256x256xf32, #tpu.memory_space<vmem>>[vector<16xi32>, vector<16xi32>], vector<16xf32>,
        %add3A_630 = vector.broadcast %add3A_605 : i32 to vector<16xi32>
        %add3A_631 = arith.addi %get3A_13, %add3A_630 : vector<16xi32>
        %and3A_632 = arith.constant 255 : i32
        %and3A_633 = vector.broadcast %and3A_632 : i32 to vector<16xi32>
        %and3A_634 = arith.andi %add3A_631, %and3A_633 : vector<16xi32>
        %gather3A_635 = tpu.vector_load_idx %arg6[%and3A_634, %add3A_54] : memref<256x256xf32, #tpu.memory_space<vmem>>[vector<16xi32>, vector<16xi32>], vector<16xf32>,
        %add3A_636 = vector.broadcast %add3A_605 : i32 to vector<16xi32>
        %add3A_637 = arith.addi %get3A_15, %add3A_636 : vector<16xi32>
        %and3A_638 = arith.constant 255 : i32
        %and3A_639 = vector.broadcast %and3A_638 : i32 to vector<16xi32>
        %and3A_640 = arith.andi %add3A_637, %and3A_639 : vector<16xi32>
        %gather3A_641 = tpu.vector_load_idx %arg6[%and3A_640, %add3A_58] : memref<256x256xf32, #tpu.memory_space<vmem>>[vector<16xi32>, vector<16xi32>], vector<16xf32>,
        %add3A_642 = vector.broadcast %add3A_605 : i32 to vector<16xi32>
        %add3A_643 = arith.addi %get3A_17, %add3A_642 : vector<16xi32>
        %and3A_644 = arith.constant 255 : i32
        %and3A_645 = vector.broadcast %and3A_644 : i32 to vector<16xi32>
        %and3A_646 = arith.andi %add3A_643, %and3A_645 : vector<16xi32>
        %gather3A_647 = tpu.vector_load_idx %arg6[%and3A_646, %add3A_62] : memref<256x256xf32, #tpu.memory_space<vmem>>[vector<16xi32>, vector<16xi32>], vector<16xf32>,
        %add3A_648 = vector.broadcast %add3A_605 : i32 to vector<16xi32>
        %add3A_649 = arith.addi %get3A_19, %add3A_648 : vector<16xi32>
        %and3A_650 = arith.constant 255 : i32
        %and3A_651 = vector.broadcast %and3A_650 : i32 to vector<16xi32>
        %and3A_652 = arith.andi %add3A_649, %and3A_651 : vector<16xi32>
        %gather3A_653 = tpu.vector_load_idx %arg6[%and3A_652, %add3A_66] : memref<256x256xf32, #tpu.memory_space<vmem>>[vector<16xi32>, vector<16xi32>], vector<16xf32>,
        %add3A_654 = vector.broadcast %add3A_605 : i32 to vector<16xi32>
        %add3A_655 = arith.addi %get3A_21, %add3A_654 : vector<16xi32>
        %and3A_656 = arith.constant 255 : i32
        %and3A_657 = vector.broadcast %and3A_656 : i32 to vector<16xi32>
        %and3A_658 = arith.andi %add3A_655, %and3A_657 : vector<16xi32>
        %gather3A_659 = tpu.vector_load_idx %arg6[%and3A_658, %add3A_70] : memref<256x256xf32, #tpu.memory_space<vmem>>[vector<16xi32>, vector<16xi32>], vector<16xf32>,
        %add3A_660 = vector.broadcast %add3A_605 : i32 to vector<16xi32>
        %add3A_661 = arith.addi %get3A_23, %add3A_660 : vector<16xi32>
        %and3A_662 = arith.constant 255 : i32
        %and3A_663 = vector.broadcast %and3A_662 : i32 to vector<16xi32>
        %and3A_664 = arith.andi %add3A_661, %and3A_663 : vector<16xi32>
        %gather3A_665 = tpu.vector_load_idx %arg6[%and3A_664, %add3A_74] : memref<256x256xf32, #tpu.memory_space<vmem>>[vector<16xi32>, vector<16xi32>], vector<16xf32>,
        %add3A_666 = vector.broadcast %add3A_605 : i32 to vector<16xi32>
        %add3A_667 = arith.addi %get3A_25, %add3A_666 : vector<16xi32>
        %and3A_668 = arith.constant 255 : i32
        %and3A_669 = vector.broadcast %and3A_668 : i32 to vector<16xi32>
        %and3A_670 = arith.andi %add3A_667, %and3A_669 : vector<16xi32>
        %gather3A_671 = tpu.vector_load_idx %arg6[%and3A_670, %add3A_78] : memref<256x256xf32, #tpu.memory_space<vmem>>[vector<16xi32>, vector<16xi32>], vector<16xf32>,
        %add3A_672 = vector.broadcast %add3A_605 : i32 to vector<16xi32>
        %add3A_673 = arith.addi %get3A_27, %add3A_672 : vector<16xi32>
        %and3A_674 = arith.constant 255 : i32
        %and3A_675 = vector.broadcast %and3A_674 : i32 to vector<16xi32>
        %and3A_676 = arith.andi %add3A_673, %and3A_675 : vector<16xi32>
        %gather3A_677 = tpu.vector_load_idx %arg6[%and3A_676, %add3A_82] : memref<256x256xf32, #tpu.memory_space<vmem>>[vector<16xi32>, vector<16xi32>], vector<16xf32>,
        %add3A_678 = vector.broadcast %add3A_605 : i32 to vector<16xi32>
        %add3A_679 = arith.addi %get3A_29, %add3A_678 : vector<16xi32>
        %and3A_680 = arith.constant 255 : i32
        %and3A_681 = vector.broadcast %and3A_680 : i32 to vector<16xi32>
        %and3A_682 = arith.andi %add3A_679, %and3A_681 : vector<16xi32>
        %gather3A_683 = tpu.vector_load_idx %arg6[%and3A_682, %add3A_86] : memref<256x256xf32, #tpu.memory_space<vmem>>[vector<16xi32>, vector<16xi32>], vector<16xf32>,
        %add3A_684 = vector.broadcast %add3A_605 : i32 to vector<16xi32>
        %add3A_685 = arith.addi %get3A_31, %add3A_684 : vector<16xi32>
        %and3A_686 = arith.constant 255 : i32
        %and3A_687 = vector.broadcast %and3A_686 : i32 to vector<16xi32>
        %and3A_688 = arith.andi %add3A_685, %and3A_687 : vector<16xi32>
        %gather3A_689 = tpu.vector_load_idx %arg6[%and3A_688, %add3A_90] : memref<256x256xf32, #tpu.memory_space<vmem>>[vector<16xi32>, vector<16xi32>], vector<16xf32>,
        %add3A_690 = vector.broadcast %add3A_605 : i32 to vector<16xi32>
        %add3A_691 = arith.addi %get3A_33, %add3A_690 : vector<16xi32>
        %and3A_692 = arith.constant 255 : i32
        %and3A_693 = vector.broadcast %and3A_692 : i32 to vector<16xi32>
        %and3A_694 = arith.andi %add3A_691, %and3A_693 : vector<16xi32>
        %gather3A_695 = tpu.vector_load_idx %arg6[%and3A_694, %add3A_94] : memref<256x256xf32, #tpu.memory_space<vmem>>[vector<16xi32>, vector<16xi32>], vector<16xf32>,
        %add3A_696 = vector.broadcast %add3A_605 : i32 to vector<16xi32>
        %add3A_697 = arith.addi %get3A_35, %add3A_696 : vector<16xi32>
        %and3A_698 = arith.constant 255 : i32
        %and3A_699 = vector.broadcast %and3A_698 : i32 to vector<16xi32>
        %and3A_700 = arith.andi %add3A_697, %and3A_699 : vector<16xi32>
        %gather3A_701 = tpu.vector_load_idx %arg6[%and3A_700, %add3A_98] : memref<256x256xf32, #tpu.memory_space<vmem>>[vector<16xi32>, vector<16xi32>], vector<16xf32>,
        %swap3A_702 = arith.index_cast %scan3A_604 : i32 to index
        %swap3A_703 = arith.constant 0 : index
        %swap3A_704 = tpu.vector_load %arg7[%swap3A_702, %swap3A_703] {strides = array<i32>} : memref<64x256xf32, #tpu.memory_space<vmem>>, vector<16xf32>,
        tpu.vector_store %arg7[%swap3A_702, %swap3A_703], %gather3A_611 {strides = array<i32>} : memref<64x256xf32, #tpu.memory_space<vmem>>, vector<16xf32>,
        %swap3A_705 = arith.index_cast %scan3A_604 : i32 to index
        %swap3A_706 = arith.constant 16 : index
        %swap3A_707 = tpu.vector_load %arg7[%swap3A_705, %swap3A_706] {strides = array<i32>} : memref<64x256xf32, #tpu.memory_space<vmem>>, vector<16xf32>,
        tpu.vector_store %arg7[%swap3A_705, %swap3A_706], %gather3A_617 {strides = array<i32>} : memref<64x256xf32, #tpu.memory_space<vmem>>, vector<16xf32>,
        %swap3A_708 = arith.index_cast %scan3A_604 : i32 to index
        %swap3A_709 = arith.constant 32 : index
        %swap3A_710 = tpu.vector_load %arg7[%swap3A_708, %swap3A_709] {strides = array<i32>} : memref<64x256xf32, #tpu.memory_space<vmem>>, vector<16xf32>,
        tpu.vector_store %arg7[%swap3A_708, %swap3A_709], %gather3A_623 {strides = array<i32>} : memref<64x256xf32, #tpu.memory_space<vmem>>, vector<16xf32>,
        %swap3A_711 = arith.index_cast %scan3A_604 : i32 to index
        %swap3A_712 = arith.constant 48 : index
        %swap3A_713 = tpu.vector_load %arg7[%swap3A_711, %swap3A_712] {strides = array<i32>} : memref<64x256xf32, #tpu.memory_space<vmem>>, vector<16xf32>,
        tpu.vector_store %arg7[%swap3A_711, %swap3A_712], %gather3A_629 {strides = array<i32>} : memref<64x256xf32, #tpu.memory_space<vmem>>, vector<16xf32>,
        %swap3A_714 = arith.index_cast %scan3A_604 : i32 to index
        %swap3A_715 = arith.constant 64 : index
        %swap3A_716 = tpu.vector_load %arg7[%swap3A_714, %swap3A_715] {strides = array<i32>} : memref<64x256xf32, #tpu.memory_space<vmem>>, vector<16xf32>,
        tpu.vector_store %arg7[%swap3A_714, %swap3A_715], %gather3A_635 {strides = array<i32>} : memref<64x256xf32, #tpu.memory_space<vmem>>, vector<16xf32>,
        %swap3A_717 = arith.index_cast %scan3A_604 : i32 to index
        %swap3A_718 = arith.constant 80 : index
        %swap3A_719 = tpu.vector_load %arg7[%swap3A_717, %swap3A_718] {strides = array<i32>} : memref<64x256xf32, #tpu.memory_space<vmem>>, vector<16xf32>,
        tpu.vector_store %arg7[%swap3A_717, %swap3A_718], %gather3A_641 {strides = array<i32>} : memref<64x256xf32, #tpu.memory_space<vmem>>, vector<16xf32>,
        %swap3A_720 = arith.index_cast %scan3A_604 : i32 to index
        %swap3A_721 = arith.constant 96 : index
        %swap3A_722 = tpu.vector_load %arg7[%swap3A_720, %swap3A_721] {strides = array<i32>} : memref<64x256xf32, #tpu.memory_space<vmem>>, vector<16xf32>,
        tpu.vector_store %arg7[%swap3A_720, %swap3A_721], %gather3A_647 {strides = array<i32>} : memref<64x256xf32, #tpu.memory_space<vmem>>, vector<16xf32>,
        %swap3A_723 = arith.index_cast %scan3A_604 : i32 to index
        %swap3A_724 = arith.constant 112 : index
        %swap3A_725 = tpu.vector_load %arg7[%swap3A_723, %swap3A_724] {strides = array<i32>} : memref<64x256xf32, #tpu.memory_space<vmem>>, vector<16xf32>,
        tpu.vector_store %arg7[%swap3A_723, %swap3A_724], %gather3A_653 {strides = array<i32>} : memref<64x256xf32, #tpu.memory_space<vmem>>, vector<16xf32>,
        %swap3A_726 = arith.index_cast %scan3A_604 : i32 to index
        %swap3A_727 = arith.constant 128 : index
        %swap3A_728 = tpu.vector_load %arg7[%swap3A_726, %swap3A_727] {strides = array<i32>} : memref<64x256xf32, #tpu.memory_space<vmem>>, vector<16xf32>,
        tpu.vector_store %arg7[%swap3A_726, %swap3A_727], %gather3A_659 {strides = array<i32>} : memref<64x256xf32, #tpu.memory_space<vmem>>, vector<16xf32>,
        %swap3A_729 = arith.index_cast %scan3A_604 : i32 to index
        %swap3A_730 = arith.constant 144 : index
        %swap3A_731 = tpu.vector_load %arg7[%swap3A_729, %swap3A_730] {strides = array<i32>} : memref<64x256xf32, #tpu.memory_space<vmem>>, vector<16xf32>,
        tpu.vector_store %arg7[%swap3A_729, %swap3A_730], %gather3A_665 {strides = array<i32>} : memref<64x256xf32, #tpu.memory_space<vmem>>, vector<16xf32>,
        %swap3A_732 = arith.index_cast %scan3A_604 : i32 to index
        %swap3A_733 = arith.constant 160 : index
        %swap3A_734 = tpu.vector_load %arg7[%swap3A_732, %swap3A_733] {strides = array<i32>} : memref<64x256xf32, #tpu.memory_space<vmem>>, vector<16xf32>,
        tpu.vector_store %arg7[%swap3A_732, %swap3A_733], %gather3A_671 {strides = array<i32>} : memref<64x256xf32, #tpu.memory_space<vmem>>, vector<16xf32>,
        %swap3A_735 = arith.index_cast %scan3A_604 : i32 to index
        %swap3A_736 = arith.constant 176 : index
        %swap3A_737 = tpu.vector_load %arg7[%swap3A_735, %swap3A_736] {strides = array<i32>} : memref<64x256xf32, #tpu.memory_space<vmem>>, vector<16xf32>,
        tpu.vector_store %arg7[%swap3A_735, %swap3A_736], %gather3A_677 {strides = array<i32>} : memref<64x256xf32, #tpu.memory_space<vmem>>, vector<16xf32>,
        %swap3A_738 = arith.index_cast %scan3A_604 : i32 to index
        %swap3A_739 = arith.constant 192 : index
        %swap3A_740 = tpu.vector_load %arg7[%swap3A_738, %swap3A_739] {strides = array<i32>} : memref<64x256xf32, #tpu.memory_space<vmem>>, vector<16xf32>,
        tpu.vector_store %arg7[%swap3A_738, %swap3A_739], %gather3A_683 {strides = array<i32>} : memref<64x256xf32, #tpu.memory_space<vmem>>, vector<16xf32>,
        %swap3A_741 = arith.index_cast %scan3A_604 : i32 to index
        %swap3A_742 = arith.constant 208 : index
        %swap3A_743 = tpu.vector_load %arg7[%swap3A_741, %swap3A_742] {strides = array<i32>} : memref<64x256xf32, #tpu.memory_space<vmem>>, vector<16xf32>,
        tpu.vector_store %arg7[%swap3A_741, %swap3A_742], %gather3A_689 {strides = array<i32>} : memref<64x256xf32, #tpu.memory_space<vmem>>, vector<16xf32>,
        %swap3A_744 = arith.index_cast %scan3A_604 : i32 to index
        %swap3A_745 = arith.constant 224 : index
        %swap3A_746 = tpu.vector_load %arg7[%swap3A_744, %swap3A_745] {strides = array<i32>} : memref<64x256xf32, #tpu.memory_space<vmem>>, vector<16xf32>,
        tpu.vector_store %arg7[%swap3A_744, %swap3A_745], %gather3A_695 {strides = array<i32>} : memref<64x256xf32, #tpu.memory_space<vmem>>, vector<16xf32>,
        %swap3A_747 = arith.index_cast %scan3A_604 : i32 to index
        %swap3A_748 = arith.constant 240 : index
        %swap3A_749 = tpu.vector_load %arg7[%swap3A_747, %swap3A_748] {strides = array<i32>} : memref<64x256xf32, #tpu.memory_space<vmem>>, vector<16xf32>,
        tpu.vector_store %arg7[%swap3A_747, %swap3A_748], %gather3A_701 {strides = array<i32>} : memref<64x256xf32, #tpu.memory_space<vmem>>, vector<16xf32>,
        %scan3A_750 = arith.constant 2 : i32
        %scan3A_751 = arith.addi %scan3A_460, %scan3A_750 : i32
        %add3A_752 = arith.addi %mul3A_360, %scan3A_751 : i32
        %add3A_753 = vector.broadcast %add3A_752 : i32 to vector<16xi32>
        %add3A_754 = arith.addi %get3A_5, %add3A_753 : vector<16xi32>
        %and3A_755 = arith.constant 255 : i32
        %and3A_756 = vector.broadcast %and3A_755 : i32 to vector<16xi32>
        %and3A_757 = arith.andi %add3A_754, %and3A_756 : vector<16xi32>
        %gather3A_758 = tpu.vector_load_idx %arg6[%and3A_757, %add3A_38] : memref<256x256xf32, #tpu.memory_space<vmem>>[vector<16xi32>, vector<16xi32>], vector<16xf32>,
        %add3A_759 = vector.broadcast %add3A_752 : i32 to vector<16xi32>
        %add3A_760 = arith.addi %get3A_7, %add3A_759 : vector<16xi32>
        %and3A_761 = arith.constant 255 : i32
        %and3A_762 = vector.broadcast %and3A_761 : i32 to vector<16xi32>
        %and3A_763 = arith.andi %add3A_760, %and3A_762 : vector<16xi32>
        %gather3A_764 = tpu.vector_load_idx %arg6[%and3A_763, %add3A_42] : memref<256x256xf32, #tpu.memory_space<vmem>>[vector<16xi32>, vector<16xi32>], vector<16xf32>,
        %add3A_765 = vector.broadcast %add3A_752 : i32 to vector<16xi32>
        %add3A_766 = arith.addi %get3A_9, %add3A_765 : vector<16xi32>
        %and3A_767 = arith.constant 255 : i32
        %and3A_768 = vector.broadcast %and3A_767 : i32 to vector<16xi32>
        %and3A_769 = arith.andi %add3A_766, %and3A_768 : vector<16xi32>
        %gather3A_770 = tpu.vector_load_idx %arg6[%and3A_769, %add3A_46] : memref<256x256xf32, #tpu.memory_space<vmem>>[vector<16xi32>, vector<16xi32>], vector<16xf32>,
        %add3A_771 = vector.broadcast %add3A_752 : i32 to vector<16xi32>
        %add3A_772 = arith.addi %get3A_11, %add3A_771 : vector<16xi32>
        %and3A_773 = arith.constant 255 : i32
        %and3A_774 = vector.broadcast %and3A_773 : i32 to vector<16xi32>
        %and3A_775 = arith.andi %add3A_772, %and3A_774 : vector<16xi32>
        %gather3A_776 = tpu.vector_load_idx %arg6[%and3A_775, %add3A_50] : memref<256x256xf32, #tpu.memory_space<vmem>>[vector<16xi32>, vector<16xi32>], vector<16xf32>,
        %add3A_777 = vector.broadcast %add3A_752 : i32 to vector<16xi32>
        %add3A_778 = arith.addi %get3A_13, %add3A_777 : vector<16xi32>
        %and3A_779 = arith.constant 255 : i32
        %and3A_780 = vector.broadcast %and3A_779 : i32 to vector<16xi32>
        %and3A_781 = arith.andi %add3A_778, %and3A_780 : vector<16xi32>
        %gather3A_782 = tpu.vector_load_idx %arg6[%and3A_781, %add3A_54] : memref<256x256xf32, #tpu.memory_space<vmem>>[vector<16xi32>, vector<16xi32>], vector<16xf32>,
        %add3A_783 = vector.broadcast %add3A_752 : i32 to vector<16xi32>
        %add3A_784 = arith.addi %get3A_15, %add3A_783 : vector<16xi32>
        %and3A_785 = arith.constant 255 : i32
        %and3A_786 = vector.broadcast %and3A_785 : i32 to vector<16xi32>
        %and3A_787 = arith.andi %add3A_784, %and3A_786 : vector<16xi32>
        %gather3A_788 = tpu.vector_load_idx %arg6[%and3A_787, %add3A_58] : memref<256x256xf32, #tpu.memory_space<vmem>>[vector<16xi32>, vector<16xi32>], vector<16xf32>,
        %add3A_789 = vector.broadcast %add3A_752 : i32 to vector<16xi32>
        %add3A_790 = arith.addi %get3A_17, %add3A_789 : vector<16xi32>
        %and3A_791 = arith.constant 255 : i32
        %and3A_792 = vector.broadcast %and3A_791 : i32 to vector<16xi32>
        %and3A_793 = arith.andi %add3A_790, %and3A_792 : vector<16xi32>
        %gather3A_794 = tpu.vector_load_idx %arg6[%and3A_793, %add3A_62] : memref<256x256xf32, #tpu.memory_space<vmem>>[vector<16xi32>, vector<16xi32>], vector<16xf32>,
        %add3A_795 = vector.broadcast %add3A_752 : i32 to vector<16xi32>
        %add3A_796 = arith.addi %get3A_19, %add3A_795 : vector<16xi32>
        %and3A_797 = arith.constant 255 : i32
        %and3A_798 = vector.broadcast %and3A_797 : i32 to vector<16xi32>
        %and3A_799 = arith.andi %add3A_796, %and3A_798 : vector<16xi32>
        %gather3A_800 = tpu.vector_load_idx %arg6[%and3A_799, %add3A_66] : memref<256x256xf32, #tpu.memory_space<vmem>>[vector<16xi32>, vector<16xi32>], vector<16xf32>,
        %add3A_801 = vector.broadcast %add3A_752 : i32 to vector<16xi32>
        %add3A_802 = arith.addi %get3A_21, %add3A_801 : vector<16xi32>
        %and3A_803 = arith.constant 255 : i32
        %and3A_804 = vector.broadcast %and3A_803 : i32 to vector<16xi32>
        %and3A_805 = arith.andi %add3A_802, %and3A_804 : vector<16xi32>
        %gather3A_806 = tpu.vector_load_idx %arg6[%and3A_805, %add3A_70] : memref<256x256xf32, #tpu.memory_space<vmem>>[vector<16xi32>, vector<16xi32>], vector<16xf32>,
        %add3A_807 = vector.broadcast %add3A_752 : i32 to vector<16xi32>
        %add3A_808 = arith.addi %get3A_23, %add3A_807 : vector<16xi32>
        %and3A_809 = arith.constant 255 : i32
        %and3A_810 = vector.broadcast %and3A_809 : i32 to vector<16xi32>
        %and3A_811 = arith.andi %add3A_808, %and3A_810 : vector<16xi32>
        %gather3A_812 = tpu.vector_load_idx %arg6[%and3A_811, %add3A_74] : memref<256x256xf32, #tpu.memory_space<vmem>>[vector<16xi32>, vector<16xi32>], vector<16xf32>,
        %add3A_813 = vector.broadcast %add3A_752 : i32 to vector<16xi32>
        %add3A_814 = arith.addi %get3A_25, %add3A_813 : vector<16xi32>
        %and3A_815 = arith.constant 255 : i32
        %and3A_816 = vector.broadcast %and3A_815 : i32 to vector<16xi32>
        %and3A_817 = arith.andi %add3A_814, %and3A_816 : vector<16xi32>
        %gather3A_818 = tpu.vector_load_idx %arg6[%and3A_817, %add3A_78] : memref<256x256xf32, #tpu.memory_space<vmem>>[vector<16xi32>, vector<16xi32>], vector<16xf32>,
        %add3A_819 = vector.broadcast %add3A_752 : i32 to vector<16xi32>
        %add3A_820 = arith.addi %get3A_27, %add3A_819 : vector<16xi32>
        %and3A_821 = arith.constant 255 : i32
        %and3A_822 = vector.broadcast %and3A_821 : i32 to vector<16xi32>
        %and3A_823 = arith.andi %add3A_820, %and3A_822 : vector<16xi32>
        %gather3A_824 = tpu.vector_load_idx %arg6[%and3A_823, %add3A_82] : memref<256x256xf32, #tpu.memory_space<vmem>>[vector<16xi32>, vector<16xi32>], vector<16xf32>,
        %add3A_825 = vector.broadcast %add3A_752 : i32 to vector<16xi32>
        %add3A_826 = arith.addi %get3A_29, %add3A_825 : vector<16xi32>
        %and3A_827 = arith.constant 255 : i32
        %and3A_828 = vector.broadcast %and3A_827 : i32 to vector<16xi32>
        %and3A_829 = arith.andi %add3A_826, %and3A_828 : vector<16xi32>
        %gather3A_830 = tpu.vector_load_idx %arg6[%and3A_829, %add3A_86] : memref<256x256xf32, #tpu.memory_space<vmem>>[vector<16xi32>, vector<16xi32>], vector<16xf32>,
        %add3A_831 = vector.broadcast %add3A_752 : i32 to vector<16xi32>
        %add3A_832 = arith.addi %get3A_31, %add3A_831 : vector<16xi32>
        %and3A_833 = arith.constant 255 : i32
        %and3A_834 = vector.broadcast %and3A_833 : i32 to vector<16xi32>
        %and3A_835 = arith.andi %add3A_832, %and3A_834 : vector<16xi32>
        %gather3A_836 = tpu.vector_load_idx %arg6[%and3A_835, %add3A_90] : memref<256x256xf32, #tpu.memory_space<vmem>>[vector<16xi32>, vector<16xi32>], vector<16xf32>,
        %add3A_837 = vector.broadcast %add3A_752 : i32 to vector<16xi32>
        %add3A_838 = arith.addi %get3A_33, %add3A_837 : vector<16xi32>
        %and3A_839 = arith.constant 255 : i32
        %and3A_840 = vector.broadcast %and3A_839 : i32 to vector<16xi32>
        %and3A_841 = arith.andi %add3A_838, %and3A_840 : vector<16xi32>
        %gather3A_842 = tpu.vector_load_idx %arg6[%and3A_841, %add3A_94] : memref<256x256xf32, #tpu.memory_space<vmem>>[vector<16xi32>, vector<16xi32>], vector<16xf32>,
        %add3A_843 = vector.broadcast %add3A_752 : i32 to vector<16xi32>
        %add3A_844 = arith.addi %get3A_35, %add3A_843 : vector<16xi32>
        %and3A_845 = arith.constant 255 : i32
        %and3A_846 = vector.broadcast %and3A_845 : i32 to vector<16xi32>
        %and3A_847 = arith.andi %add3A_844, %and3A_846 : vector<16xi32>
        %gather3A_848 = tpu.vector_load_idx %arg6[%and3A_847, %add3A_98] : memref<256x256xf32, #tpu.memory_space<vmem>>[vector<16xi32>, vector<16xi32>], vector<16xf32>,
        %swap3A_849 = arith.index_cast %scan3A_751 : i32 to index
        %swap3A_850 = arith.constant 0 : index
        %swap3A_851 = tpu.vector_load %arg7[%swap3A_849, %swap3A_850] {strides = array<i32>} : memref<64x256xf32, #tpu.memory_space<vmem>>, vector<16xf32>,
        tpu.vector_store %arg7[%swap3A_849, %swap3A_850], %gather3A_758 {strides = array<i32>} : memref<64x256xf32, #tpu.memory_space<vmem>>, vector<16xf32>,
        %swap3A_852 = arith.index_cast %scan3A_751 : i32 to index
        %swap3A_853 = arith.constant 16 : index
        %swap3A_854 = tpu.vector_load %arg7[%swap3A_852, %swap3A_853] {strides = array<i32>} : memref<64x256xf32, #tpu.memory_space<vmem>>, vector<16xf32>,
        tpu.vector_store %arg7[%swap3A_852, %swap3A_853], %gather3A_764 {strides = array<i32>} : memref<64x256xf32, #tpu.memory_space<vmem>>, vector<16xf32>,
        %swap3A_855 = arith.index_cast %scan3A_751 : i32 to index
        %swap3A_856 = arith.constant 32 : index
        %swap3A_857 = tpu.vector_load %arg7[%swap3A_855, %swap3A_856] {strides = array<i32>} : memref<64x256xf32, #tpu.memory_space<vmem>>, vector<16xf32>,
        tpu.vector_store %arg7[%swap3A_855, %swap3A_856], %gather3A_770 {strides = array<i32>} : memref<64x256xf32, #tpu.memory_space<vmem>>, vector<16xf32>,
        %swap3A_858 = arith.index_cast %scan3A_751 : i32 to index
        %swap3A_859 = arith.constant 48 : index
        %swap3A_860 = tpu.vector_load %arg7[%swap3A_858, %swap3A_859] {strides = array<i32>} : memref<64x256xf32, #tpu.memory_space<vmem>>, vector<16xf32>,
        tpu.vector_store %arg7[%swap3A_858, %swap3A_859], %gather3A_776 {strides = array<i32>} : memref<64x256xf32, #tpu.memory_space<vmem>>, vector<16xf32>,
        %swap3A_861 = arith.index_cast %scan3A_751 : i32 to index
        %swap3A_862 = arith.constant 64 : index
        %swap3A_863 = tpu.vector_load %arg7[%swap3A_861, %swap3A_862] {strides = array<i32>} : memref<64x256xf32, #tpu.memory_space<vmem>>, vector<16xf32>,
        tpu.vector_store %arg7[%swap3A_861, %swap3A_862], %gather3A_782 {strides = array<i32>} : memref<64x256xf32, #tpu.memory_space<vmem>>, vector<16xf32>,
        %swap3A_864 = arith.index_cast %scan3A_751 : i32 to index
        %swap3A_865 = arith.constant 80 : index
        %swap3A_866 = tpu.vector_load %arg7[%swap3A_864, %swap3A_865] {strides = array<i32>} : memref<64x256xf32, #tpu.memory_space<vmem>>, vector<16xf32>,
        tpu.vector_store %arg7[%swap3A_864, %swap3A_865], %gather3A_788 {strides = array<i32>} : memref<64x256xf32, #tpu.memory_space<vmem>>, vector<16xf32>,
        %swap3A_867 = arith.index_cast %scan3A_751 : i32 to index
        %swap3A_868 = arith.constant 96 : index
        %swap3A_869 = tpu.vector_load %arg7[%swap3A_867, %swap3A_868] {strides = array<i32>} : memref<64x256xf32, #tpu.memory_space<vmem>>, vector<16xf32>,
        tpu.vector_store %arg7[%swap3A_867, %swap3A_868], %gather3A_794 {strides = array<i32>} : memref<64x256xf32, #tpu.memory_space<vmem>>, vector<16xf32>,
        %swap3A_870 = arith.index_cast %scan3A_751 : i32 to index
        %swap3A_871 = arith.constant 112 : index
        %swap3A_872 = tpu.vector_load %arg7[%swap3A_870, %swap3A_871] {strides = array<i32>} : memref<64x256xf32, #tpu.memory_space<vmem>>, vector<16xf32>,
        tpu.vector_store %arg7[%swap3A_870, %swap3A_871], %gather3A_800 {strides = array<i32>} : memref<64x256xf32, #tpu.memory_space<vmem>>, vector<16xf32>,
        %swap3A_873 = arith.index_cast %scan3A_751 : i32 to index
        %swap3A_874 = arith.constant 128 : index
        %swap3A_875 = tpu.vector_load %arg7[%swap3A_873, %swap3A_874] {strides = array<i32>} : memref<64x256xf32, #tpu.memory_space<vmem>>, vector<16xf32>,
        tpu.vector_store %arg7[%swap3A_873, %swap3A_874], %gather3A_806 {strides = array<i32>} : memref<64x256xf32, #tpu.memory_space<vmem>>, vector<16xf32>,
        %swap3A_876 = arith.index_cast %scan3A_751 : i32 to index
        %swap3A_877 = arith.constant 144 : index
        %swap3A_878 = tpu.vector_load %arg7[%swap3A_876, %swap3A_877] {strides = array<i32>} : memref<64x256xf32, #tpu.memory_space<vmem>>, vector<16xf32>,
        tpu.vector_store %arg7[%swap3A_876, %swap3A_877], %gather3A_812 {strides = array<i32>} : memref<64x256xf32, #tpu.memory_space<vmem>>, vector<16xf32>,
        %swap3A_879 = arith.index_cast %scan3A_751 : i32 to index
        %swap3A_880 = arith.constant 160 : index
        %swap3A_881 = tpu.vector_load %arg7[%swap3A_879, %swap3A_880] {strides = array<i32>} : memref<64x256xf32, #tpu.memory_space<vmem>>, vector<16xf32>,
        tpu.vector_store %arg7[%swap3A_879, %swap3A_880], %gather3A_818 {strides = array<i32>} : memref<64x256xf32, #tpu.memory_space<vmem>>, vector<16xf32>,
        %swap3A_882 = arith.index_cast %scan3A_751 : i32 to index
        %swap3A_883 = arith.constant 176 : index
        %swap3A_884 = tpu.vector_load %arg7[%swap3A_882, %swap3A_883] {strides = array<i32>} : memref<64x256xf32, #tpu.memory_space<vmem>>, vector<16xf32>,
        tpu.vector_store %arg7[%swap3A_882, %swap3A_883], %gather3A_824 {strides = array<i32>} : memref<64x256xf32, #tpu.memory_space<vmem>>, vector<16xf32>,
        %swap3A_885 = arith.index_cast %scan3A_751 : i32 to index
        %swap3A_886 = arith.constant 192 : index
        %swap3A_887 = tpu.vector_load %arg7[%swap3A_885, %swap3A_886] {strides = array<i32>} : memref<64x256xf32, #tpu.memory_space<vmem>>, vector<16xf32>,
        tpu.vector_store %arg7[%swap3A_885, %swap3A_886], %gather3A_830 {strides = array<i32>} : memref<64x256xf32, #tpu.memory_space<vmem>>, vector<16xf32>,
        %swap3A_888 = arith.index_cast %scan3A_751 : i32 to index
        %swap3A_889 = arith.constant 208 : index
        %swap3A_890 = tpu.vector_load %arg7[%swap3A_888, %swap3A_889] {strides = array<i32>} : memref<64x256xf32, #tpu.memory_space<vmem>>, vector<16xf32>,
        tpu.vector_store %arg7[%swap3A_888, %swap3A_889], %gather3A_836 {strides = array<i32>} : memref<64x256xf32, #tpu.memory_space<vmem>>, vector<16xf32>,
        %swap3A_891 = arith.index_cast %scan3A_751 : i32 to index
        %swap3A_892 = arith.constant 224 : index
        %swap3A_893 = tpu.vector_load %arg7[%swap3A_891, %swap3A_892] {strides = array<i32>} : memref<64x256xf32, #tpu.memory_space<vmem>>, vector<16xf32>,
        tpu.vector_store %arg7[%swap3A_891, %swap3A_892], %gather3A_842 {strides = array<i32>} : memref<64x256xf32, #tpu.memory_space<vmem>>, vector<16xf32>,
        %swap3A_894 = arith.index_cast %scan3A_751 : i32 to index
        %swap3A_895 = arith.constant 240 : index
        %swap3A_896 = tpu.vector_load %arg7[%swap3A_894, %swap3A_895] {strides = array<i32>} : memref<64x256xf32, #tpu.memory_space<vmem>>, vector<16xf32>,
        tpu.vector_store %arg7[%swap3A_894, %swap3A_895], %gather3A_848 {strides = array<i32>} : memref<64x256xf32, #tpu.memory_space<vmem>>, vector<16xf32>,
        %scan3A_897 = arith.constant 3 : i32
        %scan3A_898 = arith.addi %scan3A_460, %scan3A_897 : i32
        %add3A_899 = arith.addi %mul3A_360, %scan3A_898 : i32
        %add3A_900 = vector.broadcast %add3A_899 : i32 to vector<16xi32>
        %add3A_901 = arith.addi %get3A_5, %add3A_900 : vector<16xi32>
        %and3A_902 = arith.constant 255 : i32
        %and3A_903 = vector.broadcast %and3A_902 : i32 to vector<16xi32>
        %and3A_904 = arith.andi %add3A_901, %and3A_903 : vector<16xi32>
        %gather3A_905 = tpu.vector_load_idx %arg6[%and3A_904, %add3A_38] : memref<256x256xf32, #tpu.memory_space<vmem>>[vector<16xi32>, vector<16xi32>], vector<16xf32>,
        %add3A_906 = vector.broadcast %add3A_899 : i32 to vector<16xi32>
        %add3A_907 = arith.addi %get3A_7, %add3A_906 : vector<16xi32>
        %and3A_908 = arith.constant 255 : i32
        %and3A_909 = vector.broadcast %and3A_908 : i32 to vector<16xi32>
        %and3A_910 = arith.andi %add3A_907, %and3A_909 : vector<16xi32>
        %gather3A_911 = tpu.vector_load_idx %arg6[%and3A_910, %add3A_42] : memref<256x256xf32, #tpu.memory_space<vmem>>[vector<16xi32>, vector<16xi32>], vector<16xf32>,
        %add3A_912 = vector.broadcast %add3A_899 : i32 to vector<16xi32>
        %add3A_913 = arith.addi %get3A_9, %add3A_912 : vector<16xi32>
        %and3A_914 = arith.constant 255 : i32
        %and3A_915 = vector.broadcast %and3A_914 : i32 to vector<16xi32>
        %and3A_916 = arith.andi %add3A_913, %and3A_915 : vector<16xi32>
        %gather3A_917 = tpu.vector_load_idx %arg6[%and3A_916, %add3A_46] : memref<256x256xf32, #tpu.memory_space<vmem>>[vector<16xi32>, vector<16xi32>], vector<16xf32>,
        %add3A_918 = vector.broadcast %add3A_899 : i32 to vector<16xi32>
        %add3A_919 = arith.addi %get3A_11, %add3A_918 : vector<16xi32>
        %and3A_920 = arith.constant 255 : i32
        %and3A_921 = vector.broadcast %and3A_920 : i32 to vector<16xi32>
        %and3A_922 = arith.andi %add3A_919, %and3A_921 : vector<16xi32>
        %gather3A_923 = tpu.vector_load_idx %arg6[%and3A_922, %add3A_50] : memref<256x256xf32, #tpu.memory_space<vmem>>[vector<16xi32>, vector<16xi32>], vector<16xf32>,
        %add3A_924 = vector.broadcast %add3A_899 : i32 to vector<16xi32>
        %add3A_925 = arith.addi %get3A_13, %add3A_924 : vector<16xi32>
        %and3A_926 = arith.constant 255 : i32
        %and3A_927 = vector.broadcast %and3A_926 : i32 to vector<16xi32>
        %and3A_928 = arith.andi %add3A_925, %and3A_927 : vector<16xi32>
        %gather3A_929 = tpu.vector_load_idx %arg6[%and3A_928, %add3A_54] : memref<256x256xf32, #tpu.memory_space<vmem>>[vector<16xi32>, vector<16xi32>], vector<16xf32>,
        %add3A_930 = vector.broadcast %add3A_899 : i32 to vector<16xi32>
        %add3A_931 = arith.addi %get3A_15, %add3A_930 : vector<16xi32>
        %and3A_932 = arith.constant 255 : i32
        %and3A_933 = vector.broadcast %and3A_932 : i32 to vector<16xi32>
        %and3A_934 = arith.andi %add3A_931, %and3A_933 : vector<16xi32>
        %gather3A_935 = tpu.vector_load_idx %arg6[%and3A_934, %add3A_58] : memref<256x256xf32, #tpu.memory_space<vmem>>[vector<16xi32>, vector<16xi32>], vector<16xf32>,
        %add3A_936 = vector.broadcast %add3A_899 : i32 to vector<16xi32>
        %add3A_937 = arith.addi %get3A_17, %add3A_936 : vector<16xi32>
        %and3A_938 = arith.constant 255 : i32
        %and3A_939 = vector.broadcast %and3A_938 : i32 to vector<16xi32>
        %and3A_940 = arith.andi %add3A_937, %and3A_939 : vector<16xi32>
        %gather3A_941 = tpu.vector_load_idx %arg6[%and3A_940, %add3A_62] : memref<256x256xf32, #tpu.memory_space<vmem>>[vector<16xi32>, vector<16xi32>], vector<16xf32>,
        %add3A_942 = vector.broadcast %add3A_899 : i32 to vector<16xi32>
        %add3A_943 = arith.addi %get3A_19, %add3A_942 : vector<16xi32>
        %and3A_944 = arith.constant 255 : i32
        %and3A_945 = vector.broadcast %and3A_944 : i32 to vector<16xi32>
        %and3A_946 = arith.andi %add3A_943, %and3A_945 : vector<16xi32>
        %gather3A_947 = tpu.vector_load_idx %arg6[%and3A_946, %add3A_66] : memref<256x256xf32, #tpu.memory_space<vmem>>[vector<16xi32>, vector<16xi32>], vector<16xf32>,
        %add3A_948 = vector.broadcast %add3A_899 : i32 to vector<16xi32>
        %add3A_949 = arith.addi %get3A_21, %add3A_948 : vector<16xi32>
        %and3A_950 = arith.constant 255 : i32
        %and3A_951 = vector.broadcast %and3A_950 : i32 to vector<16xi32>
        %and3A_952 = arith.andi %add3A_949, %and3A_951 : vector<16xi32>
        %gather3A_953 = tpu.vector_load_idx %arg6[%and3A_952, %add3A_70] : memref<256x256xf32, #tpu.memory_space<vmem>>[vector<16xi32>, vector<16xi32>], vector<16xf32>,
        %add3A_954 = vector.broadcast %add3A_899 : i32 to vector<16xi32>
        %add3A_955 = arith.addi %get3A_23, %add3A_954 : vector<16xi32>
        %and3A_956 = arith.constant 255 : i32
        %and3A_957 = vector.broadcast %and3A_956 : i32 to vector<16xi32>
        %and3A_958 = arith.andi %add3A_955, %and3A_957 : vector<16xi32>
        %gather3A_959 = tpu.vector_load_idx %arg6[%and3A_958, %add3A_74] : memref<256x256xf32, #tpu.memory_space<vmem>>[vector<16xi32>, vector<16xi32>], vector<16xf32>,
        %add3A_960 = vector.broadcast %add3A_899 : i32 to vector<16xi32>
        %add3A_961 = arith.addi %get3A_25, %add3A_960 : vector<16xi32>
        %and3A_962 = arith.constant 255 : i32
        %and3A_963 = vector.broadcast %and3A_962 : i32 to vector<16xi32>
        %and3A_964 = arith.andi %add3A_961, %and3A_963 : vector<16xi32>
        %gather3A_965 = tpu.vector_load_idx %arg6[%and3A_964, %add3A_78] : memref<256x256xf32, #tpu.memory_space<vmem>>[vector<16xi32>, vector<16xi32>], vector<16xf32>,
        %add3A_966 = vector.broadcast %add3A_899 : i32 to vector<16xi32>
        %add3A_967 = arith.addi %get3A_27, %add3A_966 : vector<16xi32>
        %and3A_968 = arith.constant 255 : i32
        %and3A_969 = vector.broadcast %and3A_968 : i32 to vector<16xi32>
        %and3A_970 = arith.andi %add3A_967, %and3A_969 : vector<16xi32>
        %gather3A_971 = tpu.vector_load_idx %arg6[%and3A_970, %add3A_82] : memref<256x256xf32, #tpu.memory_space<vmem>>[vector<16xi32>, vector<16xi32>], vector<16xf32>,
        %add3A_972 = vector.broadcast %add3A_899 : i32 to vector<16xi32>
        %add3A_973 = arith.addi %get3A_29, %add3A_972 : vector<16xi32>
        %and3A_974 = arith.constant 255 : i32
        %and3A_975 = vector.broadcast %and3A_974 : i32 to vector<16xi32>
        %and3A_976 = arith.andi %add3A_973, %and3A_975 : vector<16xi32>
        %gather3A_977 = tpu.vector_load_idx %arg6[%and3A_976, %add3A_86] : memref<256x256xf32, #tpu.memory_space<vmem>>[vector<16xi32>, vector<16xi32>], vector<16xf32>,
        %add3A_978 = vector.broadcast %add3A_899 : i32 to vector<16xi32>
        %add3A_979 = arith.addi %get3A_31, %add3A_978 : vector<16xi32>
        %and3A_980 = arith.constant 255 : i32
        %and3A_981 = vector.broadcast %and3A_980 : i32 to vector<16xi32>
        %and3A_982 = arith.andi %add3A_979, %and3A_981 : vector<16xi32>
        %gather3A_983 = tpu.vector_load_idx %arg6[%and3A_982, %add3A_90] : memref<256x256xf32, #tpu.memory_space<vmem>>[vector<16xi32>, vector<16xi32>], vector<16xf32>,
        %add3A_984 = vector.broadcast %add3A_899 : i32 to vector<16xi32>
        %add3A_985 = arith.addi %get3A_33, %add3A_984 : vector<16xi32>
        %and3A_986 = arith.constant 255 : i32
        %and3A_987 = vector.broadcast %and3A_986 : i32 to vector<16xi32>
        %and3A_988 = arith.andi %add3A_985, %and3A_987 : vector<16xi32>
        %gather3A_989 = tpu.vector_load_idx %arg6[%and3A_988, %add3A_94] : memref<256x256xf32, #tpu.memory_space<vmem>>[vector<16xi32>, vector<16xi32>], vector<16xf32>,
        %add3A_990 = vector.broadcast %add3A_899 : i32 to vector<16xi32>
        %add3A_991 = arith.addi %get3A_35, %add3A_990 : vector<16xi32>
        %and3A_992 = arith.constant 255 : i32
        %and3A_993 = vector.broadcast %and3A_992 : i32 to vector<16xi32>
        %and3A_994 = arith.andi %add3A_991, %and3A_993 : vector<16xi32>
        %gather3A_995 = tpu.vector_load_idx %arg6[%and3A_994, %add3A_98] : memref<256x256xf32, #tpu.memory_space<vmem>>[vector<16xi32>, vector<16xi32>], vector<16xf32>,
        %swap3A_996 = arith.index_cast %scan3A_898 : i32 to index
        %swap3A_997 = arith.constant 0 : index
        %swap3A_998 = tpu.vector_load %arg7[%swap3A_996, %swap3A_997] {strides = array<i32>} : memref<64x256xf32, #tpu.memory_space<vmem>>, vector<16xf32>,
        tpu.vector_store %arg7[%swap3A_996, %swap3A_997], %gather3A_905 {strides = array<i32>} : memref<64x256xf32, #tpu.memory_space<vmem>>, vector<16xf32>,
        %swap3A_999 = arith.index_cast %scan3A_898 : i32 to index
        %swap3A_1000 = arith.constant 16 : index
        %swap3A_1001 = tpu.vector_load %arg7[%swap3A_999, %swap3A_1000] {strides = array<i32>} : memref<64x256xf32, #tpu.memory_space<vmem>>, vector<16xf32>,
        tpu.vector_store %arg7[%swap3A_999, %swap3A_1000], %gather3A_911 {strides = array<i32>} : memref<64x256xf32, #tpu.memory_space<vmem>>, vector<16xf32>,
        %swap3A_1002 = arith.index_cast %scan3A_898 : i32 to index
        %swap3A_1003 = arith.constant 32 : index
        %swap3A_1004 = tpu.vector_load %arg7[%swap3A_1002, %swap3A_1003] {strides = array<i32>} : memref<64x256xf32, #tpu.memory_space<vmem>>, vector<16xf32>,
        tpu.vector_store %arg7[%swap3A_1002, %swap3A_1003], %gather3A_917 {strides = array<i32>} : memref<64x256xf32, #tpu.memory_space<vmem>>, vector<16xf32>,
        %swap3A_1005 = arith.index_cast %scan3A_898 : i32 to index
        %swap3A_1006 = arith.constant 48 : index
        %swap3A_1007 = tpu.vector_load %arg7[%swap3A_1005, %swap3A_1006] {strides = array<i32>} : memref<64x256xf32, #tpu.memory_space<vmem>>, vector<16xf32>,
        tpu.vector_store %arg7[%swap3A_1005, %swap3A_1006], %gather3A_923 {strides = array<i32>} : memref<64x256xf32, #tpu.memory_space<vmem>>, vector<16xf32>,
        %swap3A_1008 = arith.index_cast %scan3A_898 : i32 to index
        %swap3A_1009 = arith.constant 64 : index
        %swap3A_1010 = tpu.vector_load %arg7[%swap3A_1008, %swap3A_1009] {strides = array<i32>} : memref<64x256xf32, #tpu.memory_space<vmem>>, vector<16xf32>,
        tpu.vector_store %arg7[%swap3A_1008, %swap3A_1009], %gather3A_929 {strides = array<i32>} : memref<64x256xf32, #tpu.memory_space<vmem>>, vector<16xf32>,
        %swap3A_1011 = arith.index_cast %scan3A_898 : i32 to index
        %swap3A_1012 = arith.constant 80 : index
        %swap3A_1013 = tpu.vector_load %arg7[%swap3A_1011, %swap3A_1012] {strides = array<i32>} : memref<64x256xf32, #tpu.memory_space<vmem>>, vector<16xf32>,
        tpu.vector_store %arg7[%swap3A_1011, %swap3A_1012], %gather3A_935 {strides = array<i32>} : memref<64x256xf32, #tpu.memory_space<vmem>>, vector<16xf32>,
        %swap3A_1014 = arith.index_cast %scan3A_898 : i32 to index
        %swap3A_1015 = arith.constant 96 : index
        %swap3A_1016 = tpu.vector_load %arg7[%swap3A_1014, %swap3A_1015] {strides = array<i32>} : memref<64x256xf32, #tpu.memory_space<vmem>>, vector<16xf32>,
        tpu.vector_store %arg7[%swap3A_1014, %swap3A_1015], %gather3A_941 {strides = array<i32>} : memref<64x256xf32, #tpu.memory_space<vmem>>, vector<16xf32>,
        %swap3A_1017 = arith.index_cast %scan3A_898 : i32 to index
        %swap3A_1018 = arith.constant 112 : index
        %swap3A_1019 = tpu.vector_load %arg7[%swap3A_1017, %swap3A_1018] {strides = array<i32>} : memref<64x256xf32, #tpu.memory_space<vmem>>, vector<16xf32>,
        tpu.vector_store %arg7[%swap3A_1017, %swap3A_1018], %gather3A_947 {strides = array<i32>} : memref<64x256xf32, #tpu.memory_space<vmem>>, vector<16xf32>,
        %swap3A_1020 = arith.index_cast %scan3A_898 : i32 to index
        %swap3A_1021 = arith.constant 128 : index
        %swap3A_1022 = tpu.vector_load %arg7[%swap3A_1020, %swap3A_1021] {strides = array<i32>} : memref<64x256xf32, #tpu.memory_space<vmem>>, vector<16xf32>,
        tpu.vector_store %arg7[%swap3A_1020, %swap3A_1021], %gather3A_953 {strides = array<i32>} : memref<64x256xf32, #tpu.memory_space<vmem>>, vector<16xf32>,
        %swap3A_1023 = arith.index_cast %scan3A_898 : i32 to index
        %swap3A_1024 = arith.constant 144 : index
        %swap3A_1025 = tpu.vector_load %arg7[%swap3A_1023, %swap3A_1024] {strides = array<i32>} : memref<64x256xf32, #tpu.memory_space<vmem>>, vector<16xf32>,
        tpu.vector_store %arg7[%swap3A_1023, %swap3A_1024], %gather3A_959 {strides = array<i32>} : memref<64x256xf32, #tpu.memory_space<vmem>>, vector<16xf32>,
        %swap3A_1026 = arith.index_cast %scan3A_898 : i32 to index
        %swap3A_1027 = arith.constant 160 : index
        %swap3A_1028 = tpu.vector_load %arg7[%swap3A_1026, %swap3A_1027] {strides = array<i32>} : memref<64x256xf32, #tpu.memory_space<vmem>>, vector<16xf32>,
        tpu.vector_store %arg7[%swap3A_1026, %swap3A_1027], %gather3A_965 {strides = array<i32>} : memref<64x256xf32, #tpu.memory_space<vmem>>, vector<16xf32>,
        %swap3A_1029 = arith.index_cast %scan3A_898 : i32 to index
        %swap3A_1030 = arith.constant 176 : index
        %swap3A_1031 = tpu.vector_load %arg7[%swap3A_1029, %swap3A_1030] {strides = array<i32>} : memref<64x256xf32, #tpu.memory_space<vmem>>, vector<16xf32>,
        tpu.vector_store %arg7[%swap3A_1029, %swap3A_1030], %gather3A_971 {strides = array<i32>} : memref<64x256xf32, #tpu.memory_space<vmem>>, vector<16xf32>,
        %swap3A_1032 = arith.index_cast %scan3A_898 : i32 to index
        %swap3A_1033 = arith.constant 192 : index
        %swap3A_1034 = tpu.vector_load %arg7[%swap3A_1032, %swap3A_1033] {strides = array<i32>} : memref<64x256xf32, #tpu.memory_space<vmem>>, vector<16xf32>,
        tpu.vector_store %arg7[%swap3A_1032, %swap3A_1033], %gather3A_977 {strides = array<i32>} : memref<64x256xf32, #tpu.memory_space<vmem>>, vector<16xf32>,
        %swap3A_1035 = arith.index_cast %scan3A_898 : i32 to index
        %swap3A_1036 = arith.constant 208 : index
        %swap3A_1037 = tpu.vector_load %arg7[%swap3A_1035, %swap3A_1036] {strides = array<i32>} : memref<64x256xf32, #tpu.memory_space<vmem>>, vector<16xf32>,
        tpu.vector_store %arg7[%swap3A_1035, %swap3A_1036], %gather3A_983 {strides = array<i32>} : memref<64x256xf32, #tpu.memory_space<vmem>>, vector<16xf32>,
        %swap3A_1038 = arith.index_cast %scan3A_898 : i32 to index
        %swap3A_1039 = arith.constant 224 : index
        %swap3A_1040 = tpu.vector_load %arg7[%swap3A_1038, %swap3A_1039] {strides = array<i32>} : memref<64x256xf32, #tpu.memory_space<vmem>>, vector<16xf32>,
        tpu.vector_store %arg7[%swap3A_1038, %swap3A_1039], %gather3A_989 {strides = array<i32>} : memref<64x256xf32, #tpu.memory_space<vmem>>, vector<16xf32>,
        %swap3A_1041 = arith.index_cast %scan3A_898 : i32 to index
        %swap3A_1042 = arith.constant 240 : index
        %swap3A_1043 = tpu.vector_load %arg7[%swap3A_1041, %swap3A_1042] {strides = array<i32>} : memref<64x256xf32, #tpu.memory_space<vmem>>, vector<16xf32>,
        tpu.vector_store %arg7[%swap3A_1041, %swap3A_1042], %gather3A_995 {strides = array<i32>} : memref<64x256xf32, #tpu.memory_space<vmem>>, vector<16xf32>,
      }
      %scan3A_395 = arith.constant 64 : i32
      %dma_start3A_396 = arith.constant 0 : i32
      %dma_start3A_397 = arith.constant 0 : i32
      %dma_start3A_398 = tpu.memref_slice %arg4[%add3A_4, %mul3A_360, %dma_start3A_397] : memref<64x2048x256xf32, #tpu.memory_space<hbm>> -> memref<1x64x256xf32, #tpu.memory_space<hbm>>
      %dma_start3A_399 = tpu.memref_squeeze %dma_start3A_398 : memref<1x64x256xf32, #tpu.memory_space<hbm>> -> memref<64x256xf32, #tpu.memory_space<hbm>>
      %dma_start3A_400 = tpu.memref_slice %arg10[%dma_start3A_396] : memref<2x!tpu.dma_semaphore, #tpu.memory_space<semaphore_mem>> -> memref<1x!tpu.dma_semaphore, #tpu.memory_space<semaphore_mem>>
      %dma_start3A_401 = tpu.memref_squeeze %dma_start3A_400 : memref<1x!tpu.dma_semaphore, #tpu.memory_space<semaphore_mem>> -> memref<!tpu.dma_semaphore, #tpu.memory_space<semaphore_mem>>
      %dma_start3A_402 = arith.constant 0 : i32
      %dma_start3A_403 = tpu.memref_slice %arg4[%add3A_4, %mul3A_360, %dma_start3A_402] : memref<64x2048x256xf32, #tpu.memory_space<hbm>> -> memref<1x64x256xf32, #tpu.memory_space<hbm>>
      %dma_start3A_404 = tpu.memref_squeeze %dma_start3A_403 : memref<1x64x256xf32, #tpu.memory_space<hbm>> -> memref<64x256xf32, #tpu.memory_space<hbm>>
      tpu.enqueue_dma source(%arg7 : memref<64x256xf32, #tpu.memory_space<vmem>>) target(%dma_start3A_404 : memref<64x256xf32, #tpu.memory_space<hbm>>) target_semaphore(%dma_start3A_401 : memref<!tpu.dma_semaphore, #tpu.memory_space<semaphore_mem>>)
      %mul3A_405 = arith.constant 2 : i32
      %mul3A_406 = arith.muli %scan3A_354, %mul3A_405 : i32
      %add3A_407 = arith.constant 1 : i32
      %add3A_408 = arith.addi %mul3A_406, %add3A_407 : i32
      %mul3A_409 = arith.constant 64 : i32
      %mul3A_410 = arith.muli %add3A_408, %mul3A_409 : i32
      %eq3A_411 = arith.constant 0 : i32
      %eq3A_412 = arith.cmpi eq, %add3A_408, %eq3A_411 : i32
      %convert_element_type3A_413 = arith.extui %eq3A_412 : i1 to i32
      %cond3A_414 = arith.constant 0 : i32
      %cond3A_415 = arith.cmpi ne, %convert_element_type3A_413, %cond3A_414 : i32
      scf.if %cond3A_415 {
        %dma_wait3A_460 = arith.constant 1 : i32
        %dma_wait3A_461 = arith.constant 0 : i32
        %dma_wait3A_462 = arith.constant 0 : i32
        %dma_wait3A_463 = tpu.memref_slice %arg6[%dma_wait3A_461, %dma_wait3A_462] : memref<256x256xf32, #tpu.memory_space<vmem>> -> memref<8x256xf32, #tpu.memory_space<vmem>>
        %dma_wait3A_464 = arith.constant 0 : i32
        %dma_wait3A_465 = arith.constant 0 : i32
        %dma_wait3A_466 = tpu.memref_slice %arg2[%add3A_4, %dma_wait3A_464, %dma_wait3A_465] : memref<64x2048x256xf32, #tpu.memory_space<hbm>> -> memref<1x8x256xf32, #tpu.memory_space<hbm>>
        %dma_wait3A_467 = tpu.memref_squeeze %dma_wait3A_466 : memref<1x8x256xf32, #tpu.memory_space<hbm>> -> memref<8x256xf32, #tpu.memory_space<hbm>>
        %dma_wait3A_468 = tpu.memref_slice %arg9[%dma_wait3A_460] : memref<2x!tpu.dma_semaphore, #tpu.memory_space<semaphore_mem>> -> memref<1x!tpu.dma_semaphore, #tpu.memory_space<semaphore_mem>>
        %dma_wait3A_469 = tpu.memref_squeeze %dma_wait3A_468 : memref<1x!tpu.dma_semaphore, #tpu.memory_space<semaphore_mem>> -> memref<!tpu.dma_semaphore, #tpu.memory_space<semaphore_mem>>
        %dma_wait3A_470 = arith.constant 0 : i32
        %dma_wait3A_471 = arith.constant 0 : i32
        %dma_wait3A_472 = tpu.memref_slice %arg6[%dma_wait3A_470, %dma_wait3A_471] : memref<256x256xf32, #tpu.memory_space<vmem>> -> memref<8x256xf32, #tpu.memory_space<vmem>>
        %dma_wait3A_473 = arith.constant 0 : i32
        %dma_wait3A_474 = arith.constant 0 : i32
        %dma_wait3A_475 = tpu.memref_slice %arg2[%add3A_4, %dma_wait3A_473, %dma_wait3A_474] : memref<64x2048x256xf32, #tpu.memory_space<hbm>> -> memref<1x8x256xf32, #tpu.memory_space<hbm>>
        %dma_wait3A_476 = tpu.memref_squeeze %dma_wait3A_475 : memref<1x8x256xf32, #tpu.memory_space<hbm>> -> memref<8x256xf32, #tpu.memory_space<hbm>>
        tpu.wait_dma2 semaphore(%dma_wait3A_469 : memref<!tpu.dma_semaphore, #tpu.memory_space<semaphore_mem>>) src(%dma_wait3A_476 : memref<8x256xf32, #tpu.memory_space<hbm>>) dst(%dma_wait3A_472 : memref<8x256xf32, #tpu.memory_space<vmem>>)
        %dma_wait3A_477 = arith.constant 0 : i32
        %dma_wait3A_478 = arith.constant 0 : i32
        %dma_wait3A_479 = arith.constant 0 : i32
        %dma_wait3A_480 = tpu.memref_slice %arg6[%dma_wait3A_478, %dma_wait3A_479] : memref<256x256xf32, #tpu.memory_space<vmem>> -> memref<64x256xf32, #tpu.memory_space<vmem>>
        %dma_wait3A_481 = arith.constant 0 : i32
        %dma_wait3A_482 = arith.constant 0 : i32
        %dma_wait3A_483 = tpu.memref_slice %arg2[%add3A_4, %dma_wait3A_481, %dma_wait3A_482] : memref<64x2048x256xf32, #tpu.memory_space<hbm>> -> memref<1x64x256xf32, #tpu.memory_space<hbm>>
        %dma_wait3A_484 = tpu.memref_squeeze %dma_wait3A_483 : memref<1x64x256xf32, #tpu.memory_space<hbm>> -> memref<64x256xf32, #tpu.memory_space<hbm>>
        %dma_wait3A_485 = tpu.memref_slice %arg9[%dma_wait3A_477] : memref<2x!tpu.dma_semaphore, #tpu.memory_space<semaphore_mem>> -> memref<1x!tpu.dma_semaphore, #tpu.memory_space<semaphore_mem>>
        %dma_wait3A_486 = tpu.memref_squeeze %dma_wait3A_485 : memref<1x!tpu.dma_semaphore, #tpu.memory_space<semaphore_mem>> -> memref<!tpu.dma_semaphore, #tpu.memory_space<semaphore_mem>>
        %dma_wait3A_487 = arith.constant 0 : i32
        %dma_wait3A_488 = arith.constant 0 : i32
        %dma_wait3A_489 = tpu.memref_slice %arg6[%dma_wait3A_487, %dma_wait3A_488] : memref<256x256xf32, #tpu.memory_space<vmem>> -> memref<64x256xf32, #tpu.memory_space<vmem>>
        %dma_wait3A_490 = arith.constant 0 : i32
        %dma_wait3A_491 = arith.constant 0 : i32
        %dma_wait3A_492 = tpu.memref_slice %arg2[%add3A_4, %dma_wait3A_490, %dma_wait3A_491] : memref<64x2048x256xf32, #tpu.memory_space<hbm>> -> memref<1x64x256xf32, #tpu.memory_space<hbm>>
        %dma_wait3A_493 = tpu.memref_squeeze %dma_wait3A_492 : memref<1x64x256xf32, #tpu.memory_space<hbm>> -> memref<64x256xf32, #tpu.memory_space<hbm>>
        tpu.wait_dma2 semaphore(%dma_wait3A_486 : memref<!tpu.dma_semaphore, #tpu.memory_space<semaphore_mem>>) src(%dma_wait3A_493 : memref<64x256xf32, #tpu.memory_space<hbm>>) dst(%dma_wait3A_489 : memref<64x256xf32, #tpu.memory_space<vmem>>)
      } else {
      }
      %lt3A_416 = arith.constant 31 : i32
      %lt3A_417 = arith.cmpi slt, %add3A_408, %lt3A_416 : i32
      %convert_element_type3A_418 = arith.extui %lt3A_417 : i1 to i32
      %cond3A_419 = arith.constant 0 : i32
      %cond3A_420 = arith.cmpi ne, %convert_element_type3A_418, %cond3A_419 : i32
      scf.if %cond3A_420 {
        %add3A_460 = arith.constant 1 : i32
        %add3A_461 = arith.addi %add3A_408, %add3A_460 : i32
        %jit3A = arith.constant 2 : i32
        %eq3A_462 = arith.constant 0 : i32
        %eq3A_463 = arith.cmpi eq, %jit3A, %eq3A_462 : i32
        %jit3A_464 = arith.constant 1 : i32
        %select_n3A = arith.select %eq3A_463, %jit3A_464, %jit3A : i32
        %rem3A = arith.remsi %add3A_461, %select_n3A : i32
        %ne3A = arith.constant 0 : i32
        %ne3A_465 = arith.cmpi ne, %rem3A, %ne3A : i32
        %lt3A_466 = arith.constant 0 : i32
        %lt3A_467 = arith.cmpi slt, %rem3A, %lt3A_466 : i32
        %lt3A_468 = arith.constant 0 : i32
        %lt3A_469 = arith.cmpi slt, %select_n3A, %lt3A_468 : i32
        %ne3A_470 = arith.xori %lt3A_467, %lt3A_469 : i1
        %and3A = arith.andi %ne3A_470, %ne3A_465 : i1
        %add3A_471 = arith.addi %rem3A, %select_n3A : i32
        %select_n3A_472 = arith.select %and3A, %add3A_471, %rem3A : i32
        %dma_wait3A_473 = arith.constant 0 : i32
        %dma_wait3A_474 = arith.constant 0 : i32
        %dma_wait3A_475 = tpu.memref_slice %arg6[%dma_wait3A_473, %dma_wait3A_474] : memref<256x256xf32, #tpu.memory_space<vmem>> -> memref<64x256xf32, #tpu.memory_space<vmem>>
        %dma_wait3A_476 = arith.constant 0 : i32
        %dma_wait3A_477 = arith.constant 0 : i32
        %dma_wait3A_478 = tpu.memref_slice %arg2[%add3A_4, %dma_wait3A_476, %dma_wait3A_477] : memref<64x2048x256xf32, #tpu.memory_space<hbm>> -> memref<1x64x256xf32, #tpu.memory_space<hbm>>
        %dma_wait3A_479 = tpu.memref_squeeze %dma_wait3A_478 : memref<1x64x256xf32, #tpu.memory_space<hbm>> -> memref<64x256xf32, #tpu.memory_space<hbm>>
        %dma_wait3A_480 = tpu.memref_slice %arg9[%select_n3A_472] : memref<2x!tpu.dma_semaphore, #tpu.memory_space<semaphore_mem>> -> memref<1x!tpu.dma_semaphore, #tpu.memory_space<semaphore_mem>>
        %dma_wait3A_481 = tpu.memref_squeeze %dma_wait3A_480 : memref<1x!tpu.dma_semaphore, #tpu.memory_space<semaphore_mem>> -> memref<!tpu.dma_semaphore, #tpu.memory_space<semaphore_mem>>
        %dma_wait3A_482 = arith.constant 0 : i32
        %dma_wait3A_483 = arith.constant 0 : i32
        %dma_wait3A_484 = tpu.memref_slice %arg6[%dma_wait3A_482, %dma_wait3A_483] : memref<256x256xf32, #tpu.memory_space<vmem>> -> memref<64x256xf32, #tpu.memory_space<vmem>>
        %dma_wait3A_485 = arith.constant 0 : i32
        %dma_wait3A_486 = arith.constant 0 : i32
        %dma_wait3A_487 = tpu.memref_slice %arg2[%add3A_4, %dma_wait3A_485, %dma_wait3A_486] : memref<64x2048x256xf32, #tpu.memory_space<hbm>> -> memref<1x64x256xf32, #tpu.memory_space<hbm>>
        %dma_wait3A_488 = tpu.memref_squeeze %dma_wait3A_487 : memref<1x64x256xf32, #tpu.memory_space<hbm>> -> memref<64x256xf32, #tpu.memory_space<hbm>>
        tpu.wait_dma2 semaphore(%dma_wait3A_481 : memref<!tpu.dma_semaphore, #tpu.memory_space<semaphore_mem>>) src(%dma_wait3A_488 : memref<64x256xf32, #tpu.memory_space<hbm>>) dst(%dma_wait3A_484 : memref<64x256xf32, #tpu.memory_space<vmem>>)
      } else {
      }
      %eq3A_421 = arith.constant 31 : i32
      %eq3A_422 = arith.cmpi eq, %add3A_408, %eq3A_421 : i32
      %convert_element_type3A_423 = arith.extui %eq3A_422 : i1 to i32
      %cond3A_424 = arith.constant 0 : i32
      %cond3A_425 = arith.cmpi ne, %convert_element_type3A_423, %cond3A_424 : i32
      scf.if %cond3A_425 {
        %add3A_460 = arith.constant 1 : i32
        %add3A_461 = arith.addi %add3A_408, %add3A_460 : i32
        %jit3A = arith.constant 2 : i32
        %eq3A_462 = arith.constant 0 : i32
        %eq3A_463 = arith.cmpi eq, %jit3A, %eq3A_462 : i32
        %jit3A_464 = arith.constant 1 : i32
        %select_n3A = arith.select %eq3A_463, %jit3A_464, %jit3A : i32
        %rem3A = arith.remsi %add3A_461, %select_n3A : i32
        %ne3A = arith.constant 0 : i32
        %ne3A_465 = arith.cmpi ne, %rem3A, %ne3A : i32
        %lt3A_466 = arith.constant 0 : i32
        %lt3A_467 = arith.cmpi slt, %rem3A, %lt3A_466 : i32
        %lt3A_468 = arith.constant 0 : i32
        %lt3A_469 = arith.cmpi slt, %select_n3A, %lt3A_468 : i32
        %ne3A_470 = arith.xori %lt3A_467, %lt3A_469 : i1
        %and3A = arith.andi %ne3A_470, %ne3A_465 : i1
        %add3A_471 = arith.addi %rem3A, %select_n3A : i32
        %select_n3A_472 = arith.select %and3A, %add3A_471, %rem3A : i32
        %dma_wait3A_473 = arith.constant 0 : i32
        %dma_wait3A_474 = arith.constant 0 : i32
        %dma_wait3A_475 = tpu.memref_slice %arg6[%dma_wait3A_473, %dma_wait3A_474] : memref<256x256xf32, #tpu.memory_space<vmem>> -> memref<8x256xf32, #tpu.memory_space<vmem>>
        %dma_wait3A_476 = arith.constant 0 : i32
        %dma_wait3A_477 = arith.constant 0 : i32
        %dma_wait3A_478 = tpu.memref_slice %arg2[%add3A_4, %dma_wait3A_476, %dma_wait3A_477] : memref<64x2048x256xf32, #tpu.memory_space<hbm>> -> memref<1x8x256xf32, #tpu.memory_space<hbm>>
        %dma_wait3A_479 = tpu.memref_squeeze %dma_wait3A_478 : memref<1x8x256xf32, #tpu.memory_space<hbm>> -> memref<8x256xf32, #tpu.memory_space<hbm>>
        %dma_wait3A_480 = tpu.memref_slice %arg9[%select_n3A_472] : memref<2x!tpu.dma_semaphore, #tpu.memory_space<semaphore_mem>> -> memref<1x!tpu.dma_semaphore, #tpu.memory_space<semaphore_mem>>
        %dma_wait3A_481 = tpu.memref_squeeze %dma_wait3A_480 : memref<1x!tpu.dma_semaphore, #tpu.memory_space<semaphore_mem>> -> memref<!tpu.dma_semaphore, #tpu.memory_space<semaphore_mem>>
        %dma_wait3A_482 = arith.constant 0 : i32
        %dma_wait3A_483 = arith.constant 0 : i32
        %dma_wait3A_484 = tpu.memref_slice %arg6[%dma_wait3A_482, %dma_wait3A_483] : memref<256x256xf32, #tpu.memory_space<vmem>> -> memref<8x256xf32, #tpu.memory_space<vmem>>
        %dma_wait3A_485 = arith.constant 0 : i32
        %dma_wait3A_486 = arith.constant 0 : i32
        %dma_wait3A_487 = tpu.memref_slice %arg2[%add3A_4, %dma_wait3A_485, %dma_wait3A_486] : memref<64x2048x256xf32, #tpu.memory_space<hbm>> -> memref<1x8x256xf32, #tpu.memory_space<hbm>>
        %dma_wait3A_488 = tpu.memref_squeeze %dma_wait3A_487 : memref<1x8x256xf32, #tpu.memory_space<hbm>> -> memref<8x256xf32, #tpu.memory_space<hbm>>
        tpu.wait_dma2 semaphore(%dma_wait3A_481 : memref<!tpu.dma_semaphore, #tpu.memory_space<semaphore_mem>>) src(%dma_wait3A_488 : memref<8x256xf32, #tpu.memory_space<hbm>>) dst(%dma_wait3A_484 : memref<8x256xf32, #tpu.memory_space<vmem>>)
      } else {
      }
      %add3A_426 = arith.constant 2 : i32
      %add3A_427 = arith.addi %add3A_408, %add3A_426 : i32
      %lt3A_428 = arith.constant 32 : i32
      %lt3A_429 = arith.cmpi slt, %add3A_427, %lt3A_428 : i32
      %convert_element_type3A_430 = arith.extui %lt3A_429 : i1 to i32
      %cond3A_431 = arith.constant 0 : i32
      %cond3A_432 = arith.cmpi ne, %convert_element_type3A_430, %cond3A_431 : i32
      scf.if %cond3A_432 {
        %add3A_460 = arith.constant 2 : i32
        %add3A_461 = arith.addi %add3A_408, %add3A_460 : i32
        %mul3A_462 = arith.constant 64 : i32
        %mul3A_463 = arith.muli %add3A_461, %mul3A_462 : i32
        %mul3A_464 = arith.constant 64 : i32
        %mul3A_465 = arith.muli %add3A_461, %mul3A_464 : i32
        %jit3A = arith.constant 256 : i32
        %eq3A_466 = arith.constant 0 : i32
        %eq3A_467 = arith.cmpi eq, %jit3A, %eq3A_466 : i32
        %jit3A_468 = arith.constant 1 : i32
        %select_n3A = arith.select %eq3A_467, %jit3A_468, %jit3A : i32
        %rem3A = arith.remsi %mul3A_465, %select_n3A : i32
        %ne3A = arith.constant 0 : i32
        %ne3A_469 = arith.cmpi ne, %rem3A, %ne3A : i32
        %lt3A_470 = arith.constant 0 : i32
        %lt3A_471 = arith.cmpi slt, %rem3A, %lt3A_470 : i32
        %lt3A_472 = arith.constant 0 : i32
        %lt3A_473 = arith.cmpi slt, %select_n3A, %lt3A_472 : i32
        %ne3A_474 = arith.xori %lt3A_471, %lt3A_473 : i1
        %and3A = arith.andi %ne3A_474, %ne3A_469 : i1
        %add3A_475 = arith.addi %rem3A, %select_n3A : i32
        %select_n3A_476 = arith.select %and3A, %add3A_475, %rem3A : i32
        %jit3A_477 = arith.constant 2 : i32
        %eq3A_478 = arith.constant 0 : i32
        %eq3A_479 = arith.cmpi eq, %jit3A_477, %eq3A_478 : i32
        %jit3A_480 = arith.constant 1 : i32
        %select_n3A_481 = arith.select %eq3A_479, %jit3A_480, %jit3A_477 : i32
        %rem3A_482 = arith.remsi %add3A_461, %select_n3A_481 : i32
        %ne3A_483 = arith.constant 0 : i32
        %ne3A_484 = arith.cmpi ne, %rem3A_482, %ne3A_483 : i32
        %lt3A_485 = arith.constant 0 : i32
        %lt3A_486 = arith.cmpi slt, %rem3A_482, %lt3A_485 : i32
        %lt3A_487 = arith.constant 0 : i32
        %lt3A_488 = arith.cmpi slt, %select_n3A_481, %lt3A_487 : i32
        %ne3A_489 = arith.xori %lt3A_486, %lt3A_488 : i1
        %and3A_490 = arith.andi %ne3A_489, %ne3A_484 : i1
        %add3A_491 = arith.addi %rem3A_482, %select_n3A_481 : i32
        %select_n3A_492 = arith.select %and3A_490, %add3A_491, %rem3A_482 : i32
        %dma_start3A_493 = arith.constant 0 : i32
        %dma_start3A_494 = tpu.memref_slice %arg6[%select_n3A_476, %dma_start3A_493] : memref<256x256xf32, #tpu.memory_space<vmem>> -> memref<64x256xf32, #tpu.memory_space<vmem>>
        %dma_start3A_495 = arith.constant 0 : i32
        %dma_start3A_496 = tpu.memref_slice %arg2[%add3A_4, %mul3A_463, %dma_start3A_495] : memref<64x2048x256xf32, #tpu.memory_space<hbm>> -> memref<1x64x256xf32, #tpu.memory_space<hbm>>
        %dma_start3A_497 = tpu.memref_squeeze %dma_start3A_496 : memref<1x64x256xf32, #tpu.memory_space<hbm>> -> memref<64x256xf32, #tpu.memory_space<hbm>>
        %dma_start3A_498 = tpu.memref_slice %arg9[%select_n3A_492] : memref<2x!tpu.dma_semaphore, #tpu.memory_space<semaphore_mem>> -> memref<1x!tpu.dma_semaphore, #tpu.memory_space<semaphore_mem>>
        %dma_start3A_499 = tpu.memref_squeeze %dma_start3A_498 : memref<1x!tpu.dma_semaphore, #tpu.memory_space<semaphore_mem>> -> memref<!tpu.dma_semaphore, #tpu.memory_space<semaphore_mem>>
        %dma_start3A_500 = arith.constant 0 : i32
        %dma_start3A_501 = tpu.memref_slice %arg6[%select_n3A_476, %dma_start3A_500] : memref<256x256xf32, #tpu.memory_space<vmem>> -> memref<64x256xf32, #tpu.memory_space<vmem>>
        %dma_start3A_502 = arith.constant 0 : i32
        %dma_start3A_503 = tpu.memref_slice %arg2[%add3A_4, %mul3A_463, %dma_start3A_502] : memref<64x2048x256xf32, #tpu.memory_space<hbm>> -> memref<1x64x256xf32, #tpu.memory_space<hbm>>
        %dma_start3A_504 = tpu.memref_squeeze %dma_start3A_503 : memref<1x64x256xf32, #tpu.memory_space<hbm>> -> memref<64x256xf32, #tpu.memory_space<hbm>>
        tpu.enqueue_dma source(%dma_start3A_504 : memref<64x256xf32, #tpu.memory_space<hbm>>) target(%dma_start3A_501 : memref<64x256xf32, #tpu.memory_space<vmem>>) target_semaphore(%dma_start3A_499 : memref<!tpu.dma_semaphore, #tpu.memory_space<semaphore_mem>>)
      } else {
      }
      %add3A_433 = arith.constant 2 : i32
      %add3A_434 = arith.addi %add3A_408, %add3A_433 : i32
      %eq3A_435 = arith.constant 32 : i32
      %eq3A_436 = arith.cmpi eq, %add3A_434, %eq3A_435 : i32
      %convert_element_type3A_437 = arith.extui %eq3A_436 : i1 to i32
      %cond3A_438 = arith.constant 0 : i32
      %cond3A_439 = arith.cmpi ne, %convert_element_type3A_437, %cond3A_438 : i32
      scf.if %cond3A_439 {
        %jit3A = arith.constant 2 : i32
        %eq3A_460 = arith.constant 0 : i32
        %eq3A_461 = arith.cmpi eq, %jit3A, %eq3A_460 : i32
        %jit3A_462 = arith.constant 1 : i32
        %select_n3A = arith.select %eq3A_461, %jit3A_462, %jit3A : i32
        %rem3A = arith.remsi %add3A_408, %select_n3A : i32
        %ne3A = arith.constant 0 : i32
        %ne3A_463 = arith.cmpi ne, %rem3A, %ne3A : i32
        %lt3A_464 = arith.constant 0 : i32
        %lt3A_465 = arith.cmpi slt, %rem3A, %lt3A_464 : i32
        %lt3A_466 = arith.constant 0 : i32
        %lt3A_467 = arith.cmpi slt, %select_n3A, %lt3A_466 : i32
        %ne3A_468 = arith.xori %lt3A_465, %lt3A_467 : i1
        %and3A = arith.andi %ne3A_468, %ne3A_463 : i1
        %add3A_469 = arith.addi %rem3A, %select_n3A : i32
        %select_n3A_470 = arith.select %and3A, %add3A_469, %rem3A : i32
        %dma_start3A_471 = arith.constant 0 : i32
        %dma_start3A_472 = arith.constant 0 : i32
        %dma_start3A_473 = tpu.memref_slice %arg6[%dma_start3A_471, %dma_start3A_472] : memref<256x256xf32, #tpu.memory_space<vmem>> -> memref<8x256xf32, #tpu.memory_space<vmem>>
        %dma_start3A_474 = arith.constant 0 : i32
        %dma_start3A_475 = arith.constant 0 : i32
        %dma_start3A_476 = tpu.memref_slice %arg2[%add3A_4, %dma_start3A_474, %dma_start3A_475] : memref<64x2048x256xf32, #tpu.memory_space<hbm>> -> memref<1x8x256xf32, #tpu.memory_space<hbm>>
        %dma_start3A_477 = tpu.memref_squeeze %dma_start3A_476 : memref<1x8x256xf32, #tpu.memory_space<hbm>> -> memref<8x256xf32, #tpu.memory_space<hbm>>
        %dma_start3A_478 = tpu.memref_slice %arg9[%select_n3A_470] : memref<2x!tpu.dma_semaphore, #tpu.memory_space<semaphore_mem>> -> memref<1x!tpu.dma_semaphore, #tpu.memory_space<semaphore_mem>>
        %dma_start3A_479 = tpu.memref_squeeze %dma_start3A_478 : memref<1x!tpu.dma_semaphore, #tpu.memory_space<semaphore_mem>> -> memref<!tpu.dma_semaphore, #tpu.memory_space<semaphore_mem>>
        %dma_start3A_480 = arith.constant 0 : i32
        %dma_start3A_481 = arith.constant 0 : i32
        %dma_start3A_482 = tpu.memref_slice %arg6[%dma_start3A_480, %dma_start3A_481] : memref<256x256xf32, #tpu.memory_space<vmem>> -> memref<8x256xf32, #tpu.memory_space<vmem>>
        %dma_start3A_483 = arith.constant 0 : i32
        %dma_start3A_484 = arith.constant 0 : i32
        %dma_start3A_485 = tpu.memref_slice %arg2[%add3A_4, %dma_start3A_483, %dma_start3A_484] : memref<64x2048x256xf32, #tpu.memory_space<hbm>> -> memref<1x8x256xf32, #tpu.memory_space<hbm>>
        %dma_start3A_486 = tpu.memref_squeeze %dma_start3A_485 : memref<1x8x256xf32, #tpu.memory_space<hbm>> -> memref<8x256xf32, #tpu.memory_space<hbm>>
        tpu.enqueue_dma source(%dma_start3A_486 : memref<8x256xf32, #tpu.memory_space<hbm>>) target(%dma_start3A_482 : memref<8x256xf32, #tpu.memory_space<vmem>>) target_semaphore(%dma_start3A_479 : memref<!tpu.dma_semaphore, #tpu.memory_space<semaphore_mem>>)
      } else {
      }
      %ge3A_440 = arith.constant 2 : i32
      %ge3A_441 = arith.cmpi sge, %add3A_408, %ge3A_440 : i32
      %convert_element_type3A_442 = arith.extui %ge3A_441 : i1 to i32
      %cond3A_443 = arith.constant 0 : i32
      %cond3A_444 = arith.cmpi ne, %convert_element_type3A_442, %cond3A_443 : i32
      scf.if %cond3A_444 {
        %dma_wait3A_460 = arith.constant 1 : i32
        %dma_wait3A_461 = arith.constant 0 : i32
        %dma_wait3A_462 = arith.constant 0 : i32
        %dma_wait3A_463 = tpu.memref_slice %arg4[%add3A_4, %dma_wait3A_461, %dma_wait3A_462] : memref<64x2048x256xf32, #tpu.memory_space<hbm>> -> memref<1x64x256xf32, #tpu.memory_space<hbm>>
        %dma_wait3A_464 = tpu.memref_squeeze %dma_wait3A_463 : memref<1x64x256xf32, #tpu.memory_space<hbm>> -> memref<64x256xf32, #tpu.memory_space<hbm>>
        %dma_wait3A_465 = tpu.memref_slice %arg10[%dma_wait3A_460] : memref<2x!tpu.dma_semaphore, #tpu.memory_space<semaphore_mem>> -> memref<1x!tpu.dma_semaphore, #tpu.memory_space<semaphore_mem>>
        %dma_wait3A_466 = tpu.memref_squeeze %dma_wait3A_465 : memref<1x!tpu.dma_semaphore, #tpu.memory_space<semaphore_mem>> -> memref<!tpu.dma_semaphore, #tpu.memory_space<semaphore_mem>>
        %dma_wait3A_467 = arith.constant 0 : i32
        %dma_wait3A_468 = arith.constant 0 : i32
        %dma_wait3A_469 = tpu.memref_slice %arg4[%add3A_4, %dma_wait3A_467, %dma_wait3A_468] : memref<64x2048x256xf32, #tpu.memory_space<hbm>> -> memref<1x64x256xf32, #tpu.memory_space<hbm>>
        %dma_wait3A_470 = tpu.memref_squeeze %dma_wait3A_469 : memref<1x64x256xf32, #tpu.memory_space<hbm>> -> memref<64x256xf32, #tpu.memory_space<hbm>>
        tpu.wait_dma2 semaphore(%dma_wait3A_466 : memref<!tpu.dma_semaphore, #tpu.memory_space<semaphore_mem>>) src(%arg8 : memref<64x256xf32, #tpu.memory_space<vmem>>) dst(%dma_wait3A_470 : memref<64x256xf32, #tpu.memory_space<hbm>>)
      } else {
      }
      %scan3A_445 = arith.constant 0 : i32
      %scan3A_446 = arith.constant 0 : i32
      %scan3A_447 = arith.constant 64 : i32
      %scan3A_448 = arith.addi %scan3A_446, %scan3A_447 : i32
      %scan3A_449 = arith.constant 4 : i32
      scf.for %scan3A_460 = %scan3A_446 to %scan3A_448 step %scan3A_449  : i32 {
        %add3A_461 = arith.addi %mul3A_410, %scan3A_460 : i32
        %add3A_462 = vector.broadcast %add3A_461 : i32 to vector<16xi32>
        %add3A_463 = arith.addi %get3A_5, %add3A_462 : vector<16xi32>
        %and3A = arith.constant 255 : i32
        %and3A_464 = vector.broadcast %and3A : i32 to vector<16xi32>
        %and3A_465 = arith.andi %add3A_463, %and3A_464 : vector<16xi32>
        %gather3A = tpu.vector_load_idx %arg6[%and3A_465, %add3A_38] : memref<256x256xf32, #tpu.memory_space<vmem>>[vector<16xi32>, vector<16xi32>], vector<16xf32>,
        %add3A_466 = vector.broadcast %add3A_461 : i32 to vector<16xi32>
        %add3A_467 = arith.addi %get3A_7, %add3A_466 : vector<16xi32>
        %and3A_468 = arith.constant 255 : i32
        %and3A_469 = vector.broadcast %and3A_468 : i32 to vector<16xi32>
        %and3A_470 = arith.andi %add3A_467, %and3A_469 : vector<16xi32>
        %gather3A_471 = tpu.vector_load_idx %arg6[%and3A_470, %add3A_42] : memref<256x256xf32, #tpu.memory_space<vmem>>[vector<16xi32>, vector<16xi32>], vector<16xf32>,
        %add3A_472 = vector.broadcast %add3A_461 : i32 to vector<16xi32>
        %add3A_473 = arith.addi %get3A_9, %add3A_472 : vector<16xi32>
        %and3A_474 = arith.constant 255 : i32
        %and3A_475 = vector.broadcast %and3A_474 : i32 to vector<16xi32>
        %and3A_476 = arith.andi %add3A_473, %and3A_475 : vector<16xi32>
        %gather3A_477 = tpu.vector_load_idx %arg6[%and3A_476, %add3A_46] : memref<256x256xf32, #tpu.memory_space<vmem>>[vector<16xi32>, vector<16xi32>], vector<16xf32>,
        %add3A_478 = vector.broadcast %add3A_461 : i32 to vector<16xi32>
        %add3A_479 = arith.addi %get3A_11, %add3A_478 : vector<16xi32>
        %and3A_480 = arith.constant 255 : i32
        %and3A_481 = vector.broadcast %and3A_480 : i32 to vector<16xi32>
        %and3A_482 = arith.andi %add3A_479, %and3A_481 : vector<16xi32>
        %gather3A_483 = tpu.vector_load_idx %arg6[%and3A_482, %add3A_50] : memref<256x256xf32, #tpu.memory_space<vmem>>[vector<16xi32>, vector<16xi32>], vector<16xf32>,
        %add3A_484 = vector.broadcast %add3A_461 : i32 to vector<16xi32>
        %add3A_485 = arith.addi %get3A_13, %add3A_484 : vector<16xi32>
        %and3A_486 = arith.constant 255 : i32
        %and3A_487 = vector.broadcast %and3A_486 : i32 to vector<16xi32>
        %and3A_488 = arith.andi %add3A_485, %and3A_487 : vector<16xi32>
        %gather3A_489 = tpu.vector_load_idx %arg6[%and3A_488, %add3A_54] : memref<256x256xf32, #tpu.memory_space<vmem>>[vector<16xi32>, vector<16xi32>], vector<16xf32>,
        %add3A_490 = vector.broadcast %add3A_461 : i32 to vector<16xi32>
        %add3A_491 = arith.addi %get3A_15, %add3A_490 : vector<16xi32>
        %and3A_492 = arith.constant 255 : i32
        %and3A_493 = vector.broadcast %and3A_492 : i32 to vector<16xi32>
        %and3A_494 = arith.andi %add3A_491, %and3A_493 : vector<16xi32>
        %gather3A_495 = tpu.vector_load_idx %arg6[%and3A_494, %add3A_58] : memref<256x256xf32, #tpu.memory_space<vmem>>[vector<16xi32>, vector<16xi32>], vector<16xf32>,
        %add3A_496 = vector.broadcast %add3A_461 : i32 to vector<16xi32>
        %add3A_497 = arith.addi %get3A_17, %add3A_496 : vector<16xi32>
        %and3A_498 = arith.constant 255 : i32
        %and3A_499 = vector.broadcast %and3A_498 : i32 to vector<16xi32>
        %and3A_500 = arith.andi %add3A_497, %and3A_499 : vector<16xi32>
        %gather3A_501 = tpu.vector_load_idx %arg6[%and3A_500, %add3A_62] : memref<256x256xf32, #tpu.memory_space<vmem>>[vector<16xi32>, vector<16xi32>], vector<16xf32>,
        %add3A_502 = vector.broadcast %add3A_461 : i32 to vector<16xi32>
        %add3A_503 = arith.addi %get3A_19, %add3A_502 : vector<16xi32>
        %and3A_504 = arith.constant 255 : i32
        %and3A_505 = vector.broadcast %and3A_504 : i32 to vector<16xi32>
        %and3A_506 = arith.andi %add3A_503, %and3A_505 : vector<16xi32>
        %gather3A_507 = tpu.vector_load_idx %arg6[%and3A_506, %add3A_66] : memref<256x256xf32, #tpu.memory_space<vmem>>[vector<16xi32>, vector<16xi32>], vector<16xf32>,
        %add3A_508 = vector.broadcast %add3A_461 : i32 to vector<16xi32>
        %add3A_509 = arith.addi %get3A_21, %add3A_508 : vector<16xi32>
        %and3A_510 = arith.constant 255 : i32
        %and3A_511 = vector.broadcast %and3A_510 : i32 to vector<16xi32>
        %and3A_512 = arith.andi %add3A_509, %and3A_511 : vector<16xi32>
        %gather3A_513 = tpu.vector_load_idx %arg6[%and3A_512, %add3A_70] : memref<256x256xf32, #tpu.memory_space<vmem>>[vector<16xi32>, vector<16xi32>], vector<16xf32>,
        %add3A_514 = vector.broadcast %add3A_461 : i32 to vector<16xi32>
        %add3A_515 = arith.addi %get3A_23, %add3A_514 : vector<16xi32>
        %and3A_516 = arith.constant 255 : i32
        %and3A_517 = vector.broadcast %and3A_516 : i32 to vector<16xi32>
        %and3A_518 = arith.andi %add3A_515, %and3A_517 : vector<16xi32>
        %gather3A_519 = tpu.vector_load_idx %arg6[%and3A_518, %add3A_74] : memref<256x256xf32, #tpu.memory_space<vmem>>[vector<16xi32>, vector<16xi32>], vector<16xf32>,
        %add3A_520 = vector.broadcast %add3A_461 : i32 to vector<16xi32>
        %add3A_521 = arith.addi %get3A_25, %add3A_520 : vector<16xi32>
        %and3A_522 = arith.constant 255 : i32
        %and3A_523 = vector.broadcast %and3A_522 : i32 to vector<16xi32>
        %and3A_524 = arith.andi %add3A_521, %and3A_523 : vector<16xi32>
        %gather3A_525 = tpu.vector_load_idx %arg6[%and3A_524, %add3A_78] : memref<256x256xf32, #tpu.memory_space<vmem>>[vector<16xi32>, vector<16xi32>], vector<16xf32>,
        %add3A_526 = vector.broadcast %add3A_461 : i32 to vector<16xi32>
        %add3A_527 = arith.addi %get3A_27, %add3A_526 : vector<16xi32>
        %and3A_528 = arith.constant 255 : i32
        %and3A_529 = vector.broadcast %and3A_528 : i32 to vector<16xi32>
        %and3A_530 = arith.andi %add3A_527, %and3A_529 : vector<16xi32>
        %gather3A_531 = tpu.vector_load_idx %arg6[%and3A_530, %add3A_82] : memref<256x256xf32, #tpu.memory_space<vmem>>[vector<16xi32>, vector<16xi32>], vector<16xf32>,
        %add3A_532 = vector.broadcast %add3A_461 : i32 to vector<16xi32>
        %add3A_533 = arith.addi %get3A_29, %add3A_532 : vector<16xi32>
        %and3A_534 = arith.constant 255 : i32
        %and3A_535 = vector.broadcast %and3A_534 : i32 to vector<16xi32>
        %and3A_536 = arith.andi %add3A_533, %and3A_535 : vector<16xi32>
        %gather3A_537 = tpu.vector_load_idx %arg6[%and3A_536, %add3A_86] : memref<256x256xf32, #tpu.memory_space<vmem>>[vector<16xi32>, vector<16xi32>], vector<16xf32>,
        %add3A_538 = vector.broadcast %add3A_461 : i32 to vector<16xi32>
        %add3A_539 = arith.addi %get3A_31, %add3A_538 : vector<16xi32>
        %and3A_540 = arith.constant 255 : i32
        %and3A_541 = vector.broadcast %and3A_540 : i32 to vector<16xi32>
        %and3A_542 = arith.andi %add3A_539, %and3A_541 : vector<16xi32>
        %gather3A_543 = tpu.vector_load_idx %arg6[%and3A_542, %add3A_90] : memref<256x256xf32, #tpu.memory_space<vmem>>[vector<16xi32>, vector<16xi32>], vector<16xf32>,
        %add3A_544 = vector.broadcast %add3A_461 : i32 to vector<16xi32>
        %add3A_545 = arith.addi %get3A_33, %add3A_544 : vector<16xi32>
        %and3A_546 = arith.constant 255 : i32
        %and3A_547 = vector.broadcast %and3A_546 : i32 to vector<16xi32>
        %and3A_548 = arith.andi %add3A_545, %and3A_547 : vector<16xi32>
        %gather3A_549 = tpu.vector_load_idx %arg6[%and3A_548, %add3A_94] : memref<256x256xf32, #tpu.memory_space<vmem>>[vector<16xi32>, vector<16xi32>], vector<16xf32>,
        %add3A_550 = vector.broadcast %add3A_461 : i32 to vector<16xi32>
        %add3A_551 = arith.addi %get3A_35, %add3A_550 : vector<16xi32>
        %and3A_552 = arith.constant 255 : i32
        %and3A_553 = vector.broadcast %and3A_552 : i32 to vector<16xi32>
        %and3A_554 = arith.andi %add3A_551, %and3A_553 : vector<16xi32>
        %gather3A_555 = tpu.vector_load_idx %arg6[%and3A_554, %add3A_98] : memref<256x256xf32, #tpu.memory_space<vmem>>[vector<16xi32>, vector<16xi32>], vector<16xf32>,
        %swap3A = arith.index_cast %scan3A_460 : i32 to index
        %swap3A_556 = arith.constant 0 : index
        %swap3A_557 = tpu.vector_load %arg8[%swap3A, %swap3A_556] {strides = array<i32>} : memref<64x256xf32, #tpu.memory_space<vmem>>, vector<16xf32>,
        tpu.vector_store %arg8[%swap3A, %swap3A_556], %gather3A {strides = array<i32>} : memref<64x256xf32, #tpu.memory_space<vmem>>, vector<16xf32>,
        %swap3A_558 = arith.index_cast %scan3A_460 : i32 to index
        %swap3A_559 = arith.constant 16 : index
        %swap3A_560 = tpu.vector_load %arg8[%swap3A_558, %swap3A_559] {strides = array<i32>} : memref<64x256xf32, #tpu.memory_space<vmem>>, vector<16xf32>,
        tpu.vector_store %arg8[%swap3A_558, %swap3A_559], %gather3A_471 {strides = array<i32>} : memref<64x256xf32, #tpu.memory_space<vmem>>, vector<16xf32>,
        %swap3A_561 = arith.index_cast %scan3A_460 : i32 to index
        %swap3A_562 = arith.constant 32 : index
        %swap3A_563 = tpu.vector_load %arg8[%swap3A_561, %swap3A_562] {strides = array<i32>} : memref<64x256xf32, #tpu.memory_space<vmem>>, vector<16xf32>,
        tpu.vector_store %arg8[%swap3A_561, %swap3A_562], %gather3A_477 {strides = array<i32>} : memref<64x256xf32, #tpu.memory_space<vmem>>, vector<16xf32>,
        %swap3A_564 = arith.index_cast %scan3A_460 : i32 to index
        %swap3A_565 = arith.constant 48 : index
        %swap3A_566 = tpu.vector_load %arg8[%swap3A_564, %swap3A_565] {strides = array<i32>} : memref<64x256xf32, #tpu.memory_space<vmem>>, vector<16xf32>,
        tpu.vector_store %arg8[%swap3A_564, %swap3A_565], %gather3A_483 {strides = array<i32>} : memref<64x256xf32, #tpu.memory_space<vmem>>, vector<16xf32>,
        %swap3A_567 = arith.index_cast %scan3A_460 : i32 to index
        %swap3A_568 = arith.constant 64 : index
        %swap3A_569 = tpu.vector_load %arg8[%swap3A_567, %swap3A_568] {strides = array<i32>} : memref<64x256xf32, #tpu.memory_space<vmem>>, vector<16xf32>,
        tpu.vector_store %arg8[%swap3A_567, %swap3A_568], %gather3A_489 {strides = array<i32>} : memref<64x256xf32, #tpu.memory_space<vmem>>, vector<16xf32>,
        %swap3A_570 = arith.index_cast %scan3A_460 : i32 to index
        %swap3A_571 = arith.constant 80 : index
        %swap3A_572 = tpu.vector_load %arg8[%swap3A_570, %swap3A_571] {strides = array<i32>} : memref<64x256xf32, #tpu.memory_space<vmem>>, vector<16xf32>,
        tpu.vector_store %arg8[%swap3A_570, %swap3A_571], %gather3A_495 {strides = array<i32>} : memref<64x256xf32, #tpu.memory_space<vmem>>, vector<16xf32>,
        %swap3A_573 = arith.index_cast %scan3A_460 : i32 to index
        %swap3A_574 = arith.constant 96 : index
        %swap3A_575 = tpu.vector_load %arg8[%swap3A_573, %swap3A_574] {strides = array<i32>} : memref<64x256xf32, #tpu.memory_space<vmem>>, vector<16xf32>,
        tpu.vector_store %arg8[%swap3A_573, %swap3A_574], %gather3A_501 {strides = array<i32>} : memref<64x256xf32, #tpu.memory_space<vmem>>, vector<16xf32>,
        %swap3A_576 = arith.index_cast %scan3A_460 : i32 to index
        %swap3A_577 = arith.constant 112 : index
        %swap3A_578 = tpu.vector_load %arg8[%swap3A_576, %swap3A_577] {strides = array<i32>} : memref<64x256xf32, #tpu.memory_space<vmem>>, vector<16xf32>,
        tpu.vector_store %arg8[%swap3A_576, %swap3A_577], %gather3A_507 {strides = array<i32>} : memref<64x256xf32, #tpu.memory_space<vmem>>, vector<16xf32>,
        %swap3A_579 = arith.index_cast %scan3A_460 : i32 to index
        %swap3A_580 = arith.constant 128 : index
        %swap3A_581 = tpu.vector_load %arg8[%swap3A_579, %swap3A_580] {strides = array<i32>} : memref<64x256xf32, #tpu.memory_space<vmem>>, vector<16xf32>,
        tpu.vector_store %arg8[%swap3A_579, %swap3A_580], %gather3A_513 {strides = array<i32>} : memref<64x256xf32, #tpu.memory_space<vmem>>, vector<16xf32>,
        %swap3A_582 = arith.index_cast %scan3A_460 : i32 to index
        %swap3A_583 = arith.constant 144 : index
        %swap3A_584 = tpu.vector_load %arg8[%swap3A_582, %swap3A_583] {strides = array<i32>} : memref<64x256xf32, #tpu.memory_space<vmem>>, vector<16xf32>,
        tpu.vector_store %arg8[%swap3A_582, %swap3A_583], %gather3A_519 {strides = array<i32>} : memref<64x256xf32, #tpu.memory_space<vmem>>, vector<16xf32>,
        %swap3A_585 = arith.index_cast %scan3A_460 : i32 to index
        %swap3A_586 = arith.constant 160 : index
        %swap3A_587 = tpu.vector_load %arg8[%swap3A_585, %swap3A_586] {strides = array<i32>} : memref<64x256xf32, #tpu.memory_space<vmem>>, vector<16xf32>,
        tpu.vector_store %arg8[%swap3A_585, %swap3A_586], %gather3A_525 {strides = array<i32>} : memref<64x256xf32, #tpu.memory_space<vmem>>, vector<16xf32>,
        %swap3A_588 = arith.index_cast %scan3A_460 : i32 to index
        %swap3A_589 = arith.constant 176 : index
        %swap3A_590 = tpu.vector_load %arg8[%swap3A_588, %swap3A_589] {strides = array<i32>} : memref<64x256xf32, #tpu.memory_space<vmem>>, vector<16xf32>,
        tpu.vector_store %arg8[%swap3A_588, %swap3A_589], %gather3A_531 {strides = array<i32>} : memref<64x256xf32, #tpu.memory_space<vmem>>, vector<16xf32>,
        %swap3A_591 = arith.index_cast %scan3A_460 : i32 to index
        %swap3A_592 = arith.constant 192 : index
        %swap3A_593 = tpu.vector_load %arg8[%swap3A_591, %swap3A_592] {strides = array<i32>} : memref<64x256xf32, #tpu.memory_space<vmem>>, vector<16xf32>,
        tpu.vector_store %arg8[%swap3A_591, %swap3A_592], %gather3A_537 {strides = array<i32>} : memref<64x256xf32, #tpu.memory_space<vmem>>, vector<16xf32>,
        %swap3A_594 = arith.index_cast %scan3A_460 : i32 to index
        %swap3A_595 = arith.constant 208 : index
        %swap3A_596 = tpu.vector_load %arg8[%swap3A_594, %swap3A_595] {strides = array<i32>} : memref<64x256xf32, #tpu.memory_space<vmem>>, vector<16xf32>,
        tpu.vector_store %arg8[%swap3A_594, %swap3A_595], %gather3A_543 {strides = array<i32>} : memref<64x256xf32, #tpu.memory_space<vmem>>, vector<16xf32>,
        %swap3A_597 = arith.index_cast %scan3A_460 : i32 to index
        %swap3A_598 = arith.constant 224 : index
        %swap3A_599 = tpu.vector_load %arg8[%swap3A_597, %swap3A_598] {strides = array<i32>} : memref<64x256xf32, #tpu.memory_space<vmem>>, vector<16xf32>,
        tpu.vector_store %arg8[%swap3A_597, %swap3A_598], %gather3A_549 {strides = array<i32>} : memref<64x256xf32, #tpu.memory_space<vmem>>, vector<16xf32>,
        %swap3A_600 = arith.index_cast %scan3A_460 : i32 to index
        %swap3A_601 = arith.constant 240 : index
        %swap3A_602 = tpu.vector_load %arg8[%swap3A_600, %swap3A_601] {strides = array<i32>} : memref<64x256xf32, #tpu.memory_space<vmem>>, vector<16xf32>,
        tpu.vector_store %arg8[%swap3A_600, %swap3A_601], %gather3A_555 {strides = array<i32>} : memref<64x256xf32, #tpu.memory_space<vmem>>, vector<16xf32>,
        %scan3A_603 = arith.constant 1 : i32
        %scan3A_604 = arith.addi %scan3A_460, %scan3A_603 : i32
        %add3A_605 = arith.addi %mul3A_410, %scan3A_604 : i32
        %add3A_606 = vector.broadcast %add3A_605 : i32 to vector<16xi32>
        %add3A_607 = arith.addi %get3A_5, %add3A_606 : vector<16xi32>
        %and3A_608 = arith.constant 255 : i32
        %and3A_609 = vector.broadcast %and3A_608 : i32 to vector<16xi32>
        %and3A_610 = arith.andi %add3A_607, %and3A_609 : vector<16xi32>
        %gather3A_611 = tpu.vector_load_idx %arg6[%and3A_610, %add3A_38] : memref<256x256xf32, #tpu.memory_space<vmem>>[vector<16xi32>, vector<16xi32>], vector<16xf32>,
        %add3A_612 = vector.broadcast %add3A_605 : i32 to vector<16xi32>
        %add3A_613 = arith.addi %get3A_7, %add3A_612 : vector<16xi32>
        %and3A_614 = arith.constant 255 : i32
        %and3A_615 = vector.broadcast %and3A_614 : i32 to vector<16xi32>
        %and3A_616 = arith.andi %add3A_613, %and3A_615 : vector<16xi32>
        %gather3A_617 = tpu.vector_load_idx %arg6[%and3A_616, %add3A_42] : memref<256x256xf32, #tpu.memory_space<vmem>>[vector<16xi32>, vector<16xi32>], vector<16xf32>,
        %add3A_618 = vector.broadcast %add3A_605 : i32 to vector<16xi32>
        %add3A_619 = arith.addi %get3A_9, %add3A_618 : vector<16xi32>
        %and3A_620 = arith.constant 255 : i32
        %and3A_621 = vector.broadcast %and3A_620 : i32 to vector<16xi32>
        %and3A_622 = arith.andi %add3A_619, %and3A_621 : vector<16xi32>
        %gather3A_623 = tpu.vector_load_idx %arg6[%and3A_622, %add3A_46] : memref<256x256xf32, #tpu.memory_space<vmem>>[vector<16xi32>, vector<16xi32>], vector<16xf32>,
        %add3A_624 = vector.broadcast %add3A_605 : i32 to vector<16xi32>
        %add3A_625 = arith.addi %get3A_11, %add3A_624 : vector<16xi32>
        %and3A_626 = arith.constant 255 : i32
        %and3A_627 = vector.broadcast %and3A_626 : i32 to vector<16xi32>
        %and3A_628 = arith.andi %add3A_625, %and3A_627 : vector<16xi32>
        %gather3A_629 = tpu.vector_load_idx %arg6[%and3A_628, %add3A_50] : memref<256x256xf32, #tpu.memory_space<vmem>>[vector<16xi32>, vector<16xi32>], vector<16xf32>,
        %add3A_630 = vector.broadcast %add3A_605 : i32 to vector<16xi32>
        %add3A_631 = arith.addi %get3A_13, %add3A_630 : vector<16xi32>
        %and3A_632 = arith.constant 255 : i32
        %and3A_633 = vector.broadcast %and3A_632 : i32 to vector<16xi32>
        %and3A_634 = arith.andi %add3A_631, %and3A_633 : vector<16xi32>
        %gather3A_635 = tpu.vector_load_idx %arg6[%and3A_634, %add3A_54] : memref<256x256xf32, #tpu.memory_space<vmem>>[vector<16xi32>, vector<16xi32>], vector<16xf32>,
        %add3A_636 = vector.broadcast %add3A_605 : i32 to vector<16xi32>
        %add3A_637 = arith.addi %get3A_15, %add3A_636 : vector<16xi32>
        %and3A_638 = arith.constant 255 : i32
        %and3A_639 = vector.broadcast %and3A_638 : i32 to vector<16xi32>
        %and3A_640 = arith.andi %add3A_637, %and3A_639 : vector<16xi32>
        %gather3A_641 = tpu.vector_load_idx %arg6[%and3A_640, %add3A_58] : memref<256x256xf32, #tpu.memory_space<vmem>>[vector<16xi32>, vector<16xi32>], vector<16xf32>,
        %add3A_642 = vector.broadcast %add3A_605 : i32 to vector<16xi32>
        %add3A_643 = arith.addi %get3A_17, %add3A_642 : vector<16xi32>
        %and3A_644 = arith.constant 255 : i32
        %and3A_645 = vector.broadcast %and3A_644 : i32 to vector<16xi32>
        %and3A_646 = arith.andi %add3A_643, %and3A_645 : vector<16xi32>
        %gather3A_647 = tpu.vector_load_idx %arg6[%and3A_646, %add3A_62] : memref<256x256xf32, #tpu.memory_space<vmem>>[vector<16xi32>, vector<16xi32>], vector<16xf32>,
        %add3A_648 = vector.broadcast %add3A_605 : i32 to vector<16xi32>
        %add3A_649 = arith.addi %get3A_19, %add3A_648 : vector<16xi32>
        %and3A_650 = arith.constant 255 : i32
        %and3A_651 = vector.broadcast %and3A_650 : i32 to vector<16xi32>
        %and3A_652 = arith.andi %add3A_649, %and3A_651 : vector<16xi32>
        %gather3A_653 = tpu.vector_load_idx %arg6[%and3A_652, %add3A_66] : memref<256x256xf32, #tpu.memory_space<vmem>>[vector<16xi32>, vector<16xi32>], vector<16xf32>,
        %add3A_654 = vector.broadcast %add3A_605 : i32 to vector<16xi32>
        %add3A_655 = arith.addi %get3A_21, %add3A_654 : vector<16xi32>
        %and3A_656 = arith.constant 255 : i32
        %and3A_657 = vector.broadcast %and3A_656 : i32 to vector<16xi32>
        %and3A_658 = arith.andi %add3A_655, %and3A_657 : vector<16xi32>
        %gather3A_659 = tpu.vector_load_idx %arg6[%and3A_658, %add3A_70] : memref<256x256xf32, #tpu.memory_space<vmem>>[vector<16xi32>, vector<16xi32>], vector<16xf32>,
        %add3A_660 = vector.broadcast %add3A_605 : i32 to vector<16xi32>
        %add3A_661 = arith.addi %get3A_23, %add3A_660 : vector<16xi32>
        %and3A_662 = arith.constant 255 : i32
        %and3A_663 = vector.broadcast %and3A_662 : i32 to vector<16xi32>
        %and3A_664 = arith.andi %add3A_661, %and3A_663 : vector<16xi32>
        %gather3A_665 = tpu.vector_load_idx %arg6[%and3A_664, %add3A_74] : memref<256x256xf32, #tpu.memory_space<vmem>>[vector<16xi32>, vector<16xi32>], vector<16xf32>,
        %add3A_666 = vector.broadcast %add3A_605 : i32 to vector<16xi32>
        %add3A_667 = arith.addi %get3A_25, %add3A_666 : vector<16xi32>
        %and3A_668 = arith.constant 255 : i32
        %and3A_669 = vector.broadcast %and3A_668 : i32 to vector<16xi32>
        %and3A_670 = arith.andi %add3A_667, %and3A_669 : vector<16xi32>
        %gather3A_671 = tpu.vector_load_idx %arg6[%and3A_670, %add3A_78] : memref<256x256xf32, #tpu.memory_space<vmem>>[vector<16xi32>, vector<16xi32>], vector<16xf32>,
        %add3A_672 = vector.broadcast %add3A_605 : i32 to vector<16xi32>
        %add3A_673 = arith.addi %get3A_27, %add3A_672 : vector<16xi32>
        %and3A_674 = arith.constant 255 : i32
        %and3A_675 = vector.broadcast %and3A_674 : i32 to vector<16xi32>
        %and3A_676 = arith.andi %add3A_673, %and3A_675 : vector<16xi32>
        %gather3A_677 = tpu.vector_load_idx %arg6[%and3A_676, %add3A_82] : memref<256x256xf32, #tpu.memory_space<vmem>>[vector<16xi32>, vector<16xi32>], vector<16xf32>,
        %add3A_678 = vector.broadcast %add3A_605 : i32 to vector<16xi32>
        %add3A_679 = arith.addi %get3A_29, %add3A_678 : vector<16xi32>
        %and3A_680 = arith.constant 255 : i32
        %and3A_681 = vector.broadcast %and3A_680 : i32 to vector<16xi32>
        %and3A_682 = arith.andi %add3A_679, %and3A_681 : vector<16xi32>
        %gather3A_683 = tpu.vector_load_idx %arg6[%and3A_682, %add3A_86] : memref<256x256xf32, #tpu.memory_space<vmem>>[vector<16xi32>, vector<16xi32>], vector<16xf32>,
        %add3A_684 = vector.broadcast %add3A_605 : i32 to vector<16xi32>
        %add3A_685 = arith.addi %get3A_31, %add3A_684 : vector<16xi32>
        %and3A_686 = arith.constant 255 : i32
        %and3A_687 = vector.broadcast %and3A_686 : i32 to vector<16xi32>
        %and3A_688 = arith.andi %add3A_685, %and3A_687 : vector<16xi32>
        %gather3A_689 = tpu.vector_load_idx %arg6[%and3A_688, %add3A_90] : memref<256x256xf32, #tpu.memory_space<vmem>>[vector<16xi32>, vector<16xi32>], vector<16xf32>,
        %add3A_690 = vector.broadcast %add3A_605 : i32 to vector<16xi32>
        %add3A_691 = arith.addi %get3A_33, %add3A_690 : vector<16xi32>
        %and3A_692 = arith.constant 255 : i32
        %and3A_693 = vector.broadcast %and3A_692 : i32 to vector<16xi32>
        %and3A_694 = arith.andi %add3A_691, %and3A_693 : vector<16xi32>
        %gather3A_695 = tpu.vector_load_idx %arg6[%and3A_694, %add3A_94] : memref<256x256xf32, #tpu.memory_space<vmem>>[vector<16xi32>, vector<16xi32>], vector<16xf32>,
        %add3A_696 = vector.broadcast %add3A_605 : i32 to vector<16xi32>
        %add3A_697 = arith.addi %get3A_35, %add3A_696 : vector<16xi32>
        %and3A_698 = arith.constant 255 : i32
        %and3A_699 = vector.broadcast %and3A_698 : i32 to vector<16xi32>
        %and3A_700 = arith.andi %add3A_697, %and3A_699 : vector<16xi32>
        %gather3A_701 = tpu.vector_load_idx %arg6[%and3A_700, %add3A_98] : memref<256x256xf32, #tpu.memory_space<vmem>>[vector<16xi32>, vector<16xi32>], vector<16xf32>,
        %swap3A_702 = arith.index_cast %scan3A_604 : i32 to index
        %swap3A_703 = arith.constant 0 : index
        %swap3A_704 = tpu.vector_load %arg8[%swap3A_702, %swap3A_703] {strides = array<i32>} : memref<64x256xf32, #tpu.memory_space<vmem>>, vector<16xf32>,
        tpu.vector_store %arg8[%swap3A_702, %swap3A_703], %gather3A_611 {strides = array<i32>} : memref<64x256xf32, #tpu.memory_space<vmem>>, vector<16xf32>,
        %swap3A_705 = arith.index_cast %scan3A_604 : i32 to index
        %swap3A_706 = arith.constant 16 : index
        %swap3A_707 = tpu.vector_load %arg8[%swap3A_705, %swap3A_706] {strides = array<i32>} : memref<64x256xf32, #tpu.memory_space<vmem>>, vector<16xf32>,
        tpu.vector_store %arg8[%swap3A_705, %swap3A_706], %gather3A_617 {strides = array<i32>} : memref<64x256xf32, #tpu.memory_space<vmem>>, vector<16xf32>,
        %swap3A_708 = arith.index_cast %scan3A_604 : i32 to index
        %swap3A_709 = arith.constant 32 : index
        %swap3A_710 = tpu.vector_load %arg8[%swap3A_708, %swap3A_709] {strides = array<i32>} : memref<64x256xf32, #tpu.memory_space<vmem>>, vector<16xf32>,
        tpu.vector_store %arg8[%swap3A_708, %swap3A_709], %gather3A_623 {strides = array<i32>} : memref<64x256xf32, #tpu.memory_space<vmem>>, vector<16xf32>,
        %swap3A_711 = arith.index_cast %scan3A_604 : i32 to index
        %swap3A_712 = arith.constant 48 : index
        %swap3A_713 = tpu.vector_load %arg8[%swap3A_711, %swap3A_712] {strides = array<i32>} : memref<64x256xf32, #tpu.memory_space<vmem>>, vector<16xf32>,
        tpu.vector_store %arg8[%swap3A_711, %swap3A_712], %gather3A_629 {strides = array<i32>} : memref<64x256xf32, #tpu.memory_space<vmem>>, vector<16xf32>,
        %swap3A_714 = arith.index_cast %scan3A_604 : i32 to index
        %swap3A_715 = arith.constant 64 : index
        %swap3A_716 = tpu.vector_load %arg8[%swap3A_714, %swap3A_715] {strides = array<i32>} : memref<64x256xf32, #tpu.memory_space<vmem>>, vector<16xf32>,
        tpu.vector_store %arg8[%swap3A_714, %swap3A_715], %gather3A_635 {strides = array<i32>} : memref<64x256xf32, #tpu.memory_space<vmem>>, vector<16xf32>,
        %swap3A_717 = arith.index_cast %scan3A_604 : i32 to index
        %swap3A_718 = arith.constant 80 : index
        %swap3A_719 = tpu.vector_load %arg8[%swap3A_717, %swap3A_718] {strides = array<i32>} : memref<64x256xf32, #tpu.memory_space<vmem>>, vector<16xf32>,
        tpu.vector_store %arg8[%swap3A_717, %swap3A_718], %gather3A_641 {strides = array<i32>} : memref<64x256xf32, #tpu.memory_space<vmem>>, vector<16xf32>,
        %swap3A_720 = arith.index_cast %scan3A_604 : i32 to index
        %swap3A_721 = arith.constant 96 : index
        %swap3A_722 = tpu.vector_load %arg8[%swap3A_720, %swap3A_721] {strides = array<i32>} : memref<64x256xf32, #tpu.memory_space<vmem>>, vector<16xf32>,
        tpu.vector_store %arg8[%swap3A_720, %swap3A_721], %gather3A_647 {strides = array<i32>} : memref<64x256xf32, #tpu.memory_space<vmem>>, vector<16xf32>,
        %swap3A_723 = arith.index_cast %scan3A_604 : i32 to index
        %swap3A_724 = arith.constant 112 : index
        %swap3A_725 = tpu.vector_load %arg8[%swap3A_723, %swap3A_724] {strides = array<i32>} : memref<64x256xf32, #tpu.memory_space<vmem>>, vector<16xf32>,
        tpu.vector_store %arg8[%swap3A_723, %swap3A_724], %gather3A_653 {strides = array<i32>} : memref<64x256xf32, #tpu.memory_space<vmem>>, vector<16xf32>,
        %swap3A_726 = arith.index_cast %scan3A_604 : i32 to index
        %swap3A_727 = arith.constant 128 : index
        %swap3A_728 = tpu.vector_load %arg8[%swap3A_726, %swap3A_727] {strides = array<i32>} : memref<64x256xf32, #tpu.memory_space<vmem>>, vector<16xf32>,
        tpu.vector_store %arg8[%swap3A_726, %swap3A_727], %gather3A_659 {strides = array<i32>} : memref<64x256xf32, #tpu.memory_space<vmem>>, vector<16xf32>,
        %swap3A_729 = arith.index_cast %scan3A_604 : i32 to index
        %swap3A_730 = arith.constant 144 : index
        %swap3A_731 = tpu.vector_load %arg8[%swap3A_729, %swap3A_730] {strides = array<i32>} : memref<64x256xf32, #tpu.memory_space<vmem>>, vector<16xf32>,
        tpu.vector_store %arg8[%swap3A_729, %swap3A_730], %gather3A_665 {strides = array<i32>} : memref<64x256xf32, #tpu.memory_space<vmem>>, vector<16xf32>,
        %swap3A_732 = arith.index_cast %scan3A_604 : i32 to index
        %swap3A_733 = arith.constant 160 : index
        %swap3A_734 = tpu.vector_load %arg8[%swap3A_732, %swap3A_733] {strides = array<i32>} : memref<64x256xf32, #tpu.memory_space<vmem>>, vector<16xf32>,
        tpu.vector_store %arg8[%swap3A_732, %swap3A_733], %gather3A_671 {strides = array<i32>} : memref<64x256xf32, #tpu.memory_space<vmem>>, vector<16xf32>,
        %swap3A_735 = arith.index_cast %scan3A_604 : i32 to index
        %swap3A_736 = arith.constant 176 : index
        %swap3A_737 = tpu.vector_load %arg8[%swap3A_735, %swap3A_736] {strides = array<i32>} : memref<64x256xf32, #tpu.memory_space<vmem>>, vector<16xf32>,
        tpu.vector_store %arg8[%swap3A_735, %swap3A_736], %gather3A_677 {strides = array<i32>} : memref<64x256xf32, #tpu.memory_space<vmem>>, vector<16xf32>,
        %swap3A_738 = arith.index_cast %scan3A_604 : i32 to index
        %swap3A_739 = arith.constant 192 : index
        %swap3A_740 = tpu.vector_load %arg8[%swap3A_738, %swap3A_739] {strides = array<i32>} : memref<64x256xf32, #tpu.memory_space<vmem>>, vector<16xf32>,
        tpu.vector_store %arg8[%swap3A_738, %swap3A_739], %gather3A_683 {strides = array<i32>} : memref<64x256xf32, #tpu.memory_space<vmem>>, vector<16xf32>,
        %swap3A_741 = arith.index_cast %scan3A_604 : i32 to index
        %swap3A_742 = arith.constant 208 : index
        %swap3A_743 = tpu.vector_load %arg8[%swap3A_741, %swap3A_742] {strides = array<i32>} : memref<64x256xf32, #tpu.memory_space<vmem>>, vector<16xf32>,
        tpu.vector_store %arg8[%swap3A_741, %swap3A_742], %gather3A_689 {strides = array<i32>} : memref<64x256xf32, #tpu.memory_space<vmem>>, vector<16xf32>,
        %swap3A_744 = arith.index_cast %scan3A_604 : i32 to index
        %swap3A_745 = arith.constant 224 : index
        %swap3A_746 = tpu.vector_load %arg8[%swap3A_744, %swap3A_745] {strides = array<i32>} : memref<64x256xf32, #tpu.memory_space<vmem>>, vector<16xf32>,
        tpu.vector_store %arg8[%swap3A_744, %swap3A_745], %gather3A_695 {strides = array<i32>} : memref<64x256xf32, #tpu.memory_space<vmem>>, vector<16xf32>,
        %swap3A_747 = arith.index_cast %scan3A_604 : i32 to index
        %swap3A_748 = arith.constant 240 : index
        %swap3A_749 = tpu.vector_load %arg8[%swap3A_747, %swap3A_748] {strides = array<i32>} : memref<64x256xf32, #tpu.memory_space<vmem>>, vector<16xf32>,
        tpu.vector_store %arg8[%swap3A_747, %swap3A_748], %gather3A_701 {strides = array<i32>} : memref<64x256xf32, #tpu.memory_space<vmem>>, vector<16xf32>,
        %scan3A_750 = arith.constant 2 : i32
        %scan3A_751 = arith.addi %scan3A_460, %scan3A_750 : i32
        %add3A_752 = arith.addi %mul3A_410, %scan3A_751 : i32
        %add3A_753 = vector.broadcast %add3A_752 : i32 to vector<16xi32>
        %add3A_754 = arith.addi %get3A_5, %add3A_753 : vector<16xi32>
        %and3A_755 = arith.constant 255 : i32
        %and3A_756 = vector.broadcast %and3A_755 : i32 to vector<16xi32>
        %and3A_757 = arith.andi %add3A_754, %and3A_756 : vector<16xi32>
        %gather3A_758 = tpu.vector_load_idx %arg6[%and3A_757, %add3A_38] : memref<256x256xf32, #tpu.memory_space<vmem>>[vector<16xi32>, vector<16xi32>], vector<16xf32>,
        %add3A_759 = vector.broadcast %add3A_752 : i32 to vector<16xi32>
        %add3A_760 = arith.addi %get3A_7, %add3A_759 : vector<16xi32>
        %and3A_761 = arith.constant 255 : i32
        %and3A_762 = vector.broadcast %and3A_761 : i32 to vector<16xi32>
        %and3A_763 = arith.andi %add3A_760, %and3A_762 : vector<16xi32>
        %gather3A_764 = tpu.vector_load_idx %arg6[%and3A_763, %add3A_42] : memref<256x256xf32, #tpu.memory_space<vmem>>[vector<16xi32>, vector<16xi32>], vector<16xf32>,
        %add3A_765 = vector.broadcast %add3A_752 : i32 to vector<16xi32>
        %add3A_766 = arith.addi %get3A_9, %add3A_765 : vector<16xi32>
        %and3A_767 = arith.constant 255 : i32
        %and3A_768 = vector.broadcast %and3A_767 : i32 to vector<16xi32>
        %and3A_769 = arith.andi %add3A_766, %and3A_768 : vector<16xi32>
        %gather3A_770 = tpu.vector_load_idx %arg6[%and3A_769, %add3A_46] : memref<256x256xf32, #tpu.memory_space<vmem>>[vector<16xi32>, vector<16xi32>], vector<16xf32>,
        %add3A_771 = vector.broadcast %add3A_752 : i32 to vector<16xi32>
        %add3A_772 = arith.addi %get3A_11, %add3A_771 : vector<16xi32>
        %and3A_773 = arith.constant 255 : i32
        %and3A_774 = vector.broadcast %and3A_773 : i32 to vector<16xi32>
        %and3A_775 = arith.andi %add3A_772, %and3A_774 : vector<16xi32>
        %gather3A_776 = tpu.vector_load_idx %arg6[%and3A_775, %add3A_50] : memref<256x256xf32, #tpu.memory_space<vmem>>[vector<16xi32>, vector<16xi32>], vector<16xf32>,
        %add3A_777 = vector.broadcast %add3A_752 : i32 to vector<16xi32>
        %add3A_778 = arith.addi %get3A_13, %add3A_777 : vector<16xi32>
        %and3A_779 = arith.constant 255 : i32
        %and3A_780 = vector.broadcast %and3A_779 : i32 to vector<16xi32>
        %and3A_781 = arith.andi %add3A_778, %and3A_780 : vector<16xi32>
        %gather3A_782 = tpu.vector_load_idx %arg6[%and3A_781, %add3A_54] : memref<256x256xf32, #tpu.memory_space<vmem>>[vector<16xi32>, vector<16xi32>], vector<16xf32>,
        %add3A_783 = vector.broadcast %add3A_752 : i32 to vector<16xi32>
        %add3A_784 = arith.addi %get3A_15, %add3A_783 : vector<16xi32>
        %and3A_785 = arith.constant 255 : i32
        %and3A_786 = vector.broadcast %and3A_785 : i32 to vector<16xi32>
        %and3A_787 = arith.andi %add3A_784, %and3A_786 : vector<16xi32>
        %gather3A_788 = tpu.vector_load_idx %arg6[%and3A_787, %add3A_58] : memref<256x256xf32, #tpu.memory_space<vmem>>[vector<16xi32>, vector<16xi32>], vector<16xf32>,
        %add3A_789 = vector.broadcast %add3A_752 : i32 to vector<16xi32>
        %add3A_790 = arith.addi %get3A_17, %add3A_789 : vector<16xi32>
        %and3A_791 = arith.constant 255 : i32
        %and3A_792 = vector.broadcast %and3A_791 : i32 to vector<16xi32>
        %and3A_793 = arith.andi %add3A_790, %and3A_792 : vector<16xi32>
        %gather3A_794 = tpu.vector_load_idx %arg6[%and3A_793, %add3A_62] : memref<256x256xf32, #tpu.memory_space<vmem>>[vector<16xi32>, vector<16xi32>], vector<16xf32>,
        %add3A_795 = vector.broadcast %add3A_752 : i32 to vector<16xi32>
        %add3A_796 = arith.addi %get3A_19, %add3A_795 : vector<16xi32>
        %and3A_797 = arith.constant 255 : i32
        %and3A_798 = vector.broadcast %and3A_797 : i32 to vector<16xi32>
        %and3A_799 = arith.andi %add3A_796, %and3A_798 : vector<16xi32>
        %gather3A_800 = tpu.vector_load_idx %arg6[%and3A_799, %add3A_66] : memref<256x256xf32, #tpu.memory_space<vmem>>[vector<16xi32>, vector<16xi32>], vector<16xf32>,
        %add3A_801 = vector.broadcast %add3A_752 : i32 to vector<16xi32>
        %add3A_802 = arith.addi %get3A_21, %add3A_801 : vector<16xi32>
        %and3A_803 = arith.constant 255 : i32
        %and3A_804 = vector.broadcast %and3A_803 : i32 to vector<16xi32>
        %and3A_805 = arith.andi %add3A_802, %and3A_804 : vector<16xi32>
        %gather3A_806 = tpu.vector_load_idx %arg6[%and3A_805, %add3A_70] : memref<256x256xf32, #tpu.memory_space<vmem>>[vector<16xi32>, vector<16xi32>], vector<16xf32>,
        %add3A_807 = vector.broadcast %add3A_752 : i32 to vector<16xi32>
        %add3A_808 = arith.addi %get3A_23, %add3A_807 : vector<16xi32>
        %and3A_809 = arith.constant 255 : i32
        %and3A_810 = vector.broadcast %and3A_809 : i32 to vector<16xi32>
        %and3A_811 = arith.andi %add3A_808, %and3A_810 : vector<16xi32>
        %gather3A_812 = tpu.vector_load_idx %arg6[%and3A_811, %add3A_74] : memref<256x256xf32, #tpu.memory_space<vmem>>[vector<16xi32>, vector<16xi32>], vector<16xf32>,
        %add3A_813 = vector.broadcast %add3A_752 : i32 to vector<16xi32>
        %add3A_814 = arith.addi %get3A_25, %add3A_813 : vector<16xi32>
        %and3A_815 = arith.constant 255 : i32
        %and3A_816 = vector.broadcast %and3A_815 : i32 to vector<16xi32>
        %and3A_817 = arith.andi %add3A_814, %and3A_816 : vector<16xi32>
        %gather3A_818 = tpu.vector_load_idx %arg6[%and3A_817, %add3A_78] : memref<256x256xf32, #tpu.memory_space<vmem>>[vector<16xi32>, vector<16xi32>], vector<16xf32>,
        %add3A_819 = vector.broadcast %add3A_752 : i32 to vector<16xi32>
        %add3A_820 = arith.addi %get3A_27, %add3A_819 : vector<16xi32>
        %and3A_821 = arith.constant 255 : i32
        %and3A_822 = vector.broadcast %and3A_821 : i32 to vector<16xi32>
        %and3A_823 = arith.andi %add3A_820, %and3A_822 : vector<16xi32>
        %gather3A_824 = tpu.vector_load_idx %arg6[%and3A_823, %add3A_82] : memref<256x256xf32, #tpu.memory_space<vmem>>[vector<16xi32>, vector<16xi32>], vector<16xf32>,
        %add3A_825 = vector.broadcast %add3A_752 : i32 to vector<16xi32>
        %add3A_826 = arith.addi %get3A_29, %add3A_825 : vector<16xi32>
        %and3A_827 = arith.constant 255 : i32
        %and3A_828 = vector.broadcast %and3A_827 : i32 to vector<16xi32>
        %and3A_829 = arith.andi %add3A_826, %and3A_828 : vector<16xi32>
        %gather3A_830 = tpu.vector_load_idx %arg6[%and3A_829, %add3A_86] : memref<256x256xf32, #tpu.memory_space<vmem>>[vector<16xi32>, vector<16xi32>], vector<16xf32>,
        %add3A_831 = vector.broadcast %add3A_752 : i32 to vector<16xi32>
        %add3A_832 = arith.addi %get3A_31, %add3A_831 : vector<16xi32>
        %and3A_833 = arith.constant 255 : i32
        %and3A_834 = vector.broadcast %and3A_833 : i32 to vector<16xi32>
        %and3A_835 = arith.andi %add3A_832, %and3A_834 : vector<16xi32>
        %gather3A_836 = tpu.vector_load_idx %arg6[%and3A_835, %add3A_90] : memref<256x256xf32, #tpu.memory_space<vmem>>[vector<16xi32>, vector<16xi32>], vector<16xf32>,
        %add3A_837 = vector.broadcast %add3A_752 : i32 to vector<16xi32>
        %add3A_838 = arith.addi %get3A_33, %add3A_837 : vector<16xi32>
        %and3A_839 = arith.constant 255 : i32
        %and3A_840 = vector.broadcast %and3A_839 : i32 to vector<16xi32>
        %and3A_841 = arith.andi %add3A_838, %and3A_840 : vector<16xi32>
        %gather3A_842 = tpu.vector_load_idx %arg6[%and3A_841, %add3A_94] : memref<256x256xf32, #tpu.memory_space<vmem>>[vector<16xi32>, vector<16xi32>], vector<16xf32>,
        %add3A_843 = vector.broadcast %add3A_752 : i32 to vector<16xi32>
        %add3A_844 = arith.addi %get3A_35, %add3A_843 : vector<16xi32>
        %and3A_845 = arith.constant 255 : i32
        %and3A_846 = vector.broadcast %and3A_845 : i32 to vector<16xi32>
        %and3A_847 = arith.andi %add3A_844, %and3A_846 : vector<16xi32>
        %gather3A_848 = tpu.vector_load_idx %arg6[%and3A_847, %add3A_98] : memref<256x256xf32, #tpu.memory_space<vmem>>[vector<16xi32>, vector<16xi32>], vector<16xf32>,
        %swap3A_849 = arith.index_cast %scan3A_751 : i32 to index
        %swap3A_850 = arith.constant 0 : index
        %swap3A_851 = tpu.vector_load %arg8[%swap3A_849, %swap3A_850] {strides = array<i32>} : memref<64x256xf32, #tpu.memory_space<vmem>>, vector<16xf32>,
        tpu.vector_store %arg8[%swap3A_849, %swap3A_850], %gather3A_758 {strides = array<i32>} : memref<64x256xf32, #tpu.memory_space<vmem>>, vector<16xf32>,
        %swap3A_852 = arith.index_cast %scan3A_751 : i32 to index
        %swap3A_853 = arith.constant 16 : index
        %swap3A_854 = tpu.vector_load %arg8[%swap3A_852, %swap3A_853] {strides = array<i32>} : memref<64x256xf32, #tpu.memory_space<vmem>>, vector<16xf32>,
        tpu.vector_store %arg8[%swap3A_852, %swap3A_853], %gather3A_764 {strides = array<i32>} : memref<64x256xf32, #tpu.memory_space<vmem>>, vector<16xf32>,
        %swap3A_855 = arith.index_cast %scan3A_751 : i32 to index
        %swap3A_856 = arith.constant 32 : index
        %swap3A_857 = tpu.vector_load %arg8[%swap3A_855, %swap3A_856] {strides = array<i32>} : memref<64x256xf32, #tpu.memory_space<vmem>>, vector<16xf32>,
        tpu.vector_store %arg8[%swap3A_855, %swap3A_856], %gather3A_770 {strides = array<i32>} : memref<64x256xf32, #tpu.memory_space<vmem>>, vector<16xf32>,
        %swap3A_858 = arith.index_cast %scan3A_751 : i32 to index
        %swap3A_859 = arith.constant 48 : index
        %swap3A_860 = tpu.vector_load %arg8[%swap3A_858, %swap3A_859] {strides = array<i32>} : memref<64x256xf32, #tpu.memory_space<vmem>>, vector<16xf32>,
        tpu.vector_store %arg8[%swap3A_858, %swap3A_859], %gather3A_776 {strides = array<i32>} : memref<64x256xf32, #tpu.memory_space<vmem>>, vector<16xf32>,
        %swap3A_861 = arith.index_cast %scan3A_751 : i32 to index
        %swap3A_862 = arith.constant 64 : index
        %swap3A_863 = tpu.vector_load %arg8[%swap3A_861, %swap3A_862] {strides = array<i32>} : memref<64x256xf32, #tpu.memory_space<vmem>>, vector<16xf32>,
        tpu.vector_store %arg8[%swap3A_861, %swap3A_862], %gather3A_782 {strides = array<i32>} : memref<64x256xf32, #tpu.memory_space<vmem>>, vector<16xf32>,
        %swap3A_864 = arith.index_cast %scan3A_751 : i32 to index
        %swap3A_865 = arith.constant 80 : index
        %swap3A_866 = tpu.vector_load %arg8[%swap3A_864, %swap3A_865] {strides = array<i32>} : memref<64x256xf32, #tpu.memory_space<vmem>>, vector<16xf32>,
        tpu.vector_store %arg8[%swap3A_864, %swap3A_865], %gather3A_788 {strides = array<i32>} : memref<64x256xf32, #tpu.memory_space<vmem>>, vector<16xf32>,
        %swap3A_867 = arith.index_cast %scan3A_751 : i32 to index
        %swap3A_868 = arith.constant 96 : index
        %swap3A_869 = tpu.vector_load %arg8[%swap3A_867, %swap3A_868] {strides = array<i32>} : memref<64x256xf32, #tpu.memory_space<vmem>>, vector<16xf32>,
        tpu.vector_store %arg8[%swap3A_867, %swap3A_868], %gather3A_794 {strides = array<i32>} : memref<64x256xf32, #tpu.memory_space<vmem>>, vector<16xf32>,
        %swap3A_870 = arith.index_cast %scan3A_751 : i32 to index
        %swap3A_871 = arith.constant 112 : index
        %swap3A_872 = tpu.vector_load %arg8[%swap3A_870, %swap3A_871] {strides = array<i32>} : memref<64x256xf32, #tpu.memory_space<vmem>>, vector<16xf32>,
        tpu.vector_store %arg8[%swap3A_870, %swap3A_871], %gather3A_800 {strides = array<i32>} : memref<64x256xf32, #tpu.memory_space<vmem>>, vector<16xf32>,
        %swap3A_873 = arith.index_cast %scan3A_751 : i32 to index
        %swap3A_874 = arith.constant 128 : index
        %swap3A_875 = tpu.vector_load %arg8[%swap3A_873, %swap3A_874] {strides = array<i32>} : memref<64x256xf32, #tpu.memory_space<vmem>>, vector<16xf32>,
        tpu.vector_store %arg8[%swap3A_873, %swap3A_874], %gather3A_806 {strides = array<i32>} : memref<64x256xf32, #tpu.memory_space<vmem>>, vector<16xf32>,
        %swap3A_876 = arith.index_cast %scan3A_751 : i32 to index
        %swap3A_877 = arith.constant 144 : index
        %swap3A_878 = tpu.vector_load %arg8[%swap3A_876, %swap3A_877] {strides = array<i32>} : memref<64x256xf32, #tpu.memory_space<vmem>>, vector<16xf32>,
        tpu.vector_store %arg8[%swap3A_876, %swap3A_877], %gather3A_812 {strides = array<i32>} : memref<64x256xf32, #tpu.memory_space<vmem>>, vector<16xf32>,
        %swap3A_879 = arith.index_cast %scan3A_751 : i32 to index
        %swap3A_880 = arith.constant 160 : index
        %swap3A_881 = tpu.vector_load %arg8[%swap3A_879, %swap3A_880] {strides = array<i32>} : memref<64x256xf32, #tpu.memory_space<vmem>>, vector<16xf32>,
        tpu.vector_store %arg8[%swap3A_879, %swap3A_880], %gather3A_818 {strides = array<i32>} : memref<64x256xf32, #tpu.memory_space<vmem>>, vector<16xf32>,
        %swap3A_882 = arith.index_cast %scan3A_751 : i32 to index
        %swap3A_883 = arith.constant 176 : index
        %swap3A_884 = tpu.vector_load %arg8[%swap3A_882, %swap3A_883] {strides = array<i32>} : memref<64x256xf32, #tpu.memory_space<vmem>>, vector<16xf32>,
        tpu.vector_store %arg8[%swap3A_882, %swap3A_883], %gather3A_824 {strides = array<i32>} : memref<64x256xf32, #tpu.memory_space<vmem>>, vector<16xf32>,
        %swap3A_885 = arith.index_cast %scan3A_751 : i32 to index
        %swap3A_886 = arith.constant 192 : index
        %swap3A_887 = tpu.vector_load %arg8[%swap3A_885, %swap3A_886] {strides = array<i32>} : memref<64x256xf32, #tpu.memory_space<vmem>>, vector<16xf32>,
        tpu.vector_store %arg8[%swap3A_885, %swap3A_886], %gather3A_830 {strides = array<i32>} : memref<64x256xf32, #tpu.memory_space<vmem>>, vector<16xf32>,
        %swap3A_888 = arith.index_cast %scan3A_751 : i32 to index
        %swap3A_889 = arith.constant 208 : index
        %swap3A_890 = tpu.vector_load %arg8[%swap3A_888, %swap3A_889] {strides = array<i32>} : memref<64x256xf32, #tpu.memory_space<vmem>>, vector<16xf32>,
        tpu.vector_store %arg8[%swap3A_888, %swap3A_889], %gather3A_836 {strides = array<i32>} : memref<64x256xf32, #tpu.memory_space<vmem>>, vector<16xf32>,
        %swap3A_891 = arith.index_cast %scan3A_751 : i32 to index
        %swap3A_892 = arith.constant 224 : index
        %swap3A_893 = tpu.vector_load %arg8[%swap3A_891, %swap3A_892] {strides = array<i32>} : memref<64x256xf32, #tpu.memory_space<vmem>>, vector<16xf32>,
        tpu.vector_store %arg8[%swap3A_891, %swap3A_892], %gather3A_842 {strides = array<i32>} : memref<64x256xf32, #tpu.memory_space<vmem>>, vector<16xf32>,
        %swap3A_894 = arith.index_cast %scan3A_751 : i32 to index
        %swap3A_895 = arith.constant 240 : index
        %swap3A_896 = tpu.vector_load %arg8[%swap3A_894, %swap3A_895] {strides = array<i32>} : memref<64x256xf32, #tpu.memory_space<vmem>>, vector<16xf32>,
        tpu.vector_store %arg8[%swap3A_894, %swap3A_895], %gather3A_848 {strides = array<i32>} : memref<64x256xf32, #tpu.memory_space<vmem>>, vector<16xf32>,
        %scan3A_897 = arith.constant 3 : i32
        %scan3A_898 = arith.addi %scan3A_460, %scan3A_897 : i32
        %add3A_899 = arith.addi %mul3A_410, %scan3A_898 : i32
        %add3A_900 = vector.broadcast %add3A_899 : i32 to vector<16xi32>
        %add3A_901 = arith.addi %get3A_5, %add3A_900 : vector<16xi32>
        %and3A_902 = arith.constant 255 : i32
        %and3A_903 = vector.broadcast %and3A_902 : i32 to vector<16xi32>
        %and3A_904 = arith.andi %add3A_901, %and3A_903 : vector<16xi32>
        %gather3A_905 = tpu.vector_load_idx %arg6[%and3A_904, %add3A_38] : memref<256x256xf32, #tpu.memory_space<vmem>>[vector<16xi32>, vector<16xi32>], vector<16xf32>,
        %add3A_906 = vector.broadcast %add3A_899 : i32 to vector<16xi32>
        %add3A_907 = arith.addi %get3A_7, %add3A_906 : vector<16xi32>
        %and3A_908 = arith.constant 255 : i32
        %and3A_909 = vector.broadcast %and3A_908 : i32 to vector<16xi32>
        %and3A_910 = arith.andi %add3A_907, %and3A_909 : vector<16xi32>
        %gather3A_911 = tpu.vector_load_idx %arg6[%and3A_910, %add3A_42] : memref<256x256xf32, #tpu.memory_space<vmem>>[vector<16xi32>, vector<16xi32>], vector<16xf32>,
        %add3A_912 = vector.broadcast %add3A_899 : i32 to vector<16xi32>
        %add3A_913 = arith.addi %get3A_9, %add3A_912 : vector<16xi32>
        %and3A_914 = arith.constant 255 : i32
        %and3A_915 = vector.broadcast %and3A_914 : i32 to vector<16xi32>
        %and3A_916 = arith.andi %add3A_913, %and3A_915 : vector<16xi32>
        %gather3A_917 = tpu.vector_load_idx %arg6[%and3A_916, %add3A_46] : memref<256x256xf32, #tpu.memory_space<vmem>>[vector<16xi32>, vector<16xi32>], vector<16xf32>,
        %add3A_918 = vector.broadcast %add3A_899 : i32 to vector<16xi32>
        %add3A_919 = arith.addi %get3A_11, %add3A_918 : vector<16xi32>
        %and3A_920 = arith.constant 255 : i32
        %and3A_921 = vector.broadcast %and3A_920 : i32 to vector<16xi32>
        %and3A_922 = arith.andi %add3A_919, %and3A_921 : vector<16xi32>
        %gather3A_923 = tpu.vector_load_idx %arg6[%and3A_922, %add3A_50] : memref<256x256xf32, #tpu.memory_space<vmem>>[vector<16xi32>, vector<16xi32>], vector<16xf32>,
        %add3A_924 = vector.broadcast %add3A_899 : i32 to vector<16xi32>
        %add3A_925 = arith.addi %get3A_13, %add3A_924 : vector<16xi32>
        %and3A_926 = arith.constant 255 : i32
        %and3A_927 = vector.broadcast %and3A_926 : i32 to vector<16xi32>
        %and3A_928 = arith.andi %add3A_925, %and3A_927 : vector<16xi32>
        %gather3A_929 = tpu.vector_load_idx %arg6[%and3A_928, %add3A_54] : memref<256x256xf32, #tpu.memory_space<vmem>>[vector<16xi32>, vector<16xi32>], vector<16xf32>,
        %add3A_930 = vector.broadcast %add3A_899 : i32 to vector<16xi32>
        %add3A_931 = arith.addi %get3A_15, %add3A_930 : vector<16xi32>
        %and3A_932 = arith.constant 255 : i32
        %and3A_933 = vector.broadcast %and3A_932 : i32 to vector<16xi32>
        %and3A_934 = arith.andi %add3A_931, %and3A_933 : vector<16xi32>
        %gather3A_935 = tpu.vector_load_idx %arg6[%and3A_934, %add3A_58] : memref<256x256xf32, #tpu.memory_space<vmem>>[vector<16xi32>, vector<16xi32>], vector<16xf32>,
        %add3A_936 = vector.broadcast %add3A_899 : i32 to vector<16xi32>
        %add3A_937 = arith.addi %get3A_17, %add3A_936 : vector<16xi32>
        %and3A_938 = arith.constant 255 : i32
        %and3A_939 = vector.broadcast %and3A_938 : i32 to vector<16xi32>
        %and3A_940 = arith.andi %add3A_937, %and3A_939 : vector<16xi32>
        %gather3A_941 = tpu.vector_load_idx %arg6[%and3A_940, %add3A_62] : memref<256x256xf32, #tpu.memory_space<vmem>>[vector<16xi32>, vector<16xi32>], vector<16xf32>,
        %add3A_942 = vector.broadcast %add3A_899 : i32 to vector<16xi32>
        %add3A_943 = arith.addi %get3A_19, %add3A_942 : vector<16xi32>
        %and3A_944 = arith.constant 255 : i32
        %and3A_945 = vector.broadcast %and3A_944 : i32 to vector<16xi32>
        %and3A_946 = arith.andi %add3A_943, %and3A_945 : vector<16xi32>
        %gather3A_947 = tpu.vector_load_idx %arg6[%and3A_946, %add3A_66] : memref<256x256xf32, #tpu.memory_space<vmem>>[vector<16xi32>, vector<16xi32>], vector<16xf32>,
        %add3A_948 = vector.broadcast %add3A_899 : i32 to vector<16xi32>
        %add3A_949 = arith.addi %get3A_21, %add3A_948 : vector<16xi32>
        %and3A_950 = arith.constant 255 : i32
        %and3A_951 = vector.broadcast %and3A_950 : i32 to vector<16xi32>
        %and3A_952 = arith.andi %add3A_949, %and3A_951 : vector<16xi32>
        %gather3A_953 = tpu.vector_load_idx %arg6[%and3A_952, %add3A_70] : memref<256x256xf32, #tpu.memory_space<vmem>>[vector<16xi32>, vector<16xi32>], vector<16xf32>,
        %add3A_954 = vector.broadcast %add3A_899 : i32 to vector<16xi32>
        %add3A_955 = arith.addi %get3A_23, %add3A_954 : vector<16xi32>
        %and3A_956 = arith.constant 255 : i32
        %and3A_957 = vector.broadcast %and3A_956 : i32 to vector<16xi32>
        %and3A_958 = arith.andi %add3A_955, %and3A_957 : vector<16xi32>
        %gather3A_959 = tpu.vector_load_idx %arg6[%and3A_958, %add3A_74] : memref<256x256xf32, #tpu.memory_space<vmem>>[vector<16xi32>, vector<16xi32>], vector<16xf32>,
        %add3A_960 = vector.broadcast %add3A_899 : i32 to vector<16xi32>
        %add3A_961 = arith.addi %get3A_25, %add3A_960 : vector<16xi32>
        %and3A_962 = arith.constant 255 : i32
        %and3A_963 = vector.broadcast %and3A_962 : i32 to vector<16xi32>
        %and3A_964 = arith.andi %add3A_961, %and3A_963 : vector<16xi32>
        %gather3A_965 = tpu.vector_load_idx %arg6[%and3A_964, %add3A_78] : memref<256x256xf32, #tpu.memory_space<vmem>>[vector<16xi32>, vector<16xi32>], vector<16xf32>,
        %add3A_966 = vector.broadcast %add3A_899 : i32 to vector<16xi32>
        %add3A_967 = arith.addi %get3A_27, %add3A_966 : vector<16xi32>
        %and3A_968 = arith.constant 255 : i32
        %and3A_969 = vector.broadcast %and3A_968 : i32 to vector<16xi32>
        %and3A_970 = arith.andi %add3A_967, %and3A_969 : vector<16xi32>
        %gather3A_971 = tpu.vector_load_idx %arg6[%and3A_970, %add3A_82] : memref<256x256xf32, #tpu.memory_space<vmem>>[vector<16xi32>, vector<16xi32>], vector<16xf32>,
        %add3A_972 = vector.broadcast %add3A_899 : i32 to vector<16xi32>
        %add3A_973 = arith.addi %get3A_29, %add3A_972 : vector<16xi32>
        %and3A_974 = arith.constant 255 : i32
        %and3A_975 = vector.broadcast %and3A_974 : i32 to vector<16xi32>
        %and3A_976 = arith.andi %add3A_973, %and3A_975 : vector<16xi32>
        %gather3A_977 = tpu.vector_load_idx %arg6[%and3A_976, %add3A_86] : memref<256x256xf32, #tpu.memory_space<vmem>>[vector<16xi32>, vector<16xi32>], vector<16xf32>,
        %add3A_978 = vector.broadcast %add3A_899 : i32 to vector<16xi32>
        %add3A_979 = arith.addi %get3A_31, %add3A_978 : vector<16xi32>
        %and3A_980 = arith.constant 255 : i32
        %and3A_981 = vector.broadcast %and3A_980 : i32 to vector<16xi32>
        %and3A_982 = arith.andi %add3A_979, %and3A_981 : vector<16xi32>
        %gather3A_983 = tpu.vector_load_idx %arg6[%and3A_982, %add3A_90] : memref<256x256xf32, #tpu.memory_space<vmem>>[vector<16xi32>, vector<16xi32>], vector<16xf32>,
        %add3A_984 = vector.broadcast %add3A_899 : i32 to vector<16xi32>
        %add3A_985 = arith.addi %get3A_33, %add3A_984 : vector<16xi32>
        %and3A_986 = arith.constant 255 : i32
        %and3A_987 = vector.broadcast %and3A_986 : i32 to vector<16xi32>
        %and3A_988 = arith.andi %add3A_985, %and3A_987 : vector<16xi32>
        %gather3A_989 = tpu.vector_load_idx %arg6[%and3A_988, %add3A_94] : memref<256x256xf32, #tpu.memory_space<vmem>>[vector<16xi32>, vector<16xi32>], vector<16xf32>,
        %add3A_990 = vector.broadcast %add3A_899 : i32 to vector<16xi32>
        %add3A_991 = arith.addi %get3A_35, %add3A_990 : vector<16xi32>
        %and3A_992 = arith.constant 255 : i32
        %and3A_993 = vector.broadcast %and3A_992 : i32 to vector<16xi32>
        %and3A_994 = arith.andi %add3A_991, %and3A_993 : vector<16xi32>
        %gather3A_995 = tpu.vector_load_idx %arg6[%and3A_994, %add3A_98] : memref<256x256xf32, #tpu.memory_space<vmem>>[vector<16xi32>, vector<16xi32>], vector<16xf32>,
        %swap3A_996 = arith.index_cast %scan3A_898 : i32 to index
        %swap3A_997 = arith.constant 0 : index
        %swap3A_998 = tpu.vector_load %arg8[%swap3A_996, %swap3A_997] {strides = array<i32>} : memref<64x256xf32, #tpu.memory_space<vmem>>, vector<16xf32>,
        tpu.vector_store %arg8[%swap3A_996, %swap3A_997], %gather3A_905 {strides = array<i32>} : memref<64x256xf32, #tpu.memory_space<vmem>>, vector<16xf32>,
        %swap3A_999 = arith.index_cast %scan3A_898 : i32 to index
        %swap3A_1000 = arith.constant 16 : index
        %swap3A_1001 = tpu.vector_load %arg8[%swap3A_999, %swap3A_1000] {strides = array<i32>} : memref<64x256xf32, #tpu.memory_space<vmem>>, vector<16xf32>,
        tpu.vector_store %arg8[%swap3A_999, %swap3A_1000], %gather3A_911 {strides = array<i32>} : memref<64x256xf32, #tpu.memory_space<vmem>>, vector<16xf32>,
        %swap3A_1002 = arith.index_cast %scan3A_898 : i32 to index
        %swap3A_1003 = arith.constant 32 : index
        %swap3A_1004 = tpu.vector_load %arg8[%swap3A_1002, %swap3A_1003] {strides = array<i32>} : memref<64x256xf32, #tpu.memory_space<vmem>>, vector<16xf32>,
        tpu.vector_store %arg8[%swap3A_1002, %swap3A_1003], %gather3A_917 {strides = array<i32>} : memref<64x256xf32, #tpu.memory_space<vmem>>, vector<16xf32>,
        %swap3A_1005 = arith.index_cast %scan3A_898 : i32 to index
        %swap3A_1006 = arith.constant 48 : index
        %swap3A_1007 = tpu.vector_load %arg8[%swap3A_1005, %swap3A_1006] {strides = array<i32>} : memref<64x256xf32, #tpu.memory_space<vmem>>, vector<16xf32>,
        tpu.vector_store %arg8[%swap3A_1005, %swap3A_1006], %gather3A_923 {strides = array<i32>} : memref<64x256xf32, #tpu.memory_space<vmem>>, vector<16xf32>,
        %swap3A_1008 = arith.index_cast %scan3A_898 : i32 to index
        %swap3A_1009 = arith.constant 64 : index
        %swap3A_1010 = tpu.vector_load %arg8[%swap3A_1008, %swap3A_1009] {strides = array<i32>} : memref<64x256xf32, #tpu.memory_space<vmem>>, vector<16xf32>,
        tpu.vector_store %arg8[%swap3A_1008, %swap3A_1009], %gather3A_929 {strides = array<i32>} : memref<64x256xf32, #tpu.memory_space<vmem>>, vector<16xf32>,
        %swap3A_1011 = arith.index_cast %scan3A_898 : i32 to index
        %swap3A_1012 = arith.constant 80 : index
        %swap3A_1013 = tpu.vector_load %arg8[%swap3A_1011, %swap3A_1012] {strides = array<i32>} : memref<64x256xf32, #tpu.memory_space<vmem>>, vector<16xf32>,
        tpu.vector_store %arg8[%swap3A_1011, %swap3A_1012], %gather3A_935 {strides = array<i32>} : memref<64x256xf32, #tpu.memory_space<vmem>>, vector<16xf32>,
        %swap3A_1014 = arith.index_cast %scan3A_898 : i32 to index
        %swap3A_1015 = arith.constant 96 : index
        %swap3A_1016 = tpu.vector_load %arg8[%swap3A_1014, %swap3A_1015] {strides = array<i32>} : memref<64x256xf32, #tpu.memory_space<vmem>>, vector<16xf32>,
        tpu.vector_store %arg8[%swap3A_1014, %swap3A_1015], %gather3A_941 {strides = array<i32>} : memref<64x256xf32, #tpu.memory_space<vmem>>, vector<16xf32>,
        %swap3A_1017 = arith.index_cast %scan3A_898 : i32 to index
        %swap3A_1018 = arith.constant 112 : index
        %swap3A_1019 = tpu.vector_load %arg8[%swap3A_1017, %swap3A_1018] {strides = array<i32>} : memref<64x256xf32, #tpu.memory_space<vmem>>, vector<16xf32>,
        tpu.vector_store %arg8[%swap3A_1017, %swap3A_1018], %gather3A_947 {strides = array<i32>} : memref<64x256xf32, #tpu.memory_space<vmem>>, vector<16xf32>,
        %swap3A_1020 = arith.index_cast %scan3A_898 : i32 to index
        %swap3A_1021 = arith.constant 128 : index
        %swap3A_1022 = tpu.vector_load %arg8[%swap3A_1020, %swap3A_1021] {strides = array<i32>} : memref<64x256xf32, #tpu.memory_space<vmem>>, vector<16xf32>,
        tpu.vector_store %arg8[%swap3A_1020, %swap3A_1021], %gather3A_953 {strides = array<i32>} : memref<64x256xf32, #tpu.memory_space<vmem>>, vector<16xf32>,
        %swap3A_1023 = arith.index_cast %scan3A_898 : i32 to index
        %swap3A_1024 = arith.constant 144 : index
        %swap3A_1025 = tpu.vector_load %arg8[%swap3A_1023, %swap3A_1024] {strides = array<i32>} : memref<64x256xf32, #tpu.memory_space<vmem>>, vector<16xf32>,
        tpu.vector_store %arg8[%swap3A_1023, %swap3A_1024], %gather3A_959 {strides = array<i32>} : memref<64x256xf32, #tpu.memory_space<vmem>>, vector<16xf32>,
        %swap3A_1026 = arith.index_cast %scan3A_898 : i32 to index
        %swap3A_1027 = arith.constant 160 : index
        %swap3A_1028 = tpu.vector_load %arg8[%swap3A_1026, %swap3A_1027] {strides = array<i32>} : memref<64x256xf32, #tpu.memory_space<vmem>>, vector<16xf32>,
        tpu.vector_store %arg8[%swap3A_1026, %swap3A_1027], %gather3A_965 {strides = array<i32>} : memref<64x256xf32, #tpu.memory_space<vmem>>, vector<16xf32>,
        %swap3A_1029 = arith.index_cast %scan3A_898 : i32 to index
        %swap3A_1030 = arith.constant 176 : index
        %swap3A_1031 = tpu.vector_load %arg8[%swap3A_1029, %swap3A_1030] {strides = array<i32>} : memref<64x256xf32, #tpu.memory_space<vmem>>, vector<16xf32>,
        tpu.vector_store %arg8[%swap3A_1029, %swap3A_1030], %gather3A_971 {strides = array<i32>} : memref<64x256xf32, #tpu.memory_space<vmem>>, vector<16xf32>,
        %swap3A_1032 = arith.index_cast %scan3A_898 : i32 to index
        %swap3A_1033 = arith.constant 192 : index
        %swap3A_1034 = tpu.vector_load %arg8[%swap3A_1032, %swap3A_1033] {strides = array<i32>} : memref<64x256xf32, #tpu.memory_space<vmem>>, vector<16xf32>,
        tpu.vector_store %arg8[%swap3A_1032, %swap3A_1033], %gather3A_977 {strides = array<i32>} : memref<64x256xf32, #tpu.memory_space<vmem>>, vector<16xf32>,
        %swap3A_1035 = arith.index_cast %scan3A_898 : i32 to index
        %swap3A_1036 = arith.constant 208 : index
        %swap3A_1037 = tpu.vector_load %arg8[%swap3A_1035, %swap3A_1036] {strides = array<i32>} : memref<64x256xf32, #tpu.memory_space<vmem>>, vector<16xf32>,
        tpu.vector_store %arg8[%swap3A_1035, %swap3A_1036], %gather3A_983 {strides = array<i32>} : memref<64x256xf32, #tpu.memory_space<vmem>>, vector<16xf32>,
        %swap3A_1038 = arith.index_cast %scan3A_898 : i32 to index
        %swap3A_1039 = arith.constant 224 : index
        %swap3A_1040 = tpu.vector_load %arg8[%swap3A_1038, %swap3A_1039] {strides = array<i32>} : memref<64x256xf32, #tpu.memory_space<vmem>>, vector<16xf32>,
        tpu.vector_store %arg8[%swap3A_1038, %swap3A_1039], %gather3A_989 {strides = array<i32>} : memref<64x256xf32, #tpu.memory_space<vmem>>, vector<16xf32>,
        %swap3A_1041 = arith.index_cast %scan3A_898 : i32 to index
        %swap3A_1042 = arith.constant 240 : index
        %swap3A_1043 = tpu.vector_load %arg8[%swap3A_1041, %swap3A_1042] {strides = array<i32>} : memref<64x256xf32, #tpu.memory_space<vmem>>, vector<16xf32>,
        tpu.vector_store %arg8[%swap3A_1041, %swap3A_1042], %gather3A_995 {strides = array<i32>} : memref<64x256xf32, #tpu.memory_space<vmem>>, vector<16xf32>,
      }
      %scan3A_450 = arith.constant 64 : i32
      %dma_start3A_451 = arith.constant 1 : i32
      %dma_start3A_452 = arith.constant 0 : i32
      %dma_start3A_453 = tpu.memref_slice %arg4[%add3A_4, %mul3A_410, %dma_start3A_452] : memref<64x2048x256xf32, #tpu.memory_space<hbm>> -> memref<1x64x256xf32, #tpu.memory_space<hbm>>
      %dma_start3A_454 = tpu.memref_squeeze %dma_start3A_453 : memref<1x64x256xf32, #tpu.memory_space<hbm>> -> memref<64x256xf32, #tpu.memory_space<hbm>>
      %dma_start3A_455 = tpu.memref_slice %arg10[%dma_start3A_451] : memref<2x!tpu.dma_semaphore, #tpu.memory_space<semaphore_mem>> -> memref<1x!tpu.dma_semaphore, #tpu.memory_space<semaphore_mem>>
      %dma_start3A_456 = tpu.memref_squeeze %dma_start3A_455 : memref<1x!tpu.dma_semaphore, #tpu.memory_space<semaphore_mem>> -> memref<!tpu.dma_semaphore, #tpu.memory_space<semaphore_mem>>
      %dma_start3A_457 = arith.constant 0 : i32
      %dma_start3A_458 = tpu.memref_slice %arg4[%add3A_4, %mul3A_410, %dma_start3A_457] : memref<64x2048x256xf32, #tpu.memory_space<hbm>> -> memref<1x64x256xf32, #tpu.memory_space<hbm>>
      %dma_start3A_459 = tpu.memref_squeeze %dma_start3A_458 : memref<1x64x256xf32, #tpu.memory_space<hbm>> -> memref<64x256xf32, #tpu.memory_space<hbm>>
      tpu.enqueue_dma source(%arg8 : memref<64x256xf32, #tpu.memory_space<vmem>>) target(%dma_start3A_459 : memref<64x256xf32, #tpu.memory_space<hbm>>) target_semaphore(%dma_start3A_456 : memref<!tpu.dma_semaphore, #tpu.memory_space<semaphore_mem>>)
    }
    %scan3A_153 = arith.constant 16 : i32
    %dma_wait3A = arith.constant 0 : i32
    %dma_wait3A_154 = arith.constant 0 : i32
    %dma_wait3A_155 = arith.constant 0 : i32
    %dma_wait3A_156 = tpu.memref_slice %arg4[%add3A_4, %dma_wait3A_154, %dma_wait3A_155] : memref<64x2048x256xf32, #tpu.memory_space<hbm>> -> memref<1x64x256xf32, #tpu.memory_space<hbm>>
    %dma_wait3A_157 = tpu.memref_squeeze %dma_wait3A_156 : memref<1x64x256xf32, #tpu.memory_space<hbm>> -> memref<64x256xf32, #tpu.memory_space<hbm>>
    %dma_wait3A_158 = tpu.memref_slice %arg10[%dma_wait3A] : memref<2x!tpu.dma_semaphore, #tpu.memory_space<semaphore_mem>> -> memref<1x!tpu.dma_semaphore, #tpu.memory_space<semaphore_mem>>
    %dma_wait3A_159 = tpu.memref_squeeze %dma_wait3A_158 : memref<1x!tpu.dma_semaphore, #tpu.memory_space<semaphore_mem>> -> memref<!tpu.dma_semaphore, #tpu.memory_space<semaphore_mem>>
    %dma_wait3A_160 = arith.constant 0 : i32
    %dma_wait3A_161 = arith.constant 0 : i32
    %dma_wait3A_162 = tpu.memref_slice %arg4[%add3A_4, %dma_wait3A_160, %dma_wait3A_161] : memref<64x2048x256xf32, #tpu.memory_space<hbm>> -> memref<1x64x256xf32, #tpu.memory_space<hbm>>
    %dma_wait3A_163 = tpu.memref_squeeze %dma_wait3A_162 : memref<1x64x256xf32, #tpu.memory_space<hbm>> -> memref<64x256xf32, #tpu.memory_space<hbm>>
    tpu.wait_dma2 semaphore(%dma_wait3A_159 : memref<!tpu.dma_semaphore, #tpu.memory_space<semaphore_mem>>) src(%arg7 : memref<64x256xf32, #tpu.memory_space<vmem>>) dst(%dma_wait3A_163 : memref<64x256xf32, #tpu.memory_space<hbm>>)
    %dma_wait3A_164 = arith.constant 1 : i32
    %dma_wait3A_165 = arith.constant 0 : i32
    %dma_wait3A_166 = arith.constant 0 : i32
    %dma_wait3A_167 = tpu.memref_slice %arg4[%add3A_4, %dma_wait3A_165, %dma_wait3A_166] : memref<64x2048x256xf32, #tpu.memory_space<hbm>> -> memref<1x64x256xf32, #tpu.memory_space<hbm>>
    %dma_wait3A_168 = tpu.memref_squeeze %dma_wait3A_167 : memref<1x64x256xf32, #tpu.memory_space<hbm>> -> memref<64x256xf32, #tpu.memory_space<hbm>>
    %dma_wait3A_169 = tpu.memref_slice %arg10[%dma_wait3A_164] : memref<2x!tpu.dma_semaphore, #tpu.memory_space<semaphore_mem>> -> memref<1x!tpu.dma_semaphore, #tpu.memory_space<semaphore_mem>>
    %dma_wait3A_170 = tpu.memref_squeeze %dma_wait3A_169 : memref<1x!tpu.dma_semaphore, #tpu.memory_space<semaphore_mem>> -> memref<!tpu.dma_semaphore, #tpu.memory_space<semaphore_mem>>
    %dma_wait3A_171 = arith.constant 0 : i32
    %dma_wait3A_172 = arith.constant 0 : i32
    %dma_wait3A_173 = tpu.memref_slice %arg4[%add3A_4, %dma_wait3A_171, %dma_wait3A_172] : memref<64x2048x256xf32, #tpu.memory_space<hbm>> -> memref<1x64x256xf32, #tpu.memory_space<hbm>>
    %dma_wait3A_174 = tpu.memref_squeeze %dma_wait3A_173 : memref<1x64x256xf32, #tpu.memory_space<hbm>> -> memref<64x256xf32, #tpu.memory_space<hbm>>
    tpu.wait_dma2 semaphore(%dma_wait3A_170 : memref<!tpu.dma_semaphore, #tpu.memory_space<semaphore_mem>>) src(%arg8 : memref<64x256xf32, #tpu.memory_space<vmem>>) dst(%dma_wait3A_174 : memref<64x256xf32, #tpu.memory_space<hbm>>)
    %mul3A_175 = arith.constant 2 : i32
    %mul3A_176 = arith.muli %add3A, %mul3A_175 : i32
    %add3A_177 = arith.constant 1 : i32
    %add3A_178 = arith.addi %mul3A_176, %add3A_177 : i32
    "tpu.region"() ({
      %run_scoped3A = tpu.sem_alloc : memref<!tpu.dma_semaphore, #tpu.memory_space<semaphore_mem>>
      %dma_start3A_354 = arith.constant 0 : i32
      %dma_start3A_355 = tpu.memref_slice %arg3[%add3A_178, %dma_start3A_354] : memref<64x256xi32, #tpu.memory_space<hbm>> -> memref<1x256xi32, #tpu.memory_space<hbm>>
      %dma_start3A_356 = tpu.memref_squeeze %dma_start3A_355 : memref<1x256xi32, #tpu.memory_space<hbm>> -> memref<256xi32, #tpu.memory_space<hbm>>
      %dma_start3A_357 = arith.constant 0 : i32
      %dma_start3A_358 = tpu.memref_slice %arg3[%add3A_178, %dma_start3A_357] : memref<64x256xi32, #tpu.memory_space<hbm>> -> memref<1x256xi32, #tpu.memory_space<hbm>>
      %dma_start3A_359 = tpu.memref_squeeze %dma_start3A_358 : memref<1x256xi32, #tpu.memory_space<hbm>> -> memref<256xi32, #tpu.memory_space<hbm>>
      tpu.enqueue_dma source(%dma_start3A_359 : memref<256xi32, #tpu.memory_space<hbm>>) target(%arg5 : memref<256xi32, #tpu.memory_space<vmem>>) target_semaphore(%run_scoped3A : memref<!tpu.dma_semaphore, #tpu.memory_space<semaphore_mem>>)
      %dma_wait3A_360 = arith.constant 0 : i32
      %dma_wait3A_361 = tpu.memref_slice %arg3[%add3A_178, %dma_wait3A_360] : memref<64x256xi32, #tpu.memory_space<hbm>> -> memref<1x256xi32, #tpu.memory_space<hbm>>
      %dma_wait3A_362 = tpu.memref_squeeze %dma_wait3A_361 : memref<1x256xi32, #tpu.memory_space<hbm>> -> memref<256xi32, #tpu.memory_space<hbm>>
      %dma_wait3A_363 = arith.constant 0 : i32
      %dma_wait3A_364 = tpu.memref_slice %arg3[%add3A_178, %dma_wait3A_363] : memref<64x256xi32, #tpu.memory_space<hbm>> -> memref<1x256xi32, #tpu.memory_space<hbm>>
      %dma_wait3A_365 = tpu.memref_squeeze %dma_wait3A_364 : memref<1x256xi32, #tpu.memory_space<hbm>> -> memref<256xi32, #tpu.memory_space<hbm>>
      tpu.wait_dma2 semaphore(%run_scoped3A : memref<!tpu.dma_semaphore, #tpu.memory_space<semaphore_mem>>) src(%dma_wait3A_365 : memref<256xi32, #tpu.memory_space<hbm>>) dst(%arg5 : memref<256xi32, #tpu.memory_space<vmem>>)
      tpu.yield
    }) : () -> ()
    %get3A_179 = arith.constant 0 : index
    %get3A_180 = tpu.vector_load %arg5[%get3A_179] {strides = array<i32>} : memref<256xi32, #tpu.memory_space<vmem>>, vector<16xi32>,
    %get3A_181 = arith.constant 16 : index
    %get3A_182 = tpu.vector_load %arg5[%get3A_181] {strides = array<i32>} : memref<256xi32, #tpu.memory_space<vmem>>, vector<16xi32>,
    %get3A_183 = arith.constant 32 : index
    %get3A_184 = tpu.vector_load %arg5[%get3A_183] {strides = array<i32>} : memref<256xi32, #tpu.memory_space<vmem>>, vector<16xi32>,
    %get3A_185 = arith.constant 48 : index
    %get3A_186 = tpu.vector_load %arg5[%get3A_185] {strides = array<i32>} : memref<256xi32, #tpu.memory_space<vmem>>, vector<16xi32>,
    %get3A_187 = arith.constant 64 : index
    %get3A_188 = tpu.vector_load %arg5[%get3A_187] {strides = array<i32>} : memref<256xi32, #tpu.memory_space<vmem>>, vector<16xi32>,
    %get3A_189 = arith.constant 80 : index
    %get3A_190 = tpu.vector_load %arg5[%get3A_189] {strides = array<i32>} : memref<256xi32, #tpu.memory_space<vmem>>, vector<16xi32>,
    %get3A_191 = arith.constant 96 : index
    %get3A_192 = tpu.vector_load %arg5[%get3A_191] {strides = array<i32>} : memref<256xi32, #tpu.memory_space<vmem>>, vector<16xi32>,
    %get3A_193 = arith.constant 112 : index
    %get3A_194 = tpu.vector_load %arg5[%get3A_193] {strides = array<i32>} : memref<256xi32, #tpu.memory_space<vmem>>, vector<16xi32>,
    %get3A_195 = arith.constant 128 : index
    %get3A_196 = tpu.vector_load %arg5[%get3A_195] {strides = array<i32>} : memref<256xi32, #tpu.memory_space<vmem>>, vector<16xi32>,
    %get3A_197 = arith.constant 144 : index
    %get3A_198 = tpu.vector_load %arg5[%get3A_197] {strides = array<i32>} : memref<256xi32, #tpu.memory_space<vmem>>, vector<16xi32>,
    %get3A_199 = arith.constant 160 : index
    %get3A_200 = tpu.vector_load %arg5[%get3A_199] {strides = array<i32>} : memref<256xi32, #tpu.memory_space<vmem>>, vector<16xi32>,
    %get3A_201 = arith.constant 176 : index
    %get3A_202 = tpu.vector_load %arg5[%get3A_201] {strides = array<i32>} : memref<256xi32, #tpu.memory_space<vmem>>, vector<16xi32>,
    %get3A_203 = arith.constant 192 : index
    %get3A_204 = tpu.vector_load %arg5[%get3A_203] {strides = array<i32>} : memref<256xi32, #tpu.memory_space<vmem>>, vector<16xi32>,
    %get3A_205 = arith.constant 208 : index
    %get3A_206 = tpu.vector_load %arg5[%get3A_205] {strides = array<i32>} : memref<256xi32, #tpu.memory_space<vmem>>, vector<16xi32>,
    %get3A_207 = arith.constant 224 : index
    %get3A_208 = tpu.vector_load %arg5[%get3A_207] {strides = array<i32>} : memref<256xi32, #tpu.memory_space<vmem>>, vector<16xi32>,
    %get3A_209 = arith.constant 240 : index
    %get3A_210 = tpu.vector_load %arg5[%get3A_209] {strides = array<i32>} : memref<256xi32, #tpu.memory_space<vmem>>, vector<16xi32>,
    %iota3A_211 = tpu.iota {dimensions = array<i32: 0>} : vector<16xi32>
    %add3A_212 = arith.constant 0 : i32
    %add3A_213 = vector.broadcast %add3A_212 : i32 to vector<16xi32>
    %add3A_214 = arith.addi %iota3A_211, %add3A_213 : vector<16xi32>
    %iota3A_215 = tpu.iota {dimensions = array<i32: 0>} : vector<16xi32>
    %add3A_216 = arith.constant 16 : i32
    %add3A_217 = vector.broadcast %add3A_216 : i32 to vector<16xi32>
    %add3A_218 = arith.addi %iota3A_215, %add3A_217 : vector<16xi32>
    %iota3A_219 = tpu.iota {dimensions = array<i32: 0>} : vector<16xi32>
    %add3A_220 = arith.constant 32 : i32
    %add3A_221 = vector.broadcast %add3A_220 : i32 to vector<16xi32>
    %add3A_222 = arith.addi %iota3A_219, %add3A_221 : vector<16xi32>
    %iota3A_223 = tpu.iota {dimensions = array<i32: 0>} : vector<16xi32>
    %add3A_224 = arith.constant 48 : i32
    %add3A_225 = vector.broadcast %add3A_224 : i32 to vector<16xi32>
    %add3A_226 = arith.addi %iota3A_223, %add3A_225 : vector<16xi32>
    %iota3A_227 = tpu.iota {dimensions = array<i32: 0>} : vector<16xi32>
    %add3A_228 = arith.constant 64 : i32
    %add3A_229 = vector.broadcast %add3A_228 : i32 to vector<16xi32>
    %add3A_230 = arith.addi %iota3A_227, %add3A_229 : vector<16xi32>
    %iota3A_231 = tpu.iota {dimensions = array<i32: 0>} : vector<16xi32>
    %add3A_232 = arith.constant 80 : i32
    %add3A_233 = vector.broadcast %add3A_232 : i32 to vector<16xi32>
    %add3A_234 = arith.addi %iota3A_231, %add3A_233 : vector<16xi32>
    %iota3A_235 = tpu.iota {dimensions = array<i32: 0>} : vector<16xi32>
    %add3A_236 = arith.constant 96 : i32
    %add3A_237 = vector.broadcast %add3A_236 : i32 to vector<16xi32>
    %add3A_238 = arith.addi %iota3A_235, %add3A_237 : vector<16xi32>
    %iota3A_239 = tpu.iota {dimensions = array<i32: 0>} : vector<16xi32>
    %add3A_240 = arith.constant 112 : i32
    %add3A_241 = vector.broadcast %add3A_240 : i32 to vector<16xi32>
    %add3A_242 = arith.addi %iota3A_239, %add3A_241 : vector<16xi32>
    %iota3A_243 = tpu.iota {dimensions = array<i32: 0>} : vector<16xi32>
    %add3A_244 = arith.constant 128 : i32
    %add3A_245 = vector.broadcast %add3A_244 : i32 to vector<16xi32>
    %add3A_246 = arith.addi %iota3A_243, %add3A_245 : vector<16xi32>
    %iota3A_247 = tpu.iota {dimensions = array<i32: 0>} : vector<16xi32>
    %add3A_248 = arith.constant 144 : i32
    %add3A_249 = vector.broadcast %add3A_248 : i32 to vector<16xi32>
    %add3A_250 = arith.addi %iota3A_247, %add3A_249 : vector<16xi32>
    %iota3A_251 = tpu.iota {dimensions = array<i32: 0>} : vector<16xi32>
    %add3A_252 = arith.constant 160 : i32
    %add3A_253 = vector.broadcast %add3A_252 : i32 to vector<16xi32>
    %add3A_254 = arith.addi %iota3A_251, %add3A_253 : vector<16xi32>
    %iota3A_255 = tpu.iota {dimensions = array<i32: 0>} : vector<16xi32>
    %add3A_256 = arith.constant 176 : i32
    %add3A_257 = vector.broadcast %add3A_256 : i32 to vector<16xi32>
    %add3A_258 = arith.addi %iota3A_255, %add3A_257 : vector<16xi32>
    %iota3A_259 = tpu.iota {dimensions = array<i32: 0>} : vector<16xi32>
    %add3A_260 = arith.constant 192 : i32
    %add3A_261 = vector.broadcast %add3A_260 : i32 to vector<16xi32>
    %add3A_262 = arith.addi %iota3A_259, %add3A_261 : vector<16xi32>
    %iota3A_263 = tpu.iota {dimensions = array<i32: 0>} : vector<16xi32>
    %add3A_264 = arith.constant 208 : i32
    %add3A_265 = vector.broadcast %add3A_264 : i32 to vector<16xi32>
    %add3A_266 = arith.addi %iota3A_263, %add3A_265 : vector<16xi32>
    %iota3A_267 = tpu.iota {dimensions = array<i32: 0>} : vector<16xi32>
    %add3A_268 = arith.constant 224 : i32
    %add3A_269 = vector.broadcast %add3A_268 : i32 to vector<16xi32>
    %add3A_270 = arith.addi %iota3A_267, %add3A_269 : vector<16xi32>
    %iota3A_271 = tpu.iota {dimensions = array<i32: 0>} : vector<16xi32>
    %add3A_272 = arith.constant 240 : i32
    %add3A_273 = vector.broadcast %add3A_272 : i32 to vector<16xi32>
    %add3A_274 = arith.addi %iota3A_271, %add3A_273 : vector<16xi32>
    %dma_start3A_275 = arith.constant 1 : i32
    %dma_start3A_276 = arith.constant 248 : i32
    %dma_start3A_277 = arith.constant 0 : i32
    %dma_start3A_278 = tpu.memref_slice %arg6[%dma_start3A_276, %dma_start3A_277] : memref<256x256xf32, #tpu.memory_space<vmem>> -> memref<8x256xf32, #tpu.memory_space<vmem>>
    %dma_start3A_279 = arith.constant 2040 : i32
    %dma_start3A_280 = arith.constant 0 : i32
    %dma_start3A_281 = tpu.memref_slice %arg2[%add3A_178, %dma_start3A_279, %dma_start3A_280] : memref<64x2048x256xf32, #tpu.memory_space<hbm>> -> memref<1x8x256xf32, #tpu.memory_space<hbm>>
    %dma_start3A_282 = tpu.memref_squeeze %dma_start3A_281 : memref<1x8x256xf32, #tpu.memory_space<hbm>> -> memref<8x256xf32, #tpu.memory_space<hbm>>
    %dma_start3A_283 = tpu.memref_slice %arg9[%dma_start3A_275] : memref<2x!tpu.dma_semaphore, #tpu.memory_space<semaphore_mem>> -> memref<1x!tpu.dma_semaphore, #tpu.memory_space<semaphore_mem>>
    %dma_start3A_284 = tpu.memref_squeeze %dma_start3A_283 : memref<1x!tpu.dma_semaphore, #tpu.memory_space<semaphore_mem>> -> memref<!tpu.dma_semaphore, #tpu.memory_space<semaphore_mem>>
    %dma_start3A_285 = arith.constant 248 : i32
    %dma_start3A_286 = arith.constant 0 : i32
    %dma_start3A_287 = tpu.memref_slice %arg6[%dma_start3A_285, %dma_start3A_286] : memref<256x256xf32, #tpu.memory_space<vmem>> -> memref<8x256xf32, #tpu.memory_space<vmem>>
    %dma_start3A_288 = arith.constant 2040 : i32
    %dma_start3A_289 = arith.constant 0 : i32
    %dma_start3A_290 = tpu.memref_slice %arg2[%add3A_178, %dma_start3A_288, %dma_start3A_289] : memref<64x2048x256xf32, #tpu.memory_space<hbm>> -> memref<1x8x256xf32, #tpu.memory_space<hbm>>
    %dma_start3A_291 = tpu.memref_squeeze %dma_start3A_290 : memref<1x8x256xf32, #tpu.memory_space<hbm>> -> memref<8x256xf32, #tpu.memory_space<hbm>>
    tpu.enqueue_dma source(%dma_start3A_291 : memref<8x256xf32, #tpu.memory_space<hbm>>) target(%dma_start3A_287 : memref<8x256xf32, #tpu.memory_space<vmem>>) target_semaphore(%dma_start3A_284 : memref<!tpu.dma_semaphore, #tpu.memory_space<semaphore_mem>>)
    %dma_start3A_292 = arith.constant 0 : i32
    %dma_start3A_293 = arith.constant 0 : i32
    %dma_start3A_294 = arith.constant 0 : i32
    %dma_start3A_295 = tpu.memref_slice %arg6[%dma_start3A_293, %dma_start3A_294] : memref<256x256xf32, #tpu.memory_space<vmem>> -> memref<64x256xf32, #tpu.memory_space<vmem>>
    %dma_start3A_296 = arith.constant 0 : i32
    %dma_start3A_297 = arith.constant 0 : i32
    %dma_start3A_298 = tpu.memref_slice %arg2[%add3A_178, %dma_start3A_296, %dma_start3A_297] : memref<64x2048x256xf32, #tpu.memory_space<hbm>> -> memref<1x64x256xf32, #tpu.memory_space<hbm>>
    %dma_start3A_299 = tpu.memref_squeeze %dma_start3A_298 : memref<1x64x256xf32, #tpu.memory_space<hbm>> -> memref<64x256xf32, #tpu.memory_space<hbm>>
    %dma_start3A_300 = tpu.memref_slice %arg9[%dma_start3A_292] : memref<2x!tpu.dma_semaphore, #tpu.memory_space<semaphore_mem>> -> memref<1x!tpu.dma_semaphore, #tpu.memory_space<semaphore_mem>>
    %dma_start3A_301 = tpu.memref_squeeze %dma_start3A_300 : memref<1x!tpu.dma_semaphore, #tpu.memory_space<semaphore_mem>> -> memref<!tpu.dma_semaphore, #tpu.memory_space<semaphore_mem>>
    %dma_start3A_302 = arith.constant 0 : i32
    %dma_start3A_303 = arith.constant 0 : i32
    %dma_start3A_304 = tpu.memref_slice %arg6[%dma_start3A_302, %dma_start3A_303] : memref<256x256xf32, #tpu.memory_space<vmem>> -> memref<64x256xf32, #tpu.memory_space<vmem>>
    %dma_start3A_305 = arith.constant 0 : i32
    %dma_start3A_306 = arith.constant 0 : i32
    %dma_start3A_307 = tpu.memref_slice %arg2[%add3A_178, %dma_start3A_305, %dma_start3A_306] : memref<64x2048x256xf32, #tpu.memory_space<hbm>> -> memref<1x64x256xf32, #tpu.memory_space<hbm>>
    %dma_start3A_308 = tpu.memref_squeeze %dma_start3A_307 : memref<1x64x256xf32, #tpu.memory_space<hbm>> -> memref<64x256xf32, #tpu.memory_space<hbm>>
    tpu.enqueue_dma source(%dma_start3A_308 : memref<64x256xf32, #tpu.memory_space<hbm>>) target(%dma_start3A_304 : memref<64x256xf32, #tpu.memory_space<vmem>>) target_semaphore(%dma_start3A_301 : memref<!tpu.dma_semaphore, #tpu.memory_space<semaphore_mem>>)
    %dma_start3A_309 = arith.constant 1 : i32
    %dma_start3A_310 = arith.constant 64 : i32
    %dma_start3A_311 = arith.constant 0 : i32
    %dma_start3A_312 = tpu.memref_slice %arg6[%dma_start3A_310, %dma_start3A_311] : memref<256x256xf32, #tpu.memory_space<vmem>> -> memref<64x256xf32, #tpu.memory_space<vmem>>
    %dma_start3A_313 = arith.constant 64 : i32
    %dma_start3A_314 = arith.constant 0 : i32
    %dma_start3A_315 = tpu.memref_slice %arg2[%add3A_178, %dma_start3A_313, %dma_start3A_314] : memref<64x2048x256xf32, #tpu.memory_space<hbm>> -> memref<1x64x256xf32, #tpu.memory_space<hbm>>
    %dma_start3A_316 = tpu.memref_squeeze %dma_start3A_315 : memref<1x64x256xf32, #tpu.memory_space<hbm>> -> memref<64x256xf32, #tpu.memory_space<hbm>>
    %dma_start3A_317 = tpu.memref_slice %arg9[%dma_start3A_309] : memref<2x!tpu.dma_semaphore, #tpu.memory_space<semaphore_mem>> -> memref<1x!tpu.dma_semaphore, #tpu.memory_space<semaphore_mem>>
    %dma_start3A_318 = tpu.memref_squeeze %dma_start3A_317 : memref<1x!tpu.dma_semaphore, #tpu.memory_space<semaphore_mem>> -> memref<!tpu.dma_semaphore, #tpu.memory_space<semaphore_mem>>
    %dma_start3A_319 = arith.constant 64 : i32
    %dma_start3A_320 = arith.constant 0 : i32
    %dma_start3A_321 = tpu.memref_slice %arg6[%dma_start3A_319, %dma_start3A_320] : memref<256x256xf32, #tpu.memory_space<vmem>> -> memref<64x256xf32, #tpu.memory_space<vmem>>
    %dma_start3A_322 = arith.constant 64 : i32
    %dma_start3A_323 = arith.constant 0 : i32
    %dma_start3A_324 = tpu.memref_slice %arg2[%add3A_178, %dma_start3A_322, %dma_start3A_323] : memref<64x2048x256xf32, #tpu.memory_space<hbm>> -> memref<1x64x256xf32, #tpu.memory_space<hbm>>
    %dma_start3A_325 = tpu.memref_squeeze %dma_start3A_324 : memref<1x64x256xf32, #tpu.memory_space<hbm>> -> memref<64x256xf32, #tpu.memory_space<hbm>>
    tpu.enqueue_dma source(%dma_start3A_325 : memref<64x256xf32, #tpu.memory_space<hbm>>) target(%dma_start3A_321 : memref<64x256xf32, #tpu.memory_space<vmem>>) target_semaphore(%dma_start3A_318 : memref<!tpu.dma_semaphore, #tpu.memory_space<semaphore_mem>>)
    %scan3A_326 = arith.constant 0 : i32
    %scan3A_327 = arith.constant 0 : i32
    %scan3A_328 = arith.constant 16 : i32
    %scan3A_329 = arith.addi %scan3A_327, %scan3A_328 : i32
    %scan3A_330 = arith.constant 1 : i32
    scf.for %scan3A_354 = %scan3A_327 to %scan3A_329 step %scan3A_330  : i32 {
      %mul3A_355 = arith.constant 2 : i32
      %mul3A_356 = arith.muli %scan3A_354, %mul3A_355 : i32
      %add3A_357 = arith.constant 0 : i32
      %add3A_358 = arith.addi %mul3A_356, %add3A_357 : i32
      %mul3A_359 = arith.constant 64 : i32
      %mul3A_360 = arith.muli %add3A_358, %mul3A_359 : i32
      %eq3A = arith.constant 0 : i32
      %eq3A_361 = arith.cmpi eq, %add3A_358, %eq3A : i32
      %convert_element_type3A = arith.extui %eq3A_361 : i1 to i32
      %cond3A = arith.constant 0 : i32
      %cond3A_362 = arith.cmpi ne, %convert_element_type3A, %cond3A : i32
      scf.if %cond3A_362 {
        %dma_wait3A_460 = arith.constant 1 : i32
        %dma_wait3A_461 = arith.constant 0 : i32
        %dma_wait3A_462 = arith.constant 0 : i32
        %dma_wait3A_463 = tpu.memref_slice %arg6[%dma_wait3A_461, %dma_wait3A_462] : memref<256x256xf32, #tpu.memory_space<vmem>> -> memref<8x256xf32, #tpu.memory_space<vmem>>
        %dma_wait3A_464 = arith.constant 0 : i32
        %dma_wait3A_465 = arith.constant 0 : i32
        %dma_wait3A_466 = tpu.memref_slice %arg2[%add3A_178, %dma_wait3A_464, %dma_wait3A_465] : memref<64x2048x256xf32, #tpu.memory_space<hbm>> -> memref<1x8x256xf32, #tpu.memory_space<hbm>>
        %dma_wait3A_467 = tpu.memref_squeeze %dma_wait3A_466 : memref<1x8x256xf32, #tpu.memory_space<hbm>> -> memref<8x256xf32, #tpu.memory_space<hbm>>
        %dma_wait3A_468 = tpu.memref_slice %arg9[%dma_wait3A_460] : memref<2x!tpu.dma_semaphore, #tpu.memory_space<semaphore_mem>> -> memref<1x!tpu.dma_semaphore, #tpu.memory_space<semaphore_mem>>
        %dma_wait3A_469 = tpu.memref_squeeze %dma_wait3A_468 : memref<1x!tpu.dma_semaphore, #tpu.memory_space<semaphore_mem>> -> memref<!tpu.dma_semaphore, #tpu.memory_space<semaphore_mem>>
        %dma_wait3A_470 = arith.constant 0 : i32
        %dma_wait3A_471 = arith.constant 0 : i32
        %dma_wait3A_472 = tpu.memref_slice %arg6[%dma_wait3A_470, %dma_wait3A_471] : memref<256x256xf32, #tpu.memory_space<vmem>> -> memref<8x256xf32, #tpu.memory_space<vmem>>
        %dma_wait3A_473 = arith.constant 0 : i32
        %dma_wait3A_474 = arith.constant 0 : i32
        %dma_wait3A_475 = tpu.memref_slice %arg2[%add3A_178, %dma_wait3A_473, %dma_wait3A_474] : memref<64x2048x256xf32, #tpu.memory_space<hbm>> -> memref<1x8x256xf32, #tpu.memory_space<hbm>>
        %dma_wait3A_476 = tpu.memref_squeeze %dma_wait3A_475 : memref<1x8x256xf32, #tpu.memory_space<hbm>> -> memref<8x256xf32, #tpu.memory_space<hbm>>
        tpu.wait_dma2 semaphore(%dma_wait3A_469 : memref<!tpu.dma_semaphore, #tpu.memory_space<semaphore_mem>>) src(%dma_wait3A_476 : memref<8x256xf32, #tpu.memory_space<hbm>>) dst(%dma_wait3A_472 : memref<8x256xf32, #tpu.memory_space<vmem>>)
        %dma_wait3A_477 = arith.constant 0 : i32
        %dma_wait3A_478 = arith.constant 0 : i32
        %dma_wait3A_479 = arith.constant 0 : i32
        %dma_wait3A_480 = tpu.memref_slice %arg6[%dma_wait3A_478, %dma_wait3A_479] : memref<256x256xf32, #tpu.memory_space<vmem>> -> memref<64x256xf32, #tpu.memory_space<vmem>>
        %dma_wait3A_481 = arith.constant 0 : i32
        %dma_wait3A_482 = arith.constant 0 : i32
        %dma_wait3A_483 = tpu.memref_slice %arg2[%add3A_178, %dma_wait3A_481, %dma_wait3A_482] : memref<64x2048x256xf32, #tpu.memory_space<hbm>> -> memref<1x64x256xf32, #tpu.memory_space<hbm>>
        %dma_wait3A_484 = tpu.memref_squeeze %dma_wait3A_483 : memref<1x64x256xf32, #tpu.memory_space<hbm>> -> memref<64x256xf32, #tpu.memory_space<hbm>>
        %dma_wait3A_485 = tpu.memref_slice %arg9[%dma_wait3A_477] : memref<2x!tpu.dma_semaphore, #tpu.memory_space<semaphore_mem>> -> memref<1x!tpu.dma_semaphore, #tpu.memory_space<semaphore_mem>>
        %dma_wait3A_486 = tpu.memref_squeeze %dma_wait3A_485 : memref<1x!tpu.dma_semaphore, #tpu.memory_space<semaphore_mem>> -> memref<!tpu.dma_semaphore, #tpu.memory_space<semaphore_mem>>
        %dma_wait3A_487 = arith.constant 0 : i32
        %dma_wait3A_488 = arith.constant 0 : i32
        %dma_wait3A_489 = tpu.memref_slice %arg6[%dma_wait3A_487, %dma_wait3A_488] : memref<256x256xf32, #tpu.memory_space<vmem>> -> memref<64x256xf32, #tpu.memory_space<vmem>>
        %dma_wait3A_490 = arith.constant 0 : i32
        %dma_wait3A_491 = arith.constant 0 : i32
        %dma_wait3A_492 = tpu.memref_slice %arg2[%add3A_178, %dma_wait3A_490, %dma_wait3A_491] : memref<64x2048x256xf32, #tpu.memory_space<hbm>> -> memref<1x64x256xf32, #tpu.memory_space<hbm>>
        %dma_wait3A_493 = tpu.memref_squeeze %dma_wait3A_492 : memref<1x64x256xf32, #tpu.memory_space<hbm>> -> memref<64x256xf32, #tpu.memory_space<hbm>>
        tpu.wait_dma2 semaphore(%dma_wait3A_486 : memref<!tpu.dma_semaphore, #tpu.memory_space<semaphore_mem>>) src(%dma_wait3A_493 : memref<64x256xf32, #tpu.memory_space<hbm>>) dst(%dma_wait3A_489 : memref<64x256xf32, #tpu.memory_space<vmem>>)
      } else {
      }
      %lt3A = arith.constant 31 : i32
      %lt3A_363 = arith.cmpi slt, %add3A_358, %lt3A : i32
      %convert_element_type3A_364 = arith.extui %lt3A_363 : i1 to i32
      %cond3A_365 = arith.constant 0 : i32
      %cond3A_366 = arith.cmpi ne, %convert_element_type3A_364, %cond3A_365 : i32
      scf.if %cond3A_366 {
        %add3A_460 = arith.constant 1 : i32
        %add3A_461 = arith.addi %add3A_358, %add3A_460 : i32
        %jit3A = arith.constant 2 : i32
        %eq3A_462 = arith.constant 0 : i32
        %eq3A_463 = arith.cmpi eq, %jit3A, %eq3A_462 : i32
        %jit3A_464 = arith.constant 1 : i32
        %select_n3A = arith.select %eq3A_463, %jit3A_464, %jit3A : i32
        %rem3A = arith.remsi %add3A_461, %select_n3A : i32
        %ne3A = arith.constant 0 : i32
        %ne3A_465 = arith.cmpi ne, %rem3A, %ne3A : i32
        %lt3A_466 = arith.constant 0 : i32
        %lt3A_467 = arith.cmpi slt, %rem3A, %lt3A_466 : i32
        %lt3A_468 = arith.constant 0 : i32
        %lt3A_469 = arith.cmpi slt, %select_n3A, %lt3A_468 : i32
        %ne3A_470 = arith.xori %lt3A_467, %lt3A_469 : i1
        %and3A = arith.andi %ne3A_470, %ne3A_465 : i1
        %add3A_471 = arith.addi %rem3A, %select_n3A : i32
        %select_n3A_472 = arith.select %and3A, %add3A_471, %rem3A : i32
        %dma_wait3A_473 = arith.constant 0 : i32
        %dma_wait3A_474 = arith.constant 0 : i32
        %dma_wait3A_475 = tpu.memref_slice %arg6[%dma_wait3A_473, %dma_wait3A_474] : memref<256x256xf32, #tpu.memory_space<vmem>> -> memref<64x256xf32, #tpu.memory_space<vmem>>
        %dma_wait3A_476 = arith.constant 0 : i32
        %dma_wait3A_477 = arith.constant 0 : i32
        %dma_wait3A_478 = tpu.memref_slice %arg2[%add3A_178, %dma_wait3A_476, %dma_wait3A_477] : memref<64x2048x256xf32, #tpu.memory_space<hbm>> -> memref<1x64x256xf32, #tpu.memory_space<hbm>>
        %dma_wait3A_479 = tpu.memref_squeeze %dma_wait3A_478 : memref<1x64x256xf32, #tpu.memory_space<hbm>> -> memref<64x256xf32, #tpu.memory_space<hbm>>
        %dma_wait3A_480 = tpu.memref_slice %arg9[%select_n3A_472] : memref<2x!tpu.dma_semaphore, #tpu.memory_space<semaphore_mem>> -> memref<1x!tpu.dma_semaphore, #tpu.memory_space<semaphore_mem>>
        %dma_wait3A_481 = tpu.memref_squeeze %dma_wait3A_480 : memref<1x!tpu.dma_semaphore, #tpu.memory_space<semaphore_mem>> -> memref<!tpu.dma_semaphore, #tpu.memory_space<semaphore_mem>>
        %dma_wait3A_482 = arith.constant 0 : i32
        %dma_wait3A_483 = arith.constant 0 : i32
        %dma_wait3A_484 = tpu.memref_slice %arg6[%dma_wait3A_482, %dma_wait3A_483] : memref<256x256xf32, #tpu.memory_space<vmem>> -> memref<64x256xf32, #tpu.memory_space<vmem>>
        %dma_wait3A_485 = arith.constant 0 : i32
        %dma_wait3A_486 = arith.constant 0 : i32
        %dma_wait3A_487 = tpu.memref_slice %arg2[%add3A_178, %dma_wait3A_485, %dma_wait3A_486] : memref<64x2048x256xf32, #tpu.memory_space<hbm>> -> memref<1x64x256xf32, #tpu.memory_space<hbm>>
        %dma_wait3A_488 = tpu.memref_squeeze %dma_wait3A_487 : memref<1x64x256xf32, #tpu.memory_space<hbm>> -> memref<64x256xf32, #tpu.memory_space<hbm>>
        tpu.wait_dma2 semaphore(%dma_wait3A_481 : memref<!tpu.dma_semaphore, #tpu.memory_space<semaphore_mem>>) src(%dma_wait3A_488 : memref<64x256xf32, #tpu.memory_space<hbm>>) dst(%dma_wait3A_484 : memref<64x256xf32, #tpu.memory_space<vmem>>)
      } else {
      }
      %eq3A_367 = arith.constant 31 : i32
      %eq3A_368 = arith.cmpi eq, %add3A_358, %eq3A_367 : i32
      %convert_element_type3A_369 = arith.extui %eq3A_368 : i1 to i32
      %cond3A_370 = arith.constant 0 : i32
      %cond3A_371 = arith.cmpi ne, %convert_element_type3A_369, %cond3A_370 : i32
      scf.if %cond3A_371 {
        %add3A_460 = arith.constant 1 : i32
        %add3A_461 = arith.addi %add3A_358, %add3A_460 : i32
        %jit3A = arith.constant 2 : i32
        %eq3A_462 = arith.constant 0 : i32
        %eq3A_463 = arith.cmpi eq, %jit3A, %eq3A_462 : i32
        %jit3A_464 = arith.constant 1 : i32
        %select_n3A = arith.select %eq3A_463, %jit3A_464, %jit3A : i32
        %rem3A = arith.remsi %add3A_461, %select_n3A : i32
        %ne3A = arith.constant 0 : i32
        %ne3A_465 = arith.cmpi ne, %rem3A, %ne3A : i32
        %lt3A_466 = arith.constant 0 : i32
        %lt3A_467 = arith.cmpi slt, %rem3A, %lt3A_466 : i32
        %lt3A_468 = arith.constant 0 : i32
        %lt3A_469 = arith.cmpi slt, %select_n3A, %lt3A_468 : i32
        %ne3A_470 = arith.xori %lt3A_467, %lt3A_469 : i1
        %and3A = arith.andi %ne3A_470, %ne3A_465 : i1
        %add3A_471 = arith.addi %rem3A, %select_n3A : i32
        %select_n3A_472 = arith.select %and3A, %add3A_471, %rem3A : i32
        %dma_wait3A_473 = arith.constant 0 : i32
        %dma_wait3A_474 = arith.constant 0 : i32
        %dma_wait3A_475 = tpu.memref_slice %arg6[%dma_wait3A_473, %dma_wait3A_474] : memref<256x256xf32, #tpu.memory_space<vmem>> -> memref<8x256xf32, #tpu.memory_space<vmem>>
        %dma_wait3A_476 = arith.constant 0 : i32
        %dma_wait3A_477 = arith.constant 0 : i32
        %dma_wait3A_478 = tpu.memref_slice %arg2[%add3A_178, %dma_wait3A_476, %dma_wait3A_477] : memref<64x2048x256xf32, #tpu.memory_space<hbm>> -> memref<1x8x256xf32, #tpu.memory_space<hbm>>
        %dma_wait3A_479 = tpu.memref_squeeze %dma_wait3A_478 : memref<1x8x256xf32, #tpu.memory_space<hbm>> -> memref<8x256xf32, #tpu.memory_space<hbm>>
        %dma_wait3A_480 = tpu.memref_slice %arg9[%select_n3A_472] : memref<2x!tpu.dma_semaphore, #tpu.memory_space<semaphore_mem>> -> memref<1x!tpu.dma_semaphore, #tpu.memory_space<semaphore_mem>>
        %dma_wait3A_481 = tpu.memref_squeeze %dma_wait3A_480 : memref<1x!tpu.dma_semaphore, #tpu.memory_space<semaphore_mem>> -> memref<!tpu.dma_semaphore, #tpu.memory_space<semaphore_mem>>
        %dma_wait3A_482 = arith.constant 0 : i32
        %dma_wait3A_483 = arith.constant 0 : i32
        %dma_wait3A_484 = tpu.memref_slice %arg6[%dma_wait3A_482, %dma_wait3A_483] : memref<256x256xf32, #tpu.memory_space<vmem>> -> memref<8x256xf32, #tpu.memory_space<vmem>>
        %dma_wait3A_485 = arith.constant 0 : i32
        %dma_wait3A_486 = arith.constant 0 : i32
        %dma_wait3A_487 = tpu.memref_slice %arg2[%add3A_178, %dma_wait3A_485, %dma_wait3A_486] : memref<64x2048x256xf32, #tpu.memory_space<hbm>> -> memref<1x8x256xf32, #tpu.memory_space<hbm>>
        %dma_wait3A_488 = tpu.memref_squeeze %dma_wait3A_487 : memref<1x8x256xf32, #tpu.memory_space<hbm>> -> memref<8x256xf32, #tpu.memory_space<hbm>>
        tpu.wait_dma2 semaphore(%dma_wait3A_481 : memref<!tpu.dma_semaphore, #tpu.memory_space<semaphore_mem>>) src(%dma_wait3A_488 : memref<8x256xf32, #tpu.memory_space<hbm>>) dst(%dma_wait3A_484 : memref<8x256xf32, #tpu.memory_space<vmem>>)
      } else {
      }
      %add3A_372 = arith.constant 2 : i32
      %add3A_373 = arith.addi %add3A_358, %add3A_372 : i32
      %lt3A_374 = arith.constant 32 : i32
      %lt3A_375 = arith.cmpi slt, %add3A_373, %lt3A_374 : i32
      %convert_element_type3A_376 = arith.extui %lt3A_375 : i1 to i32
      %cond3A_377 = arith.constant 0 : i32
      %cond3A_378 = arith.cmpi ne, %convert_element_type3A_376, %cond3A_377 : i32
      scf.if %cond3A_378 {
        %add3A_460 = arith.constant 2 : i32
        %add3A_461 = arith.addi %add3A_358, %add3A_460 : i32
        %mul3A_462 = arith.constant 64 : i32
        %mul3A_463 = arith.muli %add3A_461, %mul3A_462 : i32
        %mul3A_464 = arith.constant 64 : i32
        %mul3A_465 = arith.muli %add3A_461, %mul3A_464 : i32
        %jit3A = arith.constant 256 : i32
        %eq3A_466 = arith.constant 0 : i32
        %eq3A_467 = arith.cmpi eq, %jit3A, %eq3A_466 : i32
        %jit3A_468 = arith.constant 1 : i32
        %select_n3A = arith.select %eq3A_467, %jit3A_468, %jit3A : i32
        %rem3A = arith.remsi %mul3A_465, %select_n3A : i32
        %ne3A = arith.constant 0 : i32
        %ne3A_469 = arith.cmpi ne, %rem3A, %ne3A : i32
        %lt3A_470 = arith.constant 0 : i32
        %lt3A_471 = arith.cmpi slt, %rem3A, %lt3A_470 : i32
        %lt3A_472 = arith.constant 0 : i32
        %lt3A_473 = arith.cmpi slt, %select_n3A, %lt3A_472 : i32
        %ne3A_474 = arith.xori %lt3A_471, %lt3A_473 : i1
        %and3A = arith.andi %ne3A_474, %ne3A_469 : i1
        %add3A_475 = arith.addi %rem3A, %select_n3A : i32
        %select_n3A_476 = arith.select %and3A, %add3A_475, %rem3A : i32
        %jit3A_477 = arith.constant 2 : i32
        %eq3A_478 = arith.constant 0 : i32
        %eq3A_479 = arith.cmpi eq, %jit3A_477, %eq3A_478 : i32
        %jit3A_480 = arith.constant 1 : i32
        %select_n3A_481 = arith.select %eq3A_479, %jit3A_480, %jit3A_477 : i32
        %rem3A_482 = arith.remsi %add3A_461, %select_n3A_481 : i32
        %ne3A_483 = arith.constant 0 : i32
        %ne3A_484 = arith.cmpi ne, %rem3A_482, %ne3A_483 : i32
        %lt3A_485 = arith.constant 0 : i32
        %lt3A_486 = arith.cmpi slt, %rem3A_482, %lt3A_485 : i32
        %lt3A_487 = arith.constant 0 : i32
        %lt3A_488 = arith.cmpi slt, %select_n3A_481, %lt3A_487 : i32
        %ne3A_489 = arith.xori %lt3A_486, %lt3A_488 : i1
        %and3A_490 = arith.andi %ne3A_489, %ne3A_484 : i1
        %add3A_491 = arith.addi %rem3A_482, %select_n3A_481 : i32
        %select_n3A_492 = arith.select %and3A_490, %add3A_491, %rem3A_482 : i32
        %dma_start3A_493 = arith.constant 0 : i32
        %dma_start3A_494 = tpu.memref_slice %arg6[%select_n3A_476, %dma_start3A_493] : memref<256x256xf32, #tpu.memory_space<vmem>> -> memref<64x256xf32, #tpu.memory_space<vmem>>
        %dma_start3A_495 = arith.constant 0 : i32
        %dma_start3A_496 = tpu.memref_slice %arg2[%add3A_178, %mul3A_463, %dma_start3A_495] : memref<64x2048x256xf32, #tpu.memory_space<hbm>> -> memref<1x64x256xf32, #tpu.memory_space<hbm>>
        %dma_start3A_497 = tpu.memref_squeeze %dma_start3A_496 : memref<1x64x256xf32, #tpu.memory_space<hbm>> -> memref<64x256xf32, #tpu.memory_space<hbm>>
        %dma_start3A_498 = tpu.memref_slice %arg9[%select_n3A_492] : memref<2x!tpu.dma_semaphore, #tpu.memory_space<semaphore_mem>> -> memref<1x!tpu.dma_semaphore, #tpu.memory_space<semaphore_mem>>
        %dma_start3A_499 = tpu.memref_squeeze %dma_start3A_498 : memref<1x!tpu.dma_semaphore, #tpu.memory_space<semaphore_mem>> -> memref<!tpu.dma_semaphore, #tpu.memory_space<semaphore_mem>>
        %dma_start3A_500 = arith.constant 0 : i32
        %dma_start3A_501 = tpu.memref_slice %arg6[%select_n3A_476, %dma_start3A_500] : memref<256x256xf32, #tpu.memory_space<vmem>> -> memref<64x256xf32, #tpu.memory_space<vmem>>
        %dma_start3A_502 = arith.constant 0 : i32
        %dma_start3A_503 = tpu.memref_slice %arg2[%add3A_178, %mul3A_463, %dma_start3A_502] : memref<64x2048x256xf32, #tpu.memory_space<hbm>> -> memref<1x64x256xf32, #tpu.memory_space<hbm>>
        %dma_start3A_504 = tpu.memref_squeeze %dma_start3A_503 : memref<1x64x256xf32, #tpu.memory_space<hbm>> -> memref<64x256xf32, #tpu.memory_space<hbm>>
        tpu.enqueue_dma source(%dma_start3A_504 : memref<64x256xf32, #tpu.memory_space<hbm>>) target(%dma_start3A_501 : memref<64x256xf32, #tpu.memory_space<vmem>>) target_semaphore(%dma_start3A_499 : memref<!tpu.dma_semaphore, #tpu.memory_space<semaphore_mem>>)
      } else {
      }
      %add3A_379 = arith.constant 2 : i32
      %add3A_380 = arith.addi %add3A_358, %add3A_379 : i32
      %eq3A_381 = arith.constant 32 : i32
      %eq3A_382 = arith.cmpi eq, %add3A_380, %eq3A_381 : i32
      %convert_element_type3A_383 = arith.extui %eq3A_382 : i1 to i32
      %cond3A_384 = arith.constant 0 : i32
      %cond3A_385 = arith.cmpi ne, %convert_element_type3A_383, %cond3A_384 : i32
      scf.if %cond3A_385 {
        %jit3A = arith.constant 2 : i32
        %eq3A_460 = arith.constant 0 : i32
        %eq3A_461 = arith.cmpi eq, %jit3A, %eq3A_460 : i32
        %jit3A_462 = arith.constant 1 : i32
        %select_n3A = arith.select %eq3A_461, %jit3A_462, %jit3A : i32
        %rem3A = arith.remsi %add3A_358, %select_n3A : i32
        %ne3A = arith.constant 0 : i32
        %ne3A_463 = arith.cmpi ne, %rem3A, %ne3A : i32
        %lt3A_464 = arith.constant 0 : i32
        %lt3A_465 = arith.cmpi slt, %rem3A, %lt3A_464 : i32
        %lt3A_466 = arith.constant 0 : i32
        %lt3A_467 = arith.cmpi slt, %select_n3A, %lt3A_466 : i32
        %ne3A_468 = arith.xori %lt3A_465, %lt3A_467 : i1
        %and3A = arith.andi %ne3A_468, %ne3A_463 : i1
        %add3A_469 = arith.addi %rem3A, %select_n3A : i32
        %select_n3A_470 = arith.select %and3A, %add3A_469, %rem3A : i32
        %dma_start3A_471 = arith.constant 0 : i32
        %dma_start3A_472 = arith.constant 0 : i32
        %dma_start3A_473 = tpu.memref_slice %arg6[%dma_start3A_471, %dma_start3A_472] : memref<256x256xf32, #tpu.memory_space<vmem>> -> memref<8x256xf32, #tpu.memory_space<vmem>>
        %dma_start3A_474 = arith.constant 0 : i32
        %dma_start3A_475 = arith.constant 0 : i32
        %dma_start3A_476 = tpu.memref_slice %arg2[%add3A_178, %dma_start3A_474, %dma_start3A_475] : memref<64x2048x256xf32, #tpu.memory_space<hbm>> -> memref<1x8x256xf32, #tpu.memory_space<hbm>>
        %dma_start3A_477 = tpu.memref_squeeze %dma_start3A_476 : memref<1x8x256xf32, #tpu.memory_space<hbm>> -> memref<8x256xf32, #tpu.memory_space<hbm>>
        %dma_start3A_478 = tpu.memref_slice %arg9[%select_n3A_470] : memref<2x!tpu.dma_semaphore, #tpu.memory_space<semaphore_mem>> -> memref<1x!tpu.dma_semaphore, #tpu.memory_space<semaphore_mem>>
        %dma_start3A_479 = tpu.memref_squeeze %dma_start3A_478 : memref<1x!tpu.dma_semaphore, #tpu.memory_space<semaphore_mem>> -> memref<!tpu.dma_semaphore, #tpu.memory_space<semaphore_mem>>
        %dma_start3A_480 = arith.constant 0 : i32
        %dma_start3A_481 = arith.constant 0 : i32
        %dma_start3A_482 = tpu.memref_slice %arg6[%dma_start3A_480, %dma_start3A_481] : memref<256x256xf32, #tpu.memory_space<vmem>> -> memref<8x256xf32, #tpu.memory_space<vmem>>
        %dma_start3A_483 = arith.constant 0 : i32
        %dma_start3A_484 = arith.constant 0 : i32
        %dma_start3A_485 = tpu.memref_slice %arg2[%add3A_178, %dma_start3A_483, %dma_start3A_484] : memref<64x2048x256xf32, #tpu.memory_space<hbm>> -> memref<1x8x256xf32, #tpu.memory_space<hbm>>
        %dma_start3A_486 = tpu.memref_squeeze %dma_start3A_485 : memref<1x8x256xf32, #tpu.memory_space<hbm>> -> memref<8x256xf32, #tpu.memory_space<hbm>>
        tpu.enqueue_dma source(%dma_start3A_486 : memref<8x256xf32, #tpu.memory_space<hbm>>) target(%dma_start3A_482 : memref<8x256xf32, #tpu.memory_space<vmem>>) target_semaphore(%dma_start3A_479 : memref<!tpu.dma_semaphore, #tpu.memory_space<semaphore_mem>>)
      } else {
      }
      %ge3A = arith.constant 2 : i32
      %ge3A_386 = arith.cmpi sge, %add3A_358, %ge3A : i32
      %convert_element_type3A_387 = arith.extui %ge3A_386 : i1 to i32
      %cond3A_388 = arith.constant 0 : i32
      %cond3A_389 = arith.cmpi ne, %convert_element_type3A_387, %cond3A_388 : i32
      scf.if %cond3A_389 {
        %dma_wait3A_460 = arith.constant 0 : i32
        %dma_wait3A_461 = arith.constant 0 : i32
        %dma_wait3A_462 = arith.constant 0 : i32
        %dma_wait3A_463 = tpu.memref_slice %arg4[%add3A_178, %dma_wait3A_461, %dma_wait3A_462] : memref<64x2048x256xf32, #tpu.memory_space<hbm>> -> memref<1x64x256xf32, #tpu.memory_space<hbm>>
        %dma_wait3A_464 = tpu.memref_squeeze %dma_wait3A_463 : memref<1x64x256xf32, #tpu.memory_space<hbm>> -> memref<64x256xf32, #tpu.memory_space<hbm>>
        %dma_wait3A_465 = tpu.memref_slice %arg10[%dma_wait3A_460] : memref<2x!tpu.dma_semaphore, #tpu.memory_space<semaphore_mem>> -> memref<1x!tpu.dma_semaphore, #tpu.memory_space<semaphore_mem>>
        %dma_wait3A_466 = tpu.memref_squeeze %dma_wait3A_465 : memref<1x!tpu.dma_semaphore, #tpu.memory_space<semaphore_mem>> -> memref<!tpu.dma_semaphore, #tpu.memory_space<semaphore_mem>>
        %dma_wait3A_467 = arith.constant 0 : i32
        %dma_wait3A_468 = arith.constant 0 : i32
        %dma_wait3A_469 = tpu.memref_slice %arg4[%add3A_178, %dma_wait3A_467, %dma_wait3A_468] : memref<64x2048x256xf32, #tpu.memory_space<hbm>> -> memref<1x64x256xf32, #tpu.memory_space<hbm>>
        %dma_wait3A_470 = tpu.memref_squeeze %dma_wait3A_469 : memref<1x64x256xf32, #tpu.memory_space<hbm>> -> memref<64x256xf32, #tpu.memory_space<hbm>>
        tpu.wait_dma2 semaphore(%dma_wait3A_466 : memref<!tpu.dma_semaphore, #tpu.memory_space<semaphore_mem>>) src(%arg7 : memref<64x256xf32, #tpu.memory_space<vmem>>) dst(%dma_wait3A_470 : memref<64x256xf32, #tpu.memory_space<hbm>>)
      } else {
      }
      %scan3A_390 = arith.constant 0 : i32
      %scan3A_391 = arith.constant 0 : i32
      %scan3A_392 = arith.constant 64 : i32
      %scan3A_393 = arith.addi %scan3A_391, %scan3A_392 : i32
      %scan3A_394 = arith.constant 4 : i32
      scf.for %scan3A_460 = %scan3A_391 to %scan3A_393 step %scan3A_394  : i32 {
        %add3A_461 = arith.addi %mul3A_360, %scan3A_460 : i32
        %add3A_462 = vector.broadcast %add3A_461 : i32 to vector<16xi32>
        %add3A_463 = arith.addi %get3A_180, %add3A_462 : vector<16xi32>
        %and3A = arith.constant 255 : i32
        %and3A_464 = vector.broadcast %and3A : i32 to vector<16xi32>
        %and3A_465 = arith.andi %add3A_463, %and3A_464 : vector<16xi32>
        %gather3A = tpu.vector_load_idx %arg6[%and3A_465, %add3A_214] : memref<256x256xf32, #tpu.memory_space<vmem>>[vector<16xi32>, vector<16xi32>], vector<16xf32>,
        %add3A_466 = vector.broadcast %add3A_461 : i32 to vector<16xi32>
        %add3A_467 = arith.addi %get3A_182, %add3A_466 : vector<16xi32>
        %and3A_468 = arith.constant 255 : i32
        %and3A_469 = vector.broadcast %and3A_468 : i32 to vector<16xi32>
        %and3A_470 = arith.andi %add3A_467, %and3A_469 : vector<16xi32>
        %gather3A_471 = tpu.vector_load_idx %arg6[%and3A_470, %add3A_218] : memref<256x256xf32, #tpu.memory_space<vmem>>[vector<16xi32>, vector<16xi32>], vector<16xf32>,
        %add3A_472 = vector.broadcast %add3A_461 : i32 to vector<16xi32>
        %add3A_473 = arith.addi %get3A_184, %add3A_472 : vector<16xi32>
        %and3A_474 = arith.constant 255 : i32
        %and3A_475 = vector.broadcast %and3A_474 : i32 to vector<16xi32>
        %and3A_476 = arith.andi %add3A_473, %and3A_475 : vector<16xi32>
        %gather3A_477 = tpu.vector_load_idx %arg6[%and3A_476, %add3A_222] : memref<256x256xf32, #tpu.memory_space<vmem>>[vector<16xi32>, vector<16xi32>], vector<16xf32>,
        %add3A_478 = vector.broadcast %add3A_461 : i32 to vector<16xi32>
        %add3A_479 = arith.addi %get3A_186, %add3A_478 : vector<16xi32>
        %and3A_480 = arith.constant 255 : i32
        %and3A_481 = vector.broadcast %and3A_480 : i32 to vector<16xi32>
        %and3A_482 = arith.andi %add3A_479, %and3A_481 : vector<16xi32>
        %gather3A_483 = tpu.vector_load_idx %arg6[%and3A_482, %add3A_226] : memref<256x256xf32, #tpu.memory_space<vmem>>[vector<16xi32>, vector<16xi32>], vector<16xf32>,
        %add3A_484 = vector.broadcast %add3A_461 : i32 to vector<16xi32>
        %add3A_485 = arith.addi %get3A_188, %add3A_484 : vector<16xi32>
        %and3A_486 = arith.constant 255 : i32
        %and3A_487 = vector.broadcast %and3A_486 : i32 to vector<16xi32>
        %and3A_488 = arith.andi %add3A_485, %and3A_487 : vector<16xi32>
        %gather3A_489 = tpu.vector_load_idx %arg6[%and3A_488, %add3A_230] : memref<256x256xf32, #tpu.memory_space<vmem>>[vector<16xi32>, vector<16xi32>], vector<16xf32>,
        %add3A_490 = vector.broadcast %add3A_461 : i32 to vector<16xi32>
        %add3A_491 = arith.addi %get3A_190, %add3A_490 : vector<16xi32>
        %and3A_492 = arith.constant 255 : i32
        %and3A_493 = vector.broadcast %and3A_492 : i32 to vector<16xi32>
        %and3A_494 = arith.andi %add3A_491, %and3A_493 : vector<16xi32>
        %gather3A_495 = tpu.vector_load_idx %arg6[%and3A_494, %add3A_234] : memref<256x256xf32, #tpu.memory_space<vmem>>[vector<16xi32>, vector<16xi32>], vector<16xf32>,
        %add3A_496 = vector.broadcast %add3A_461 : i32 to vector<16xi32>
        %add3A_497 = arith.addi %get3A_192, %add3A_496 : vector<16xi32>
        %and3A_498 = arith.constant 255 : i32
        %and3A_499 = vector.broadcast %and3A_498 : i32 to vector<16xi32>
        %and3A_500 = arith.andi %add3A_497, %and3A_499 : vector<16xi32>
        %gather3A_501 = tpu.vector_load_idx %arg6[%and3A_500, %add3A_238] : memref<256x256xf32, #tpu.memory_space<vmem>>[vector<16xi32>, vector<16xi32>], vector<16xf32>,
        %add3A_502 = vector.broadcast %add3A_461 : i32 to vector<16xi32>
        %add3A_503 = arith.addi %get3A_194, %add3A_502 : vector<16xi32>
        %and3A_504 = arith.constant 255 : i32
        %and3A_505 = vector.broadcast %and3A_504 : i32 to vector<16xi32>
        %and3A_506 = arith.andi %add3A_503, %and3A_505 : vector<16xi32>
        %gather3A_507 = tpu.vector_load_idx %arg6[%and3A_506, %add3A_242] : memref<256x256xf32, #tpu.memory_space<vmem>>[vector<16xi32>, vector<16xi32>], vector<16xf32>,
        %add3A_508 = vector.broadcast %add3A_461 : i32 to vector<16xi32>
        %add3A_509 = arith.addi %get3A_196, %add3A_508 : vector<16xi32>
        %and3A_510 = arith.constant 255 : i32
        %and3A_511 = vector.broadcast %and3A_510 : i32 to vector<16xi32>
        %and3A_512 = arith.andi %add3A_509, %and3A_511 : vector<16xi32>
        %gather3A_513 = tpu.vector_load_idx %arg6[%and3A_512, %add3A_246] : memref<256x256xf32, #tpu.memory_space<vmem>>[vector<16xi32>, vector<16xi32>], vector<16xf32>,
        %add3A_514 = vector.broadcast %add3A_461 : i32 to vector<16xi32>
        %add3A_515 = arith.addi %get3A_198, %add3A_514 : vector<16xi32>
        %and3A_516 = arith.constant 255 : i32
        %and3A_517 = vector.broadcast %and3A_516 : i32 to vector<16xi32>
        %and3A_518 = arith.andi %add3A_515, %and3A_517 : vector<16xi32>
        %gather3A_519 = tpu.vector_load_idx %arg6[%and3A_518, %add3A_250] : memref<256x256xf32, #tpu.memory_space<vmem>>[vector<16xi32>, vector<16xi32>], vector<16xf32>,
        %add3A_520 = vector.broadcast %add3A_461 : i32 to vector<16xi32>
        %add3A_521 = arith.addi %get3A_200, %add3A_520 : vector<16xi32>
        %and3A_522 = arith.constant 255 : i32
        %and3A_523 = vector.broadcast %and3A_522 : i32 to vector<16xi32>
        %and3A_524 = arith.andi %add3A_521, %and3A_523 : vector<16xi32>
        %gather3A_525 = tpu.vector_load_idx %arg6[%and3A_524, %add3A_254] : memref<256x256xf32, #tpu.memory_space<vmem>>[vector<16xi32>, vector<16xi32>], vector<16xf32>,
        %add3A_526 = vector.broadcast %add3A_461 : i32 to vector<16xi32>
        %add3A_527 = arith.addi %get3A_202, %add3A_526 : vector<16xi32>
        %and3A_528 = arith.constant 255 : i32
        %and3A_529 = vector.broadcast %and3A_528 : i32 to vector<16xi32>
        %and3A_530 = arith.andi %add3A_527, %and3A_529 : vector<16xi32>
        %gather3A_531 = tpu.vector_load_idx %arg6[%and3A_530, %add3A_258] : memref<256x256xf32, #tpu.memory_space<vmem>>[vector<16xi32>, vector<16xi32>], vector<16xf32>,
        %add3A_532 = vector.broadcast %add3A_461 : i32 to vector<16xi32>
        %add3A_533 = arith.addi %get3A_204, %add3A_532 : vector<16xi32>
        %and3A_534 = arith.constant 255 : i32
        %and3A_535 = vector.broadcast %and3A_534 : i32 to vector<16xi32>
        %and3A_536 = arith.andi %add3A_533, %and3A_535 : vector<16xi32>
        %gather3A_537 = tpu.vector_load_idx %arg6[%and3A_536, %add3A_262] : memref<256x256xf32, #tpu.memory_space<vmem>>[vector<16xi32>, vector<16xi32>], vector<16xf32>,
        %add3A_538 = vector.broadcast %add3A_461 : i32 to vector<16xi32>
        %add3A_539 = arith.addi %get3A_206, %add3A_538 : vector<16xi32>
        %and3A_540 = arith.constant 255 : i32
        %and3A_541 = vector.broadcast %and3A_540 : i32 to vector<16xi32>
        %and3A_542 = arith.andi %add3A_539, %and3A_541 : vector<16xi32>
        %gather3A_543 = tpu.vector_load_idx %arg6[%and3A_542, %add3A_266] : memref<256x256xf32, #tpu.memory_space<vmem>>[vector<16xi32>, vector<16xi32>], vector<16xf32>,
        %add3A_544 = vector.broadcast %add3A_461 : i32 to vector<16xi32>
        %add3A_545 = arith.addi %get3A_208, %add3A_544 : vector<16xi32>
        %and3A_546 = arith.constant 255 : i32
        %and3A_547 = vector.broadcast %and3A_546 : i32 to vector<16xi32>
        %and3A_548 = arith.andi %add3A_545, %and3A_547 : vector<16xi32>
        %gather3A_549 = tpu.vector_load_idx %arg6[%and3A_548, %add3A_270] : memref<256x256xf32, #tpu.memory_space<vmem>>[vector<16xi32>, vector<16xi32>], vector<16xf32>,
        %add3A_550 = vector.broadcast %add3A_461 : i32 to vector<16xi32>
        %add3A_551 = arith.addi %get3A_210, %add3A_550 : vector<16xi32>
        %and3A_552 = arith.constant 255 : i32
        %and3A_553 = vector.broadcast %and3A_552 : i32 to vector<16xi32>
        %and3A_554 = arith.andi %add3A_551, %and3A_553 : vector<16xi32>
        %gather3A_555 = tpu.vector_load_idx %arg6[%and3A_554, %add3A_274] : memref<256x256xf32, #tpu.memory_space<vmem>>[vector<16xi32>, vector<16xi32>], vector<16xf32>,
        %swap3A = arith.index_cast %scan3A_460 : i32 to index
        %swap3A_556 = arith.constant 0 : index
        %swap3A_557 = tpu.vector_load %arg7[%swap3A, %swap3A_556] {strides = array<i32>} : memref<64x256xf32, #tpu.memory_space<vmem>>, vector<16xf32>,
        tpu.vector_store %arg7[%swap3A, %swap3A_556], %gather3A {strides = array<i32>} : memref<64x256xf32, #tpu.memory_space<vmem>>, vector<16xf32>,
        %swap3A_558 = arith.index_cast %scan3A_460 : i32 to index
        %swap3A_559 = arith.constant 16 : index
        %swap3A_560 = tpu.vector_load %arg7[%swap3A_558, %swap3A_559] {strides = array<i32>} : memref<64x256xf32, #tpu.memory_space<vmem>>, vector<16xf32>,
        tpu.vector_store %arg7[%swap3A_558, %swap3A_559], %gather3A_471 {strides = array<i32>} : memref<64x256xf32, #tpu.memory_space<vmem>>, vector<16xf32>,
        %swap3A_561 = arith.index_cast %scan3A_460 : i32 to index
        %swap3A_562 = arith.constant 32 : index
        %swap3A_563 = tpu.vector_load %arg7[%swap3A_561, %swap3A_562] {strides = array<i32>} : memref<64x256xf32, #tpu.memory_space<vmem>>, vector<16xf32>,
        tpu.vector_store %arg7[%swap3A_561, %swap3A_562], %gather3A_477 {strides = array<i32>} : memref<64x256xf32, #tpu.memory_space<vmem>>, vector<16xf32>,
        %swap3A_564 = arith.index_cast %scan3A_460 : i32 to index
        %swap3A_565 = arith.constant 48 : index
        %swap3A_566 = tpu.vector_load %arg7[%swap3A_564, %swap3A_565] {strides = array<i32>} : memref<64x256xf32, #tpu.memory_space<vmem>>, vector<16xf32>,
        tpu.vector_store %arg7[%swap3A_564, %swap3A_565], %gather3A_483 {strides = array<i32>} : memref<64x256xf32, #tpu.memory_space<vmem>>, vector<16xf32>,
        %swap3A_567 = arith.index_cast %scan3A_460 : i32 to index
        %swap3A_568 = arith.constant 64 : index
        %swap3A_569 = tpu.vector_load %arg7[%swap3A_567, %swap3A_568] {strides = array<i32>} : memref<64x256xf32, #tpu.memory_space<vmem>>, vector<16xf32>,
        tpu.vector_store %arg7[%swap3A_567, %swap3A_568], %gather3A_489 {strides = array<i32>} : memref<64x256xf32, #tpu.memory_space<vmem>>, vector<16xf32>,
        %swap3A_570 = arith.index_cast %scan3A_460 : i32 to index
        %swap3A_571 = arith.constant 80 : index
        %swap3A_572 = tpu.vector_load %arg7[%swap3A_570, %swap3A_571] {strides = array<i32>} : memref<64x256xf32, #tpu.memory_space<vmem>>, vector<16xf32>,
        tpu.vector_store %arg7[%swap3A_570, %swap3A_571], %gather3A_495 {strides = array<i32>} : memref<64x256xf32, #tpu.memory_space<vmem>>, vector<16xf32>,
        %swap3A_573 = arith.index_cast %scan3A_460 : i32 to index
        %swap3A_574 = arith.constant 96 : index
        %swap3A_575 = tpu.vector_load %arg7[%swap3A_573, %swap3A_574] {strides = array<i32>} : memref<64x256xf32, #tpu.memory_space<vmem>>, vector<16xf32>,
        tpu.vector_store %arg7[%swap3A_573, %swap3A_574], %gather3A_501 {strides = array<i32>} : memref<64x256xf32, #tpu.memory_space<vmem>>, vector<16xf32>,
        %swap3A_576 = arith.index_cast %scan3A_460 : i32 to index
        %swap3A_577 = arith.constant 112 : index
        %swap3A_578 = tpu.vector_load %arg7[%swap3A_576, %swap3A_577] {strides = array<i32>} : memref<64x256xf32, #tpu.memory_space<vmem>>, vector<16xf32>,
        tpu.vector_store %arg7[%swap3A_576, %swap3A_577], %gather3A_507 {strides = array<i32>} : memref<64x256xf32, #tpu.memory_space<vmem>>, vector<16xf32>,
        %swap3A_579 = arith.index_cast %scan3A_460 : i32 to index
        %swap3A_580 = arith.constant 128 : index
        %swap3A_581 = tpu.vector_load %arg7[%swap3A_579, %swap3A_580] {strides = array<i32>} : memref<64x256xf32, #tpu.memory_space<vmem>>, vector<16xf32>,
        tpu.vector_store %arg7[%swap3A_579, %swap3A_580], %gather3A_513 {strides = array<i32>} : memref<64x256xf32, #tpu.memory_space<vmem>>, vector<16xf32>,
        %swap3A_582 = arith.index_cast %scan3A_460 : i32 to index
        %swap3A_583 = arith.constant 144 : index
        %swap3A_584 = tpu.vector_load %arg7[%swap3A_582, %swap3A_583] {strides = array<i32>} : memref<64x256xf32, #tpu.memory_space<vmem>>, vector<16xf32>,
        tpu.vector_store %arg7[%swap3A_582, %swap3A_583], %gather3A_519 {strides = array<i32>} : memref<64x256xf32, #tpu.memory_space<vmem>>, vector<16xf32>,
        %swap3A_585 = arith.index_cast %scan3A_460 : i32 to index
        %swap3A_586 = arith.constant 160 : index
        %swap3A_587 = tpu.vector_load %arg7[%swap3A_585, %swap3A_586] {strides = array<i32>} : memref<64x256xf32, #tpu.memory_space<vmem>>, vector<16xf32>,
        tpu.vector_store %arg7[%swap3A_585, %swap3A_586], %gather3A_525 {strides = array<i32>} : memref<64x256xf32, #tpu.memory_space<vmem>>, vector<16xf32>,
        %swap3A_588 = arith.index_cast %scan3A_460 : i32 to index
        %swap3A_589 = arith.constant 176 : index
        %swap3A_590 = tpu.vector_load %arg7[%swap3A_588, %swap3A_589] {strides = array<i32>} : memref<64x256xf32, #tpu.memory_space<vmem>>, vector<16xf32>,
        tpu.vector_store %arg7[%swap3A_588, %swap3A_589], %gather3A_531 {strides = array<i32>} : memref<64x256xf32, #tpu.memory_space<vmem>>, vector<16xf32>,
        %swap3A_591 = arith.index_cast %scan3A_460 : i32 to index
        %swap3A_592 = arith.constant 192 : index
        %swap3A_593 = tpu.vector_load %arg7[%swap3A_591, %swap3A_592] {strides = array<i32>} : memref<64x256xf32, #tpu.memory_space<vmem>>, vector<16xf32>,
        tpu.vector_store %arg7[%swap3A_591, %swap3A_592], %gather3A_537 {strides = array<i32>} : memref<64x256xf32, #tpu.memory_space<vmem>>, vector<16xf32>,
        %swap3A_594 = arith.index_cast %scan3A_460 : i32 to index
        %swap3A_595 = arith.constant 208 : index
        %swap3A_596 = tpu.vector_load %arg7[%swap3A_594, %swap3A_595] {strides = array<i32>} : memref<64x256xf32, #tpu.memory_space<vmem>>, vector<16xf32>,
        tpu.vector_store %arg7[%swap3A_594, %swap3A_595], %gather3A_543 {strides = array<i32>} : memref<64x256xf32, #tpu.memory_space<vmem>>, vector<16xf32>,
        %swap3A_597 = arith.index_cast %scan3A_460 : i32 to index
        %swap3A_598 = arith.constant 224 : index
        %swap3A_599 = tpu.vector_load %arg7[%swap3A_597, %swap3A_598] {strides = array<i32>} : memref<64x256xf32, #tpu.memory_space<vmem>>, vector<16xf32>,
        tpu.vector_store %arg7[%swap3A_597, %swap3A_598], %gather3A_549 {strides = array<i32>} : memref<64x256xf32, #tpu.memory_space<vmem>>, vector<16xf32>,
        %swap3A_600 = arith.index_cast %scan3A_460 : i32 to index
        %swap3A_601 = arith.constant 240 : index
        %swap3A_602 = tpu.vector_load %arg7[%swap3A_600, %swap3A_601] {strides = array<i32>} : memref<64x256xf32, #tpu.memory_space<vmem>>, vector<16xf32>,
        tpu.vector_store %arg7[%swap3A_600, %swap3A_601], %gather3A_555 {strides = array<i32>} : memref<64x256xf32, #tpu.memory_space<vmem>>, vector<16xf32>,
        %scan3A_603 = arith.constant 1 : i32
        %scan3A_604 = arith.addi %scan3A_460, %scan3A_603 : i32
        %add3A_605 = arith.addi %mul3A_360, %scan3A_604 : i32
        %add3A_606 = vector.broadcast %add3A_605 : i32 to vector<16xi32>
        %add3A_607 = arith.addi %get3A_180, %add3A_606 : vector<16xi32>
        %and3A_608 = arith.constant 255 : i32
        %and3A_609 = vector.broadcast %and3A_608 : i32 to vector<16xi32>
        %and3A_610 = arith.andi %add3A_607, %and3A_609 : vector<16xi32>
        %gather3A_611 = tpu.vector_load_idx %arg6[%and3A_610, %add3A_214] : memref<256x256xf32, #tpu.memory_space<vmem>>[vector<16xi32>, vector<16xi32>], vector<16xf32>,
        %add3A_612 = vector.broadcast %add3A_605 : i32 to vector<16xi32>
        %add3A_613 = arith.addi %get3A_182, %add3A_612 : vector<16xi32>
        %and3A_614 = arith.constant 255 : i32
        %and3A_615 = vector.broadcast %and3A_614 : i32 to vector<16xi32>
        %and3A_616 = arith.andi %add3A_613, %and3A_615 : vector<16xi32>
        %gather3A_617 = tpu.vector_load_idx %arg6[%and3A_616, %add3A_218] : memref<256x256xf32, #tpu.memory_space<vmem>>[vector<16xi32>, vector<16xi32>], vector<16xf32>,
        %add3A_618 = vector.broadcast %add3A_605 : i32 to vector<16xi32>
        %add3A_619 = arith.addi %get3A_184, %add3A_618 : vector<16xi32>
        %and3A_620 = arith.constant 255 : i32
        %and3A_621 = vector.broadcast %and3A_620 : i32 to vector<16xi32>
        %and3A_622 = arith.andi %add3A_619, %and3A_621 : vector<16xi32>
        %gather3A_623 = tpu.vector_load_idx %arg6[%and3A_622, %add3A_222] : memref<256x256xf32, #tpu.memory_space<vmem>>[vector<16xi32>, vector<16xi32>], vector<16xf32>,
        %add3A_624 = vector.broadcast %add3A_605 : i32 to vector<16xi32>
        %add3A_625 = arith.addi %get3A_186, %add3A_624 : vector<16xi32>
        %and3A_626 = arith.constant 255 : i32
        %and3A_627 = vector.broadcast %and3A_626 : i32 to vector<16xi32>
        %and3A_628 = arith.andi %add3A_625, %and3A_627 : vector<16xi32>
        %gather3A_629 = tpu.vector_load_idx %arg6[%and3A_628, %add3A_226] : memref<256x256xf32, #tpu.memory_space<vmem>>[vector<16xi32>, vector<16xi32>], vector<16xf32>,
        %add3A_630 = vector.broadcast %add3A_605 : i32 to vector<16xi32>
        %add3A_631 = arith.addi %get3A_188, %add3A_630 : vector<16xi32>
        %and3A_632 = arith.constant 255 : i32
        %and3A_633 = vector.broadcast %and3A_632 : i32 to vector<16xi32>
        %and3A_634 = arith.andi %add3A_631, %and3A_633 : vector<16xi32>
        %gather3A_635 = tpu.vector_load_idx %arg6[%and3A_634, %add3A_230] : memref<256x256xf32, #tpu.memory_space<vmem>>[vector<16xi32>, vector<16xi32>], vector<16xf32>,
        %add3A_636 = vector.broadcast %add3A_605 : i32 to vector<16xi32>
        %add3A_637 = arith.addi %get3A_190, %add3A_636 : vector<16xi32>
        %and3A_638 = arith.constant 255 : i32
        %and3A_639 = vector.broadcast %and3A_638 : i32 to vector<16xi32>
        %and3A_640 = arith.andi %add3A_637, %and3A_639 : vector<16xi32>
        %gather3A_641 = tpu.vector_load_idx %arg6[%and3A_640, %add3A_234] : memref<256x256xf32, #tpu.memory_space<vmem>>[vector<16xi32>, vector<16xi32>], vector<16xf32>,
        %add3A_642 = vector.broadcast %add3A_605 : i32 to vector<16xi32>
        %add3A_643 = arith.addi %get3A_192, %add3A_642 : vector<16xi32>
        %and3A_644 = arith.constant 255 : i32
        %and3A_645 = vector.broadcast %and3A_644 : i32 to vector<16xi32>
        %and3A_646 = arith.andi %add3A_643, %and3A_645 : vector<16xi32>
        %gather3A_647 = tpu.vector_load_idx %arg6[%and3A_646, %add3A_238] : memref<256x256xf32, #tpu.memory_space<vmem>>[vector<16xi32>, vector<16xi32>], vector<16xf32>,
        %add3A_648 = vector.broadcast %add3A_605 : i32 to vector<16xi32>
        %add3A_649 = arith.addi %get3A_194, %add3A_648 : vector<16xi32>
        %and3A_650 = arith.constant 255 : i32
        %and3A_651 = vector.broadcast %and3A_650 : i32 to vector<16xi32>
        %and3A_652 = arith.andi %add3A_649, %and3A_651 : vector<16xi32>
        %gather3A_653 = tpu.vector_load_idx %arg6[%and3A_652, %add3A_242] : memref<256x256xf32, #tpu.memory_space<vmem>>[vector<16xi32>, vector<16xi32>], vector<16xf32>,
        %add3A_654 = vector.broadcast %add3A_605 : i32 to vector<16xi32>
        %add3A_655 = arith.addi %get3A_196, %add3A_654 : vector<16xi32>
        %and3A_656 = arith.constant 255 : i32
        %and3A_657 = vector.broadcast %and3A_656 : i32 to vector<16xi32>
        %and3A_658 = arith.andi %add3A_655, %and3A_657 : vector<16xi32>
        %gather3A_659 = tpu.vector_load_idx %arg6[%and3A_658, %add3A_246] : memref<256x256xf32, #tpu.memory_space<vmem>>[vector<16xi32>, vector<16xi32>], vector<16xf32>,
        %add3A_660 = vector.broadcast %add3A_605 : i32 to vector<16xi32>
        %add3A_661 = arith.addi %get3A_198, %add3A_660 : vector<16xi32>
        %and3A_662 = arith.constant 255 : i32
        %and3A_663 = vector.broadcast %and3A_662 : i32 to vector<16xi32>
        %and3A_664 = arith.andi %add3A_661, %and3A_663 : vector<16xi32>
        %gather3A_665 = tpu.vector_load_idx %arg6[%and3A_664, %add3A_250] : memref<256x256xf32, #tpu.memory_space<vmem>>[vector<16xi32>, vector<16xi32>], vector<16xf32>,
        %add3A_666 = vector.broadcast %add3A_605 : i32 to vector<16xi32>
        %add3A_667 = arith.addi %get3A_200, %add3A_666 : vector<16xi32>
        %and3A_668 = arith.constant 255 : i32
        %and3A_669 = vector.broadcast %and3A_668 : i32 to vector<16xi32>
        %and3A_670 = arith.andi %add3A_667, %and3A_669 : vector<16xi32>
        %gather3A_671 = tpu.vector_load_idx %arg6[%and3A_670, %add3A_254] : memref<256x256xf32, #tpu.memory_space<vmem>>[vector<16xi32>, vector<16xi32>], vector<16xf32>,
        %add3A_672 = vector.broadcast %add3A_605 : i32 to vector<16xi32>
        %add3A_673 = arith.addi %get3A_202, %add3A_672 : vector<16xi32>
        %and3A_674 = arith.constant 255 : i32
        %and3A_675 = vector.broadcast %and3A_674 : i32 to vector<16xi32>
        %and3A_676 = arith.andi %add3A_673, %and3A_675 : vector<16xi32>
        %gather3A_677 = tpu.vector_load_idx %arg6[%and3A_676, %add3A_258] : memref<256x256xf32, #tpu.memory_space<vmem>>[vector<16xi32>, vector<16xi32>], vector<16xf32>,
        %add3A_678 = vector.broadcast %add3A_605 : i32 to vector<16xi32>
        %add3A_679 = arith.addi %get3A_204, %add3A_678 : vector<16xi32>
        %and3A_680 = arith.constant 255 : i32
        %and3A_681 = vector.broadcast %and3A_680 : i32 to vector<16xi32>
        %and3A_682 = arith.andi %add3A_679, %and3A_681 : vector<16xi32>
        %gather3A_683 = tpu.vector_load_idx %arg6[%and3A_682, %add3A_262] : memref<256x256xf32, #tpu.memory_space<vmem>>[vector<16xi32>, vector<16xi32>], vector<16xf32>,
        %add3A_684 = vector.broadcast %add3A_605 : i32 to vector<16xi32>
        %add3A_685 = arith.addi %get3A_206, %add3A_684 : vector<16xi32>
        %and3A_686 = arith.constant 255 : i32
        %and3A_687 = vector.broadcast %and3A_686 : i32 to vector<16xi32>
        %and3A_688 = arith.andi %add3A_685, %and3A_687 : vector<16xi32>
        %gather3A_689 = tpu.vector_load_idx %arg6[%and3A_688, %add3A_266] : memref<256x256xf32, #tpu.memory_space<vmem>>[vector<16xi32>, vector<16xi32>], vector<16xf32>,
        %add3A_690 = vector.broadcast %add3A_605 : i32 to vector<16xi32>
        %add3A_691 = arith.addi %get3A_208, %add3A_690 : vector<16xi32>
        %and3A_692 = arith.constant 255 : i32
        %and3A_693 = vector.broadcast %and3A_692 : i32 to vector<16xi32>
        %and3A_694 = arith.andi %add3A_691, %and3A_693 : vector<16xi32>
        %gather3A_695 = tpu.vector_load_idx %arg6[%and3A_694, %add3A_270] : memref<256x256xf32, #tpu.memory_space<vmem>>[vector<16xi32>, vector<16xi32>], vector<16xf32>,
        %add3A_696 = vector.broadcast %add3A_605 : i32 to vector<16xi32>
        %add3A_697 = arith.addi %get3A_210, %add3A_696 : vector<16xi32>
        %and3A_698 = arith.constant 255 : i32
        %and3A_699 = vector.broadcast %and3A_698 : i32 to vector<16xi32>
        %and3A_700 = arith.andi %add3A_697, %and3A_699 : vector<16xi32>
        %gather3A_701 = tpu.vector_load_idx %arg6[%and3A_700, %add3A_274] : memref<256x256xf32, #tpu.memory_space<vmem>>[vector<16xi32>, vector<16xi32>], vector<16xf32>,
        %swap3A_702 = arith.index_cast %scan3A_604 : i32 to index
        %swap3A_703 = arith.constant 0 : index
        %swap3A_704 = tpu.vector_load %arg7[%swap3A_702, %swap3A_703] {strides = array<i32>} : memref<64x256xf32, #tpu.memory_space<vmem>>, vector<16xf32>,
        tpu.vector_store %arg7[%swap3A_702, %swap3A_703], %gather3A_611 {strides = array<i32>} : memref<64x256xf32, #tpu.memory_space<vmem>>, vector<16xf32>,
        %swap3A_705 = arith.index_cast %scan3A_604 : i32 to index
        %swap3A_706 = arith.constant 16 : index
        %swap3A_707 = tpu.vector_load %arg7[%swap3A_705, %swap3A_706] {strides = array<i32>} : memref<64x256xf32, #tpu.memory_space<vmem>>, vector<16xf32>,
        tpu.vector_store %arg7[%swap3A_705, %swap3A_706], %gather3A_617 {strides = array<i32>} : memref<64x256xf32, #tpu.memory_space<vmem>>, vector<16xf32>,
        %swap3A_708 = arith.index_cast %scan3A_604 : i32 to index
        %swap3A_709 = arith.constant 32 : index
        %swap3A_710 = tpu.vector_load %arg7[%swap3A_708, %swap3A_709] {strides = array<i32>} : memref<64x256xf32, #tpu.memory_space<vmem>>, vector<16xf32>,
        tpu.vector_store %arg7[%swap3A_708, %swap3A_709], %gather3A_623 {strides = array<i32>} : memref<64x256xf32, #tpu.memory_space<vmem>>, vector<16xf32>,
        %swap3A_711 = arith.index_cast %scan3A_604 : i32 to index
        %swap3A_712 = arith.constant 48 : index
        %swap3A_713 = tpu.vector_load %arg7[%swap3A_711, %swap3A_712] {strides = array<i32>} : memref<64x256xf32, #tpu.memory_space<vmem>>, vector<16xf32>,
        tpu.vector_store %arg7[%swap3A_711, %swap3A_712], %gather3A_629 {strides = array<i32>} : memref<64x256xf32, #tpu.memory_space<vmem>>, vector<16xf32>,
        %swap3A_714 = arith.index_cast %scan3A_604 : i32 to index
        %swap3A_715 = arith.constant 64 : index
        %swap3A_716 = tpu.vector_load %arg7[%swap3A_714, %swap3A_715] {strides = array<i32>} : memref<64x256xf32, #tpu.memory_space<vmem>>, vector<16xf32>,
        tpu.vector_store %arg7[%swap3A_714, %swap3A_715], %gather3A_635 {strides = array<i32>} : memref<64x256xf32, #tpu.memory_space<vmem>>, vector<16xf32>,
        %swap3A_717 = arith.index_cast %scan3A_604 : i32 to index
        %swap3A_718 = arith.constant 80 : index
        %swap3A_719 = tpu.vector_load %arg7[%swap3A_717, %swap3A_718] {strides = array<i32>} : memref<64x256xf32, #tpu.memory_space<vmem>>, vector<16xf32>,
        tpu.vector_store %arg7[%swap3A_717, %swap3A_718], %gather3A_641 {strides = array<i32>} : memref<64x256xf32, #tpu.memory_space<vmem>>, vector<16xf32>,
        %swap3A_720 = arith.index_cast %scan3A_604 : i32 to index
        %swap3A_721 = arith.constant 96 : index
        %swap3A_722 = tpu.vector_load %arg7[%swap3A_720, %swap3A_721] {strides = array<i32>} : memref<64x256xf32, #tpu.memory_space<vmem>>, vector<16xf32>,
        tpu.vector_store %arg7[%swap3A_720, %swap3A_721], %gather3A_647 {strides = array<i32>} : memref<64x256xf32, #tpu.memory_space<vmem>>, vector<16xf32>,
        %swap3A_723 = arith.index_cast %scan3A_604 : i32 to index
        %swap3A_724 = arith.constant 112 : index
        %swap3A_725 = tpu.vector_load %arg7[%swap3A_723, %swap3A_724] {strides = array<i32>} : memref<64x256xf32, #tpu.memory_space<vmem>>, vector<16xf32>,
        tpu.vector_store %arg7[%swap3A_723, %swap3A_724], %gather3A_653 {strides = array<i32>} : memref<64x256xf32, #tpu.memory_space<vmem>>, vector<16xf32>,
        %swap3A_726 = arith.index_cast %scan3A_604 : i32 to index
        %swap3A_727 = arith.constant 128 : index
        %swap3A_728 = tpu.vector_load %arg7[%swap3A_726, %swap3A_727] {strides = array<i32>} : memref<64x256xf32, #tpu.memory_space<vmem>>, vector<16xf32>,
        tpu.vector_store %arg7[%swap3A_726, %swap3A_727], %gather3A_659 {strides = array<i32>} : memref<64x256xf32, #tpu.memory_space<vmem>>, vector<16xf32>,
        %swap3A_729 = arith.index_cast %scan3A_604 : i32 to index
        %swap3A_730 = arith.constant 144 : index
        %swap3A_731 = tpu.vector_load %arg7[%swap3A_729, %swap3A_730] {strides = array<i32>} : memref<64x256xf32, #tpu.memory_space<vmem>>, vector<16xf32>,
        tpu.vector_store %arg7[%swap3A_729, %swap3A_730], %gather3A_665 {strides = array<i32>} : memref<64x256xf32, #tpu.memory_space<vmem>>, vector<16xf32>,
        %swap3A_732 = arith.index_cast %scan3A_604 : i32 to index
        %swap3A_733 = arith.constant 160 : index
        %swap3A_734 = tpu.vector_load %arg7[%swap3A_732, %swap3A_733] {strides = array<i32>} : memref<64x256xf32, #tpu.memory_space<vmem>>, vector<16xf32>,
        tpu.vector_store %arg7[%swap3A_732, %swap3A_733], %gather3A_671 {strides = array<i32>} : memref<64x256xf32, #tpu.memory_space<vmem>>, vector<16xf32>,
        %swap3A_735 = arith.index_cast %scan3A_604 : i32 to index
        %swap3A_736 = arith.constant 176 : index
        %swap3A_737 = tpu.vector_load %arg7[%swap3A_735, %swap3A_736] {strides = array<i32>} : memref<64x256xf32, #tpu.memory_space<vmem>>, vector<16xf32>,
        tpu.vector_store %arg7[%swap3A_735, %swap3A_736], %gather3A_677 {strides = array<i32>} : memref<64x256xf32, #tpu.memory_space<vmem>>, vector<16xf32>,
        %swap3A_738 = arith.index_cast %scan3A_604 : i32 to index
        %swap3A_739 = arith.constant 192 : index
        %swap3A_740 = tpu.vector_load %arg7[%swap3A_738, %swap3A_739] {strides = array<i32>} : memref<64x256xf32, #tpu.memory_space<vmem>>, vector<16xf32>,
        tpu.vector_store %arg7[%swap3A_738, %swap3A_739], %gather3A_683 {strides = array<i32>} : memref<64x256xf32, #tpu.memory_space<vmem>>, vector<16xf32>,
        %swap3A_741 = arith.index_cast %scan3A_604 : i32 to index
        %swap3A_742 = arith.constant 208 : index
        %swap3A_743 = tpu.vector_load %arg7[%swap3A_741, %swap3A_742] {strides = array<i32>} : memref<64x256xf32, #tpu.memory_space<vmem>>, vector<16xf32>,
        tpu.vector_store %arg7[%swap3A_741, %swap3A_742], %gather3A_689 {strides = array<i32>} : memref<64x256xf32, #tpu.memory_space<vmem>>, vector<16xf32>,
        %swap3A_744 = arith.index_cast %scan3A_604 : i32 to index
        %swap3A_745 = arith.constant 224 : index
        %swap3A_746 = tpu.vector_load %arg7[%swap3A_744, %swap3A_745] {strides = array<i32>} : memref<64x256xf32, #tpu.memory_space<vmem>>, vector<16xf32>,
        tpu.vector_store %arg7[%swap3A_744, %swap3A_745], %gather3A_695 {strides = array<i32>} : memref<64x256xf32, #tpu.memory_space<vmem>>, vector<16xf32>,
        %swap3A_747 = arith.index_cast %scan3A_604 : i32 to index
        %swap3A_748 = arith.constant 240 : index
        %swap3A_749 = tpu.vector_load %arg7[%swap3A_747, %swap3A_748] {strides = array<i32>} : memref<64x256xf32, #tpu.memory_space<vmem>>, vector<16xf32>,
        tpu.vector_store %arg7[%swap3A_747, %swap3A_748], %gather3A_701 {strides = array<i32>} : memref<64x256xf32, #tpu.memory_space<vmem>>, vector<16xf32>,
        %scan3A_750 = arith.constant 2 : i32
        %scan3A_751 = arith.addi %scan3A_460, %scan3A_750 : i32
        %add3A_752 = arith.addi %mul3A_360, %scan3A_751 : i32
        %add3A_753 = vector.broadcast %add3A_752 : i32 to vector<16xi32>
        %add3A_754 = arith.addi %get3A_180, %add3A_753 : vector<16xi32>
        %and3A_755 = arith.constant 255 : i32
        %and3A_756 = vector.broadcast %and3A_755 : i32 to vector<16xi32>
        %and3A_757 = arith.andi %add3A_754, %and3A_756 : vector<16xi32>
        %gather3A_758 = tpu.vector_load_idx %arg6[%and3A_757, %add3A_214] : memref<256x256xf32, #tpu.memory_space<vmem>>[vector<16xi32>, vector<16xi32>], vector<16xf32>,
        %add3A_759 = vector.broadcast %add3A_752 : i32 to vector<16xi32>
        %add3A_760 = arith.addi %get3A_182, %add3A_759 : vector<16xi32>
        %and3A_761 = arith.constant 255 : i32
        %and3A_762 = vector.broadcast %and3A_761 : i32 to vector<16xi32>
        %and3A_763 = arith.andi %add3A_760, %and3A_762 : vector<16xi32>
        %gather3A_764 = tpu.vector_load_idx %arg6[%and3A_763, %add3A_218] : memref<256x256xf32, #tpu.memory_space<vmem>>[vector<16xi32>, vector<16xi32>], vector<16xf32>,
        %add3A_765 = vector.broadcast %add3A_752 : i32 to vector<16xi32>
        %add3A_766 = arith.addi %get3A_184, %add3A_765 : vector<16xi32>
        %and3A_767 = arith.constant 255 : i32
        %and3A_768 = vector.broadcast %and3A_767 : i32 to vector<16xi32>
        %and3A_769 = arith.andi %add3A_766, %and3A_768 : vector<16xi32>
        %gather3A_770 = tpu.vector_load_idx %arg6[%and3A_769, %add3A_222] : memref<256x256xf32, #tpu.memory_space<vmem>>[vector<16xi32>, vector<16xi32>], vector<16xf32>,
        %add3A_771 = vector.broadcast %add3A_752 : i32 to vector<16xi32>
        %add3A_772 = arith.addi %get3A_186, %add3A_771 : vector<16xi32>
        %and3A_773 = arith.constant 255 : i32
        %and3A_774 = vector.broadcast %and3A_773 : i32 to vector<16xi32>
        %and3A_775 = arith.andi %add3A_772, %and3A_774 : vector<16xi32>
        %gather3A_776 = tpu.vector_load_idx %arg6[%and3A_775, %add3A_226] : memref<256x256xf32, #tpu.memory_space<vmem>>[vector<16xi32>, vector<16xi32>], vector<16xf32>,
        %add3A_777 = vector.broadcast %add3A_752 : i32 to vector<16xi32>
        %add3A_778 = arith.addi %get3A_188, %add3A_777 : vector<16xi32>
        %and3A_779 = arith.constant 255 : i32
        %and3A_780 = vector.broadcast %and3A_779 : i32 to vector<16xi32>
        %and3A_781 = arith.andi %add3A_778, %and3A_780 : vector<16xi32>
        %gather3A_782 = tpu.vector_load_idx %arg6[%and3A_781, %add3A_230] : memref<256x256xf32, #tpu.memory_space<vmem>>[vector<16xi32>, vector<16xi32>], vector<16xf32>,
        %add3A_783 = vector.broadcast %add3A_752 : i32 to vector<16xi32>
        %add3A_784 = arith.addi %get3A_190, %add3A_783 : vector<16xi32>
        %and3A_785 = arith.constant 255 : i32
        %and3A_786 = vector.broadcast %and3A_785 : i32 to vector<16xi32>
        %and3A_787 = arith.andi %add3A_784, %and3A_786 : vector<16xi32>
        %gather3A_788 = tpu.vector_load_idx %arg6[%and3A_787, %add3A_234] : memref<256x256xf32, #tpu.memory_space<vmem>>[vector<16xi32>, vector<16xi32>], vector<16xf32>,
        %add3A_789 = vector.broadcast %add3A_752 : i32 to vector<16xi32>
        %add3A_790 = arith.addi %get3A_192, %add3A_789 : vector<16xi32>
        %and3A_791 = arith.constant 255 : i32
        %and3A_792 = vector.broadcast %and3A_791 : i32 to vector<16xi32>
        %and3A_793 = arith.andi %add3A_790, %and3A_792 : vector<16xi32>
        %gather3A_794 = tpu.vector_load_idx %arg6[%and3A_793, %add3A_238] : memref<256x256xf32, #tpu.memory_space<vmem>>[vector<16xi32>, vector<16xi32>], vector<16xf32>,
        %add3A_795 = vector.broadcast %add3A_752 : i32 to vector<16xi32>
        %add3A_796 = arith.addi %get3A_194, %add3A_795 : vector<16xi32>
        %and3A_797 = arith.constant 255 : i32
        %and3A_798 = vector.broadcast %and3A_797 : i32 to vector<16xi32>
        %and3A_799 = arith.andi %add3A_796, %and3A_798 : vector<16xi32>
        %gather3A_800 = tpu.vector_load_idx %arg6[%and3A_799, %add3A_242] : memref<256x256xf32, #tpu.memory_space<vmem>>[vector<16xi32>, vector<16xi32>], vector<16xf32>,
        %add3A_801 = vector.broadcast %add3A_752 : i32 to vector<16xi32>
        %add3A_802 = arith.addi %get3A_196, %add3A_801 : vector<16xi32>
        %and3A_803 = arith.constant 255 : i32
        %and3A_804 = vector.broadcast %and3A_803 : i32 to vector<16xi32>
        %and3A_805 = arith.andi %add3A_802, %and3A_804 : vector<16xi32>
        %gather3A_806 = tpu.vector_load_idx %arg6[%and3A_805, %add3A_246] : memref<256x256xf32, #tpu.memory_space<vmem>>[vector<16xi32>, vector<16xi32>], vector<16xf32>,
        %add3A_807 = vector.broadcast %add3A_752 : i32 to vector<16xi32>
        %add3A_808 = arith.addi %get3A_198, %add3A_807 : vector<16xi32>
        %and3A_809 = arith.constant 255 : i32
        %and3A_810 = vector.broadcast %and3A_809 : i32 to vector<16xi32>
        %and3A_811 = arith.andi %add3A_808, %and3A_810 : vector<16xi32>
        %gather3A_812 = tpu.vector_load_idx %arg6[%and3A_811, %add3A_250] : memref<256x256xf32, #tpu.memory_space<vmem>>[vector<16xi32>, vector<16xi32>], vector<16xf32>,
        %add3A_813 = vector.broadcast %add3A_752 : i32 to vector<16xi32>
        %add3A_814 = arith.addi %get3A_200, %add3A_813 : vector<16xi32>
        %and3A_815 = arith.constant 255 : i32
        %and3A_816 = vector.broadcast %and3A_815 : i32 to vector<16xi32>
        %and3A_817 = arith.andi %add3A_814, %and3A_816 : vector<16xi32>
        %gather3A_818 = tpu.vector_load_idx %arg6[%and3A_817, %add3A_254] : memref<256x256xf32, #tpu.memory_space<vmem>>[vector<16xi32>, vector<16xi32>], vector<16xf32>,
        %add3A_819 = vector.broadcast %add3A_752 : i32 to vector<16xi32>
        %add3A_820 = arith.addi %get3A_202, %add3A_819 : vector<16xi32>
        %and3A_821 = arith.constant 255 : i32
        %and3A_822 = vector.broadcast %and3A_821 : i32 to vector<16xi32>
        %and3A_823 = arith.andi %add3A_820, %and3A_822 : vector<16xi32>
        %gather3A_824 = tpu.vector_load_idx %arg6[%and3A_823, %add3A_258] : memref<256x256xf32, #tpu.memory_space<vmem>>[vector<16xi32>, vector<16xi32>], vector<16xf32>,
        %add3A_825 = vector.broadcast %add3A_752 : i32 to vector<16xi32>
        %add3A_826 = arith.addi %get3A_204, %add3A_825 : vector<16xi32>
        %and3A_827 = arith.constant 255 : i32
        %and3A_828 = vector.broadcast %and3A_827 : i32 to vector<16xi32>
        %and3A_829 = arith.andi %add3A_826, %and3A_828 : vector<16xi32>
        %gather3A_830 = tpu.vector_load_idx %arg6[%and3A_829, %add3A_262] : memref<256x256xf32, #tpu.memory_space<vmem>>[vector<16xi32>, vector<16xi32>], vector<16xf32>,
        %add3A_831 = vector.broadcast %add3A_752 : i32 to vector<16xi32>
        %add3A_832 = arith.addi %get3A_206, %add3A_831 : vector<16xi32>
        %and3A_833 = arith.constant 255 : i32
        %and3A_834 = vector.broadcast %and3A_833 : i32 to vector<16xi32>
        %and3A_835 = arith.andi %add3A_832, %and3A_834 : vector<16xi32>
        %gather3A_836 = tpu.vector_load_idx %arg6[%and3A_835, %add3A_266] : memref<256x256xf32, #tpu.memory_space<vmem>>[vector<16xi32>, vector<16xi32>], vector<16xf32>,
        %add3A_837 = vector.broadcast %add3A_752 : i32 to vector<16xi32>
        %add3A_838 = arith.addi %get3A_208, %add3A_837 : vector<16xi32>
        %and3A_839 = arith.constant 255 : i32
        %and3A_840 = vector.broadcast %and3A_839 : i32 to vector<16xi32>
        %and3A_841 = arith.andi %add3A_838, %and3A_840 : vector<16xi32>
        %gather3A_842 = tpu.vector_load_idx %arg6[%and3A_841, %add3A_270] : memref<256x256xf32, #tpu.memory_space<vmem>>[vector<16xi32>, vector<16xi32>], vector<16xf32>,
        %add3A_843 = vector.broadcast %add3A_752 : i32 to vector<16xi32>
        %add3A_844 = arith.addi %get3A_210, %add3A_843 : vector<16xi32>
        %and3A_845 = arith.constant 255 : i32
        %and3A_846 = vector.broadcast %and3A_845 : i32 to vector<16xi32>
        %and3A_847 = arith.andi %add3A_844, %and3A_846 : vector<16xi32>
        %gather3A_848 = tpu.vector_load_idx %arg6[%and3A_847, %add3A_274] : memref<256x256xf32, #tpu.memory_space<vmem>>[vector<16xi32>, vector<16xi32>], vector<16xf32>,
        %swap3A_849 = arith.index_cast %scan3A_751 : i32 to index
        %swap3A_850 = arith.constant 0 : index
        %swap3A_851 = tpu.vector_load %arg7[%swap3A_849, %swap3A_850] {strides = array<i32>} : memref<64x256xf32, #tpu.memory_space<vmem>>, vector<16xf32>,
        tpu.vector_store %arg7[%swap3A_849, %swap3A_850], %gather3A_758 {strides = array<i32>} : memref<64x256xf32, #tpu.memory_space<vmem>>, vector<16xf32>,
        %swap3A_852 = arith.index_cast %scan3A_751 : i32 to index
        %swap3A_853 = arith.constant 16 : index
        %swap3A_854 = tpu.vector_load %arg7[%swap3A_852, %swap3A_853] {strides = array<i32>} : memref<64x256xf32, #tpu.memory_space<vmem>>, vector<16xf32>,
        tpu.vector_store %arg7[%swap3A_852, %swap3A_853], %gather3A_764 {strides = array<i32>} : memref<64x256xf32, #tpu.memory_space<vmem>>, vector<16xf32>,
        %swap3A_855 = arith.index_cast %scan3A_751 : i32 to index
        %swap3A_856 = arith.constant 32 : index
        %swap3A_857 = tpu.vector_load %arg7[%swap3A_855, %swap3A_856] {strides = array<i32>} : memref<64x256xf32, #tpu.memory_space<vmem>>, vector<16xf32>,
        tpu.vector_store %arg7[%swap3A_855, %swap3A_856], %gather3A_770 {strides = array<i32>} : memref<64x256xf32, #tpu.memory_space<vmem>>, vector<16xf32>,
        %swap3A_858 = arith.index_cast %scan3A_751 : i32 to index
        %swap3A_859 = arith.constant 48 : index
        %swap3A_860 = tpu.vector_load %arg7[%swap3A_858, %swap3A_859] {strides = array<i32>} : memref<64x256xf32, #tpu.memory_space<vmem>>, vector<16xf32>,
        tpu.vector_store %arg7[%swap3A_858, %swap3A_859], %gather3A_776 {strides = array<i32>} : memref<64x256xf32, #tpu.memory_space<vmem>>, vector<16xf32>,
        %swap3A_861 = arith.index_cast %scan3A_751 : i32 to index
        %swap3A_862 = arith.constant 64 : index
        %swap3A_863 = tpu.vector_load %arg7[%swap3A_861, %swap3A_862] {strides = array<i32>} : memref<64x256xf32, #tpu.memory_space<vmem>>, vector<16xf32>,
        tpu.vector_store %arg7[%swap3A_861, %swap3A_862], %gather3A_782 {strides = array<i32>} : memref<64x256xf32, #tpu.memory_space<vmem>>, vector<16xf32>,
        %swap3A_864 = arith.index_cast %scan3A_751 : i32 to index
        %swap3A_865 = arith.constant 80 : index
        %swap3A_866 = tpu.vector_load %arg7[%swap3A_864, %swap3A_865] {strides = array<i32>} : memref<64x256xf32, #tpu.memory_space<vmem>>, vector<16xf32>,
        tpu.vector_store %arg7[%swap3A_864, %swap3A_865], %gather3A_788 {strides = array<i32>} : memref<64x256xf32, #tpu.memory_space<vmem>>, vector<16xf32>,
        %swap3A_867 = arith.index_cast %scan3A_751 : i32 to index
        %swap3A_868 = arith.constant 96 : index
        %swap3A_869 = tpu.vector_load %arg7[%swap3A_867, %swap3A_868] {strides = array<i32>} : memref<64x256xf32, #tpu.memory_space<vmem>>, vector<16xf32>,
        tpu.vector_store %arg7[%swap3A_867, %swap3A_868], %gather3A_794 {strides = array<i32>} : memref<64x256xf32, #tpu.memory_space<vmem>>, vector<16xf32>,
        %swap3A_870 = arith.index_cast %scan3A_751 : i32 to index
        %swap3A_871 = arith.constant 112 : index
        %swap3A_872 = tpu.vector_load %arg7[%swap3A_870, %swap3A_871] {strides = array<i32>} : memref<64x256xf32, #tpu.memory_space<vmem>>, vector<16xf32>,
        tpu.vector_store %arg7[%swap3A_870, %swap3A_871], %gather3A_800 {strides = array<i32>} : memref<64x256xf32, #tpu.memory_space<vmem>>, vector<16xf32>,
        %swap3A_873 = arith.index_cast %scan3A_751 : i32 to index
        %swap3A_874 = arith.constant 128 : index
        %swap3A_875 = tpu.vector_load %arg7[%swap3A_873, %swap3A_874] {strides = array<i32>} : memref<64x256xf32, #tpu.memory_space<vmem>>, vector<16xf32>,
        tpu.vector_store %arg7[%swap3A_873, %swap3A_874], %gather3A_806 {strides = array<i32>} : memref<64x256xf32, #tpu.memory_space<vmem>>, vector<16xf32>,
        %swap3A_876 = arith.index_cast %scan3A_751 : i32 to index
        %swap3A_877 = arith.constant 144 : index
        %swap3A_878 = tpu.vector_load %arg7[%swap3A_876, %swap3A_877] {strides = array<i32>} : memref<64x256xf32, #tpu.memory_space<vmem>>, vector<16xf32>,
        tpu.vector_store %arg7[%swap3A_876, %swap3A_877], %gather3A_812 {strides = array<i32>} : memref<64x256xf32, #tpu.memory_space<vmem>>, vector<16xf32>,
        %swap3A_879 = arith.index_cast %scan3A_751 : i32 to index
        %swap3A_880 = arith.constant 160 : index
        %swap3A_881 = tpu.vector_load %arg7[%swap3A_879, %swap3A_880] {strides = array<i32>} : memref<64x256xf32, #tpu.memory_space<vmem>>, vector<16xf32>,
        tpu.vector_store %arg7[%swap3A_879, %swap3A_880], %gather3A_818 {strides = array<i32>} : memref<64x256xf32, #tpu.memory_space<vmem>>, vector<16xf32>,
        %swap3A_882 = arith.index_cast %scan3A_751 : i32 to index
        %swap3A_883 = arith.constant 176 : index
        %swap3A_884 = tpu.vector_load %arg7[%swap3A_882, %swap3A_883] {strides = array<i32>} : memref<64x256xf32, #tpu.memory_space<vmem>>, vector<16xf32>,
        tpu.vector_store %arg7[%swap3A_882, %swap3A_883], %gather3A_824 {strides = array<i32>} : memref<64x256xf32, #tpu.memory_space<vmem>>, vector<16xf32>,
        %swap3A_885 = arith.index_cast %scan3A_751 : i32 to index
        %swap3A_886 = arith.constant 192 : index
        %swap3A_887 = tpu.vector_load %arg7[%swap3A_885, %swap3A_886] {strides = array<i32>} : memref<64x256xf32, #tpu.memory_space<vmem>>, vector<16xf32>,
        tpu.vector_store %arg7[%swap3A_885, %swap3A_886], %gather3A_830 {strides = array<i32>} : memref<64x256xf32, #tpu.memory_space<vmem>>, vector<16xf32>,
        %swap3A_888 = arith.index_cast %scan3A_751 : i32 to index
        %swap3A_889 = arith.constant 208 : index
        %swap3A_890 = tpu.vector_load %arg7[%swap3A_888, %swap3A_889] {strides = array<i32>} : memref<64x256xf32, #tpu.memory_space<vmem>>, vector<16xf32>,
        tpu.vector_store %arg7[%swap3A_888, %swap3A_889], %gather3A_836 {strides = array<i32>} : memref<64x256xf32, #tpu.memory_space<vmem>>, vector<16xf32>,
        %swap3A_891 = arith.index_cast %scan3A_751 : i32 to index
        %swap3A_892 = arith.constant 224 : index
        %swap3A_893 = tpu.vector_load %arg7[%swap3A_891, %swap3A_892] {strides = array<i32>} : memref<64x256xf32, #tpu.memory_space<vmem>>, vector<16xf32>,
        tpu.vector_store %arg7[%swap3A_891, %swap3A_892], %gather3A_842 {strides = array<i32>} : memref<64x256xf32, #tpu.memory_space<vmem>>, vector<16xf32>,
        %swap3A_894 = arith.index_cast %scan3A_751 : i32 to index
        %swap3A_895 = arith.constant 240 : index
        %swap3A_896 = tpu.vector_load %arg7[%swap3A_894, %swap3A_895] {strides = array<i32>} : memref<64x256xf32, #tpu.memory_space<vmem>>, vector<16xf32>,
        tpu.vector_store %arg7[%swap3A_894, %swap3A_895], %gather3A_848 {strides = array<i32>} : memref<64x256xf32, #tpu.memory_space<vmem>>, vector<16xf32>,
        %scan3A_897 = arith.constant 3 : i32
        %scan3A_898 = arith.addi %scan3A_460, %scan3A_897 : i32
        %add3A_899 = arith.addi %mul3A_360, %scan3A_898 : i32
        %add3A_900 = vector.broadcast %add3A_899 : i32 to vector<16xi32>
        %add3A_901 = arith.addi %get3A_180, %add3A_900 : vector<16xi32>
        %and3A_902 = arith.constant 255 : i32
        %and3A_903 = vector.broadcast %and3A_902 : i32 to vector<16xi32>
        %and3A_904 = arith.andi %add3A_901, %and3A_903 : vector<16xi32>
        %gather3A_905 = tpu.vector_load_idx %arg6[%and3A_904, %add3A_214] : memref<256x256xf32, #tpu.memory_space<vmem>>[vector<16xi32>, vector<16xi32>], vector<16xf32>,
        %add3A_906 = vector.broadcast %add3A_899 : i32 to vector<16xi32>
        %add3A_907 = arith.addi %get3A_182, %add3A_906 : vector<16xi32>
        %and3A_908 = arith.constant 255 : i32
        %and3A_909 = vector.broadcast %and3A_908 : i32 to vector<16xi32>
        %and3A_910 = arith.andi %add3A_907, %and3A_909 : vector<16xi32>
        %gather3A_911 = tpu.vector_load_idx %arg6[%and3A_910, %add3A_218] : memref<256x256xf32, #tpu.memory_space<vmem>>[vector<16xi32>, vector<16xi32>], vector<16xf32>,
        %add3A_912 = vector.broadcast %add3A_899 : i32 to vector<16xi32>
        %add3A_913 = arith.addi %get3A_184, %add3A_912 : vector<16xi32>
        %and3A_914 = arith.constant 255 : i32
        %and3A_915 = vector.broadcast %and3A_914 : i32 to vector<16xi32>
        %and3A_916 = arith.andi %add3A_913, %and3A_915 : vector<16xi32>
        %gather3A_917 = tpu.vector_load_idx %arg6[%and3A_916, %add3A_222] : memref<256x256xf32, #tpu.memory_space<vmem>>[vector<16xi32>, vector<16xi32>], vector<16xf32>,
        %add3A_918 = vector.broadcast %add3A_899 : i32 to vector<16xi32>
        %add3A_919 = arith.addi %get3A_186, %add3A_918 : vector<16xi32>
        %and3A_920 = arith.constant 255 : i32
        %and3A_921 = vector.broadcast %and3A_920 : i32 to vector<16xi32>
        %and3A_922 = arith.andi %add3A_919, %and3A_921 : vector<16xi32>
        %gather3A_923 = tpu.vector_load_idx %arg6[%and3A_922, %add3A_226] : memref<256x256xf32, #tpu.memory_space<vmem>>[vector<16xi32>, vector<16xi32>], vector<16xf32>,
        %add3A_924 = vector.broadcast %add3A_899 : i32 to vector<16xi32>
        %add3A_925 = arith.addi %get3A_188, %add3A_924 : vector<16xi32>
        %and3A_926 = arith.constant 255 : i32
        %and3A_927 = vector.broadcast %and3A_926 : i32 to vector<16xi32>
        %and3A_928 = arith.andi %add3A_925, %and3A_927 : vector<16xi32>
        %gather3A_929 = tpu.vector_load_idx %arg6[%and3A_928, %add3A_230] : memref<256x256xf32, #tpu.memory_space<vmem>>[vector<16xi32>, vector<16xi32>], vector<16xf32>,
        %add3A_930 = vector.broadcast %add3A_899 : i32 to vector<16xi32>
        %add3A_931 = arith.addi %get3A_190, %add3A_930 : vector<16xi32>
        %and3A_932 = arith.constant 255 : i32
        %and3A_933 = vector.broadcast %and3A_932 : i32 to vector<16xi32>
        %and3A_934 = arith.andi %add3A_931, %and3A_933 : vector<16xi32>
        %gather3A_935 = tpu.vector_load_idx %arg6[%and3A_934, %add3A_234] : memref<256x256xf32, #tpu.memory_space<vmem>>[vector<16xi32>, vector<16xi32>], vector<16xf32>,
        %add3A_936 = vector.broadcast %add3A_899 : i32 to vector<16xi32>
        %add3A_937 = arith.addi %get3A_192, %add3A_936 : vector<16xi32>
        %and3A_938 = arith.constant 255 : i32
        %and3A_939 = vector.broadcast %and3A_938 : i32 to vector<16xi32>
        %and3A_940 = arith.andi %add3A_937, %and3A_939 : vector<16xi32>
        %gather3A_941 = tpu.vector_load_idx %arg6[%and3A_940, %add3A_238] : memref<256x256xf32, #tpu.memory_space<vmem>>[vector<16xi32>, vector<16xi32>], vector<16xf32>,
        %add3A_942 = vector.broadcast %add3A_899 : i32 to vector<16xi32>
        %add3A_943 = arith.addi %get3A_194, %add3A_942 : vector<16xi32>
        %and3A_944 = arith.constant 255 : i32
        %and3A_945 = vector.broadcast %and3A_944 : i32 to vector<16xi32>
        %and3A_946 = arith.andi %add3A_943, %and3A_945 : vector<16xi32>
        %gather3A_947 = tpu.vector_load_idx %arg6[%and3A_946, %add3A_242] : memref<256x256xf32, #tpu.memory_space<vmem>>[vector<16xi32>, vector<16xi32>], vector<16xf32>,
        %add3A_948 = vector.broadcast %add3A_899 : i32 to vector<16xi32>
        %add3A_949 = arith.addi %get3A_196, %add3A_948 : vector<16xi32>
        %and3A_950 = arith.constant 255 : i32
        %and3A_951 = vector.broadcast %and3A_950 : i32 to vector<16xi32>
        %and3A_952 = arith.andi %add3A_949, %and3A_951 : vector<16xi32>
        %gather3A_953 = tpu.vector_load_idx %arg6[%and3A_952, %add3A_246] : memref<256x256xf32, #tpu.memory_space<vmem>>[vector<16xi32>, vector<16xi32>], vector<16xf32>,
        %add3A_954 = vector.broadcast %add3A_899 : i32 to vector<16xi32>
        %add3A_955 = arith.addi %get3A_198, %add3A_954 : vector<16xi32>
        %and3A_956 = arith.constant 255 : i32
        %and3A_957 = vector.broadcast %and3A_956 : i32 to vector<16xi32>
        %and3A_958 = arith.andi %add3A_955, %and3A_957 : vector<16xi32>
        %gather3A_959 = tpu.vector_load_idx %arg6[%and3A_958, %add3A_250] : memref<256x256xf32, #tpu.memory_space<vmem>>[vector<16xi32>, vector<16xi32>], vector<16xf32>,
        %add3A_960 = vector.broadcast %add3A_899 : i32 to vector<16xi32>
        %add3A_961 = arith.addi %get3A_200, %add3A_960 : vector<16xi32>
        %and3A_962 = arith.constant 255 : i32
        %and3A_963 = vector.broadcast %and3A_962 : i32 to vector<16xi32>
        %and3A_964 = arith.andi %add3A_961, %and3A_963 : vector<16xi32>
        %gather3A_965 = tpu.vector_load_idx %arg6[%and3A_964, %add3A_254] : memref<256x256xf32, #tpu.memory_space<vmem>>[vector<16xi32>, vector<16xi32>], vector<16xf32>,
        %add3A_966 = vector.broadcast %add3A_899 : i32 to vector<16xi32>
        %add3A_967 = arith.addi %get3A_202, %add3A_966 : vector<16xi32>
        %and3A_968 = arith.constant 255 : i32
        %and3A_969 = vector.broadcast %and3A_968 : i32 to vector<16xi32>
        %and3A_970 = arith.andi %add3A_967, %and3A_969 : vector<16xi32>
        %gather3A_971 = tpu.vector_load_idx %arg6[%and3A_970, %add3A_258] : memref<256x256xf32, #tpu.memory_space<vmem>>[vector<16xi32>, vector<16xi32>], vector<16xf32>,
        %add3A_972 = vector.broadcast %add3A_899 : i32 to vector<16xi32>
        %add3A_973 = arith.addi %get3A_204, %add3A_972 : vector<16xi32>
        %and3A_974 = arith.constant 255 : i32
        %and3A_975 = vector.broadcast %and3A_974 : i32 to vector<16xi32>
        %and3A_976 = arith.andi %add3A_973, %and3A_975 : vector<16xi32>
        %gather3A_977 = tpu.vector_load_idx %arg6[%and3A_976, %add3A_262] : memref<256x256xf32, #tpu.memory_space<vmem>>[vector<16xi32>, vector<16xi32>], vector<16xf32>,
        %add3A_978 = vector.broadcast %add3A_899 : i32 to vector<16xi32>
        %add3A_979 = arith.addi %get3A_206, %add3A_978 : vector<16xi32>
        %and3A_980 = arith.constant 255 : i32
        %and3A_981 = vector.broadcast %and3A_980 : i32 to vector<16xi32>
        %and3A_982 = arith.andi %add3A_979, %and3A_981 : vector<16xi32>
        %gather3A_983 = tpu.vector_load_idx %arg6[%and3A_982, %add3A_266] : memref<256x256xf32, #tpu.memory_space<vmem>>[vector<16xi32>, vector<16xi32>], vector<16xf32>,
        %add3A_984 = vector.broadcast %add3A_899 : i32 to vector<16xi32>
        %add3A_985 = arith.addi %get3A_208, %add3A_984 : vector<16xi32>
        %and3A_986 = arith.constant 255 : i32
        %and3A_987 = vector.broadcast %and3A_986 : i32 to vector<16xi32>
        %and3A_988 = arith.andi %add3A_985, %and3A_987 : vector<16xi32>
        %gather3A_989 = tpu.vector_load_idx %arg6[%and3A_988, %add3A_270] : memref<256x256xf32, #tpu.memory_space<vmem>>[vector<16xi32>, vector<16xi32>], vector<16xf32>,
        %add3A_990 = vector.broadcast %add3A_899 : i32 to vector<16xi32>
        %add3A_991 = arith.addi %get3A_210, %add3A_990 : vector<16xi32>
        %and3A_992 = arith.constant 255 : i32
        %and3A_993 = vector.broadcast %and3A_992 : i32 to vector<16xi32>
        %and3A_994 = arith.andi %add3A_991, %and3A_993 : vector<16xi32>
        %gather3A_995 = tpu.vector_load_idx %arg6[%and3A_994, %add3A_274] : memref<256x256xf32, #tpu.memory_space<vmem>>[vector<16xi32>, vector<16xi32>], vector<16xf32>,
        %swap3A_996 = arith.index_cast %scan3A_898 : i32 to index
        %swap3A_997 = arith.constant 0 : index
        %swap3A_998 = tpu.vector_load %arg7[%swap3A_996, %swap3A_997] {strides = array<i32>} : memref<64x256xf32, #tpu.memory_space<vmem>>, vector<16xf32>,
        tpu.vector_store %arg7[%swap3A_996, %swap3A_997], %gather3A_905 {strides = array<i32>} : memref<64x256xf32, #tpu.memory_space<vmem>>, vector<16xf32>,
        %swap3A_999 = arith.index_cast %scan3A_898 : i32 to index
        %swap3A_1000 = arith.constant 16 : index
        %swap3A_1001 = tpu.vector_load %arg7[%swap3A_999, %swap3A_1000] {strides = array<i32>} : memref<64x256xf32, #tpu.memory_space<vmem>>, vector<16xf32>,
        tpu.vector_store %arg7[%swap3A_999, %swap3A_1000], %gather3A_911 {strides = array<i32>} : memref<64x256xf32, #tpu.memory_space<vmem>>, vector<16xf32>,
        %swap3A_1002 = arith.index_cast %scan3A_898 : i32 to index
        %swap3A_1003 = arith.constant 32 : index
        %swap3A_1004 = tpu.vector_load %arg7[%swap3A_1002, %swap3A_1003] {strides = array<i32>} : memref<64x256xf32, #tpu.memory_space<vmem>>, vector<16xf32>,
        tpu.vector_store %arg7[%swap3A_1002, %swap3A_1003], %gather3A_917 {strides = array<i32>} : memref<64x256xf32, #tpu.memory_space<vmem>>, vector<16xf32>,
        %swap3A_1005 = arith.index_cast %scan3A_898 : i32 to index
        %swap3A_1006 = arith.constant 48 : index
        %swap3A_1007 = tpu.vector_load %arg7[%swap3A_1005, %swap3A_1006] {strides = array<i32>} : memref<64x256xf32, #tpu.memory_space<vmem>>, vector<16xf32>,
        tpu.vector_store %arg7[%swap3A_1005, %swap3A_1006], %gather3A_923 {strides = array<i32>} : memref<64x256xf32, #tpu.memory_space<vmem>>, vector<16xf32>,
        %swap3A_1008 = arith.index_cast %scan3A_898 : i32 to index
        %swap3A_1009 = arith.constant 64 : index
        %swap3A_1010 = tpu.vector_load %arg7[%swap3A_1008, %swap3A_1009] {strides = array<i32>} : memref<64x256xf32, #tpu.memory_space<vmem>>, vector<16xf32>,
        tpu.vector_store %arg7[%swap3A_1008, %swap3A_1009], %gather3A_929 {strides = array<i32>} : memref<64x256xf32, #tpu.memory_space<vmem>>, vector<16xf32>,
        %swap3A_1011 = arith.index_cast %scan3A_898 : i32 to index
        %swap3A_1012 = arith.constant 80 : index
        %swap3A_1013 = tpu.vector_load %arg7[%swap3A_1011, %swap3A_1012] {strides = array<i32>} : memref<64x256xf32, #tpu.memory_space<vmem>>, vector<16xf32>,
        tpu.vector_store %arg7[%swap3A_1011, %swap3A_1012], %gather3A_935 {strides = array<i32>} : memref<64x256xf32, #tpu.memory_space<vmem>>, vector<16xf32>,
        %swap3A_1014 = arith.index_cast %scan3A_898 : i32 to index
        %swap3A_1015 = arith.constant 96 : index
        %swap3A_1016 = tpu.vector_load %arg7[%swap3A_1014, %swap3A_1015] {strides = array<i32>} : memref<64x256xf32, #tpu.memory_space<vmem>>, vector<16xf32>,
        tpu.vector_store %arg7[%swap3A_1014, %swap3A_1015], %gather3A_941 {strides = array<i32>} : memref<64x256xf32, #tpu.memory_space<vmem>>, vector<16xf32>,
        %swap3A_1017 = arith.index_cast %scan3A_898 : i32 to index
        %swap3A_1018 = arith.constant 112 : index
        %swap3A_1019 = tpu.vector_load %arg7[%swap3A_1017, %swap3A_1018] {strides = array<i32>} : memref<64x256xf32, #tpu.memory_space<vmem>>, vector<16xf32>,
        tpu.vector_store %arg7[%swap3A_1017, %swap3A_1018], %gather3A_947 {strides = array<i32>} : memref<64x256xf32, #tpu.memory_space<vmem>>, vector<16xf32>,
        %swap3A_1020 = arith.index_cast %scan3A_898 : i32 to index
        %swap3A_1021 = arith.constant 128 : index
        %swap3A_1022 = tpu.vector_load %arg7[%swap3A_1020, %swap3A_1021] {strides = array<i32>} : memref<64x256xf32, #tpu.memory_space<vmem>>, vector<16xf32>,
        tpu.vector_store %arg7[%swap3A_1020, %swap3A_1021], %gather3A_953 {strides = array<i32>} : memref<64x256xf32, #tpu.memory_space<vmem>>, vector<16xf32>,
        %swap3A_1023 = arith.index_cast %scan3A_898 : i32 to index
        %swap3A_1024 = arith.constant 144 : index
        %swap3A_1025 = tpu.vector_load %arg7[%swap3A_1023, %swap3A_1024] {strides = array<i32>} : memref<64x256xf32, #tpu.memory_space<vmem>>, vector<16xf32>,
        tpu.vector_store %arg7[%swap3A_1023, %swap3A_1024], %gather3A_959 {strides = array<i32>} : memref<64x256xf32, #tpu.memory_space<vmem>>, vector<16xf32>,
        %swap3A_1026 = arith.index_cast %scan3A_898 : i32 to index
        %swap3A_1027 = arith.constant 160 : index
        %swap3A_1028 = tpu.vector_load %arg7[%swap3A_1026, %swap3A_1027] {strides = array<i32>} : memref<64x256xf32, #tpu.memory_space<vmem>>, vector<16xf32>,
        tpu.vector_store %arg7[%swap3A_1026, %swap3A_1027], %gather3A_965 {strides = array<i32>} : memref<64x256xf32, #tpu.memory_space<vmem>>, vector<16xf32>,
        %swap3A_1029 = arith.index_cast %scan3A_898 : i32 to index
        %swap3A_1030 = arith.constant 176 : index
        %swap3A_1031 = tpu.vector_load %arg7[%swap3A_1029, %swap3A_1030] {strides = array<i32>} : memref<64x256xf32, #tpu.memory_space<vmem>>, vector<16xf32>,
        tpu.vector_store %arg7[%swap3A_1029, %swap3A_1030], %gather3A_971 {strides = array<i32>} : memref<64x256xf32, #tpu.memory_space<vmem>>, vector<16xf32>,
        %swap3A_1032 = arith.index_cast %scan3A_898 : i32 to index
        %swap3A_1033 = arith.constant 192 : index
        %swap3A_1034 = tpu.vector_load %arg7[%swap3A_1032, %swap3A_1033] {strides = array<i32>} : memref<64x256xf32, #tpu.memory_space<vmem>>, vector<16xf32>,
        tpu.vector_store %arg7[%swap3A_1032, %swap3A_1033], %gather3A_977 {strides = array<i32>} : memref<64x256xf32, #tpu.memory_space<vmem>>, vector<16xf32>,
        %swap3A_1035 = arith.index_cast %scan3A_898 : i32 to index
        %swap3A_1036 = arith.constant 208 : index
        %swap3A_1037 = tpu.vector_load %arg7[%swap3A_1035, %swap3A_1036] {strides = array<i32>} : memref<64x256xf32, #tpu.memory_space<vmem>>, vector<16xf32>,
        tpu.vector_store %arg7[%swap3A_1035, %swap3A_1036], %gather3A_983 {strides = array<i32>} : memref<64x256xf32, #tpu.memory_space<vmem>>, vector<16xf32>,
        %swap3A_1038 = arith.index_cast %scan3A_898 : i32 to index
        %swap3A_1039 = arith.constant 224 : index
        %swap3A_1040 = tpu.vector_load %arg7[%swap3A_1038, %swap3A_1039] {strides = array<i32>} : memref<64x256xf32, #tpu.memory_space<vmem>>, vector<16xf32>,
        tpu.vector_store %arg7[%swap3A_1038, %swap3A_1039], %gather3A_989 {strides = array<i32>} : memref<64x256xf32, #tpu.memory_space<vmem>>, vector<16xf32>,
        %swap3A_1041 = arith.index_cast %scan3A_898 : i32 to index
        %swap3A_1042 = arith.constant 240 : index
        %swap3A_1043 = tpu.vector_load %arg7[%swap3A_1041, %swap3A_1042] {strides = array<i32>} : memref<64x256xf32, #tpu.memory_space<vmem>>, vector<16xf32>,
        tpu.vector_store %arg7[%swap3A_1041, %swap3A_1042], %gather3A_995 {strides = array<i32>} : memref<64x256xf32, #tpu.memory_space<vmem>>, vector<16xf32>,
      }
      %scan3A_395 = arith.constant 64 : i32
      %dma_start3A_396 = arith.constant 0 : i32
      %dma_start3A_397 = arith.constant 0 : i32
      %dma_start3A_398 = tpu.memref_slice %arg4[%add3A_178, %mul3A_360, %dma_start3A_397] : memref<64x2048x256xf32, #tpu.memory_space<hbm>> -> memref<1x64x256xf32, #tpu.memory_space<hbm>>
      %dma_start3A_399 = tpu.memref_squeeze %dma_start3A_398 : memref<1x64x256xf32, #tpu.memory_space<hbm>> -> memref<64x256xf32, #tpu.memory_space<hbm>>
      %dma_start3A_400 = tpu.memref_slice %arg10[%dma_start3A_396] : memref<2x!tpu.dma_semaphore, #tpu.memory_space<semaphore_mem>> -> memref<1x!tpu.dma_semaphore, #tpu.memory_space<semaphore_mem>>
      %dma_start3A_401 = tpu.memref_squeeze %dma_start3A_400 : memref<1x!tpu.dma_semaphore, #tpu.memory_space<semaphore_mem>> -> memref<!tpu.dma_semaphore, #tpu.memory_space<semaphore_mem>>
      %dma_start3A_402 = arith.constant 0 : i32
      %dma_start3A_403 = tpu.memref_slice %arg4[%add3A_178, %mul3A_360, %dma_start3A_402] : memref<64x2048x256xf32, #tpu.memory_space<hbm>> -> memref<1x64x256xf32, #tpu.memory_space<hbm>>
      %dma_start3A_404 = tpu.memref_squeeze %dma_start3A_403 : memref<1x64x256xf32, #tpu.memory_space<hbm>> -> memref<64x256xf32, #tpu.memory_space<hbm>>
      tpu.enqueue_dma source(%arg7 : memref<64x256xf32, #tpu.memory_space<vmem>>) target(%dma_start3A_404 : memref<64x256xf32, #tpu.memory_space<hbm>>) target_semaphore(%dma_start3A_401 : memref<!tpu.dma_semaphore, #tpu.memory_space<semaphore_mem>>)
      %mul3A_405 = arith.constant 2 : i32
      %mul3A_406 = arith.muli %scan3A_354, %mul3A_405 : i32
      %add3A_407 = arith.constant 1 : i32
      %add3A_408 = arith.addi %mul3A_406, %add3A_407 : i32
      %mul3A_409 = arith.constant 64 : i32
      %mul3A_410 = arith.muli %add3A_408, %mul3A_409 : i32
      %eq3A_411 = arith.constant 0 : i32
      %eq3A_412 = arith.cmpi eq, %add3A_408, %eq3A_411 : i32
      %convert_element_type3A_413 = arith.extui %eq3A_412 : i1 to i32
      %cond3A_414 = arith.constant 0 : i32
      %cond3A_415 = arith.cmpi ne, %convert_element_type3A_413, %cond3A_414 : i32
      scf.if %cond3A_415 {
        %dma_wait3A_460 = arith.constant 1 : i32
        %dma_wait3A_461 = arith.constant 0 : i32
        %dma_wait3A_462 = arith.constant 0 : i32
        %dma_wait3A_463 = tpu.memref_slice %arg6[%dma_wait3A_461, %dma_wait3A_462] : memref<256x256xf32, #tpu.memory_space<vmem>> -> memref<8x256xf32, #tpu.memory_space<vmem>>
        %dma_wait3A_464 = arith.constant 0 : i32
        %dma_wait3A_465 = arith.constant 0 : i32
        %dma_wait3A_466 = tpu.memref_slice %arg2[%add3A_178, %dma_wait3A_464, %dma_wait3A_465] : memref<64x2048x256xf32, #tpu.memory_space<hbm>> -> memref<1x8x256xf32, #tpu.memory_space<hbm>>
        %dma_wait3A_467 = tpu.memref_squeeze %dma_wait3A_466 : memref<1x8x256xf32, #tpu.memory_space<hbm>> -> memref<8x256xf32, #tpu.memory_space<hbm>>
        %dma_wait3A_468 = tpu.memref_slice %arg9[%dma_wait3A_460] : memref<2x!tpu.dma_semaphore, #tpu.memory_space<semaphore_mem>> -> memref<1x!tpu.dma_semaphore, #tpu.memory_space<semaphore_mem>>
        %dma_wait3A_469 = tpu.memref_squeeze %dma_wait3A_468 : memref<1x!tpu.dma_semaphore, #tpu.memory_space<semaphore_mem>> -> memref<!tpu.dma_semaphore, #tpu.memory_space<semaphore_mem>>
        %dma_wait3A_470 = arith.constant 0 : i32
        %dma_wait3A_471 = arith.constant 0 : i32
        %dma_wait3A_472 = tpu.memref_slice %arg6[%dma_wait3A_470, %dma_wait3A_471] : memref<256x256xf32, #tpu.memory_space<vmem>> -> memref<8x256xf32, #tpu.memory_space<vmem>>
        %dma_wait3A_473 = arith.constant 0 : i32
        %dma_wait3A_474 = arith.constant 0 : i32
        %dma_wait3A_475 = tpu.memref_slice %arg2[%add3A_178, %dma_wait3A_473, %dma_wait3A_474] : memref<64x2048x256xf32, #tpu.memory_space<hbm>> -> memref<1x8x256xf32, #tpu.memory_space<hbm>>
        %dma_wait3A_476 = tpu.memref_squeeze %dma_wait3A_475 : memref<1x8x256xf32, #tpu.memory_space<hbm>> -> memref<8x256xf32, #tpu.memory_space<hbm>>
        tpu.wait_dma2 semaphore(%dma_wait3A_469 : memref<!tpu.dma_semaphore, #tpu.memory_space<semaphore_mem>>) src(%dma_wait3A_476 : memref<8x256xf32, #tpu.memory_space<hbm>>) dst(%dma_wait3A_472 : memref<8x256xf32, #tpu.memory_space<vmem>>)
        %dma_wait3A_477 = arith.constant 0 : i32
        %dma_wait3A_478 = arith.constant 0 : i32
        %dma_wait3A_479 = arith.constant 0 : i32
        %dma_wait3A_480 = tpu.memref_slice %arg6[%dma_wait3A_478, %dma_wait3A_479] : memref<256x256xf32, #tpu.memory_space<vmem>> -> memref<64x256xf32, #tpu.memory_space<vmem>>
        %dma_wait3A_481 = arith.constant 0 : i32
        %dma_wait3A_482 = arith.constant 0 : i32
        %dma_wait3A_483 = tpu.memref_slice %arg2[%add3A_178, %dma_wait3A_481, %dma_wait3A_482] : memref<64x2048x256xf32, #tpu.memory_space<hbm>> -> memref<1x64x256xf32, #tpu.memory_space<hbm>>
        %dma_wait3A_484 = tpu.memref_squeeze %dma_wait3A_483 : memref<1x64x256xf32, #tpu.memory_space<hbm>> -> memref<64x256xf32, #tpu.memory_space<hbm>>
        %dma_wait3A_485 = tpu.memref_slice %arg9[%dma_wait3A_477] : memref<2x!tpu.dma_semaphore, #tpu.memory_space<semaphore_mem>> -> memref<1x!tpu.dma_semaphore, #tpu.memory_space<semaphore_mem>>
        %dma_wait3A_486 = tpu.memref_squeeze %dma_wait3A_485 : memref<1x!tpu.dma_semaphore, #tpu.memory_space<semaphore_mem>> -> memref<!tpu.dma_semaphore, #tpu.memory_space<semaphore_mem>>
        %dma_wait3A_487 = arith.constant 0 : i32
        %dma_wait3A_488 = arith.constant 0 : i32
        %dma_wait3A_489 = tpu.memref_slice %arg6[%dma_wait3A_487, %dma_wait3A_488] : memref<256x256xf32, #tpu.memory_space<vmem>> -> memref<64x256xf32, #tpu.memory_space<vmem>>
        %dma_wait3A_490 = arith.constant 0 : i32
        %dma_wait3A_491 = arith.constant 0 : i32
        %dma_wait3A_492 = tpu.memref_slice %arg2[%add3A_178, %dma_wait3A_490, %dma_wait3A_491] : memref<64x2048x256xf32, #tpu.memory_space<hbm>> -> memref<1x64x256xf32, #tpu.memory_space<hbm>>
        %dma_wait3A_493 = tpu.memref_squeeze %dma_wait3A_492 : memref<1x64x256xf32, #tpu.memory_space<hbm>> -> memref<64x256xf32, #tpu.memory_space<hbm>>
        tpu.wait_dma2 semaphore(%dma_wait3A_486 : memref<!tpu.dma_semaphore, #tpu.memory_space<semaphore_mem>>) src(%dma_wait3A_493 : memref<64x256xf32, #tpu.memory_space<hbm>>) dst(%dma_wait3A_489 : memref<64x256xf32, #tpu.memory_space<vmem>>)
      } else {
      }
      %lt3A_416 = arith.constant 31 : i32
      %lt3A_417 = arith.cmpi slt, %add3A_408, %lt3A_416 : i32
      %convert_element_type3A_418 = arith.extui %lt3A_417 : i1 to i32
      %cond3A_419 = arith.constant 0 : i32
      %cond3A_420 = arith.cmpi ne, %convert_element_type3A_418, %cond3A_419 : i32
      scf.if %cond3A_420 {
        %add3A_460 = arith.constant 1 : i32
        %add3A_461 = arith.addi %add3A_408, %add3A_460 : i32
        %jit3A = arith.constant 2 : i32
        %eq3A_462 = arith.constant 0 : i32
        %eq3A_463 = arith.cmpi eq, %jit3A, %eq3A_462 : i32
        %jit3A_464 = arith.constant 1 : i32
        %select_n3A = arith.select %eq3A_463, %jit3A_464, %jit3A : i32
        %rem3A = arith.remsi %add3A_461, %select_n3A : i32
        %ne3A = arith.constant 0 : i32
        %ne3A_465 = arith.cmpi ne, %rem3A, %ne3A : i32
        %lt3A_466 = arith.constant 0 : i32
        %lt3A_467 = arith.cmpi slt, %rem3A, %lt3A_466 : i32
        %lt3A_468 = arith.constant 0 : i32
        %lt3A_469 = arith.cmpi slt, %select_n3A, %lt3A_468 : i32
        %ne3A_470 = arith.xori %lt3A_467, %lt3A_469 : i1
        %and3A = arith.andi %ne3A_470, %ne3A_465 : i1
        %add3A_471 = arith.addi %rem3A, %select_n3A : i32
        %select_n3A_472 = arith.select %and3A, %add3A_471, %rem3A : i32
        %dma_wait3A_473 = arith.constant 0 : i32
        %dma_wait3A_474 = arith.constant 0 : i32
        %dma_wait3A_475 = tpu.memref_slice %arg6[%dma_wait3A_473, %dma_wait3A_474] : memref<256x256xf32, #tpu.memory_space<vmem>> -> memref<64x256xf32, #tpu.memory_space<vmem>>
        %dma_wait3A_476 = arith.constant 0 : i32
        %dma_wait3A_477 = arith.constant 0 : i32
        %dma_wait3A_478 = tpu.memref_slice %arg2[%add3A_178, %dma_wait3A_476, %dma_wait3A_477] : memref<64x2048x256xf32, #tpu.memory_space<hbm>> -> memref<1x64x256xf32, #tpu.memory_space<hbm>>
        %dma_wait3A_479 = tpu.memref_squeeze %dma_wait3A_478 : memref<1x64x256xf32, #tpu.memory_space<hbm>> -> memref<64x256xf32, #tpu.memory_space<hbm>>
        %dma_wait3A_480 = tpu.memref_slice %arg9[%select_n3A_472] : memref<2x!tpu.dma_semaphore, #tpu.memory_space<semaphore_mem>> -> memref<1x!tpu.dma_semaphore, #tpu.memory_space<semaphore_mem>>
        %dma_wait3A_481 = tpu.memref_squeeze %dma_wait3A_480 : memref<1x!tpu.dma_semaphore, #tpu.memory_space<semaphore_mem>> -> memref<!tpu.dma_semaphore, #tpu.memory_space<semaphore_mem>>
        %dma_wait3A_482 = arith.constant 0 : i32
        %dma_wait3A_483 = arith.constant 0 : i32
        %dma_wait3A_484 = tpu.memref_slice %arg6[%dma_wait3A_482, %dma_wait3A_483] : memref<256x256xf32, #tpu.memory_space<vmem>> -> memref<64x256xf32, #tpu.memory_space<vmem>>
        %dma_wait3A_485 = arith.constant 0 : i32
        %dma_wait3A_486 = arith.constant 0 : i32
        %dma_wait3A_487 = tpu.memref_slice %arg2[%add3A_178, %dma_wait3A_485, %dma_wait3A_486] : memref<64x2048x256xf32, #tpu.memory_space<hbm>> -> memref<1x64x256xf32, #tpu.memory_space<hbm>>
        %dma_wait3A_488 = tpu.memref_squeeze %dma_wait3A_487 : memref<1x64x256xf32, #tpu.memory_space<hbm>> -> memref<64x256xf32, #tpu.memory_space<hbm>>
        tpu.wait_dma2 semaphore(%dma_wait3A_481 : memref<!tpu.dma_semaphore, #tpu.memory_space<semaphore_mem>>) src(%dma_wait3A_488 : memref<64x256xf32, #tpu.memory_space<hbm>>) dst(%dma_wait3A_484 : memref<64x256xf32, #tpu.memory_space<vmem>>)
      } else {
      }
      %eq3A_421 = arith.constant 31 : i32
      %eq3A_422 = arith.cmpi eq, %add3A_408, %eq3A_421 : i32
      %convert_element_type3A_423 = arith.extui %eq3A_422 : i1 to i32
      %cond3A_424 = arith.constant 0 : i32
      %cond3A_425 = arith.cmpi ne, %convert_element_type3A_423, %cond3A_424 : i32
      scf.if %cond3A_425 {
        %add3A_460 = arith.constant 1 : i32
        %add3A_461 = arith.addi %add3A_408, %add3A_460 : i32
        %jit3A = arith.constant 2 : i32
        %eq3A_462 = arith.constant 0 : i32
        %eq3A_463 = arith.cmpi eq, %jit3A, %eq3A_462 : i32
        %jit3A_464 = arith.constant 1 : i32
        %select_n3A = arith.select %eq3A_463, %jit3A_464, %jit3A : i32
        %rem3A = arith.remsi %add3A_461, %select_n3A : i32
        %ne3A = arith.constant 0 : i32
        %ne3A_465 = arith.cmpi ne, %rem3A, %ne3A : i32
        %lt3A_466 = arith.constant 0 : i32
        %lt3A_467 = arith.cmpi slt, %rem3A, %lt3A_466 : i32
        %lt3A_468 = arith.constant 0 : i32
        %lt3A_469 = arith.cmpi slt, %select_n3A, %lt3A_468 : i32
        %ne3A_470 = arith.xori %lt3A_467, %lt3A_469 : i1
        %and3A = arith.andi %ne3A_470, %ne3A_465 : i1
        %add3A_471 = arith.addi %rem3A, %select_n3A : i32
        %select_n3A_472 = arith.select %and3A, %add3A_471, %rem3A : i32
        %dma_wait3A_473 = arith.constant 0 : i32
        %dma_wait3A_474 = arith.constant 0 : i32
        %dma_wait3A_475 = tpu.memref_slice %arg6[%dma_wait3A_473, %dma_wait3A_474] : memref<256x256xf32, #tpu.memory_space<vmem>> -> memref<8x256xf32, #tpu.memory_space<vmem>>
        %dma_wait3A_476 = arith.constant 0 : i32
        %dma_wait3A_477 = arith.constant 0 : i32
        %dma_wait3A_478 = tpu.memref_slice %arg2[%add3A_178, %dma_wait3A_476, %dma_wait3A_477] : memref<64x2048x256xf32, #tpu.memory_space<hbm>> -> memref<1x8x256xf32, #tpu.memory_space<hbm>>
        %dma_wait3A_479 = tpu.memref_squeeze %dma_wait3A_478 : memref<1x8x256xf32, #tpu.memory_space<hbm>> -> memref<8x256xf32, #tpu.memory_space<hbm>>
        %dma_wait3A_480 = tpu.memref_slice %arg9[%select_n3A_472] : memref<2x!tpu.dma_semaphore, #tpu.memory_space<semaphore_mem>> -> memref<1x!tpu.dma_semaphore, #tpu.memory_space<semaphore_mem>>
        %dma_wait3A_481 = tpu.memref_squeeze %dma_wait3A_480 : memref<1x!tpu.dma_semaphore, #tpu.memory_space<semaphore_mem>> -> memref<!tpu.dma_semaphore, #tpu.memory_space<semaphore_mem>>
        %dma_wait3A_482 = arith.constant 0 : i32
        %dma_wait3A_483 = arith.constant 0 : i32
        %dma_wait3A_484 = tpu.memref_slice %arg6[%dma_wait3A_482, %dma_wait3A_483] : memref<256x256xf32, #tpu.memory_space<vmem>> -> memref<8x256xf32, #tpu.memory_space<vmem>>
        %dma_wait3A_485 = arith.constant 0 : i32
        %dma_wait3A_486 = arith.constant 0 : i32
        %dma_wait3A_487 = tpu.memref_slice %arg2[%add3A_178, %dma_wait3A_485, %dma_wait3A_486] : memref<64x2048x256xf32, #tpu.memory_space<hbm>> -> memref<1x8x256xf32, #tpu.memory_space<hbm>>
        %dma_wait3A_488 = tpu.memref_squeeze %dma_wait3A_487 : memref<1x8x256xf32, #tpu.memory_space<hbm>> -> memref<8x256xf32, #tpu.memory_space<hbm>>
        tpu.wait_dma2 semaphore(%dma_wait3A_481 : memref<!tpu.dma_semaphore, #tpu.memory_space<semaphore_mem>>) src(%dma_wait3A_488 : memref<8x256xf32, #tpu.memory_space<hbm>>) dst(%dma_wait3A_484 : memref<8x256xf32, #tpu.memory_space<vmem>>)
      } else {
      }
      %add3A_426 = arith.constant 2 : i32
      %add3A_427 = arith.addi %add3A_408, %add3A_426 : i32
      %lt3A_428 = arith.constant 32 : i32
      %lt3A_429 = arith.cmpi slt, %add3A_427, %lt3A_428 : i32
      %convert_element_type3A_430 = arith.extui %lt3A_429 : i1 to i32
      %cond3A_431 = arith.constant 0 : i32
      %cond3A_432 = arith.cmpi ne, %convert_element_type3A_430, %cond3A_431 : i32
      scf.if %cond3A_432 {
        %add3A_460 = arith.constant 2 : i32
        %add3A_461 = arith.addi %add3A_408, %add3A_460 : i32
        %mul3A_462 = arith.constant 64 : i32
        %mul3A_463 = arith.muli %add3A_461, %mul3A_462 : i32
        %mul3A_464 = arith.constant 64 : i32
        %mul3A_465 = arith.muli %add3A_461, %mul3A_464 : i32
        %jit3A = arith.constant 256 : i32
        %eq3A_466 = arith.constant 0 : i32
        %eq3A_467 = arith.cmpi eq, %jit3A, %eq3A_466 : i32
        %jit3A_468 = arith.constant 1 : i32
        %select_n3A = arith.select %eq3A_467, %jit3A_468, %jit3A : i32
        %rem3A = arith.remsi %mul3A_465, %select_n3A : i32
        %ne3A = arith.constant 0 : i32
        %ne3A_469 = arith.cmpi ne, %rem3A, %ne3A : i32
        %lt3A_470 = arith.constant 0 : i32
        %lt3A_471 = arith.cmpi slt, %rem3A, %lt3A_470 : i32
        %lt3A_472 = arith.constant 0 : i32
        %lt3A_473 = arith.cmpi slt, %select_n3A, %lt3A_472 : i32
        %ne3A_474 = arith.xori %lt3A_471, %lt3A_473 : i1
        %and3A = arith.andi %ne3A_474, %ne3A_469 : i1
        %add3A_475 = arith.addi %rem3A, %select_n3A : i32
        %select_n3A_476 = arith.select %and3A, %add3A_475, %rem3A : i32
        %jit3A_477 = arith.constant 2 : i32
        %eq3A_478 = arith.constant 0 : i32
        %eq3A_479 = arith.cmpi eq, %jit3A_477, %eq3A_478 : i32
        %jit3A_480 = arith.constant 1 : i32
        %select_n3A_481 = arith.select %eq3A_479, %jit3A_480, %jit3A_477 : i32
        %rem3A_482 = arith.remsi %add3A_461, %select_n3A_481 : i32
        %ne3A_483 = arith.constant 0 : i32
        %ne3A_484 = arith.cmpi ne, %rem3A_482, %ne3A_483 : i32
        %lt3A_485 = arith.constant 0 : i32
        %lt3A_486 = arith.cmpi slt, %rem3A_482, %lt3A_485 : i32
        %lt3A_487 = arith.constant 0 : i32
        %lt3A_488 = arith.cmpi slt, %select_n3A_481, %lt3A_487 : i32
        %ne3A_489 = arith.xori %lt3A_486, %lt3A_488 : i1
        %and3A_490 = arith.andi %ne3A_489, %ne3A_484 : i1
        %add3A_491 = arith.addi %rem3A_482, %select_n3A_481 : i32
        %select_n3A_492 = arith.select %and3A_490, %add3A_491, %rem3A_482 : i32
        %dma_start3A_493 = arith.constant 0 : i32
        %dma_start3A_494 = tpu.memref_slice %arg6[%select_n3A_476, %dma_start3A_493] : memref<256x256xf32, #tpu.memory_space<vmem>> -> memref<64x256xf32, #tpu.memory_space<vmem>>
        %dma_start3A_495 = arith.constant 0 : i32
        %dma_start3A_496 = tpu.memref_slice %arg2[%add3A_178, %mul3A_463, %dma_start3A_495] : memref<64x2048x256xf32, #tpu.memory_space<hbm>> -> memref<1x64x256xf32, #tpu.memory_space<hbm>>
        %dma_start3A_497 = tpu.memref_squeeze %dma_start3A_496 : memref<1x64x256xf32, #tpu.memory_space<hbm>> -> memref<64x256xf32, #tpu.memory_space<hbm>>
        %dma_start3A_498 = tpu.memref_slice %arg9[%select_n3A_492] : memref<2x!tpu.dma_semaphore, #tpu.memory_space<semaphore_mem>> -> memref<1x!tpu.dma_semaphore, #tpu.memory_space<semaphore_mem>>
        %dma_start3A_499 = tpu.memref_squeeze %dma_start3A_498 : memref<1x!tpu.dma_semaphore, #tpu.memory_space<semaphore_mem>> -> memref<!tpu.dma_semaphore, #tpu.memory_space<semaphore_mem>>
        %dma_start3A_500 = arith.constant 0 : i32
        %dma_start3A_501 = tpu.memref_slice %arg6[%select_n3A_476, %dma_start3A_500] : memref<256x256xf32, #tpu.memory_space<vmem>> -> memref<64x256xf32, #tpu.memory_space<vmem>>
        %dma_start3A_502 = arith.constant 0 : i32
        %dma_start3A_503 = tpu.memref_slice %arg2[%add3A_178, %mul3A_463, %dma_start3A_502] : memref<64x2048x256xf32, #tpu.memory_space<hbm>> -> memref<1x64x256xf32, #tpu.memory_space<hbm>>
        %dma_start3A_504 = tpu.memref_squeeze %dma_start3A_503 : memref<1x64x256xf32, #tpu.memory_space<hbm>> -> memref<64x256xf32, #tpu.memory_space<hbm>>
        tpu.enqueue_dma source(%dma_start3A_504 : memref<64x256xf32, #tpu.memory_space<hbm>>) target(%dma_start3A_501 : memref<64x256xf32, #tpu.memory_space<vmem>>) target_semaphore(%dma_start3A_499 : memref<!tpu.dma_semaphore, #tpu.memory_space<semaphore_mem>>)
      } else {
      }
      %add3A_433 = arith.constant 2 : i32
      %add3A_434 = arith.addi %add3A_408, %add3A_433 : i32
      %eq3A_435 = arith.constant 32 : i32
      %eq3A_436 = arith.cmpi eq, %add3A_434, %eq3A_435 : i32
      %convert_element_type3A_437 = arith.extui %eq3A_436 : i1 to i32
      %cond3A_438 = arith.constant 0 : i32
      %cond3A_439 = arith.cmpi ne, %convert_element_type3A_437, %cond3A_438 : i32
      scf.if %cond3A_439 {
        %jit3A = arith.constant 2 : i32
        %eq3A_460 = arith.constant 0 : i32
        %eq3A_461 = arith.cmpi eq, %jit3A, %eq3A_460 : i32
        %jit3A_462 = arith.constant 1 : i32
        %select_n3A = arith.select %eq3A_461, %jit3A_462, %jit3A : i32
        %rem3A = arith.remsi %add3A_408, %select_n3A : i32
        %ne3A = arith.constant 0 : i32
        %ne3A_463 = arith.cmpi ne, %rem3A, %ne3A : i32
        %lt3A_464 = arith.constant 0 : i32
        %lt3A_465 = arith.cmpi slt, %rem3A, %lt3A_464 : i32
        %lt3A_466 = arith.constant 0 : i32
        %lt3A_467 = arith.cmpi slt, %select_n3A, %lt3A_466 : i32
        %ne3A_468 = arith.xori %lt3A_465, %lt3A_467 : i1
        %and3A = arith.andi %ne3A_468, %ne3A_463 : i1
        %add3A_469 = arith.addi %rem3A, %select_n3A : i32
        %select_n3A_470 = arith.select %and3A, %add3A_469, %rem3A : i32
        %dma_start3A_471 = arith.constant 0 : i32
        %dma_start3A_472 = arith.constant 0 : i32
        %dma_start3A_473 = tpu.memref_slice %arg6[%dma_start3A_471, %dma_start3A_472] : memref<256x256xf32, #tpu.memory_space<vmem>> -> memref<8x256xf32, #tpu.memory_space<vmem>>
        %dma_start3A_474 = arith.constant 0 : i32
        %dma_start3A_475 = arith.constant 0 : i32
        %dma_start3A_476 = tpu.memref_slice %arg2[%add3A_178, %dma_start3A_474, %dma_start3A_475] : memref<64x2048x256xf32, #tpu.memory_space<hbm>> -> memref<1x8x256xf32, #tpu.memory_space<hbm>>
        %dma_start3A_477 = tpu.memref_squeeze %dma_start3A_476 : memref<1x8x256xf32, #tpu.memory_space<hbm>> -> memref<8x256xf32, #tpu.memory_space<hbm>>
        %dma_start3A_478 = tpu.memref_slice %arg9[%select_n3A_470] : memref<2x!tpu.dma_semaphore, #tpu.memory_space<semaphore_mem>> -> memref<1x!tpu.dma_semaphore, #tpu.memory_space<semaphore_mem>>
        %dma_start3A_479 = tpu.memref_squeeze %dma_start3A_478 : memref<1x!tpu.dma_semaphore, #tpu.memory_space<semaphore_mem>> -> memref<!tpu.dma_semaphore, #tpu.memory_space<semaphore_mem>>
        %dma_start3A_480 = arith.constant 0 : i32
        %dma_start3A_481 = arith.constant 0 : i32
        %dma_start3A_482 = tpu.memref_slice %arg6[%dma_start3A_480, %dma_start3A_481] : memref<256x256xf32, #tpu.memory_space<vmem>> -> memref<8x256xf32, #tpu.memory_space<vmem>>
        %dma_start3A_483 = arith.constant 0 : i32
        %dma_start3A_484 = arith.constant 0 : i32
        %dma_start3A_485 = tpu.memref_slice %arg2[%add3A_178, %dma_start3A_483, %dma_start3A_484] : memref<64x2048x256xf32, #tpu.memory_space<hbm>> -> memref<1x8x256xf32, #tpu.memory_space<hbm>>
        %dma_start3A_486 = tpu.memref_squeeze %dma_start3A_485 : memref<1x8x256xf32, #tpu.memory_space<hbm>> -> memref<8x256xf32, #tpu.memory_space<hbm>>
        tpu.enqueue_dma source(%dma_start3A_486 : memref<8x256xf32, #tpu.memory_space<hbm>>) target(%dma_start3A_482 : memref<8x256xf32, #tpu.memory_space<vmem>>) target_semaphore(%dma_start3A_479 : memref<!tpu.dma_semaphore, #tpu.memory_space<semaphore_mem>>)
      } else {
      }
      %ge3A_440 = arith.constant 2 : i32
      %ge3A_441 = arith.cmpi sge, %add3A_408, %ge3A_440 : i32
      %convert_element_type3A_442 = arith.extui %ge3A_441 : i1 to i32
      %cond3A_443 = arith.constant 0 : i32
      %cond3A_444 = arith.cmpi ne, %convert_element_type3A_442, %cond3A_443 : i32
      scf.if %cond3A_444 {
        %dma_wait3A_460 = arith.constant 1 : i32
        %dma_wait3A_461 = arith.constant 0 : i32
        %dma_wait3A_462 = arith.constant 0 : i32
        %dma_wait3A_463 = tpu.memref_slice %arg4[%add3A_178, %dma_wait3A_461, %dma_wait3A_462] : memref<64x2048x256xf32, #tpu.memory_space<hbm>> -> memref<1x64x256xf32, #tpu.memory_space<hbm>>
        %dma_wait3A_464 = tpu.memref_squeeze %dma_wait3A_463 : memref<1x64x256xf32, #tpu.memory_space<hbm>> -> memref<64x256xf32, #tpu.memory_space<hbm>>
        %dma_wait3A_465 = tpu.memref_slice %arg10[%dma_wait3A_460] : memref<2x!tpu.dma_semaphore, #tpu.memory_space<semaphore_mem>> -> memref<1x!tpu.dma_semaphore, #tpu.memory_space<semaphore_mem>>
        %dma_wait3A_466 = tpu.memref_squeeze %dma_wait3A_465 : memref<1x!tpu.dma_semaphore, #tpu.memory_space<semaphore_mem>> -> memref<!tpu.dma_semaphore, #tpu.memory_space<semaphore_mem>>
        %dma_wait3A_467 = arith.constant 0 : i32
        %dma_wait3A_468 = arith.constant 0 : i32
        %dma_wait3A_469 = tpu.memref_slice %arg4[%add3A_178, %dma_wait3A_467, %dma_wait3A_468] : memref<64x2048x256xf32, #tpu.memory_space<hbm>> -> memref<1x64x256xf32, #tpu.memory_space<hbm>>
        %dma_wait3A_470 = tpu.memref_squeeze %dma_wait3A_469 : memref<1x64x256xf32, #tpu.memory_space<hbm>> -> memref<64x256xf32, #tpu.memory_space<hbm>>
        tpu.wait_dma2 semaphore(%dma_wait3A_466 : memref<!tpu.dma_semaphore, #tpu.memory_space<semaphore_mem>>) src(%arg8 : memref<64x256xf32, #tpu.memory_space<vmem>>) dst(%dma_wait3A_470 : memref<64x256xf32, #tpu.memory_space<hbm>>)
      } else {
      }
      %scan3A_445 = arith.constant 0 : i32
      %scan3A_446 = arith.constant 0 : i32
      %scan3A_447 = arith.constant 64 : i32
      %scan3A_448 = arith.addi %scan3A_446, %scan3A_447 : i32
      %scan3A_449 = arith.constant 4 : i32
      scf.for %scan3A_460 = %scan3A_446 to %scan3A_448 step %scan3A_449  : i32 {
        %add3A_461 = arith.addi %mul3A_410, %scan3A_460 : i32
        %add3A_462 = vector.broadcast %add3A_461 : i32 to vector<16xi32>
        %add3A_463 = arith.addi %get3A_180, %add3A_462 : vector<16xi32>
        %and3A = arith.constant 255 : i32
        %and3A_464 = vector.broadcast %and3A : i32 to vector<16xi32>
        %and3A_465 = arith.andi %add3A_463, %and3A_464 : vector<16xi32>
        %gather3A = tpu.vector_load_idx %arg6[%and3A_465, %add3A_214] : memref<256x256xf32, #tpu.memory_space<vmem>>[vector<16xi32>, vector<16xi32>], vector<16xf32>,
        %add3A_466 = vector.broadcast %add3A_461 : i32 to vector<16xi32>
        %add3A_467 = arith.addi %get3A_182, %add3A_466 : vector<16xi32>
        %and3A_468 = arith.constant 255 : i32
        %and3A_469 = vector.broadcast %and3A_468 : i32 to vector<16xi32>
        %and3A_470 = arith.andi %add3A_467, %and3A_469 : vector<16xi32>
        %gather3A_471 = tpu.vector_load_idx %arg6[%and3A_470, %add3A_218] : memref<256x256xf32, #tpu.memory_space<vmem>>[vector<16xi32>, vector<16xi32>], vector<16xf32>,
        %add3A_472 = vector.broadcast %add3A_461 : i32 to vector<16xi32>
        %add3A_473 = arith.addi %get3A_184, %add3A_472 : vector<16xi32>
        %and3A_474 = arith.constant 255 : i32
        %and3A_475 = vector.broadcast %and3A_474 : i32 to vector<16xi32>
        %and3A_476 = arith.andi %add3A_473, %and3A_475 : vector<16xi32>
        %gather3A_477 = tpu.vector_load_idx %arg6[%and3A_476, %add3A_222] : memref<256x256xf32, #tpu.memory_space<vmem>>[vector<16xi32>, vector<16xi32>], vector<16xf32>,
        %add3A_478 = vector.broadcast %add3A_461 : i32 to vector<16xi32>
        %add3A_479 = arith.addi %get3A_186, %add3A_478 : vector<16xi32>
        %and3A_480 = arith.constant 255 : i32
        %and3A_481 = vector.broadcast %and3A_480 : i32 to vector<16xi32>
        %and3A_482 = arith.andi %add3A_479, %and3A_481 : vector<16xi32>
        %gather3A_483 = tpu.vector_load_idx %arg6[%and3A_482, %add3A_226] : memref<256x256xf32, #tpu.memory_space<vmem>>[vector<16xi32>, vector<16xi32>], vector<16xf32>,
        %add3A_484 = vector.broadcast %add3A_461 : i32 to vector<16xi32>
        %add3A_485 = arith.addi %get3A_188, %add3A_484 : vector<16xi32>
        %and3A_486 = arith.constant 255 : i32
        %and3A_487 = vector.broadcast %and3A_486 : i32 to vector<16xi32>
        %and3A_488 = arith.andi %add3A_485, %and3A_487 : vector<16xi32>
        %gather3A_489 = tpu.vector_load_idx %arg6[%and3A_488, %add3A_230] : memref<256x256xf32, #tpu.memory_space<vmem>>[vector<16xi32>, vector<16xi32>], vector<16xf32>,
        %add3A_490 = vector.broadcast %add3A_461 : i32 to vector<16xi32>
        %add3A_491 = arith.addi %get3A_190, %add3A_490 : vector<16xi32>
        %and3A_492 = arith.constant 255 : i32
        %and3A_493 = vector.broadcast %and3A_492 : i32 to vector<16xi32>
        %and3A_494 = arith.andi %add3A_491, %and3A_493 : vector<16xi32>
        %gather3A_495 = tpu.vector_load_idx %arg6[%and3A_494, %add3A_234] : memref<256x256xf32, #tpu.memory_space<vmem>>[vector<16xi32>, vector<16xi32>], vector<16xf32>,
        %add3A_496 = vector.broadcast %add3A_461 : i32 to vector<16xi32>
        %add3A_497 = arith.addi %get3A_192, %add3A_496 : vector<16xi32>
        %and3A_498 = arith.constant 255 : i32
        %and3A_499 = vector.broadcast %and3A_498 : i32 to vector<16xi32>
        %and3A_500 = arith.andi %add3A_497, %and3A_499 : vector<16xi32>
        %gather3A_501 = tpu.vector_load_idx %arg6[%and3A_500, %add3A_238] : memref<256x256xf32, #tpu.memory_space<vmem>>[vector<16xi32>, vector<16xi32>], vector<16xf32>,
        %add3A_502 = vector.broadcast %add3A_461 : i32 to vector<16xi32>
        %add3A_503 = arith.addi %get3A_194, %add3A_502 : vector<16xi32>
        %and3A_504 = arith.constant 255 : i32
        %and3A_505 = vector.broadcast %and3A_504 : i32 to vector<16xi32>
        %and3A_506 = arith.andi %add3A_503, %and3A_505 : vector<16xi32>
        %gather3A_507 = tpu.vector_load_idx %arg6[%and3A_506, %add3A_242] : memref<256x256xf32, #tpu.memory_space<vmem>>[vector<16xi32>, vector<16xi32>], vector<16xf32>,
        %add3A_508 = vector.broadcast %add3A_461 : i32 to vector<16xi32>
        %add3A_509 = arith.addi %get3A_196, %add3A_508 : vector<16xi32>
        %and3A_510 = arith.constant 255 : i32
        %and3A_511 = vector.broadcast %and3A_510 : i32 to vector<16xi32>
        %and3A_512 = arith.andi %add3A_509, %and3A_511 : vector<16xi32>
        %gather3A_513 = tpu.vector_load_idx %arg6[%and3A_512, %add3A_246] : memref<256x256xf32, #tpu.memory_space<vmem>>[vector<16xi32>, vector<16xi32>], vector<16xf32>,
        %add3A_514 = vector.broadcast %add3A_461 : i32 to vector<16xi32>
        %add3A_515 = arith.addi %get3A_198, %add3A_514 : vector<16xi32>
        %and3A_516 = arith.constant 255 : i32
        %and3A_517 = vector.broadcast %and3A_516 : i32 to vector<16xi32>
        %and3A_518 = arith.andi %add3A_515, %and3A_517 : vector<16xi32>
        %gather3A_519 = tpu.vector_load_idx %arg6[%and3A_518, %add3A_250] : memref<256x256xf32, #tpu.memory_space<vmem>>[vector<16xi32>, vector<16xi32>], vector<16xf32>,
        %add3A_520 = vector.broadcast %add3A_461 : i32 to vector<16xi32>
        %add3A_521 = arith.addi %get3A_200, %add3A_520 : vector<16xi32>
        %and3A_522 = arith.constant 255 : i32
        %and3A_523 = vector.broadcast %and3A_522 : i32 to vector<16xi32>
        %and3A_524 = arith.andi %add3A_521, %and3A_523 : vector<16xi32>
        %gather3A_525 = tpu.vector_load_idx %arg6[%and3A_524, %add3A_254] : memref<256x256xf32, #tpu.memory_space<vmem>>[vector<16xi32>, vector<16xi32>], vector<16xf32>,
        %add3A_526 = vector.broadcast %add3A_461 : i32 to vector<16xi32>
        %add3A_527 = arith.addi %get3A_202, %add3A_526 : vector<16xi32>
        %and3A_528 = arith.constant 255 : i32
        %and3A_529 = vector.broadcast %and3A_528 : i32 to vector<16xi32>
        %and3A_530 = arith.andi %add3A_527, %and3A_529 : vector<16xi32>
        %gather3A_531 = tpu.vector_load_idx %arg6[%and3A_530, %add3A_258] : memref<256x256xf32, #tpu.memory_space<vmem>>[vector<16xi32>, vector<16xi32>], vector<16xf32>,
        %add3A_532 = vector.broadcast %add3A_461 : i32 to vector<16xi32>
        %add3A_533 = arith.addi %get3A_204, %add3A_532 : vector<16xi32>
        %and3A_534 = arith.constant 255 : i32
        %and3A_535 = vector.broadcast %and3A_534 : i32 to vector<16xi32>
        %and3A_536 = arith.andi %add3A_533, %and3A_535 : vector<16xi32>
        %gather3A_537 = tpu.vector_load_idx %arg6[%and3A_536, %add3A_262] : memref<256x256xf32, #tpu.memory_space<vmem>>[vector<16xi32>, vector<16xi32>], vector<16xf32>,
        %add3A_538 = vector.broadcast %add3A_461 : i32 to vector<16xi32>
        %add3A_539 = arith.addi %get3A_206, %add3A_538 : vector<16xi32>
        %and3A_540 = arith.constant 255 : i32
        %and3A_541 = vector.broadcast %and3A_540 : i32 to vector<16xi32>
        %and3A_542 = arith.andi %add3A_539, %and3A_541 : vector<16xi32>
        %gather3A_543 = tpu.vector_load_idx %arg6[%and3A_542, %add3A_266] : memref<256x256xf32, #tpu.memory_space<vmem>>[vector<16xi32>, vector<16xi32>], vector<16xf32>,
        %add3A_544 = vector.broadcast %add3A_461 : i32 to vector<16xi32>
        %add3A_545 = arith.addi %get3A_208, %add3A_544 : vector<16xi32>
        %and3A_546 = arith.constant 255 : i32
        %and3A_547 = vector.broadcast %and3A_546 : i32 to vector<16xi32>
        %and3A_548 = arith.andi %add3A_545, %and3A_547 : vector<16xi32>
        %gather3A_549 = tpu.vector_load_idx %arg6[%and3A_548, %add3A_270] : memref<256x256xf32, #tpu.memory_space<vmem>>[vector<16xi32>, vector<16xi32>], vector<16xf32>,
        %add3A_550 = vector.broadcast %add3A_461 : i32 to vector<16xi32>
        %add3A_551 = arith.addi %get3A_210, %add3A_550 : vector<16xi32>
        %and3A_552 = arith.constant 255 : i32
        %and3A_553 = vector.broadcast %and3A_552 : i32 to vector<16xi32>
        %and3A_554 = arith.andi %add3A_551, %and3A_553 : vector<16xi32>
        %gather3A_555 = tpu.vector_load_idx %arg6[%and3A_554, %add3A_274] : memref<256x256xf32, #tpu.memory_space<vmem>>[vector<16xi32>, vector<16xi32>], vector<16xf32>,
        %swap3A = arith.index_cast %scan3A_460 : i32 to index
        %swap3A_556 = arith.constant 0 : index
        %swap3A_557 = tpu.vector_load %arg8[%swap3A, %swap3A_556] {strides = array<i32>} : memref<64x256xf32, #tpu.memory_space<vmem>>, vector<16xf32>,
        tpu.vector_store %arg8[%swap3A, %swap3A_556], %gather3A {strides = array<i32>} : memref<64x256xf32, #tpu.memory_space<vmem>>, vector<16xf32>,
        %swap3A_558 = arith.index_cast %scan3A_460 : i32 to index
        %swap3A_559 = arith.constant 16 : index
        %swap3A_560 = tpu.vector_load %arg8[%swap3A_558, %swap3A_559] {strides = array<i32>} : memref<64x256xf32, #tpu.memory_space<vmem>>, vector<16xf32>,
        tpu.vector_store %arg8[%swap3A_558, %swap3A_559], %gather3A_471 {strides = array<i32>} : memref<64x256xf32, #tpu.memory_space<vmem>>, vector<16xf32>,
        %swap3A_561 = arith.index_cast %scan3A_460 : i32 to index
        %swap3A_562 = arith.constant 32 : index
        %swap3A_563 = tpu.vector_load %arg8[%swap3A_561, %swap3A_562] {strides = array<i32>} : memref<64x256xf32, #tpu.memory_space<vmem>>, vector<16xf32>,
        tpu.vector_store %arg8[%swap3A_561, %swap3A_562], %gather3A_477 {strides = array<i32>} : memref<64x256xf32, #tpu.memory_space<vmem>>, vector<16xf32>,
        %swap3A_564 = arith.index_cast %scan3A_460 : i32 to index
        %swap3A_565 = arith.constant 48 : index
        %swap3A_566 = tpu.vector_load %arg8[%swap3A_564, %swap3A_565] {strides = array<i32>} : memref<64x256xf32, #tpu.memory_space<vmem>>, vector<16xf32>,
        tpu.vector_store %arg8[%swap3A_564, %swap3A_565], %gather3A_483 {strides = array<i32>} : memref<64x256xf32, #tpu.memory_space<vmem>>, vector<16xf32>,
        %swap3A_567 = arith.index_cast %scan3A_460 : i32 to index
        %swap3A_568 = arith.constant 64 : index
        %swap3A_569 = tpu.vector_load %arg8[%swap3A_567, %swap3A_568] {strides = array<i32>} : memref<64x256xf32, #tpu.memory_space<vmem>>, vector<16xf32>,
        tpu.vector_store %arg8[%swap3A_567, %swap3A_568], %gather3A_489 {strides = array<i32>} : memref<64x256xf32, #tpu.memory_space<vmem>>, vector<16xf32>,
        %swap3A_570 = arith.index_cast %scan3A_460 : i32 to index
        %swap3A_571 = arith.constant 80 : index
        %swap3A_572 = tpu.vector_load %arg8[%swap3A_570, %swap3A_571] {strides = array<i32>} : memref<64x256xf32, #tpu.memory_space<vmem>>, vector<16xf32>,
        tpu.vector_store %arg8[%swap3A_570, %swap3A_571], %gather3A_495 {strides = array<i32>} : memref<64x256xf32, #tpu.memory_space<vmem>>, vector<16xf32>,
        %swap3A_573 = arith.index_cast %scan3A_460 : i32 to index
        %swap3A_574 = arith.constant 96 : index
        %swap3A_575 = tpu.vector_load %arg8[%swap3A_573, %swap3A_574] {strides = array<i32>} : memref<64x256xf32, #tpu.memory_space<vmem>>, vector<16xf32>,
        tpu.vector_store %arg8[%swap3A_573, %swap3A_574], %gather3A_501 {strides = array<i32>} : memref<64x256xf32, #tpu.memory_space<vmem>>, vector<16xf32>,
        %swap3A_576 = arith.index_cast %scan3A_460 : i32 to index
        %swap3A_577 = arith.constant 112 : index
        %swap3A_578 = tpu.vector_load %arg8[%swap3A_576, %swap3A_577] {strides = array<i32>} : memref<64x256xf32, #tpu.memory_space<vmem>>, vector<16xf32>,
        tpu.vector_store %arg8[%swap3A_576, %swap3A_577], %gather3A_507 {strides = array<i32>} : memref<64x256xf32, #tpu.memory_space<vmem>>, vector<16xf32>,
        %swap3A_579 = arith.index_cast %scan3A_460 : i32 to index
        %swap3A_580 = arith.constant 128 : index
        %swap3A_581 = tpu.vector_load %arg8[%swap3A_579, %swap3A_580] {strides = array<i32>} : memref<64x256xf32, #tpu.memory_space<vmem>>, vector<16xf32>,
        tpu.vector_store %arg8[%swap3A_579, %swap3A_580], %gather3A_513 {strides = array<i32>} : memref<64x256xf32, #tpu.memory_space<vmem>>, vector<16xf32>,
        %swap3A_582 = arith.index_cast %scan3A_460 : i32 to index
        %swap3A_583 = arith.constant 144 : index
        %swap3A_584 = tpu.vector_load %arg8[%swap3A_582, %swap3A_583] {strides = array<i32>} : memref<64x256xf32, #tpu.memory_space<vmem>>, vector<16xf32>,
        tpu.vector_store %arg8[%swap3A_582, %swap3A_583], %gather3A_519 {strides = array<i32>} : memref<64x256xf32, #tpu.memory_space<vmem>>, vector<16xf32>,
        %swap3A_585 = arith.index_cast %scan3A_460 : i32 to index
        %swap3A_586 = arith.constant 160 : index
        %swap3A_587 = tpu.vector_load %arg8[%swap3A_585, %swap3A_586] {strides = array<i32>} : memref<64x256xf32, #tpu.memory_space<vmem>>, vector<16xf32>,
        tpu.vector_store %arg8[%swap3A_585, %swap3A_586], %gather3A_525 {strides = array<i32>} : memref<64x256xf32, #tpu.memory_space<vmem>>, vector<16xf32>,
        %swap3A_588 = arith.index_cast %scan3A_460 : i32 to index
        %swap3A_589 = arith.constant 176 : index
        %swap3A_590 = tpu.vector_load %arg8[%swap3A_588, %swap3A_589] {strides = array<i32>} : memref<64x256xf32, #tpu.memory_space<vmem>>, vector<16xf32>,
        tpu.vector_store %arg8[%swap3A_588, %swap3A_589], %gather3A_531 {strides = array<i32>} : memref<64x256xf32, #tpu.memory_space<vmem>>, vector<16xf32>,
        %swap3A_591 = arith.index_cast %scan3A_460 : i32 to index
        %swap3A_592 = arith.constant 192 : index
        %swap3A_593 = tpu.vector_load %arg8[%swap3A_591, %swap3A_592] {strides = array<i32>} : memref<64x256xf32, #tpu.memory_space<vmem>>, vector<16xf32>,
        tpu.vector_store %arg8[%swap3A_591, %swap3A_592], %gather3A_537 {strides = array<i32>} : memref<64x256xf32, #tpu.memory_space<vmem>>, vector<16xf32>,
        %swap3A_594 = arith.index_cast %scan3A_460 : i32 to index
        %swap3A_595 = arith.constant 208 : index
        %swap3A_596 = tpu.vector_load %arg8[%swap3A_594, %swap3A_595] {strides = array<i32>} : memref<64x256xf32, #tpu.memory_space<vmem>>, vector<16xf32>,
        tpu.vector_store %arg8[%swap3A_594, %swap3A_595], %gather3A_543 {strides = array<i32>} : memref<64x256xf32, #tpu.memory_space<vmem>>, vector<16xf32>,
        %swap3A_597 = arith.index_cast %scan3A_460 : i32 to index
        %swap3A_598 = arith.constant 224 : index
        %swap3A_599 = tpu.vector_load %arg8[%swap3A_597, %swap3A_598] {strides = array<i32>} : memref<64x256xf32, #tpu.memory_space<vmem>>, vector<16xf32>,
        tpu.vector_store %arg8[%swap3A_597, %swap3A_598], %gather3A_549 {strides = array<i32>} : memref<64x256xf32, #tpu.memory_space<vmem>>, vector<16xf32>,
        %swap3A_600 = arith.index_cast %scan3A_460 : i32 to index
        %swap3A_601 = arith.constant 240 : index
        %swap3A_602 = tpu.vector_load %arg8[%swap3A_600, %swap3A_601] {strides = array<i32>} : memref<64x256xf32, #tpu.memory_space<vmem>>, vector<16xf32>,
        tpu.vector_store %arg8[%swap3A_600, %swap3A_601], %gather3A_555 {strides = array<i32>} : memref<64x256xf32, #tpu.memory_space<vmem>>, vector<16xf32>,
        %scan3A_603 = arith.constant 1 : i32
        %scan3A_604 = arith.addi %scan3A_460, %scan3A_603 : i32
        %add3A_605 = arith.addi %mul3A_410, %scan3A_604 : i32
        %add3A_606 = vector.broadcast %add3A_605 : i32 to vector<16xi32>
        %add3A_607 = arith.addi %get3A_180, %add3A_606 : vector<16xi32>
        %and3A_608 = arith.constant 255 : i32
        %and3A_609 = vector.broadcast %and3A_608 : i32 to vector<16xi32>
        %and3A_610 = arith.andi %add3A_607, %and3A_609 : vector<16xi32>
        %gather3A_611 = tpu.vector_load_idx %arg6[%and3A_610, %add3A_214] : memref<256x256xf32, #tpu.memory_space<vmem>>[vector<16xi32>, vector<16xi32>], vector<16xf32>,
        %add3A_612 = vector.broadcast %add3A_605 : i32 to vector<16xi32>
        %add3A_613 = arith.addi %get3A_182, %add3A_612 : vector<16xi32>
        %and3A_614 = arith.constant 255 : i32
        %and3A_615 = vector.broadcast %and3A_614 : i32 to vector<16xi32>
        %and3A_616 = arith.andi %add3A_613, %and3A_615 : vector<16xi32>
        %gather3A_617 = tpu.vector_load_idx %arg6[%and3A_616, %add3A_218] : memref<256x256xf32, #tpu.memory_space<vmem>>[vector<16xi32>, vector<16xi32>], vector<16xf32>,
        %add3A_618 = vector.broadcast %add3A_605 : i32 to vector<16xi32>
        %add3A_619 = arith.addi %get3A_184, %add3A_618 : vector<16xi32>
        %and3A_620 = arith.constant 255 : i32
        %and3A_621 = vector.broadcast %and3A_620 : i32 to vector<16xi32>
        %and3A_622 = arith.andi %add3A_619, %and3A_621 : vector<16xi32>
        %gather3A_623 = tpu.vector_load_idx %arg6[%and3A_622, %add3A_222] : memref<256x256xf32, #tpu.memory_space<vmem>>[vector<16xi32>, vector<16xi32>], vector<16xf32>,
        %add3A_624 = vector.broadcast %add3A_605 : i32 to vector<16xi32>
        %add3A_625 = arith.addi %get3A_186, %add3A_624 : vector<16xi32>
        %and3A_626 = arith.constant 255 : i32
        %and3A_627 = vector.broadcast %and3A_626 : i32 to vector<16xi32>
        %and3A_628 = arith.andi %add3A_625, %and3A_627 : vector<16xi32>
        %gather3A_629 = tpu.vector_load_idx %arg6[%and3A_628, %add3A_226] : memref<256x256xf32, #tpu.memory_space<vmem>>[vector<16xi32>, vector<16xi32>], vector<16xf32>,
        %add3A_630 = vector.broadcast %add3A_605 : i32 to vector<16xi32>
        %add3A_631 = arith.addi %get3A_188, %add3A_630 : vector<16xi32>
        %and3A_632 = arith.constant 255 : i32
        %and3A_633 = vector.broadcast %and3A_632 : i32 to vector<16xi32>
        %and3A_634 = arith.andi %add3A_631, %and3A_633 : vector<16xi32>
        %gather3A_635 = tpu.vector_load_idx %arg6[%and3A_634, %add3A_230] : memref<256x256xf32, #tpu.memory_space<vmem>>[vector<16xi32>, vector<16xi32>], vector<16xf32>,
        %add3A_636 = vector.broadcast %add3A_605 : i32 to vector<16xi32>
        %add3A_637 = arith.addi %get3A_190, %add3A_636 : vector<16xi32>
        %and3A_638 = arith.constant 255 : i32
        %and3A_639 = vector.broadcast %and3A_638 : i32 to vector<16xi32>
        %and3A_640 = arith.andi %add3A_637, %and3A_639 : vector<16xi32>
        %gather3A_641 = tpu.vector_load_idx %arg6[%and3A_640, %add3A_234] : memref<256x256xf32, #tpu.memory_space<vmem>>[vector<16xi32>, vector<16xi32>], vector<16xf32>,
        %add3A_642 = vector.broadcast %add3A_605 : i32 to vector<16xi32>
        %add3A_643 = arith.addi %get3A_192, %add3A_642 : vector<16xi32>
        %and3A_644 = arith.constant 255 : i32
        %and3A_645 = vector.broadcast %and3A_644 : i32 to vector<16xi32>
        %and3A_646 = arith.andi %add3A_643, %and3A_645 : vector<16xi32>
        %gather3A_647 = tpu.vector_load_idx %arg6[%and3A_646, %add3A_238] : memref<256x256xf32, #tpu.memory_space<vmem>>[vector<16xi32>, vector<16xi32>], vector<16xf32>,
        %add3A_648 = vector.broadcast %add3A_605 : i32 to vector<16xi32>
        %add3A_649 = arith.addi %get3A_194, %add3A_648 : vector<16xi32>
        %and3A_650 = arith.constant 255 : i32
        %and3A_651 = vector.broadcast %and3A_650 : i32 to vector<16xi32>
        %and3A_652 = arith.andi %add3A_649, %and3A_651 : vector<16xi32>
        %gather3A_653 = tpu.vector_load_idx %arg6[%and3A_652, %add3A_242] : memref<256x256xf32, #tpu.memory_space<vmem>>[vector<16xi32>, vector<16xi32>], vector<16xf32>,
        %add3A_654 = vector.broadcast %add3A_605 : i32 to vector<16xi32>
        %add3A_655 = arith.addi %get3A_196, %add3A_654 : vector<16xi32>
        %and3A_656 = arith.constant 255 : i32
        %and3A_657 = vector.broadcast %and3A_656 : i32 to vector<16xi32>
        %and3A_658 = arith.andi %add3A_655, %and3A_657 : vector<16xi32>
        %gather3A_659 = tpu.vector_load_idx %arg6[%and3A_658, %add3A_246] : memref<256x256xf32, #tpu.memory_space<vmem>>[vector<16xi32>, vector<16xi32>], vector<16xf32>,
        %add3A_660 = vector.broadcast %add3A_605 : i32 to vector<16xi32>
        %add3A_661 = arith.addi %get3A_198, %add3A_660 : vector<16xi32>
        %and3A_662 = arith.constant 255 : i32
        %and3A_663 = vector.broadcast %and3A_662 : i32 to vector<16xi32>
        %and3A_664 = arith.andi %add3A_661, %and3A_663 : vector<16xi32>
        %gather3A_665 = tpu.vector_load_idx %arg6[%and3A_664, %add3A_250] : memref<256x256xf32, #tpu.memory_space<vmem>>[vector<16xi32>, vector<16xi32>], vector<16xf32>,
        %add3A_666 = vector.broadcast %add3A_605 : i32 to vector<16xi32>
        %add3A_667 = arith.addi %get3A_200, %add3A_666 : vector<16xi32>
        %and3A_668 = arith.constant 255 : i32
        %and3A_669 = vector.broadcast %and3A_668 : i32 to vector<16xi32>
        %and3A_670 = arith.andi %add3A_667, %and3A_669 : vector<16xi32>
        %gather3A_671 = tpu.vector_load_idx %arg6[%and3A_670, %add3A_254] : memref<256x256xf32, #tpu.memory_space<vmem>>[vector<16xi32>, vector<16xi32>], vector<16xf32>,
        %add3A_672 = vector.broadcast %add3A_605 : i32 to vector<16xi32>
        %add3A_673 = arith.addi %get3A_202, %add3A_672 : vector<16xi32>
        %and3A_674 = arith.constant 255 : i32
        %and3A_675 = vector.broadcast %and3A_674 : i32 to vector<16xi32>
        %and3A_676 = arith.andi %add3A_673, %and3A_675 : vector<16xi32>
        %gather3A_677 = tpu.vector_load_idx %arg6[%and3A_676, %add3A_258] : memref<256x256xf32, #tpu.memory_space<vmem>>[vector<16xi32>, vector<16xi32>], vector<16xf32>,
        %add3A_678 = vector.broadcast %add3A_605 : i32 to vector<16xi32>
        %add3A_679 = arith.addi %get3A_204, %add3A_678 : vector<16xi32>
        %and3A_680 = arith.constant 255 : i32
        %and3A_681 = vector.broadcast %and3A_680 : i32 to vector<16xi32>
        %and3A_682 = arith.andi %add3A_679, %and3A_681 : vector<16xi32>
        %gather3A_683 = tpu.vector_load_idx %arg6[%and3A_682, %add3A_262] : memref<256x256xf32, #tpu.memory_space<vmem>>[vector<16xi32>, vector<16xi32>], vector<16xf32>,
        %add3A_684 = vector.broadcast %add3A_605 : i32 to vector<16xi32>
        %add3A_685 = arith.addi %get3A_206, %add3A_684 : vector<16xi32>
        %and3A_686 = arith.constant 255 : i32
        %and3A_687 = vector.broadcast %and3A_686 : i32 to vector<16xi32>
        %and3A_688 = arith.andi %add3A_685, %and3A_687 : vector<16xi32>
        %gather3A_689 = tpu.vector_load_idx %arg6[%and3A_688, %add3A_266] : memref<256x256xf32, #tpu.memory_space<vmem>>[vector<16xi32>, vector<16xi32>], vector<16xf32>,
        %add3A_690 = vector.broadcast %add3A_605 : i32 to vector<16xi32>
        %add3A_691 = arith.addi %get3A_208, %add3A_690 : vector<16xi32>
        %and3A_692 = arith.constant 255 : i32
        %and3A_693 = vector.broadcast %and3A_692 : i32 to vector<16xi32>
        %and3A_694 = arith.andi %add3A_691, %and3A_693 : vector<16xi32>
        %gather3A_695 = tpu.vector_load_idx %arg6[%and3A_694, %add3A_270] : memref<256x256xf32, #tpu.memory_space<vmem>>[vector<16xi32>, vector<16xi32>], vector<16xf32>,
        %add3A_696 = vector.broadcast %add3A_605 : i32 to vector<16xi32>
        %add3A_697 = arith.addi %get3A_210, %add3A_696 : vector<16xi32>
        %and3A_698 = arith.constant 255 : i32
        %and3A_699 = vector.broadcast %and3A_698 : i32 to vector<16xi32>
        %and3A_700 = arith.andi %add3A_697, %and3A_699 : vector<16xi32>
        %gather3A_701 = tpu.vector_load_idx %arg6[%and3A_700, %add3A_274] : memref<256x256xf32, #tpu.memory_space<vmem>>[vector<16xi32>, vector<16xi32>], vector<16xf32>,
        %swap3A_702 = arith.index_cast %scan3A_604 : i32 to index
        %swap3A_703 = arith.constant 0 : index
        %swap3A_704 = tpu.vector_load %arg8[%swap3A_702, %swap3A_703] {strides = array<i32>} : memref<64x256xf32, #tpu.memory_space<vmem>>, vector<16xf32>,
        tpu.vector_store %arg8[%swap3A_702, %swap3A_703], %gather3A_611 {strides = array<i32>} : memref<64x256xf32, #tpu.memory_space<vmem>>, vector<16xf32>,
        %swap3A_705 = arith.index_cast %scan3A_604 : i32 to index
        %swap3A_706 = arith.constant 16 : index
        %swap3A_707 = tpu.vector_load %arg8[%swap3A_705, %swap3A_706] {strides = array<i32>} : memref<64x256xf32, #tpu.memory_space<vmem>>, vector<16xf32>,
        tpu.vector_store %arg8[%swap3A_705, %swap3A_706], %gather3A_617 {strides = array<i32>} : memref<64x256xf32, #tpu.memory_space<vmem>>, vector<16xf32>,
        %swap3A_708 = arith.index_cast %scan3A_604 : i32 to index
        %swap3A_709 = arith.constant 32 : index
        %swap3A_710 = tpu.vector_load %arg8[%swap3A_708, %swap3A_709] {strides = array<i32>} : memref<64x256xf32, #tpu.memory_space<vmem>>, vector<16xf32>,
        tpu.vector_store %arg8[%swap3A_708, %swap3A_709], %gather3A_623 {strides = array<i32>} : memref<64x256xf32, #tpu.memory_space<vmem>>, vector<16xf32>,
        %swap3A_711 = arith.index_cast %scan3A_604 : i32 to index
        %swap3A_712 = arith.constant 48 : index
        %swap3A_713 = tpu.vector_load %arg8[%swap3A_711, %swap3A_712] {strides = array<i32>} : memref<64x256xf32, #tpu.memory_space<vmem>>, vector<16xf32>,
        tpu.vector_store %arg8[%swap3A_711, %swap3A_712], %gather3A_629 {strides = array<i32>} : memref<64x256xf32, #tpu.memory_space<vmem>>, vector<16xf32>,
        %swap3A_714 = arith.index_cast %scan3A_604 : i32 to index
        %swap3A_715 = arith.constant 64 : index
        %swap3A_716 = tpu.vector_load %arg8[%swap3A_714, %swap3A_715] {strides = array<i32>} : memref<64x256xf32, #tpu.memory_space<vmem>>, vector<16xf32>,
        tpu.vector_store %arg8[%swap3A_714, %swap3A_715], %gather3A_635 {strides = array<i32>} : memref<64x256xf32, #tpu.memory_space<vmem>>, vector<16xf32>,
        %swap3A_717 = arith.index_cast %scan3A_604 : i32 to index
        %swap3A_718 = arith.constant 80 : index
        %swap3A_719 = tpu.vector_load %arg8[%swap3A_717, %swap3A_718] {strides = array<i32>} : memref<64x256xf32, #tpu.memory_space<vmem>>, vector<16xf32>,
        tpu.vector_store %arg8[%swap3A_717, %swap3A_718], %gather3A_641 {strides = array<i32>} : memref<64x256xf32, #tpu.memory_space<vmem>>, vector<16xf32>,
        %swap3A_720 = arith.index_cast %scan3A_604 : i32 to index
        %swap3A_721 = arith.constant 96 : index
        %swap3A_722 = tpu.vector_load %arg8[%swap3A_720, %swap3A_721] {strides = array<i32>} : memref<64x256xf32, #tpu.memory_space<vmem>>, vector<16xf32>,
        tpu.vector_store %arg8[%swap3A_720, %swap3A_721], %gather3A_647 {strides = array<i32>} : memref<64x256xf32, #tpu.memory_space<vmem>>, vector<16xf32>,
        %swap3A_723 = arith.index_cast %scan3A_604 : i32 to index
        %swap3A_724 = arith.constant 112 : index
        %swap3A_725 = tpu.vector_load %arg8[%swap3A_723, %swap3A_724] {strides = array<i32>} : memref<64x256xf32, #tpu.memory_space<vmem>>, vector<16xf32>,
        tpu.vector_store %arg8[%swap3A_723, %swap3A_724], %gather3A_653 {strides = array<i32>} : memref<64x256xf32, #tpu.memory_space<vmem>>, vector<16xf32>,
        %swap3A_726 = arith.index_cast %scan3A_604 : i32 to index
        %swap3A_727 = arith.constant 128 : index
        %swap3A_728 = tpu.vector_load %arg8[%swap3A_726, %swap3A_727] {strides = array<i32>} : memref<64x256xf32, #tpu.memory_space<vmem>>, vector<16xf32>,
        tpu.vector_store %arg8[%swap3A_726, %swap3A_727], %gather3A_659 {strides = array<i32>} : memref<64x256xf32, #tpu.memory_space<vmem>>, vector<16xf32>,
        %swap3A_729 = arith.index_cast %scan3A_604 : i32 to index
        %swap3A_730 = arith.constant 144 : index
        %swap3A_731 = tpu.vector_load %arg8[%swap3A_729, %swap3A_730] {strides = array<i32>} : memref<64x256xf32, #tpu.memory_space<vmem>>, vector<16xf32>,
        tpu.vector_store %arg8[%swap3A_729, %swap3A_730], %gather3A_665 {strides = array<i32>} : memref<64x256xf32, #tpu.memory_space<vmem>>, vector<16xf32>,
        %swap3A_732 = arith.index_cast %scan3A_604 : i32 to index
        %swap3A_733 = arith.constant 160 : index
        %swap3A_734 = tpu.vector_load %arg8[%swap3A_732, %swap3A_733] {strides = array<i32>} : memref<64x256xf32, #tpu.memory_space<vmem>>, vector<16xf32>,
        tpu.vector_store %arg8[%swap3A_732, %swap3A_733], %gather3A_671 {strides = array<i32>} : memref<64x256xf32, #tpu.memory_space<vmem>>, vector<16xf32>,
        %swap3A_735 = arith.index_cast %scan3A_604 : i32 to index
        %swap3A_736 = arith.constant 176 : index
        %swap3A_737 = tpu.vector_load %arg8[%swap3A_735, %swap3A_736] {strides = array<i32>} : memref<64x256xf32, #tpu.memory_space<vmem>>, vector<16xf32>,
        tpu.vector_store %arg8[%swap3A_735, %swap3A_736], %gather3A_677 {strides = array<i32>} : memref<64x256xf32, #tpu.memory_space<vmem>>, vector<16xf32>,
        %swap3A_738 = arith.index_cast %scan3A_604 : i32 to index
        %swap3A_739 = arith.constant 192 : index
        %swap3A_740 = tpu.vector_load %arg8[%swap3A_738, %swap3A_739] {strides = array<i32>} : memref<64x256xf32, #tpu.memory_space<vmem>>, vector<16xf32>,
        tpu.vector_store %arg8[%swap3A_738, %swap3A_739], %gather3A_683 {strides = array<i32>} : memref<64x256xf32, #tpu.memory_space<vmem>>, vector<16xf32>,
        %swap3A_741 = arith.index_cast %scan3A_604 : i32 to index
        %swap3A_742 = arith.constant 208 : index
        %swap3A_743 = tpu.vector_load %arg8[%swap3A_741, %swap3A_742] {strides = array<i32>} : memref<64x256xf32, #tpu.memory_space<vmem>>, vector<16xf32>,
        tpu.vector_store %arg8[%swap3A_741, %swap3A_742], %gather3A_689 {strides = array<i32>} : memref<64x256xf32, #tpu.memory_space<vmem>>, vector<16xf32>,
        %swap3A_744 = arith.index_cast %scan3A_604 : i32 to index
        %swap3A_745 = arith.constant 224 : index
        %swap3A_746 = tpu.vector_load %arg8[%swap3A_744, %swap3A_745] {strides = array<i32>} : memref<64x256xf32, #tpu.memory_space<vmem>>, vector<16xf32>,
        tpu.vector_store %arg8[%swap3A_744, %swap3A_745], %gather3A_695 {strides = array<i32>} : memref<64x256xf32, #tpu.memory_space<vmem>>, vector<16xf32>,
        %swap3A_747 = arith.index_cast %scan3A_604 : i32 to index
        %swap3A_748 = arith.constant 240 : index
        %swap3A_749 = tpu.vector_load %arg8[%swap3A_747, %swap3A_748] {strides = array<i32>} : memref<64x256xf32, #tpu.memory_space<vmem>>, vector<16xf32>,
        tpu.vector_store %arg8[%swap3A_747, %swap3A_748], %gather3A_701 {strides = array<i32>} : memref<64x256xf32, #tpu.memory_space<vmem>>, vector<16xf32>,
        %scan3A_750 = arith.constant 2 : i32
        %scan3A_751 = arith.addi %scan3A_460, %scan3A_750 : i32
        %add3A_752 = arith.addi %mul3A_410, %scan3A_751 : i32
        %add3A_753 = vector.broadcast %add3A_752 : i32 to vector<16xi32>
        %add3A_754 = arith.addi %get3A_180, %add3A_753 : vector<16xi32>
        %and3A_755 = arith.constant 255 : i32
        %and3A_756 = vector.broadcast %and3A_755 : i32 to vector<16xi32>
        %and3A_757 = arith.andi %add3A_754, %and3A_756 : vector<16xi32>
        %gather3A_758 = tpu.vector_load_idx %arg6[%and3A_757, %add3A_214] : memref<256x256xf32, #tpu.memory_space<vmem>>[vector<16xi32>, vector<16xi32>], vector<16xf32>,
        %add3A_759 = vector.broadcast %add3A_752 : i32 to vector<16xi32>
        %add3A_760 = arith.addi %get3A_182, %add3A_759 : vector<16xi32>
        %and3A_761 = arith.constant 255 : i32
        %and3A_762 = vector.broadcast %and3A_761 : i32 to vector<16xi32>
        %and3A_763 = arith.andi %add3A_760, %and3A_762 : vector<16xi32>
        %gather3A_764 = tpu.vector_load_idx %arg6[%and3A_763, %add3A_218] : memref<256x256xf32, #tpu.memory_space<vmem>>[vector<16xi32>, vector<16xi32>], vector<16xf32>,
        %add3A_765 = vector.broadcast %add3A_752 : i32 to vector<16xi32>
        %add3A_766 = arith.addi %get3A_184, %add3A_765 : vector<16xi32>
        %and3A_767 = arith.constant 255 : i32
        %and3A_768 = vector.broadcast %and3A_767 : i32 to vector<16xi32>
        %and3A_769 = arith.andi %add3A_766, %and3A_768 : vector<16xi32>
        %gather3A_770 = tpu.vector_load_idx %arg6[%and3A_769, %add3A_222] : memref<256x256xf32, #tpu.memory_space<vmem>>[vector<16xi32>, vector<16xi32>], vector<16xf32>,
        %add3A_771 = vector.broadcast %add3A_752 : i32 to vector<16xi32>
        %add3A_772 = arith.addi %get3A_186, %add3A_771 : vector<16xi32>
        %and3A_773 = arith.constant 255 : i32
        %and3A_774 = vector.broadcast %and3A_773 : i32 to vector<16xi32>
        %and3A_775 = arith.andi %add3A_772, %and3A_774 : vector<16xi32>
        %gather3A_776 = tpu.vector_load_idx %arg6[%and3A_775, %add3A_226] : memref<256x256xf32, #tpu.memory_space<vmem>>[vector<16xi32>, vector<16xi32>], vector<16xf32>,
        %add3A_777 = vector.broadcast %add3A_752 : i32 to vector<16xi32>
        %add3A_778 = arith.addi %get3A_188, %add3A_777 : vector<16xi32>
        %and3A_779 = arith.constant 255 : i32
        %and3A_780 = vector.broadcast %and3A_779 : i32 to vector<16xi32>
        %and3A_781 = arith.andi %add3A_778, %and3A_780 : vector<16xi32>
        %gather3A_782 = tpu.vector_load_idx %arg6[%and3A_781, %add3A_230] : memref<256x256xf32, #tpu.memory_space<vmem>>[vector<16xi32>, vector<16xi32>], vector<16xf32>,
        %add3A_783 = vector.broadcast %add3A_752 : i32 to vector<16xi32>
        %add3A_784 = arith.addi %get3A_190, %add3A_783 : vector<16xi32>
        %and3A_785 = arith.constant 255 : i32
        %and3A_786 = vector.broadcast %and3A_785 : i32 to vector<16xi32>
        %and3A_787 = arith.andi %add3A_784, %and3A_786 : vector<16xi32>
        %gather3A_788 = tpu.vector_load_idx %arg6[%and3A_787, %add3A_234] : memref<256x256xf32, #tpu.memory_space<vmem>>[vector<16xi32>, vector<16xi32>], vector<16xf32>,
        %add3A_789 = vector.broadcast %add3A_752 : i32 to vector<16xi32>
        %add3A_790 = arith.addi %get3A_192, %add3A_789 : vector<16xi32>
        %and3A_791 = arith.constant 255 : i32
        %and3A_792 = vector.broadcast %and3A_791 : i32 to vector<16xi32>
        %and3A_793 = arith.andi %add3A_790, %and3A_792 : vector<16xi32>
        %gather3A_794 = tpu.vector_load_idx %arg6[%and3A_793, %add3A_238] : memref<256x256xf32, #tpu.memory_space<vmem>>[vector<16xi32>, vector<16xi32>], vector<16xf32>,
        %add3A_795 = vector.broadcast %add3A_752 : i32 to vector<16xi32>
        %add3A_796 = arith.addi %get3A_194, %add3A_795 : vector<16xi32>
        %and3A_797 = arith.constant 255 : i32
        %and3A_798 = vector.broadcast %and3A_797 : i32 to vector<16xi32>
        %and3A_799 = arith.andi %add3A_796, %and3A_798 : vector<16xi32>
        %gather3A_800 = tpu.vector_load_idx %arg6[%and3A_799, %add3A_242] : memref<256x256xf32, #tpu.memory_space<vmem>>[vector<16xi32>, vector<16xi32>], vector<16xf32>,
        %add3A_801 = vector.broadcast %add3A_752 : i32 to vector<16xi32>
        %add3A_802 = arith.addi %get3A_196, %add3A_801 : vector<16xi32>
        %and3A_803 = arith.constant 255 : i32
        %and3A_804 = vector.broadcast %and3A_803 : i32 to vector<16xi32>
        %and3A_805 = arith.andi %add3A_802, %and3A_804 : vector<16xi32>
        %gather3A_806 = tpu.vector_load_idx %arg6[%and3A_805, %add3A_246] : memref<256x256xf32, #tpu.memory_space<vmem>>[vector<16xi32>, vector<16xi32>], vector<16xf32>,
        %add3A_807 = vector.broadcast %add3A_752 : i32 to vector<16xi32>
        %add3A_808 = arith.addi %get3A_198, %add3A_807 : vector<16xi32>
        %and3A_809 = arith.constant 255 : i32
        %and3A_810 = vector.broadcast %and3A_809 : i32 to vector<16xi32>
        %and3A_811 = arith.andi %add3A_808, %and3A_810 : vector<16xi32>
        %gather3A_812 = tpu.vector_load_idx %arg6[%and3A_811, %add3A_250] : memref<256x256xf32, #tpu.memory_space<vmem>>[vector<16xi32>, vector<16xi32>], vector<16xf32>,
        %add3A_813 = vector.broadcast %add3A_752 : i32 to vector<16xi32>
        %add3A_814 = arith.addi %get3A_200, %add3A_813 : vector<16xi32>
        %and3A_815 = arith.constant 255 : i32
        %and3A_816 = vector.broadcast %and3A_815 : i32 to vector<16xi32>
        %and3A_817 = arith.andi %add3A_814, %and3A_816 : vector<16xi32>
        %gather3A_818 = tpu.vector_load_idx %arg6[%and3A_817, %add3A_254] : memref<256x256xf32, #tpu.memory_space<vmem>>[vector<16xi32>, vector<16xi32>], vector<16xf32>,
        %add3A_819 = vector.broadcast %add3A_752 : i32 to vector<16xi32>
        %add3A_820 = arith.addi %get3A_202, %add3A_819 : vector<16xi32>
        %and3A_821 = arith.constant 255 : i32
        %and3A_822 = vector.broadcast %and3A_821 : i32 to vector<16xi32>
        %and3A_823 = arith.andi %add3A_820, %and3A_822 : vector<16xi32>
        %gather3A_824 = tpu.vector_load_idx %arg6[%and3A_823, %add3A_258] : memref<256x256xf32, #tpu.memory_space<vmem>>[vector<16xi32>, vector<16xi32>], vector<16xf32>,
        %add3A_825 = vector.broadcast %add3A_752 : i32 to vector<16xi32>
        %add3A_826 = arith.addi %get3A_204, %add3A_825 : vector<16xi32>
        %and3A_827 = arith.constant 255 : i32
        %and3A_828 = vector.broadcast %and3A_827 : i32 to vector<16xi32>
        %and3A_829 = arith.andi %add3A_826, %and3A_828 : vector<16xi32>
        %gather3A_830 = tpu.vector_load_idx %arg6[%and3A_829, %add3A_262] : memref<256x256xf32, #tpu.memory_space<vmem>>[vector<16xi32>, vector<16xi32>], vector<16xf32>,
        %add3A_831 = vector.broadcast %add3A_752 : i32 to vector<16xi32>
        %add3A_832 = arith.addi %get3A_206, %add3A_831 : vector<16xi32>
        %and3A_833 = arith.constant 255 : i32
        %and3A_834 = vector.broadcast %and3A_833 : i32 to vector<16xi32>
        %and3A_835 = arith.andi %add3A_832, %and3A_834 : vector<16xi32>
        %gather3A_836 = tpu.vector_load_idx %arg6[%and3A_835, %add3A_266] : memref<256x256xf32, #tpu.memory_space<vmem>>[vector<16xi32>, vector<16xi32>], vector<16xf32>,
        %add3A_837 = vector.broadcast %add3A_752 : i32 to vector<16xi32>
        %add3A_838 = arith.addi %get3A_208, %add3A_837 : vector<16xi32>
        %and3A_839 = arith.constant 255 : i32
        %and3A_840 = vector.broadcast %and3A_839 : i32 to vector<16xi32>
        %and3A_841 = arith.andi %add3A_838, %and3A_840 : vector<16xi32>
        %gather3A_842 = tpu.vector_load_idx %arg6[%and3A_841, %add3A_270] : memref<256x256xf32, #tpu.memory_space<vmem>>[vector<16xi32>, vector<16xi32>], vector<16xf32>,
        %add3A_843 = vector.broadcast %add3A_752 : i32 to vector<16xi32>
        %add3A_844 = arith.addi %get3A_210, %add3A_843 : vector<16xi32>
        %and3A_845 = arith.constant 255 : i32
        %and3A_846 = vector.broadcast %and3A_845 : i32 to vector<16xi32>
        %and3A_847 = arith.andi %add3A_844, %and3A_846 : vector<16xi32>
        %gather3A_848 = tpu.vector_load_idx %arg6[%and3A_847, %add3A_274] : memref<256x256xf32, #tpu.memory_space<vmem>>[vector<16xi32>, vector<16xi32>], vector<16xf32>,
        %swap3A_849 = arith.index_cast %scan3A_751 : i32 to index
        %swap3A_850 = arith.constant 0 : index
        %swap3A_851 = tpu.vector_load %arg8[%swap3A_849, %swap3A_850] {strides = array<i32>} : memref<64x256xf32, #tpu.memory_space<vmem>>, vector<16xf32>,
        tpu.vector_store %arg8[%swap3A_849, %swap3A_850], %gather3A_758 {strides = array<i32>} : memref<64x256xf32, #tpu.memory_space<vmem>>, vector<16xf32>,
        %swap3A_852 = arith.index_cast %scan3A_751 : i32 to index
        %swap3A_853 = arith.constant 16 : index
        %swap3A_854 = tpu.vector_load %arg8[%swap3A_852, %swap3A_853] {strides = array<i32>} : memref<64x256xf32, #tpu.memory_space<vmem>>, vector<16xf32>,
        tpu.vector_store %arg8[%swap3A_852, %swap3A_853], %gather3A_764 {strides = array<i32>} : memref<64x256xf32, #tpu.memory_space<vmem>>, vector<16xf32>,
        %swap3A_855 = arith.index_cast %scan3A_751 : i32 to index
        %swap3A_856 = arith.constant 32 : index
        %swap3A_857 = tpu.vector_load %arg8[%swap3A_855, %swap3A_856] {strides = array<i32>} : memref<64x256xf32, #tpu.memory_space<vmem>>, vector<16xf32>,
        tpu.vector_store %arg8[%swap3A_855, %swap3A_856], %gather3A_770 {strides = array<i32>} : memref<64x256xf32, #tpu.memory_space<vmem>>, vector<16xf32>,
        %swap3A_858 = arith.index_cast %scan3A_751 : i32 to index
        %swap3A_859 = arith.constant 48 : index
        %swap3A_860 = tpu.vector_load %arg8[%swap3A_858, %swap3A_859] {strides = array<i32>} : memref<64x256xf32, #tpu.memory_space<vmem>>, vector<16xf32>,
        tpu.vector_store %arg8[%swap3A_858, %swap3A_859], %gather3A_776 {strides = array<i32>} : memref<64x256xf32, #tpu.memory_space<vmem>>, vector<16xf32>,
        %swap3A_861 = arith.index_cast %scan3A_751 : i32 to index
        %swap3A_862 = arith.constant 64 : index
        %swap3A_863 = tpu.vector_load %arg8[%swap3A_861, %swap3A_862] {strides = array<i32>} : memref<64x256xf32, #tpu.memory_space<vmem>>, vector<16xf32>,
        tpu.vector_store %arg8[%swap3A_861, %swap3A_862], %gather3A_782 {strides = array<i32>} : memref<64x256xf32, #tpu.memory_space<vmem>>, vector<16xf32>,
        %swap3A_864 = arith.index_cast %scan3A_751 : i32 to index
        %swap3A_865 = arith.constant 80 : index
        %swap3A_866 = tpu.vector_load %arg8[%swap3A_864, %swap3A_865] {strides = array<i32>} : memref<64x256xf32, #tpu.memory_space<vmem>>, vector<16xf32>,
        tpu.vector_store %arg8[%swap3A_864, %swap3A_865], %gather3A_788 {strides = array<i32>} : memref<64x256xf32, #tpu.memory_space<vmem>>, vector<16xf32>,
        %swap3A_867 = arith.index_cast %scan3A_751 : i32 to index
        %swap3A_868 = arith.constant 96 : index
        %swap3A_869 = tpu.vector_load %arg8[%swap3A_867, %swap3A_868] {strides = array<i32>} : memref<64x256xf32, #tpu.memory_space<vmem>>, vector<16xf32>,
        tpu.vector_store %arg8[%swap3A_867, %swap3A_868], %gather3A_794 {strides = array<i32>} : memref<64x256xf32, #tpu.memory_space<vmem>>, vector<16xf32>,
        %swap3A_870 = arith.index_cast %scan3A_751 : i32 to index
        %swap3A_871 = arith.constant 112 : index
        %swap3A_872 = tpu.vector_load %arg8[%swap3A_870, %swap3A_871] {strides = array<i32>} : memref<64x256xf32, #tpu.memory_space<vmem>>, vector<16xf32>,
        tpu.vector_store %arg8[%swap3A_870, %swap3A_871], %gather3A_800 {strides = array<i32>} : memref<64x256xf32, #tpu.memory_space<vmem>>, vector<16xf32>,
        %swap3A_873 = arith.index_cast %scan3A_751 : i32 to index
        %swap3A_874 = arith.constant 128 : index
        %swap3A_875 = tpu.vector_load %arg8[%swap3A_873, %swap3A_874] {strides = array<i32>} : memref<64x256xf32, #tpu.memory_space<vmem>>, vector<16xf32>,
        tpu.vector_store %arg8[%swap3A_873, %swap3A_874], %gather3A_806 {strides = array<i32>} : memref<64x256xf32, #tpu.memory_space<vmem>>, vector<16xf32>,
        %swap3A_876 = arith.index_cast %scan3A_751 : i32 to index
        %swap3A_877 = arith.constant 144 : index
        %swap3A_878 = tpu.vector_load %arg8[%swap3A_876, %swap3A_877] {strides = array<i32>} : memref<64x256xf32, #tpu.memory_space<vmem>>, vector<16xf32>,
        tpu.vector_store %arg8[%swap3A_876, %swap3A_877], %gather3A_812 {strides = array<i32>} : memref<64x256xf32, #tpu.memory_space<vmem>>, vector<16xf32>,
        %swap3A_879 = arith.index_cast %scan3A_751 : i32 to index
        %swap3A_880 = arith.constant 160 : index
        %swap3A_881 = tpu.vector_load %arg8[%swap3A_879, %swap3A_880] {strides = array<i32>} : memref<64x256xf32, #tpu.memory_space<vmem>>, vector<16xf32>,
        tpu.vector_store %arg8[%swap3A_879, %swap3A_880], %gather3A_818 {strides = array<i32>} : memref<64x256xf32, #tpu.memory_space<vmem>>, vector<16xf32>,
        %swap3A_882 = arith.index_cast %scan3A_751 : i32 to index
        %swap3A_883 = arith.constant 176 : index
        %swap3A_884 = tpu.vector_load %arg8[%swap3A_882, %swap3A_883] {strides = array<i32>} : memref<64x256xf32, #tpu.memory_space<vmem>>, vector<16xf32>,
        tpu.vector_store %arg8[%swap3A_882, %swap3A_883], %gather3A_824 {strides = array<i32>} : memref<64x256xf32, #tpu.memory_space<vmem>>, vector<16xf32>,
        %swap3A_885 = arith.index_cast %scan3A_751 : i32 to index
        %swap3A_886 = arith.constant 192 : index
        %swap3A_887 = tpu.vector_load %arg8[%swap3A_885, %swap3A_886] {strides = array<i32>} : memref<64x256xf32, #tpu.memory_space<vmem>>, vector<16xf32>,
        tpu.vector_store %arg8[%swap3A_885, %swap3A_886], %gather3A_830 {strides = array<i32>} : memref<64x256xf32, #tpu.memory_space<vmem>>, vector<16xf32>,
        %swap3A_888 = arith.index_cast %scan3A_751 : i32 to index
        %swap3A_889 = arith.constant 208 : index
        %swap3A_890 = tpu.vector_load %arg8[%swap3A_888, %swap3A_889] {strides = array<i32>} : memref<64x256xf32, #tpu.memory_space<vmem>>, vector<16xf32>,
        tpu.vector_store %arg8[%swap3A_888, %swap3A_889], %gather3A_836 {strides = array<i32>} : memref<64x256xf32, #tpu.memory_space<vmem>>, vector<16xf32>,
        %swap3A_891 = arith.index_cast %scan3A_751 : i32 to index
        %swap3A_892 = arith.constant 224 : index
        %swap3A_893 = tpu.vector_load %arg8[%swap3A_891, %swap3A_892] {strides = array<i32>} : memref<64x256xf32, #tpu.memory_space<vmem>>, vector<16xf32>,
        tpu.vector_store %arg8[%swap3A_891, %swap3A_892], %gather3A_842 {strides = array<i32>} : memref<64x256xf32, #tpu.memory_space<vmem>>, vector<16xf32>,
        %swap3A_894 = arith.index_cast %scan3A_751 : i32 to index
        %swap3A_895 = arith.constant 240 : index
        %swap3A_896 = tpu.vector_load %arg8[%swap3A_894, %swap3A_895] {strides = array<i32>} : memref<64x256xf32, #tpu.memory_space<vmem>>, vector<16xf32>,
        tpu.vector_store %arg8[%swap3A_894, %swap3A_895], %gather3A_848 {strides = array<i32>} : memref<64x256xf32, #tpu.memory_space<vmem>>, vector<16xf32>,
        %scan3A_897 = arith.constant 3 : i32
        %scan3A_898 = arith.addi %scan3A_460, %scan3A_897 : i32
        %add3A_899 = arith.addi %mul3A_410, %scan3A_898 : i32
        %add3A_900 = vector.broadcast %add3A_899 : i32 to vector<16xi32>
        %add3A_901 = arith.addi %get3A_180, %add3A_900 : vector<16xi32>
        %and3A_902 = arith.constant 255 : i32
        %and3A_903 = vector.broadcast %and3A_902 : i32 to vector<16xi32>
        %and3A_904 = arith.andi %add3A_901, %and3A_903 : vector<16xi32>
        %gather3A_905 = tpu.vector_load_idx %arg6[%and3A_904, %add3A_214] : memref<256x256xf32, #tpu.memory_space<vmem>>[vector<16xi32>, vector<16xi32>], vector<16xf32>,
        %add3A_906 = vector.broadcast %add3A_899 : i32 to vector<16xi32>
        %add3A_907 = arith.addi %get3A_182, %add3A_906 : vector<16xi32>
        %and3A_908 = arith.constant 255 : i32
        %and3A_909 = vector.broadcast %and3A_908 : i32 to vector<16xi32>
        %and3A_910 = arith.andi %add3A_907, %and3A_909 : vector<16xi32>
        %gather3A_911 = tpu.vector_load_idx %arg6[%and3A_910, %add3A_218] : memref<256x256xf32, #tpu.memory_space<vmem>>[vector<16xi32>, vector<16xi32>], vector<16xf32>,
        %add3A_912 = vector.broadcast %add3A_899 : i32 to vector<16xi32>
        %add3A_913 = arith.addi %get3A_184, %add3A_912 : vector<16xi32>
        %and3A_914 = arith.constant 255 : i32
        %and3A_915 = vector.broadcast %and3A_914 : i32 to vector<16xi32>
        %and3A_916 = arith.andi %add3A_913, %and3A_915 : vector<16xi32>
        %gather3A_917 = tpu.vector_load_idx %arg6[%and3A_916, %add3A_222] : memref<256x256xf32, #tpu.memory_space<vmem>>[vector<16xi32>, vector<16xi32>], vector<16xf32>,
        %add3A_918 = vector.broadcast %add3A_899 : i32 to vector<16xi32>
        %add3A_919 = arith.addi %get3A_186, %add3A_918 : vector<16xi32>
        %and3A_920 = arith.constant 255 : i32
        %and3A_921 = vector.broadcast %and3A_920 : i32 to vector<16xi32>
        %and3A_922 = arith.andi %add3A_919, %and3A_921 : vector<16xi32>
        %gather3A_923 = tpu.vector_load_idx %arg6[%and3A_922, %add3A_226] : memref<256x256xf32, #tpu.memory_space<vmem>>[vector<16xi32>, vector<16xi32>], vector<16xf32>,
        %add3A_924 = vector.broadcast %add3A_899 : i32 to vector<16xi32>
        %add3A_925 = arith.addi %get3A_188, %add3A_924 : vector<16xi32>
        %and3A_926 = arith.constant 255 : i32
        %and3A_927 = vector.broadcast %and3A_926 : i32 to vector<16xi32>
        %and3A_928 = arith.andi %add3A_925, %and3A_927 : vector<16xi32>
        %gather3A_929 = tpu.vector_load_idx %arg6[%and3A_928, %add3A_230] : memref<256x256xf32, #tpu.memory_space<vmem>>[vector<16xi32>, vector<16xi32>], vector<16xf32>,
        %add3A_930 = vector.broadcast %add3A_899 : i32 to vector<16xi32>
        %add3A_931 = arith.addi %get3A_190, %add3A_930 : vector<16xi32>
        %and3A_932 = arith.constant 255 : i32
        %and3A_933 = vector.broadcast %and3A_932 : i32 to vector<16xi32>
        %and3A_934 = arith.andi %add3A_931, %and3A_933 : vector<16xi32>
        %gather3A_935 = tpu.vector_load_idx %arg6[%and3A_934, %add3A_234] : memref<256x256xf32, #tpu.memory_space<vmem>>[vector<16xi32>, vector<16xi32>], vector<16xf32>,
        %add3A_936 = vector.broadcast %add3A_899 : i32 to vector<16xi32>
        %add3A_937 = arith.addi %get3A_192, %add3A_936 : vector<16xi32>
        %and3A_938 = arith.constant 255 : i32
        %and3A_939 = vector.broadcast %and3A_938 : i32 to vector<16xi32>
        %and3A_940 = arith.andi %add3A_937, %and3A_939 : vector<16xi32>
        %gather3A_941 = tpu.vector_load_idx %arg6[%and3A_940, %add3A_238] : memref<256x256xf32, #tpu.memory_space<vmem>>[vector<16xi32>, vector<16xi32>], vector<16xf32>,
        %add3A_942 = vector.broadcast %add3A_899 : i32 to vector<16xi32>
        %add3A_943 = arith.addi %get3A_194, %add3A_942 : vector<16xi32>
        %and3A_944 = arith.constant 255 : i32
        %and3A_945 = vector.broadcast %and3A_944 : i32 to vector<16xi32>
        %and3A_946 = arith.andi %add3A_943, %and3A_945 : vector<16xi32>
        %gather3A_947 = tpu.vector_load_idx %arg6[%and3A_946, %add3A_242] : memref<256x256xf32, #tpu.memory_space<vmem>>[vector<16xi32>, vector<16xi32>], vector<16xf32>,
        %add3A_948 = vector.broadcast %add3A_899 : i32 to vector<16xi32>
        %add3A_949 = arith.addi %get3A_196, %add3A_948 : vector<16xi32>
        %and3A_950 = arith.constant 255 : i32
        %and3A_951 = vector.broadcast %and3A_950 : i32 to vector<16xi32>
        %and3A_952 = arith.andi %add3A_949, %and3A_951 : vector<16xi32>
        %gather3A_953 = tpu.vector_load_idx %arg6[%and3A_952, %add3A_246] : memref<256x256xf32, #tpu.memory_space<vmem>>[vector<16xi32>, vector<16xi32>], vector<16xf32>,
        %add3A_954 = vector.broadcast %add3A_899 : i32 to vector<16xi32>
        %add3A_955 = arith.addi %get3A_198, %add3A_954 : vector<16xi32>
        %and3A_956 = arith.constant 255 : i32
        %and3A_957 = vector.broadcast %and3A_956 : i32 to vector<16xi32>
        %and3A_958 = arith.andi %add3A_955, %and3A_957 : vector<16xi32>
        %gather3A_959 = tpu.vector_load_idx %arg6[%and3A_958, %add3A_250] : memref<256x256xf32, #tpu.memory_space<vmem>>[vector<16xi32>, vector<16xi32>], vector<16xf32>,
        %add3A_960 = vector.broadcast %add3A_899 : i32 to vector<16xi32>
        %add3A_961 = arith.addi %get3A_200, %add3A_960 : vector<16xi32>
        %and3A_962 = arith.constant 255 : i32
        %and3A_963 = vector.broadcast %and3A_962 : i32 to vector<16xi32>
        %and3A_964 = arith.andi %add3A_961, %and3A_963 : vector<16xi32>
        %gather3A_965 = tpu.vector_load_idx %arg6[%and3A_964, %add3A_254] : memref<256x256xf32, #tpu.memory_space<vmem>>[vector<16xi32>, vector<16xi32>], vector<16xf32>,
        %add3A_966 = vector.broadcast %add3A_899 : i32 to vector<16xi32>
        %add3A_967 = arith.addi %get3A_202, %add3A_966 : vector<16xi32>
        %and3A_968 = arith.constant 255 : i32
        %and3A_969 = vector.broadcast %and3A_968 : i32 to vector<16xi32>
        %and3A_970 = arith.andi %add3A_967, %and3A_969 : vector<16xi32>
        %gather3A_971 = tpu.vector_load_idx %arg6[%and3A_970, %add3A_258] : memref<256x256xf32, #tpu.memory_space<vmem>>[vector<16xi32>, vector<16xi32>], vector<16xf32>,
        %add3A_972 = vector.broadcast %add3A_899 : i32 to vector<16xi32>
        %add3A_973 = arith.addi %get3A_204, %add3A_972 : vector<16xi32>
        %and3A_974 = arith.constant 255 : i32
        %and3A_975 = vector.broadcast %and3A_974 : i32 to vector<16xi32>
        %and3A_976 = arith.andi %add3A_973, %and3A_975 : vector<16xi32>
        %gather3A_977 = tpu.vector_load_idx %arg6[%and3A_976, %add3A_262] : memref<256x256xf32, #tpu.memory_space<vmem>>[vector<16xi32>, vector<16xi32>], vector<16xf32>,
        %add3A_978 = vector.broadcast %add3A_899 : i32 to vector<16xi32>
        %add3A_979 = arith.addi %get3A_206, %add3A_978 : vector<16xi32>
        %and3A_980 = arith.constant 255 : i32
        %and3A_981 = vector.broadcast %and3A_980 : i32 to vector<16xi32>
        %and3A_982 = arith.andi %add3A_979, %and3A_981 : vector<16xi32>
        %gather3A_983 = tpu.vector_load_idx %arg6[%and3A_982, %add3A_266] : memref<256x256xf32, #tpu.memory_space<vmem>>[vector<16xi32>, vector<16xi32>], vector<16xf32>,
        %add3A_984 = vector.broadcast %add3A_899 : i32 to vector<16xi32>
        %add3A_985 = arith.addi %get3A_208, %add3A_984 : vector<16xi32>
        %and3A_986 = arith.constant 255 : i32
        %and3A_987 = vector.broadcast %and3A_986 : i32 to vector<16xi32>
        %and3A_988 = arith.andi %add3A_985, %and3A_987 : vector<16xi32>
        %gather3A_989 = tpu.vector_load_idx %arg6[%and3A_988, %add3A_270] : memref<256x256xf32, #tpu.memory_space<vmem>>[vector<16xi32>, vector<16xi32>], vector<16xf32>,
        %add3A_990 = vector.broadcast %add3A_899 : i32 to vector<16xi32>
        %add3A_991 = arith.addi %get3A_210, %add3A_990 : vector<16xi32>
        %and3A_992 = arith.constant 255 : i32
        %and3A_993 = vector.broadcast %and3A_992 : i32 to vector<16xi32>
        %and3A_994 = arith.andi %add3A_991, %and3A_993 : vector<16xi32>
        %gather3A_995 = tpu.vector_load_idx %arg6[%and3A_994, %add3A_274] : memref<256x256xf32, #tpu.memory_space<vmem>>[vector<16xi32>, vector<16xi32>], vector<16xf32>,
        %swap3A_996 = arith.index_cast %scan3A_898 : i32 to index
        %swap3A_997 = arith.constant 0 : index
        %swap3A_998 = tpu.vector_load %arg8[%swap3A_996, %swap3A_997] {strides = array<i32>} : memref<64x256xf32, #tpu.memory_space<vmem>>, vector<16xf32>,
        tpu.vector_store %arg8[%swap3A_996, %swap3A_997], %gather3A_905 {strides = array<i32>} : memref<64x256xf32, #tpu.memory_space<vmem>>, vector<16xf32>,
        %swap3A_999 = arith.index_cast %scan3A_898 : i32 to index
        %swap3A_1000 = arith.constant 16 : index
        %swap3A_1001 = tpu.vector_load %arg8[%swap3A_999, %swap3A_1000] {strides = array<i32>} : memref<64x256xf32, #tpu.memory_space<vmem>>, vector<16xf32>,
        tpu.vector_store %arg8[%swap3A_999, %swap3A_1000], %gather3A_911 {strides = array<i32>} : memref<64x256xf32, #tpu.memory_space<vmem>>, vector<16xf32>,
        %swap3A_1002 = arith.index_cast %scan3A_898 : i32 to index
        %swap3A_1003 = arith.constant 32 : index
        %swap3A_1004 = tpu.vector_load %arg8[%swap3A_1002, %swap3A_1003] {strides = array<i32>} : memref<64x256xf32, #tpu.memory_space<vmem>>, vector<16xf32>,
        tpu.vector_store %arg8[%swap3A_1002, %swap3A_1003], %gather3A_917 {strides = array<i32>} : memref<64x256xf32, #tpu.memory_space<vmem>>, vector<16xf32>,
        %swap3A_1005 = arith.index_cast %scan3A_898 : i32 to index
        %swap3A_1006 = arith.constant 48 : index
        %swap3A_1007 = tpu.vector_load %arg8[%swap3A_1005, %swap3A_1006] {strides = array<i32>} : memref<64x256xf32, #tpu.memory_space<vmem>>, vector<16xf32>,
        tpu.vector_store %arg8[%swap3A_1005, %swap3A_1006], %gather3A_923 {strides = array<i32>} : memref<64x256xf32, #tpu.memory_space<vmem>>, vector<16xf32>,
        %swap3A_1008 = arith.index_cast %scan3A_898 : i32 to index
        %swap3A_1009 = arith.constant 64 : index
        %swap3A_1010 = tpu.vector_load %arg8[%swap3A_1008, %swap3A_1009] {strides = array<i32>} : memref<64x256xf32, #tpu.memory_space<vmem>>, vector<16xf32>,
        tpu.vector_store %arg8[%swap3A_1008, %swap3A_1009], %gather3A_929 {strides = array<i32>} : memref<64x256xf32, #tpu.memory_space<vmem>>, vector<16xf32>,
        %swap3A_1011 = arith.index_cast %scan3A_898 : i32 to index
        %swap3A_1012 = arith.constant 80 : index
        %swap3A_1013 = tpu.vector_load %arg8[%swap3A_1011, %swap3A_1012] {strides = array<i32>} : memref<64x256xf32, #tpu.memory_space<vmem>>, vector<16xf32>,
        tpu.vector_store %arg8[%swap3A_1011, %swap3A_1012], %gather3A_935 {strides = array<i32>} : memref<64x256xf32, #tpu.memory_space<vmem>>, vector<16xf32>,
        %swap3A_1014 = arith.index_cast %scan3A_898 : i32 to index
        %swap3A_1015 = arith.constant 96 : index
        %swap3A_1016 = tpu.vector_load %arg8[%swap3A_1014, %swap3A_1015] {strides = array<i32>} : memref<64x256xf32, #tpu.memory_space<vmem>>, vector<16xf32>,
        tpu.vector_store %arg8[%swap3A_1014, %swap3A_1015], %gather3A_941 {strides = array<i32>} : memref<64x256xf32, #tpu.memory_space<vmem>>, vector<16xf32>,
        %swap3A_1017 = arith.index_cast %scan3A_898 : i32 to index
        %swap3A_1018 = arith.constant 112 : index
        %swap3A_1019 = tpu.vector_load %arg8[%swap3A_1017, %swap3A_1018] {strides = array<i32>} : memref<64x256xf32, #tpu.memory_space<vmem>>, vector<16xf32>,
        tpu.vector_store %arg8[%swap3A_1017, %swap3A_1018], %gather3A_947 {strides = array<i32>} : memref<64x256xf32, #tpu.memory_space<vmem>>, vector<16xf32>,
        %swap3A_1020 = arith.index_cast %scan3A_898 : i32 to index
        %swap3A_1021 = arith.constant 128 : index
        %swap3A_1022 = tpu.vector_load %arg8[%swap3A_1020, %swap3A_1021] {strides = array<i32>} : memref<64x256xf32, #tpu.memory_space<vmem>>, vector<16xf32>,
        tpu.vector_store %arg8[%swap3A_1020, %swap3A_1021], %gather3A_953 {strides = array<i32>} : memref<64x256xf32, #tpu.memory_space<vmem>>, vector<16xf32>,
        %swap3A_1023 = arith.index_cast %scan3A_898 : i32 to index
        %swap3A_1024 = arith.constant 144 : index
        %swap3A_1025 = tpu.vector_load %arg8[%swap3A_1023, %swap3A_1024] {strides = array<i32>} : memref<64x256xf32, #tpu.memory_space<vmem>>, vector<16xf32>,
        tpu.vector_store %arg8[%swap3A_1023, %swap3A_1024], %gather3A_959 {strides = array<i32>} : memref<64x256xf32, #tpu.memory_space<vmem>>, vector<16xf32>,
        %swap3A_1026 = arith.index_cast %scan3A_898 : i32 to index
        %swap3A_1027 = arith.constant 160 : index
        %swap3A_1028 = tpu.vector_load %arg8[%swap3A_1026, %swap3A_1027] {strides = array<i32>} : memref<64x256xf32, #tpu.memory_space<vmem>>, vector<16xf32>,
        tpu.vector_store %arg8[%swap3A_1026, %swap3A_1027], %gather3A_965 {strides = array<i32>} : memref<64x256xf32, #tpu.memory_space<vmem>>, vector<16xf32>,
        %swap3A_1029 = arith.index_cast %scan3A_898 : i32 to index
        %swap3A_1030 = arith.constant 176 : index
        %swap3A_1031 = tpu.vector_load %arg8[%swap3A_1029, %swap3A_1030] {strides = array<i32>} : memref<64x256xf32, #tpu.memory_space<vmem>>, vector<16xf32>,
        tpu.vector_store %arg8[%swap3A_1029, %swap3A_1030], %gather3A_971 {strides = array<i32>} : memref<64x256xf32, #tpu.memory_space<vmem>>, vector<16xf32>,
        %swap3A_1032 = arith.index_cast %scan3A_898 : i32 to index
        %swap3A_1033 = arith.constant 192 : index
        %swap3A_1034 = tpu.vector_load %arg8[%swap3A_1032, %swap3A_1033] {strides = array<i32>} : memref<64x256xf32, #tpu.memory_space<vmem>>, vector<16xf32>,
        tpu.vector_store %arg8[%swap3A_1032, %swap3A_1033], %gather3A_977 {strides = array<i32>} : memref<64x256xf32, #tpu.memory_space<vmem>>, vector<16xf32>,
        %swap3A_1035 = arith.index_cast %scan3A_898 : i32 to index
        %swap3A_1036 = arith.constant 208 : index
        %swap3A_1037 = tpu.vector_load %arg8[%swap3A_1035, %swap3A_1036] {strides = array<i32>} : memref<64x256xf32, #tpu.memory_space<vmem>>, vector<16xf32>,
        tpu.vector_store %arg8[%swap3A_1035, %swap3A_1036], %gather3A_983 {strides = array<i32>} : memref<64x256xf32, #tpu.memory_space<vmem>>, vector<16xf32>,
        %swap3A_1038 = arith.index_cast %scan3A_898 : i32 to index
        %swap3A_1039 = arith.constant 224 : index
        %swap3A_1040 = tpu.vector_load %arg8[%swap3A_1038, %swap3A_1039] {strides = array<i32>} : memref<64x256xf32, #tpu.memory_space<vmem>>, vector<16xf32>,
        tpu.vector_store %arg8[%swap3A_1038, %swap3A_1039], %gather3A_989 {strides = array<i32>} : memref<64x256xf32, #tpu.memory_space<vmem>>, vector<16xf32>,
        %swap3A_1041 = arith.index_cast %scan3A_898 : i32 to index
        %swap3A_1042 = arith.constant 240 : index
        %swap3A_1043 = tpu.vector_load %arg8[%swap3A_1041, %swap3A_1042] {strides = array<i32>} : memref<64x256xf32, #tpu.memory_space<vmem>>, vector<16xf32>,
        tpu.vector_store %arg8[%swap3A_1041, %swap3A_1042], %gather3A_995 {strides = array<i32>} : memref<64x256xf32, #tpu.memory_space<vmem>>, vector<16xf32>,
      }
      %scan3A_450 = arith.constant 64 : i32
      %dma_start3A_451 = arith.constant 1 : i32
      %dma_start3A_452 = arith.constant 0 : i32
      %dma_start3A_453 = tpu.memref_slice %arg4[%add3A_178, %mul3A_410, %dma_start3A_452] : memref<64x2048x256xf32, #tpu.memory_space<hbm>> -> memref<1x64x256xf32, #tpu.memory_space<hbm>>
      %dma_start3A_454 = tpu.memref_squeeze %dma_start3A_453 : memref<1x64x256xf32, #tpu.memory_space<hbm>> -> memref<64x256xf32, #tpu.memory_space<hbm>>
      %dma_start3A_455 = tpu.memref_slice %arg10[%dma_start3A_451] : memref<2x!tpu.dma_semaphore, #tpu.memory_space<semaphore_mem>> -> memref<1x!tpu.dma_semaphore, #tpu.memory_space<semaphore_mem>>
      %dma_start3A_456 = tpu.memref_squeeze %dma_start3A_455 : memref<1x!tpu.dma_semaphore, #tpu.memory_space<semaphore_mem>> -> memref<!tpu.dma_semaphore, #tpu.memory_space<semaphore_mem>>
      %dma_start3A_457 = arith.constant 0 : i32
      %dma_start3A_458 = tpu.memref_slice %arg4[%add3A_178, %mul3A_410, %dma_start3A_457] : memref<64x2048x256xf32, #tpu.memory_space<hbm>> -> memref<1x64x256xf32, #tpu.memory_space<hbm>>
      %dma_start3A_459 = tpu.memref_squeeze %dma_start3A_458 : memref<1x64x256xf32, #tpu.memory_space<hbm>> -> memref<64x256xf32, #tpu.memory_space<hbm>>
      tpu.enqueue_dma source(%arg8 : memref<64x256xf32, #tpu.memory_space<vmem>>) target(%dma_start3A_459 : memref<64x256xf32, #tpu.memory_space<hbm>>) target_semaphore(%dma_start3A_456 : memref<!tpu.dma_semaphore, #tpu.memory_space<semaphore_mem>>)
    }
    %scan3A_331 = arith.constant 16 : i32
    %dma_wait3A_332 = arith.constant 0 : i32
    %dma_wait3A_333 = arith.constant 0 : i32
    %dma_wait3A_334 = arith.constant 0 : i32
    %dma_wait3A_335 = tpu.memref_slice %arg4[%add3A_178, %dma_wait3A_333, %dma_wait3A_334] : memref<64x2048x256xf32, #tpu.memory_space<hbm>> -> memref<1x64x256xf32, #tpu.memory_space<hbm>>
    %dma_wait3A_336 = tpu.memref_squeeze %dma_wait3A_335 : memref<1x64x256xf32, #tpu.memory_space<hbm>> -> memref<64x256xf32, #tpu.memory_space<hbm>>
    %dma_wait3A_337 = tpu.memref_slice %arg10[%dma_wait3A_332] : memref<2x!tpu.dma_semaphore, #tpu.memory_space<semaphore_mem>> -> memref<1x!tpu.dma_semaphore, #tpu.memory_space<semaphore_mem>>
    %dma_wait3A_338 = tpu.memref_squeeze %dma_wait3A_337 : memref<1x!tpu.dma_semaphore, #tpu.memory_space<semaphore_mem>> -> memref<!tpu.dma_semaphore, #tpu.memory_space<semaphore_mem>>
    %dma_wait3A_339 = arith.constant 0 : i32
    %dma_wait3A_340 = arith.constant 0 : i32
    %dma_wait3A_341 = tpu.memref_slice %arg4[%add3A_178, %dma_wait3A_339, %dma_wait3A_340] : memref<64x2048x256xf32, #tpu.memory_space<hbm>> -> memref<1x64x256xf32, #tpu.memory_space<hbm>>
    %dma_wait3A_342 = tpu.memref_squeeze %dma_wait3A_341 : memref<1x64x256xf32, #tpu.memory_space<hbm>> -> memref<64x256xf32, #tpu.memory_space<hbm>>
    tpu.wait_dma2 semaphore(%dma_wait3A_338 : memref<!tpu.dma_semaphore, #tpu.memory_space<semaphore_mem>>) src(%arg7 : memref<64x256xf32, #tpu.memory_space<vmem>>) dst(%dma_wait3A_342 : memref<64x256xf32, #tpu.memory_space<hbm>>)
    %dma_wait3A_343 = arith.constant 1 : i32
    %dma_wait3A_344 = arith.constant 0 : i32
    %dma_wait3A_345 = arith.constant 0 : i32
    %dma_wait3A_346 = tpu.memref_slice %arg4[%add3A_178, %dma_wait3A_344, %dma_wait3A_345] : memref<64x2048x256xf32, #tpu.memory_space<hbm>> -> memref<1x64x256xf32, #tpu.memory_space<hbm>>
    %dma_wait3A_347 = tpu.memref_squeeze %dma_wait3A_346 : memref<1x64x256xf32, #tpu.memory_space<hbm>> -> memref<64x256xf32, #tpu.memory_space<hbm>>
    %dma_wait3A_348 = tpu.memref_slice %arg10[%dma_wait3A_343] : memref<2x!tpu.dma_semaphore, #tpu.memory_space<semaphore_mem>> -> memref<1x!tpu.dma_semaphore, #tpu.memory_space<semaphore_mem>>
    %dma_wait3A_349 = tpu.memref_squeeze %dma_wait3A_348 : memref<1x!tpu.dma_semaphore, #tpu.memory_space<semaphore_mem>> -> memref<!tpu.dma_semaphore, #tpu.memory_space<semaphore_mem>>
    %dma_wait3A_350 = arith.constant 0 : i32
    %dma_wait3A_351 = arith.constant 0 : i32
    %dma_wait3A_352 = tpu.memref_slice %arg4[%add3A_178, %dma_wait3A_350, %dma_wait3A_351] : memref<64x2048x256xf32, #tpu.memory_space<hbm>> -> memref<1x64x256xf32, #tpu.memory_space<hbm>>
    %dma_wait3A_353 = tpu.memref_squeeze %dma_wait3A_352 : memref<1x64x256xf32, #tpu.memory_space<hbm>> -> memref<64x256xf32, #tpu.memory_space<hbm>>
    tpu.wait_dma2 semaphore(%dma_wait3A_349 : memref<!tpu.dma_semaphore, #tpu.memory_space<semaphore_mem>>) src(%arg8 : memref<64x256xf32, #tpu.memory_space<vmem>>) dst(%dma_wait3A_353 : memref<64x256xf32, #tpu.memory_space<hbm>>)
    return
  }
}

</mosaic_0001>

<sc_bundles>
// kernel: kernel.3.cloned.1.call-start
scs
__scs_entry_jumppad:
0x0: {  	(pc) =	sbr.rel $0x88, $3  }
0x1: {  	(tag) =	ssettag $0x0;
	lr =	simm.s32 $0x1  }
0x2: {  	[smem:$0x3FA0] =	sst lr;
	_ =	strace $0xD0000000  }
0x3: {  	_ = 	snop  }
0x4: {  	_ = 	snop  }
0x5: {  	_ = 	snop  }
0x6: {  	_ = 	snop  }
0x7: {  	_ = 	snop  }
__scs_overlays_trampoline_lowered:
0x8: {  	[smem:$0x3FAF] =	sst s0  }
0x9: {  	[smem:$0x3FB0] =	sst s1  }
0xa: {  	[smem:$0x3FB1] =	sst s2  }
0xb: {  	[smem:$0x3FB2] =	sst s3  }
0xc: {  	[smem:$0x3FB3] =	sst s4  }
0xd: {  	[smem:$0x3FB4] =	sst s5  }
0xe: {  	[smem:$0x3FB5] =	sst s6  }
0xf: {  	[smem:$0x3FB6] =	sst s7  }
0x10: {  	[smem:$0x3FB7] =	sst s8  }
0x11: {  	[smem:$0x3FB8] =	sst s9;
	s0 =	simm.s32 @!p0 $0x0  }
0x12: {  	s1 =	sld [smem:$0x3F9E];
	s0 =	simm.s32 @p0 $0x1  }
0x13: {  	[smem:$0x3FB9] =	sst s0;
	s0 =	simm.s32 @!p1 $0x0  }
0x14: {  	s2 =	sld [smem:$0x3F9D];
	s0 =	simm.s32 @p1 $0x1  }
0x15: {  	[smem:$0x3FBA] =	sst s0;
	s0 =	simm.s32 @!p2 $0x0  }
0x16: {  	s3 =	sld [smem:$0x3FDB];
	s0 =	simm.s32 @p2 $0x1  }
0x17: {  	s4 =	simm.s32 $0x1BF5;
	[smem:$0x3FBC] =	sst s0  }
0x18: {  	s0 =	sld [smem:$0x3F9F];
	_ =	swait.ge [sflag:s4], $0x0  }
0x19: {  	s7 =	sld [smem:$0x3FA0]  }
0x1a: {  	s8 =	sadd.s32 $0xFFFFE003, lr  }
0x1b: {  	s9 =	sadd.s32 $0xFFFFFEF7, lr;
	s5 =	simm.s32 $0xFFFFFFFF;
	p2 =	slt.u32 s8, $0xFFFFF086  }
0x1c: {  	p1 =	slt.u32 s9, $0xF7A;
	s5 =	simm.s32 @!p2 $0x0  }
0x1d: {  	s5 =	simm.s32 @p1 $0x1;
	p0 =	seq.s32 s7, s2  }
0x1e: {  	s7 =	smul.u32 @!p0 $0xF7A, s2;
	p2 =	seq.s32 @!p0 s5, $0x0  }
0x1f: {  	s9 =	smul.u32 $0xF7A, s1;
	s8 =	simm.s32 @!p0 $0x1BF5;
	p2 =	por !p2, p0  }
0x20: {  	[sflag:s8] =	ssyncset.s32 @!p0 $0xFFFFF086;
	s6 =	sadd.s32 @!p0 s3, s7;
	s7 =	simm.s32 @!p0 $0x108  }
0x21: {  	s3 =	sadd.s32 s3, s9;
	s6 =	sadd.s32 @!p0 $0x88, s6;
	s7 =	simm.s32 @p2 $0x1082  }
0x22: {  	[simem:s7], [sflag:s8] =	dma.local @!p0 [hbm:s6], $0xF7A  }
0x23: {  	s9 =	sor.u32 $0xD0000000, s2;
	s6 =	simm.s32 $0x108;
	_ =	swait.ge @!p0 [sflag:s8], $0x0  }
0x24: {  	s3 =	sadd.s32 $0x88, s3;
	s6 =	simm.s32 @!p1 $0x1082;
	[sflag:s4] =	ssyncset.s32 $0xFFFFF086  }
0x25: {  	[simem:s6], [sflag:s4] =	dma.local [hbm:s3], $0xF7A  }
0x26: {  	[smem:$0x3FA0] =	sst s1;
	(tag) =	ssettag s2;
	_ =	strace s9  }
0x27: {  	s1 =	sld [smem:$0x3FB0]  }
0x28: {  	s2 =	sld [smem:$0x3FB1]  }
0x29: {  	s4 =	sld [smem:$0x3FB3]  }
0x2a: {  	p0 =	seq.s32 s5, $0x0;
	s5 =	sld [smem:$0x3FB4]  }
0x2b: {  	s6 =	sld [smem:$0x3FB5]  }
0x2c: {  	s7 =	sld [smem:$0x3FB6]  }
0x2d: {  	s3 =	simm.s32 $0x108;
	s8 =	sld [smem:$0x3FB7]  }
0x2e: {  	s3 =	simm.s32 @!p0 $0x1082;
	s9 =	sld [smem:$0x3FB8]  }
0x2f: {  	lr =	sadd.s32 s0, s3;
	s0 =	sld [smem:$0x3FAF]  }
0x30: {  	s3 =	sld [smem:$0x3FB2]  }
0x31: {  	[smem:$0x3FBB] =	sst s10  }
0x32: {  	s10 =	sld [smem:$0x3FB9];
	_ =	sdelay $0x3  }
0x33: {  	p0 =	seq.s32 s10, $0x1;
	s10 =	sld [smem:$0x3FBB];
	_ =	sdelay $0x3  }
0x34: {  	[smem:$0x3FBB] =	sst s10  }
0x35: {  	s10 =	sld [smem:$0x3FBA];
	_ =	sdelay $0x3  }
0x36: {  	p1 =	seq.s32 s10, $0x1;
	s10 =	sld [smem:$0x3FBB];
	_ =	sdelay $0x3  }
0x37: {  	[smem:$0x3FBB] =	sst s10  }
0x38: {  	s10 =	sld [smem:$0x3FBC]  }
0x39: {  	_ = 	snop;
	(pc) =	sbr.ind lr, $3  }
0x3a: {  	_ = 	snop  }
0x3b: {  	_ = 	snop  }
0x3c: {  	p2 =	seq.s32 s10, $0x1;
	s10 =	sld [smem:$0x3FBB]  }
0x3d: {  	_ =	shalt  }
0x3e: {  	_ =	shalt  }
0x3f: {  	_ =	shalt  }
0x40: {  	_ =	shalt  }
0x41: {  	_ =	shalt  }
0x42: {  	_ =	shalt  }
0x43: {  	_ =	shalt  }
0x44: {  	_ =	shalt  }
0x45: {  	_ =	shalt  }
0x46: {  	_ =	shalt  }
0x47: {  	_ =	shalt  }
0x48: {  	_ =	shalt  }
0x49: {  	_ =	shalt  }
0x4a: {  	_ =	shalt  }
0x4b: {  	_ =	shalt  }
0x4c: {  	_ =	shalt  }
0x4d: {  	_ =	shalt  }
0x4e: {  	_ =	shalt  }
0x4f: {  	_ =	shalt  }
0x50: {  	_ =	shalt  }
0x51: {  	_ =	shalt  }
0x52: {  	_ =	shalt  }
0x53: {  	_ =	shalt  }
0x54: {  	_ =	shalt  }
0x55: {  	_ =	shalt  }
0x56: {  	_ =	shalt  }
0x57: {  	_ =	shalt  }
0x58: {  	_ =	shalt  }
0x59: {  	_ =	shalt  }
0x5a: {  	_ =	shalt  }
0x5b: {  	_ =	shalt  }
0x5c: {  	_ =	shalt  }
0x5d: {  	_ =	shalt  }
0x5e: {  	_ =	shalt  }
0x5f: {  	_ =	shalt  }
0x60: {  	_ =	shalt  }
0x61: {  	_ =	shalt  }
0x62: {  	_ =	shalt  }
0x63: {  	_ =	shalt  }
0x64: {  	_ =	shalt  }
0x65: {  	_ =	shalt  }
0x66: {  	_ =	shalt  }
0x67: {  	_ =	shalt  }
0x68: {  	_ =	shalt  }
0x69: {  	_ =	shalt  }
0x6a: {  	_ =	shalt  }
0x6b: {  	_ =	shalt  }
0x6c: {  	_ =	shalt  }
0x6d: {  	_ =	shalt  }
0x6e: {  	_ =	shalt  }
0x6f: {  	_ =	shalt  }
0x70: {  	_ =	shalt  }
0x71: {  	_ =	shalt  }
0x72: {  	_ =	shalt  }
0x73: {  	_ =	shalt  }
0x74: {  	_ =	shalt  }
0x75: {  	_ =	shalt  }
0x76: {  	_ =	shalt  }
0x77: {  	_ =	shalt  }
0x78: {  	_ =	shalt  }
0x79: {  	_ =	shalt  }
0x7a: {  	_ =	shalt  }
0x7b: {  	_ =	shalt  }
0x7c: {  	_ =	shalt  }
0x7d: {  	_ =	shalt  }
0x7e: {  	_ =	shalt  }
0x7f: {  	_ =	shalt  }
0x80: {  	_ =	shalt  }
0x81: {  	_ =	shalt  }
0x82: {  	_ =	shalt  }
0x83: {  	_ =	shalt  }
0x84: {  	_ =	shalt  }
0x85: {  	_ =	shalt  }
0x86: {  	_ =	shalt  }
0x87: {  	_ =	shalt  }
.Lfunc_end0:
.L_simem_size_0:
called_computation_lowered:
.L_overlay_start_0:
0x88: {  	s2 =	sld [smem:$0x3FD9]  }
0x89: {  	s3 =	sld [smem:$0x3FFE];
	_ =	sdelay $0x1  }
0x8a: {  	s1 =	srdreg.scid  }
0x8b: {  	s0 =	sand.u32 $0x1, s1  }
0x8c: {  	s17 =	sshll.u32 s0, $0xA;
	s2 =	sadd.s32 s3, s2  }
0x8d: {  	s2 =	sadd.s32 s2, s17  }
0x8e: {  	[smem:$0x3FC7] =	sst s2  }
0x8f: {  	_ = 	snop  }
0x90: {  	s2 =	sld [smem:$0x3FC9]  }
0x91: {  	s18 =	sld [smem:$0x3FD0];
	(tm) =	ssettm $0x1  }
0x92: {  	s4 =	sld [smem:$0x3FFB];
	_ =	sdelay $0x3  }
0x93: {  	_ =	strace s4  }
0x94: {  	s4 =	sld [smem:$0x3FFC];
	_ =	sdelay $0x3  }
0x95: {  	_ =	strace s4  }
0x96: {  	s4 =	sld [smem:$0x3FFD];
	_ =	sdelay $0x3  }
0x97: {  	_ =	strace s4  }
0x98: {  	_ =	strace $0x8FFFFFFF  }
0x99: {  	s19 =	sld [smem:$0x3FDB];
	_ =	sdelay $0x1  }
0x9a: {  	s5 =	simm.s32 $_scs_section_size  }
0x9b: {  	s6 =	simm.s32 $_size__tile_overlayer_lowered;
	s7 =	simm.s32 $_tile_overlayer_lowered  }
0x9c: {  	s22 =	simm.s32 $0x1BFF;
	s21 =	sshll.u32 s7, $0x1;
	s4 =	sadd.s32 s5, s19  }
0x9d: {  	s8 =	simm.s32 $0x0;
	s20 =	sshll.u32 s6, $0x1;
	s6 =	sadd.s32 s21, s4  }
0x9e: {  	[timem:s8], [sflag:s22] =	dma.local [hbm:s6], s20  }
0x9f: {  	_ =	swait.ge [sflag:s22], s20  }
0xa0: {  	s5 =	ssub.s32 $0x0, s20;
	[sflag:s22] =	ssyncset.done $0x0  }
0xa1: {  	[sflag:s22] =	ssyncadd.s32 s5;
	_ =	sdelay $0x1  }
0xa2: {  	s23 =	simm.s32 $0x1B8B  }
0xa3: {  	_ =	swait.ge [sflag:s23], $0x1  }
0xa4: {  	[sflag:s23] =	ssyncset.done $0x0  }
0xa5: {  	s25 =	simm.s32 $0x1B8E;
	s24 =	sld [smem:$0x3FFE];
	[sflag:s23] =	ssyncadd.s32 $0xFFFFFFFF  }
0xa6: {  	s26 =	simm.s32 $execute0_lowered;
	[smem:$0x3FD2] =	sst s25  }
0xa7: {  	s6 =	sshll.u32 s26, $0x1;
	_ =	strace $0x80000046;
	[dreg:$0x1] =	wrdreg $0xFFFFFFFF  }
0xa8: {  	s28 =	simm.s32 $_size_execute0_lowered;
	s4 =	sadd.s32 s4, s6;
	[dreg:$0x0] =	wrdreg $0x0  }
0xa9: {  	s6 =	sshll.u32 s28, $0x1;
	[dreg:$0x2] =	wrdreg s4  }
0xaa: {  	[dreg:$0x3] =	wrdreg s6  }
0xab: {  	[dreg:$0x4] =	wrdreg $0xC0  }
0xac: {  	_ =	task [dreg:s8], $0x5FFFF  }
0xad: {  	[dreg:$0x1] =	wrdreg $0xFFFFFFFF  }
0xae: {  	[dreg:$0x0] =	wrdreg $0x60  }
0xaf: {  	[dreg:$0x2] =	wrdreg s2  }
0xb0: {  	[dreg:$0x3] =	wrdreg s24  }
0xb1: {  	[dreg:$0x4] =	wrdreg s18  }
0xb2: {  	[dreg:$0x5] =	wrdreg $0x9  }
0xb3: {  	_ =	task.clear_ibuf [dreg:s8], $0x6FFFF;
	_ =	strace $0x90000046  }
0xb4: {  	s29 =	simm.s32 $0x9;
	_ =	strace $0x80000048  }
0xb5: {  	_ =	swait.ge [sflag:s29], $0x1  }
0xb6: {  	[sflag:s29] =	ssyncadd.s32 $0xFFFFFFFF  }
0xb7: {  	_ =	strace $0x90000048  }
0xb8: {  	_ =	sfence  }
0xb9: {  	s30 =	sld [smem:$0x0];
	_ =	sdelay $0x2  }
0xba: {  	s31 =	sshll.u32 s1, $0xD;
	s1 =	sshrl.u32 s1, $0x2  }
0xbb: {  	s3 =	sand.u32 $0x4000, s31;
	s1 =	sadd.s32 s1, s30  }
0xbc: {  	s0 =	sor.u32 s3, s0;
	s1 =	sshll.u32 s1, $0x11  }
0xbd: {  	s0 =	sor.u32 s1, s0  }
0xbe: {  	s0 =	sadd.s32 $0x8F2B, s0  }
0xbf: {  	[sflag:s0] =	ssyncadd.remote.s32 $0x1  }
0xc0: {  	_ =	sfence.sel $0xFFFF  }
0xc1: {  	[dreg:$0x0] =	wrdreg $0xFFFFFFFF;
	(pc) =	sbr.abs _section_cstart, $3  }
0xc2: {  	[dreg:$0x1] =	wrdreg $0xFFFFFFFF  }
0xc3: {  	_ =	task.clear_ibuf [dreg:s8], $0x2FFFF;
	_ =	strace $0x9FFFFFFF  }
0xc4: {  	(tm) =	ssettm $0x7FFFFFFF  }
0xc5: {  	_ =	shalt  }
tec
execute0_lowered:
.L_overlay_start_1:
0x0: {  	(tag) =	ssettag $0x1  }
0x1: {  	s1 =	rddreg [dreg:$0x0]  }
0x2: {  	s0 =	srdreg.scid;
	s2 =	rddreg [dreg:$0x1]  }
0x3: {  	s7 =	stileid.u32;
	s3 =	rddreg [dreg:$0x2];
	s4 =	simm.s32 $0x0  }
0x4: {  	s18 =	simm.s32 $0x5;
	s28 =	simm.s32 $0x3;
	s29 =	simm.s32 $0x0  }
0x5: {  	s0 =	sand.u32 $0x1, s0;
	s5 =	sshll.u32 s7, $0x2;
	[smem:$0x7FF] =	sst s4  }
0x6: {  	s19 =	sshll.u32 s7, $0xA;
	s2 =	sadd.s32 $0x600, s2;
	s10 =	sadd.s32 $0xFF00, s1  }
0x7: {  	s14 =	sadd.s32 $0x800, s1;
	s6 =	sshll.u32 s0, $0x1;
	_ =	strace $0x80000047  }
0x8: {  	s8 =	sand.u32 $0x3800, s19;
	s0 =	ssub.s32 $0x2, s0;
	s5 =	sor.u32 s6, s5  }
0x9: {  	s22 =	sshrl.u32 s0, $0x1;
	s20 =	sshll.u32 s5, $0x7;
	s9 =	sor.u32 $0x1, s5  }
0xa: {  	s0 =	ssub.s32 s0, s22;
	s24 =	sshll.u32 s5, $0x10;
	s22 =	simm.s32 $0x2  }
0xb: {  	s21 =	sand.u32 $0x300, s20;
	s23 =	sshll.u32 s9, $0x7;
	s25 =	sadd.s32 s24, s10  }
0xc: {  	s7 =	sadd.s32 s24, s14;
	s30 =	sshll.u32 s9, $0x10;
	s15 =	smax.u32 s0, $0x1  }
0xd: {  	s20 =	simm.s32 $0x100;
	s6 =	sor.u32 s8, s21;
	[dreg:$0x5] =	wrdreg s25  }
0xe: {  	s11 =	sand.u32 $0x380, s23;
	[dreg:$0x6] =	wrdreg s7;
	s31 =	sadd.s32 s30, s10  }
0xf: {  	v0 =	vlaneseq.u32;
	s13 =	sadd.s32 s1, s30;
	s23 =	simm.s32 $0x1;
	s6 =	sshrl.u32 s6, $0x3  }
0x10: {  	v1 =	vor.u32 $0x10, v0;
	v2 =	vor.u32 $0x20, v0;
	v3 =	vor.u32 $0x30, v0;
	s25 =	simm.s32 $0x4;
	s26 =	sor.u32 s8, s11;
	s6 =	sadd.s32 s2, s6  }
0x11: {  	v4 =	vor.u32 $0x40, v0;
	v5 =	vor.u32 $0x50, v0;
	v6 =	vor.u32 $0x60, v0;
	[dreg:$0x4] =	wrdreg s6;
	s6 =	sshll.u32 s5, $0x13;
	s5 =	sshrl.u32 s26, $0x3  }
0x12: {  	v7 =	vor.u32 $0x70, v0;
	v8 =	vor.u32 $0x400, v0;
	v9 =	vor.u32 $0x410, v0;
	s8 =	sadd.s32 s1, s24;
	[dreg:$0x8] =	wrdreg s31;
	s2 =	sadd.s32 s2, s5  }
0x13: {  	v10 =	vor.u32 $0x420, v0;
	v11 =	vor.u32 $0x430, v0;
	v12 =	vor.u32 $0x440, v0;
	s11 =	sshll.u32 s9, $0x13;
	[dreg:$0x7] =	wrdreg s2;
	s2 =	sadd.s32 s30, s14  }
0x14: {  	v13 =	vor.u32 $0x450, v0;
	v14 =	vor.u32 $0x460, v0;
	v15 =	vor.u32 $0x470, v0;
	s24 =	simm.s32 $0x10100;
	s26 =	simm.s32 $0x14100;
	[dreg:$0x9] =	wrdreg s2  }
.LBB2_1:
0x15: {  	s0 =	rddreg [dreg:$0x4];
	s2 =	simm.s32 $0x80;
	s5 =	simm.s32 $0x400  }
0x16: {  	[tilespmem:s4], [sflag:$0x5] =	stream.strided.gather [hbm4b:s0+s2], $0x100, s5, s2, $0x38;
	[tilespmem:$0x18100] =	vst v63  }
0x17: {  	_ =	swait.ge [sflag:s18], $0x100  }
0x18: {  	[sflag:s18] =	ssyncset.done $0x0  }
0x19: {  	[sflag:s18] =	ssyncadd.s32 $0xFFFFFF00  }
0x1a: {  	v16 =	vld [tilespmem:$0x0]  }
0x1b: {  	v17 =	vld [tilespmem:$0x10]  }
0x1c: {  	v18 =	vld [tilespmem:$0x20]  }
0x1d: {  	v19 =	vld [tilespmem:$0x30]  }
0x1e: {  	v20 =	vld [tilespmem:$0x40]  }
0x1f: {  	v21 =	vld [tilespmem:$0x50]  }
0x20: {  	v22 =	vld [tilespmem:$0x60]  }
0x21: {  	v23 =	vld [tilespmem:$0x70]  }
0x22: {  	v24 =	vld [tilespmem:$0x80]  }
0x23: {  	v25 =	vld [tilespmem:$0x90]  }
0x24: {  	v26 =	vld [tilespmem:$0xA0]  }
0x25: {  	v27 =	vld [tilespmem:$0xB0]  }
0x26: {  	v28 =	vld [tilespmem:$0xC0]  }
0x27: {  	v29 =	vld [tilespmem:$0xD0]  }
0x28: {  	s17 =	simm.s32 $0xF900;
	s16 =	rddreg [dreg:$0x5];
	v30 =	vld [tilespmem:$0xE0]  }
0x29: {  	v31 =	vld [tilespmem:$0xF0];
	[tilespmem:s17], [sflag:$0x2] =	stream.linear.gather [hbm4b:s16+s4], $0x800, $0x38  }
0x2a: {  	s21 =	simm.s32 $0x4100  }
0x2b: {  	[tilespmem:s20], [sflag:$0x1] =	stream.linear.gather [hbm4b:s8+s4], $0x4000, $0x38;
	[tilespmem:$0x18100] =	vst v63  }
0x2c: {  	s30 =	simm.s32 $0x0;
	s31 =	simm.s32 $0x0;
	s19 =	rddreg [dreg:$0x6]  }
0x2d: {  	[tilespmem:s21], [sflag:$0x2] =	stream.linear.gather [hbm4b:s19+s4], $0x4000, $0x38;
	[tilespmem:$0x18100] =	vst v63  }
.LBB2_2:
0x2e: {  	p0 =	sne.s32 s31, $0x0  }
0x2f: {  	s0 =	simm.s32 @!p0 $0x2  }
0x30: {  	_ =	swait.ge @!p0 [sflag:s0], $0x800  }
0x31: {  	[sflag:s0] =	ssyncset.done @!p0 $0x0  }
0x32: {  	[sflag:s0] =	ssyncadd.s32 @!p0 $0xFFFFF800;
	s0 =	simm.s32 @!p0 $0x1  }
0x33: {  	_ =	swait.ge @!p0 [sflag:s0], $0x4000  }
0x34: {  	s2 =	sshll.u32 s31, $0x1;
	[sflag:s0] =	ssyncset.done @!p0 $0x0  }
0x35: {  	[sflag:s0] =	ssyncadd.s32 @!p0 $0xFFFFC000;
	s0 =	sadd.s32 $0x2, s2;
	p0 =	seq.s32 s31, $0xF  }
0x36: {  	s5 =	sshll.u32 @!p0 s0, $0xE  }
0x37: {  	_ =	swait.ge [sflag:s22], $0x4000;
	s9 =	simm.s32 @!p0 $0x0;
	s7 =	sor.u32 @!p0 s6, s5  }
0x38: {  	[sflag:s22] =	ssyncset.done $0x0;
	s5 =	sand.u32 @!p0 $0x8000, s5;
	s7 =	sshrl.u32 @!p0 s7, $0x3  }
0x39: {  	[sflag:s22] =	ssyncadd.s32 $0xFFFFC000;
	s5 =	sor.u32 @!p0 $0x100, s5;
	s7 =	sadd.s32 @!p0 s1, s7  }
0x3a: {  	[tilespmem:s5], [sflag:$0x1] =	stream.linear.gather @!p0 [hbm4b:s7+s9], $0x4000, $0x38;
	[tilespmem:$0x18100] =	vst v63  }
0x3b: {  	p0 =	sne.s32 s0, $0x20  }
0x3c: {  	s0 =	simm.s32 @!p0 $0x0;
	s5 =	simm.s32 @!p0 $0x100  }
0x3d: {  	[tilespmem:s5], [sflag:$0x1] =	stream.linear.gather @!p0 [hbm4b:s8+s0], $0x800, $0x38;
	[tilespmem:$0x18100] =	vst v63  }
0x3e: {  	p0 =	seq.s32 s31, $0x0  }
0x3f: {  	s0 =	simm.s32 @!p0 $0x3  }
0x40: {  	s16 =	simm.s32 $0x180;
	s17 =	simm.s32 $0x0;
	_ =	swait.ge @!p0 [sflag:s0], $0x4000  }
0x41: {  	p1 =	por $0x0, $0x0;
	s19 =	simm.s32 $0x0;
	[sflag:s0] =	ssyncset.done @!p0 $0x0  }
0x42: {  	s21 =	simm.s32 $0x0;
	[sflag:s0] =	ssyncadd.s32 @!p0 $0xFFFFC000;
	s0 =	simm.s32 $0xFFFFFFFC  }
.LBB2_3:
0x43: {  	s5 =	sadd.s32 s0, s30  }
0x44: {  	s7 =	sadd.s32 $0x4, s5  }
0x45: {  	v32 =	vadd.s32 s7, v16  }
0x46: {  	v44 =	vadd.s32 s7, v17;
	v35 =	vadd.s32 s7, v18;
	v36 =	vadd.s32 s7, v19  }
0x47: {  	v50 =	vadd.s32 s7, v20;
	v51 =	vadd.s32 s7, v21;
	v54 =	vadd.s32 s7, v22  }
0x48: {  	v57 =	vadd.s32 s7, v23;
	v41 =	vadd.s32 s7, v24;
	v42 =	vadd.s32 s7, v25  }
0x49: {  	v63 =	vadd.s32 s7, v26;
	v33 =	vshll.u32 v32, $0x8;
	v32 =	vshll.u32 v32, $0x7  }
0x4a: {  	v45 =	vshll.u32 v44, $0x8;
	v46 =	vshll.u32 v35, $0x8;
	v35 =	vshll.u32 v35, $0x7  }
0x4b: {  	v48 =	vshll.u32 v36, $0x8;
	v36 =	vshll.u32 v36, $0x7;
	v38 =	vshll.u32 v50, $0x8  }
0x4c: {  	v52 =	vshll.u32 v51, $0x8;
	v53 =	vshll.u32 v51, $0x7;
	v40 =	vshll.u32 v54, $0x8  }
0x4d: {  	v58 =	vshll.u32 v57, $0x8;
	v59 =	vshll.u32 v41, $0x8;
	v41 =	vshll.u32 v41, $0x7  }
0x4e: {  	v61 =	vshll.u32 v42, $0x8;
	v42 =	vshll.u32 v42, $0x7;
	v51 =	vadd.s32 s7, v28  }
0x4f: {  	v33 =	vand.u32 $0xF800, v33;
	v32 =	vand.u32 $0x380, v32;
	v35 =	vand.u32 $0x380, v35  }
0x50: {  	v49 =	vand.u32 $0xF800, v48;
	v36 =	vand.u32 $0x380, v36;
	v38 =	vand.u32 $0xF800, v38  }
0x51: {  	s9 =	sadd.s32 $0x5, s5;
	v55 =	vand.u32 $0xF800, v40;
	v41 =	vand.u32 $0x380, v41;
	v62 =	vand.u32 $0xF800, v61  }
0x52: {  	v42 =	vand.u32 $0x380, v42;
	v48 =	vadd.s32 s7, v27;
	v61 =	vadd.s32 s9, v17  }
0x53: {  	v32 =	vor.u32 v33, v32;
	v33 =	vshll.u32 v44, $0x7;
	v44 =	vshll.u32 v63, $0x8  }
0x54: {  	v34 =	vor.u32 v0, v32;
	v32 =	vand.u32 $0xF800, v45;
	v33 =	vand.u32 $0x380, v33  }
0x55: {  	v44 =	vand.u32 $0xF800, v44;
	v32 =	vor.u32 v32, v33;
	v33 =	vand.u32 $0xF800, v46  }
0x56: {  	v46 =	vshll.u32 v51, $0x8;
	v37 =	vor.u32 v1, v32;
	v47 =	vor.u32 v33, v35  }
0x57: {  	v33 =	vshll.u32 v50, $0x7;
	v32 =	vor.u32 v49, v36;
	v36 =	vshll.u32 v54, $0x7  }
0x58: {  	v49 =	vshll.u32 v48, $0x8;
	v50 =	vshll.u32 v48, $0x7;
	v54 =	vadd.s32 s7, v29  }
0x59: {  	v48 =	vadd.s32 s7, v31;
	v35 =	vor.u32 v2, v47;
	v33 =	vand.u32 $0x380, v33  }
0x5a: {  	v36 =	vand.u32 $0x380, v36;
	v47 =	vadd.s32 s7, v30;
	v33 =	vor.u32 v38, v33  }
0x5b: {  	v38 =	vor.u32 v3, v32;
	v32 =	vand.u32 $0xF800, v52;
	v56 =	vor.u32 v55, v36  }
0x5c: {  	v52 =	vand.u32 $0xF800, v46;
	v55 =	vshll.u32 v54, $0x8;
	v39 =	vor.u32 v4, v33  }
0x5d: {  	v33 =	vand.u32 $0x380, v53;
	v36 =	vor.u32 v6, v56;
	v56 =	vshll.u32 v47, $0x8  }
0x5e: {  	v47 =	vshll.u32 v47, $0x7;
	v32 =	vor.u32 v32, v33;
	v33 =	vshll.u32 v57, $0x7  }
0x5f: {  	v47 =	vand.u32 $0x380, v47;
	v40 =	vor.u32 v5, v32;
	v32 =	vand.u32 $0xF800, v58  }
0x60: {  	v33 =	vand.u32 $0x380, v33;
	v58 =	vshll.u32 v48, $0x8;
	v48 =	vshll.u32 v48, $0x7  }
0x61: {  	v32 =	vor.u32 v32, v33;
	v33 =	vand.u32 $0xF800, v59;
	v59 =	vand.u32 $0xF800, v58  }
0x62: {  	v48 =	vand.u32 $0x380, v48;
	v43 =	vor.u32 v7, v32;
	v60 =	vor.u32 v41, v33  }
0x63: {  	v33 =	vshll.u32 v63, $0x7;
	v32 =	vor.u32 v42, v62;
	v42 =	vshll.u32 v51, $0x7  }
0x64: {  	v62 =	vshll.u32 v61, $0x8;
	v51 =	vadd.s32 s9, v18;
	v41 =	vor.u32 v8, v60  }
0x65: {  	v33 =	vand.u32 $0x380, v33;
	v42 =	vand.u32 $0x380, v42;
	v60 =	vadd.s32 s9, v16  }
0x66: {  	v33 =	vor.u32 v33, v44;
	v44 =	vor.u32 v9, v32;
	v32 =	vand.u32 $0xF800, v49  }
0x67: {  	v53 =	vor.u32 v42, v52;
	v52 =	vshll.u32 v51, $0x8;
	v51 =	vshll.u32 v51, $0x7  }
0x68: {  	v45 =	vor.u32 v10, v33;
	v33 =	vand.u32 $0x380, v50;
	v42 =	vor.u32 v12, v53  }
0x69: {  	v50 =	vshll.u32 v60, $0x8;
	v63 =	vand.u32 $0xF800, v52;
	v51 =	vand.u32 $0x380, v51  }
0x6a: {  	v32 =	vor.u32 v33, v32;
	v33 =	vshll.u32 v54, $0x7;
	v50 =	vand.u32 $0xF800, v50  }
0x6b: {  	v46 =	vor.u32 v11, v32;
	v32 =	vand.u32 $0xF800, v55;
	v33 =	vand.u32 $0x380, v33  }
0x6c: {  	v54 =	vadd.s32 s9, v21;
	v32 =	vor.u32 v33, v32;
	v33 =	vand.u32 $0xF800, v56  }
0x6d: {  	v56 =	vor.u32 v63, v51;
	v49 =	vor.u32 v13, v32;
	v57 =	vor.u32 v47, v33  }
0x6e: {  	v33 =	vshll.u32 v60, $0x7;
	v32 =	vor.u32 v48, v59;
	v48 =	vshll.u32 v61, $0x7  }
0x6f: {  	v52 =	vld.idx.msk [tilespmem:v34+s20+$0x0], $0xffff;
	v34 =	vor.u32 v2, v56;
	v60 =	vadd.s32 s9, v20;
	v47 =	vor.u32 v14, v57  }
0x70: {  	v37 =	vld.idx.msk [tilespmem:v37+s20+$0x0], $0xffff;
	v33 =	vand.u32 $0x380, v33;
	v48 =	vand.u32 $0x380, v48;
	v57 =	vadd.s32 s9, v19  }
0x71: {  	v38 =	vld.idx.msk [tilespmem:v38+s20+$0x0], $0xffff;
	v61 =	vshll.u32 v60, $0x8;
	v51 =	vshll.u32 v60, $0x7;
	v60 =	vadd.s32 s9, v22  }
0x72: {  	v39 =	vld.idx.msk [tilespmem:v39+s20+$0x0], $0xffff;
	v33 =	vor.u32 v50, v33;
	v50 =	vor.u32 v15, v32;
	v58 =	vshll.u32 v57, $0x8  }
0x73: {  	v53 =	vld.idx.msk [tilespmem:v35+s20+$0x0], $0xffff;
	v51 =	vand.u32 $0x380, v51;
	v56 =	vshll.u32 v60, $0x8;
	v32 =	vor.u32 v0, v33  }
0x74: {  	v40 =	vld.idx.msk [tilespmem:v40+s20+$0x0], $0xffff;
	v33 =	vand.u32 $0xF800, v62;
	v59 =	vand.u32 $0xF800, v58;
	v62 =	vshll.u32 v54, $0x8  }
0x75: {  	v55 =	vld.idx.msk [tilespmem:v36+s20+$0x0], $0xffff;
	v54 =	vshll.u32 v54, $0x7;
	v56 =	vand.u32 $0xF800, v56;
	v33 =	vor.u32 v33, v48  }
0x76: {  	v43 =	vld.idx.msk [tilespmem:v43+s20+$0x0], $0xffff;
	v48 =	vshll.u32 v57, $0x7;
	v63 =	vand.u32 $0xF800, v62;
	v54 =	vand.u32 $0x380, v54  }
0x77: {  	v41 =	vld.idx.msk [tilespmem:v41+s20+$0x0], $0xffff;
	v57 =	vadd.s32 s9, v24;
	v33 =	vor.u32 v1, v33;
	v48 =	vand.u32 $0x380, v48  }
0x78: {  	v44 =	vld.idx.msk [tilespmem:v44+s20+$0x0], $0xffff;
	v58 =	vshll.u32 v57, $0x8;
	v57 =	vshll.u32 v57, $0x7;
	v35 =	vor.u32 v59, v48  }
0x79: {  	v45 =	vld.idx.msk [tilespmem:v45+s20+$0x0], $0xffff;
	v48 =	vand.u32 $0xF800, v61;
	v61 =	vadd.s32 s9, v23;
	v57 =	vand.u32 $0x380, v57  }
0x7a: {  	v42 =	vld.idx.msk [tilespmem:v42+s20+$0x0], $0xffff;
	v35 =	vor.u32 v3, v35;
	v48 =	vor.u32 v48, v51;
	v51 =	vshll.u32 v60, $0x7  }
0x7b: {  	s12 =	sand.u32 $0x3800, s19;
	s10 =	sadd.s32 $0xFFFFFE80, s16;
	v46 =	vld.idx.msk [tilespmem:v46+s20+$0x0], $0xffff;
	v62 =	vshll.u32 v61, $0x8;
	v60 =	vadd.s32 s9, v25;
	v36 =	vor.u32 v4, v48  }
0x7c: {  	s10 =	sand.u32 $0x200, s10;
	s7 =	sor.u32 $0x10100, s12;
	v49 =	vld.idx.msk [tilespmem:v49+s20+$0x0], $0xffff;
	v51 =	vand.u32 $0x380, v51;
	v48 =	vor.u32 v63, v54;
	v54 =	vshll.u32 v61, $0x7  }
0x7d: {  	s10 =	sor.u32 s10, s7;
	v47 =	vld.idx.msk [tilespmem:v47+s20+$0x0], $0xffff;
	v63 =	vand.u32 $0xF800, v58;
	v61 =	vshll.u32 v60, $0x8;
	v51 =	vor.u32 v56, v51  }
0x7e: {  	v50 =	vld.idx.msk [tilespmem:v50+s20+$0x0], $0xffff;
	[tilespmem:s10+$0x0] =	vst v52;
	v48 =	vor.u32 v5, v48;
	v56 =	vand.u32 $0xF800, v62;
	v54 =	vand.u32 $0x380, v54  }
0x7f: {  	[tilespmem:s10+$0x10] =	vst v37;
	v62 =	vand.u32 $0xF800, v61;
	v51 =	vor.u32 v6, v51;
	v54 =	vor.u32 v56, v54  }
0x80: {  	[tilespmem:s10+$0x20] =	vst v53;
	v56 =	vor.u32 v57, v63;
	v57 =	vshll.u32 v60, $0x7;
	v63 =	vadd.s32 s9, v26  }
0x81: {  	s12 =	simm.s32 $0x1;
	[tilespmem:s10+$0x30] =	vst v38;
	v54 =	vor.u32 v7, v54;
	v56 =	vor.u32 v8, v56;
	v57 =	vand.u32 $0x380, v57  }
0x82: {  	s12 =	simm.s32 @!p1 $0x0;
	[tilespmem:s10+$0x40] =	vst v39;
	v60 =	vshll.u32 v63, $0x8;
	v61 =	vshll.u32 v63, $0x7;
	v63 =	vadd.s32 s9, v27  }
0x83: {  	s12 =	sshll.u32 s12, $0x9;
	[tilespmem:s10+$0x50] =	vst v40;
	v37 =	vor.u32 v57, v62;
	v52 =	vand.u32 $0xF800, v60;
	v62 =	vand.u32 $0x380, v61  }
0x84: {  	s12 =	sadd.s32 s12, s19;
	[tilespmem:s10+$0x60] =	vst v55;
	v59 =	vshll.u32 v63, $0x8;
	v61 =	vadd.s32 s9, v28;
	v57 =	vadd.s32 s9, v30  }
0x85: {  	s14 =	sor.u32 $0x400, s12;
	[tilespmem:s10+$0x70] =	vst v43;
	v37 =	vor.u32 v9, v37;
	v58 =	vor.u32 v62, v52;
	v60 =	vand.u32 $0xF800, v59  }
0x86: {  	[tilespmem:s14+$0x10100] =	vst v41;
	s14 =	sor.u32 $0x410, s12;
	v62 =	vshll.u32 v63, $0x7;
	v63 =	vshll.u32 v61, $0x8;
	v52 =	vshll.u32 v61, $0x7  }
0x87: {  	[tilespmem:s14+$0x10100] =	vst v44;
	v44 =	vshll.u32 v57, $0x7;
	v61 =	vadd.s32 s9, v31;
	v38 =	vor.u32 v10, v58  }
0x88: {  	s14 =	sor.u32 $0x420, s12;
	v40 =	vand.u32 $0x380, v62;
	v53 =	vand.u32 $0xF800, v63;
	v52 =	vand.u32 $0x380, v52  }
0x89: {  	s10 =	sadd.s32 $0x6, s5;
	[tilespmem:s14+$0x10100] =	vst v45;
	s14 =	sor.u32 $0x430, s12;
	v58 =	vshll.u32 v57, $0x8;
	v44 =	vand.u32 $0x380, v44;
	v62 =	vshll.u32 v61, $0x8  }
0x8a: {  	[tilespmem:s14+$0x10100] =	vst v46;
	s14 =	sor.u32 $0x440, s12;
	v63 =	vadd.s32 s10, v16;
	v57 =	vadd.s32 s10, v18;
	v39 =	vor.u32 v40, v60  }
0x8b: {  	[tilespmem:s14+$0x10100] =	vst v42;
	s14 =	sor.u32 $0x450, s12;
	v52 =	vor.u32 v52, v53;
	v53 =	vadd.s32 s9, v29;
	v59 =	vand.u32 $0xF800, v58  }
0x8c: {  	[tilespmem:s14+$0x10100] =	vst v49;
	s14 =	sor.u32 $0x460, s12;
	v49 =	vshll.u32 v63, $0x8;
	v45 =	vshll.u32 v63, $0x7;
	v58 =	vshll.u32 v57, $0x8  }
0x8d: {  	[tilespmem:s14+$0x10100] =	vst v47;
	v47 =	vshll.u32 v57, $0x7;
	v39 =	vor.u32 v11, v39;
	v40 =	vor.u32 v12, v52  }
0x8e: {  	s14 =	sor.u32 $0x470, s12;
	v55 =	vshll.u32 v53, $0x8;
	v43 =	vshll.u32 v53, $0x7;
	v60 =	vor.u32 v44, v59  }
0x8f: {  	[tilespmem:s14+$0x10100] =	vst v50;
	v44 =	vand.u32 $0xF800, v62;
	v50 =	vand.u32 $0xF800, v49;
	v52 =	vand.u32 $0x380, v45  }
0x90: {  	v46 =	vld.idx.msk [tilespmem:v32+s20+$0x0], $0xffff;
	v53 =	vadd.s32 s10, v17;
	v49 =	vand.u32 $0xF800, v58;
	v47 =	vand.u32 $0x380, v47  }
0x91: {  	v33 =	vld.idx.msk [tilespmem:v33+s20+$0x0], $0xffff;
	v62 =	vadd.s32 s10, v20;
	v58 =	vadd.s32 s10, v21;
	v41 =	vand.u32 $0xF800, v55  }
0x92: {  	v34 =	vld.idx.msk [tilespmem:v34+s20+$0x0], $0xffff;
	v43 =	vand.u32 $0x380, v43;
	v42 =	vor.u32 v14, v60;
	v32 =	vor.u32 v50, v52  }
0x93: {  	v35 =	vld.idx.msk [tilespmem:v35+s20+$0x0], $0xffff;
	v55 =	vshll.u32 v53, $0x8;
	v45 =	vshll.u32 v53, $0x7;
	v59 =	vor.u32 v49, v47  }
0x94: {  	v36 =	vld.idx.msk [tilespmem:v36+s20+$0x0], $0xffff;
	v60 =	vadd.s32 s10, v19;
	v63 =	vshll.u32 v62, $0x8;
	v52 =	vshll.u32 v62, $0x7  }
0x95: {  	v48 =	vld.idx.msk [tilespmem:v48+s20+$0x0], $0xffff;
	v62 =	vadd.s32 s10, v23;
	v41 =	vor.u32 v43, v41;
	v43 =	vshll.u32 v61, $0x7  }
0x96: {  	v49 =	vld.idx.msk [tilespmem:v51+s20+$0x0], $0xffff;
	v32 =	vor.u32 v0, v32;
	v45 =	vand.u32 $0x380, v45;
	v61 =	vshll.u32 v60, $0x8  }
0x97: {  	v51 =	vld.idx.msk [tilespmem:v54+s20+$0x0], $0xffff;
	v47 =	vshll.u32 v60, $0x7;
	v57 =	vand.u32 $0xF800, v63;
	v52 =	vand.u32 $0x380, v52  }
0x98: {  	v53 =	vld.idx.msk [tilespmem:v56+s20+$0x0], $0xffff;
	v60 =	vadd.s32 s10, v22;
	v63 =	vshll.u32 v62, $0x8;
	v43 =	vand.u32 $0x380, v43  }
0x99: {  	v37 =	vld.idx.msk [tilespmem:v37+s20+$0x0], $0xffff;
	v56 =	vshll.u32 v62, $0x7;
	v41 =	vor.u32 v13, v41;
	v43 =	vor.u32 v43, v44  }
0x9a: {  	v62 =	vadd.s32 s10, v24;
	v50 =	vand.u32 $0xF800, v61;
	v38 =	vld.idx.msk [tilespmem:v38+s20+$0x0], $0xffff;
	v43 =	vor.u32 v15, v43  }
0x9b: {  	v47 =	vand.u32 $0x380, v47;
	v61 =	vshll.u32 v60, $0x8;
	v44 =	vand.u32 $0xF800, v55;
	v39 =	vld.idx.msk [tilespmem:v39+s20+$0x0], $0xffff  }
0x9c: {  	s12 =	sadd.s32 $0xFFFFFF00, s16;
	v47 =	vor.u32 v50, v47;
	v50 =	vor.u32 v57, v52;
	v52 =	vshll.u32 v58, $0x7;
	v40 =	vld.idx.msk [tilespmem:v40+s20+$0x0], $0xffff  }
0x9d: {  	s9 =	sand.u32 $0x280, s12;
	v55 =	vshll.u32 v60, $0x7;
	v60 =	vand.u32 $0xF800, v63;
	v63 =	vshll.u32 v62, $0x8;
	v42 =	vld.idx.msk [tilespmem:v42+s20+$0x0], $0xffff  }
0x9e: {  	s12 =	sor.u32 s9, s7;
	v44 =	vor.u32 v44, v45;
	v45 =	vor.u32 v2, v59;
	v47 =	vor.u32 v3, v47;
	v41 =	vld.idx.msk [tilespmem:v41+s20+$0x0], $0xffff  }
0x9f: {  	v50 =	vor.u32 v4, v50;
	v59 =	vshll.u32 v58, $0x8;
	v52 =	vand.u32 $0x380, v52;
	v43 =	vld.idx.msk [tilespmem:v43+s20+$0x0], $0xffff;
	[tilespmem:s12+$0x0] =	vst v46  }
0xa0: {  	v55 =	vand.u32 $0x380, v55;
	v57 =	vand.u32 $0xF800, v63;
	v63 =	vadd.s32 s10, v26;
	[tilespmem:s12+$0x10] =	vst v33  }
0xa1: {  	v44 =	vor.u32 v1, v44;
	v54 =	vand.u32 $0xF800, v59;
	v59 =	vadd.s32 s10, v25;
	[tilespmem:s12+$0x20] =	vst v34  }
0xa2: {  	s14 =	sand.u32 $0x7, s21;
	v52 =	vor.u32 v54, v52;
	v54 =	vand.u32 $0xF800, v61;
	v61 =	vand.u32 $0x380, v56;
	[tilespmem:s12+$0x30] =	vst v35  }
0xa3: {  	s9 =	sshll.u32 s14, $0x7;
	v56 =	vshll.u32 v63, $0x8;
	v54 =	vor.u32 v54, v55;
	v46 =	vor.u32 v5, v52;
	[tilespmem:s12+$0x40] =	vst v36  }
0xa4: {  	s9 =	sadd.s32 s19, s9;
	v33 =	vor.u32 v6, v54;
	v52 =	vor.u32 v60, v61;
	v54 =	vshll.u32 v62, $0x7;
	[tilespmem:s12+$0x50] =	vst v48  }
0xa5: {  	s14 =	sadd.s32 $0x80, s9;
	v60 =	vshll.u32 v59, $0x8;
	v61 =	vshll.u32 v59, $0x7;
	[tilespmem:s12+$0x60] =	vst v49;
	v48 =	vand.u32 $0xF800, v56  }
0xa6: {  	[tilespmem:s12+$0x70] =	vst v51;
	s12 =	sor.u32 $0x400, s14;
	v34 =	vor.u32 v7, v52;
	v58 =	vand.u32 $0x380, v54;
	v36 =	vand.u32 $0xF800, v60  }
0xa7: {  	v62 =	vand.u32 $0x380, v61;
	[tilespmem:s12+$0x10100] =	vst v53;
	v53 =	vadd.s32 s10, v29;
	v35 =	vor.u32 v58, v57  }
0xa8: {  	v36 =	vor.u32 v62, v36;
	v57 =	vadd.s32 s10, v27;
	v58 =	vshll.u32 v63, $0x7  }
0xa9: {  	v63 =	vadd.s32 s10, v28;
	v54 =	vshll.u32 v53, $0x8;
	v35 =	vor.u32 v8, v35  }
0xaa: {  	s12 =	sor.u32 $0x410, s14;
	v36 =	vor.u32 v9, v36;
	v59 =	vshll.u32 v57, $0x8;
	v49 =	vshll.u32 v57, $0x7  }
0xab: {  	s5 =	sadd.s32 $0x7, s5;
	[tilespmem:s12+$0x10100] =	vst v37;
	s12 =	sor.u32 $0x420, s14;
	v60 =	vand.u32 $0x380, v58;
	v51 =	vshll.u32 v63, $0x8;
	v52 =	vshll.u32 v63, $0x7  }
0xac: {  	[tilespmem:s12+$0x10100] =	vst v38;
	s12 =	sor.u32 $0x430, s14;
	v55 =	vand.u32 $0xF800, v54;
	v57 =	vadd.s32 s10, v30;
	v63 =	vadd.s32 s5, v17  }
0xad: {  	v61 =	vand.u32 $0xF800, v59;
	v49 =	vand.u32 $0x380, v49;
	v37 =	vor.u32 v60, v48;
	[tilespmem:s12+$0x10100] =	vst v39;
	s12 =	sor.u32 $0x440, s14  }
0xae: {  	v39 =	vand.u32 $0xF800, v51;
	v48 =	vshll.u32 v53, $0x7;
	v58 =	vshll.u32 v57, $0x8;
	[tilespmem:s12+$0x10100] =	vst v40;
	s12 =	sor.u32 $0x450, s14  }
0xaf: {  	v59 =	vadd.s32 s10, v31;
	v54 =	vshll.u32 v63, $0x8;
	v62 =	vor.u32 v49, v61;
	[tilespmem:s12+$0x10100] =	vst v41;
	s12 =	sor.u32 $0x460, s14  }
0xb0: {  	v37 =	vor.u32 v10, v37;
	v40 =	vand.u32 $0x380, v52;
	v56 =	vand.u32 $0x380, v48;
	s14 =	sor.u32 $0x470, s14;
	[tilespmem:s12+$0x10100] =	vst v42  }
0xb1: {  	v60 =	vshll.u32 v59, $0x8;
	v61 =	vadd.s32 s5, v16;
	v51 =	vand.u32 $0xF800, v54;
	[tilespmem:s14+$0x10100] =	vst v43  }
0xb2: {  	v38 =	vor.u32 v11, v62;
	v39 =	vor.u32 v40, v39;
	v40 =	vor.u32 v56, v55;
	v32 =	vld.idx.msk [tilespmem:v32+s20+$0x0], $0xffff  }
0xb3: {  	v41 =	vshll.u32 v57, $0x7;
	v62 =	vshll.u32 v61, $0x8;
	v48 =	vshll.u32 v61, $0x7;
	v43 =	vld.idx.msk [tilespmem:v44+s20+$0x0], $0xffff  }
0xb4: {  	v56 =	vadd.s32 s5, v18;
	v61 =	vadd.s32 s5, v20;
	v39 =	vor.u32 v12, v39;
	v45 =	vld.idx.msk [tilespmem:v45+s20+$0x0], $0xffff  }
0xb5: {  	v40 =	vor.u32 v13, v40;
	v42 =	vand.u32 $0xF800, v58;
	v41 =	vand.u32 $0x380, v41;
	v47 =	vld.idx.msk [tilespmem:v47+s20+$0x0], $0xffff  }
0xb6: {  	v48 =	vand.u32 $0x380, v48;
	v57 =	vshll.u32 v56, $0x8;
	v58 =	vadd.s32 s5, v19;
	v49 =	vld.idx.msk [tilespmem:v50+s20+$0x0], $0xffff  }
0xb7: {  	v41 =	vor.u32 v41, v42;
	v42 =	vand.u32 $0xF800, v60;
	v52 =	vshll.u32 v58, $0x7;
	v46 =	vld.idx.msk [tilespmem:v46+s20+$0x0], $0xffff  }
0xb8: {  	v44 =	vshll.u32 v59, $0x7;
	v41 =	vor.u32 v14, v41;
	v33 =	vld.idx.msk [tilespmem:v33+s20+$0x0], $0xffff;
	v50 =	vshll.u32 v63, $0x7  }
0xb9: {  	v34 =	vld.idx.msk [tilespmem:v34+s20+$0x0], $0xffff;
	v59 =	vshll.u32 v58, $0x8;
	v52 =	vand.u32 $0x380, v52;
	v63 =	vadd.s32 s5, v21  }
0xba: {  	v35 =	vld.idx.msk [tilespmem:v35+s20+$0x0], $0xffff;
	v44 =	vand.u32 $0x380, v44;
	v50 =	vand.u32 $0x380, v50;
	v60 =	vand.u32 $0xF800, v59  }
0xbb: {  	v36 =	vld.idx.msk [tilespmem:v36+s20+$0x0], $0xffff;
	v58 =	vshll.u32 v63, $0x7;
	v42 =	vor.u32 v44, v42;
	v44 =	vand.u32 $0xF800, v62  }
0xbc: {  	v37 =	vld.idx.msk [tilespmem:v37+s20+$0x0], $0xffff;
	v55 =	vor.u32 v51, v50;
	v51 =	vand.u32 $0xF800, v57;
	v42 =	vor.u32 v15, v42  }
0xbd: {  	v50 =	vshll.u32 v56, $0x7;
	v38 =	vld.idx.msk [tilespmem:v38+s20+$0x0], $0xffff;
	v62 =	vshll.u32 v61, $0x8;
	v57 =	vshll.u32 v63, $0x8  }
0xbe: {  	s12 =	sadd.s32 $0xFFFFFF80, s16;
	v44 =	vor.u32 v44, v48;
	v48 =	vor.u32 v1, v55;
	v50 =	vand.u32 $0x380, v50;
	v39 =	vld.idx.msk [tilespmem:v39+s20+$0x0], $0xffff  }
0xbf: {  	s10 =	sand.u32 $0x300, s12;
	v40 =	vld.idx.msk [tilespmem:v40+s20+$0x0], $0xffff;
	v53 =	vand.u32 $0xF800, v62;
	v59 =	vand.u32 $0xF800, v57;
	v57 =	vadd.s32 s5, v24  }
0xc0: {  	s10 =	sadd.s32 s10, s7;
	v44 =	vor.u32 v0, v44;
	v50 =	vor.u32 v51, v50;
	v51 =	vor.u32 v60, v52;
	v41 =	vld.idx.msk [tilespmem:v41+s20+$0x0], $0xffff  }
0xc1: {  	v52 =	vshll.u32 v61, $0x7;
	v60 =	vand.u32 $0x380, v58;
	v61 =	vadd.s32 s5, v22;
	v42 =	vld.idx.msk [tilespmem:v42+s20+$0x0], $0xffff;
	[tilespmem:s10+$0x0] =	vst v32  }
0xc2: {  	v58 =	vshll.u32 v57, $0x8;
	v50 =	vor.u32 v2, v50;
	v51 =	vor.u32 v3, v51;
	[tilespmem:s10+$0x10] =	vst v43  }
0xc3: {  	v52 =	vand.u32 $0x380, v52;
	v62 =	vshll.u32 v61, $0x8;
	v63 =	vshll.u32 v61, $0x7;
	[tilespmem:s10+$0x20] =	vst v45  }
0xc4: {  	s14 =	sand.u32 $0x3, s17;
	v61 =	vadd.s32 s5, v25;
	v56 =	vor.u32 v53, v52;
	v53 =	vadd.s32 s5, v23;
	[tilespmem:s10+$0x30] =	vst v47  }
0xc5: {  	s12 =	sshll.u32 s14, $0x8;
	v52 =	vand.u32 $0x380, v63;
	v63 =	vadd.s32 s5, v26;
	v54 =	vshll.u32 v53, $0x8;
	[tilespmem:s10+$0x40] =	vst v49  }
0xc6: {  	s12 =	sadd.s32 s19, s12;
	v43 =	vor.u32 v59, v60;
	v32 =	vor.u32 v4, v56;
	v45 =	vand.u32 $0xF800, v62;
	[tilespmem:s10+$0x50] =	vst v46  }
0xc7: {  	s12 =	sadd.s32 $0x100, s12;
	v47 =	vshll.u32 v53, $0x7;
	[tilespmem:s10+$0x60] =	vst v33;
	v55 =	vand.u32 $0xF800, v54;
	v59 =	vshll.u32 v57, $0x7  }
0xc8: {  	s14 =	sor.u32 $0x400, s12;
	[tilespmem:s10+$0x70] =	vst v34;
	v34 =	vand.u32 $0xF800, v58;
	v62 =	vshll.u32 v61, $0x8;
	v46 =	vshll.u32 v61, $0x7  }
0xc9: {  	v49 =	vadd.s32 s5, v27;
	v53 =	vadd.s32 s5, v28;
	v57 =	vadd.s32 s5, v29;
	[tilespmem:s14+$0x10100] =	vst v35;
	s14 =	sor.u32 $0x410, s12  }
0xca: {  	v43 =	vor.u32 v5, v43;
	v45 =	vor.u32 v45, v52;
	v56 =	vand.u32 $0x380, v47;
	[tilespmem:s14+$0x10100] =	vst v36;
	s14 =	sor.u32 $0x420, s12  }
0xcb: {  	v60 =	vand.u32 $0x380, v59;
	v35 =	vand.u32 $0xF800, v62;
	v47 =	vshll.u32 v63, $0x8;
	[tilespmem:s14+$0x10100] =	vst v37;
	s14 =	sor.u32 $0x430, s12  }
0xcc: {  	v52 =	vshll.u32 v49, $0x8;
	v54 =	vshll.u32 v53, $0x8;
	v59 =	vshll.u32 v57, $0x8;
	[tilespmem:s14+$0x10100] =	vst v38;
	s14 =	sor.u32 $0x440, s12  }
0xcd: {  	v62 =	vadd.s32 s5, v31;
	v45 =	vor.u32 v6, v45;
	v33 =	vor.u32 v55, v56;
	[tilespmem:s14+$0x10100] =	vst v39;
	s14 =	sor.u32 $0x450, s12  }
0xce: {  	v34 =	vor.u32 v60, v34;
	v36 =	vshll.u32 v63, $0x7;
	v55 =	vand.u32 $0xF800, v54;
	[tilespmem:s14+$0x10100] =	vst v40;
	s14 =	sor.u32 $0x460, s12  }
0xcf: {  	v60 =	vadd.s32 s5, v30;
	v63 =	vshll.u32 v62, $0x8;
	v33 =	vor.u32 v7, v33;
	s12 =	sor.u32 $0x470, s12;
	[tilespmem:s14+$0x10100] =	vst v41  }
0xd0: {  	v34 =	vor.u32 v8, v34;
	v37 =	vand.u32 $0x380, v46;
	v36 =	vand.u32 $0x380, v36;
	[tilespmem:s12+$0x10100] =	vst v42  }
0xd1: {  	v46 =	vand.u32 $0xF800, v59;
	v61 =	vshll.u32 v60, $0x8;
	v38 =	vand.u32 $0xF800, v47;
	v40 =	vld.idx.msk [tilespmem:v44+s20+$0x0], $0xffff  }
0xd2: {  	v35 =	vor.u32 v37, v35;
	v37 =	vshll.u32 v49, $0x7;
	v47 =	vshll.u32 v60, $0x7;
	v42 =	vld.idx.msk [tilespmem:v48+s20+$0x0], $0xffff  }
0xd3: {  	v36 =	vor.u32 v36, v38;
	v35 =	vor.u32 v9, v35;
	v39 =	vshll.u32 v53, $0x7;
	v56 =	vld.idx.msk [tilespmem:v50+s20+$0x0], $0xffff  }
0xd4: {  	v38 =	vand.u32 $0xF800, v52;
	v37 =	vand.u32 $0x380, v37;
	v39 =	vand.u32 $0x380, v39;
	v58 =	vld.idx.msk [tilespmem:v51+s20+$0x0], $0xffff  }
0xd5: {  	v37 =	vor.u32 v37, v38;
	v38 =	vor.u32 v39, v55;
	v39 =	vshll.u32 v57, $0x7;
	v32 =	vld.idx.msk [tilespmem:v32+s20+$0x0], $0xffff  }
0xd6: {  	v47 =	vand.u32 $0x380, v47;
	v36 =	vor.u32 v10, v36;
	v39 =	vand.u32 $0x380, v39;
	v43 =	vld.idx.msk [tilespmem:v43+s20+$0x0], $0xffff  }
0xd7: {  	v37 =	vor.u32 v11, v37;
	v39 =	vor.u32 v39, v46;
	v45 =	vld.idx.msk [tilespmem:v45+s20+$0x0], $0xffff;
	v46 =	vand.u32 $0xF800, v61  }
0xd8: {  	v38 =	vor.u32 v12, v38;
	v33 =	vld.idx.msk [tilespmem:v33+s20+$0x0], $0xffff;
	v48 =	vshll.u32 v62, $0x7;
	v46 =	vor.u32 v47, v46  }
0xd9: {  	v34 =	vld.idx.msk [tilespmem:v34+s20+$0x0], $0xffff;
	v39 =	vor.u32 v13, v39;
	v47 =	vand.u32 $0xF800, v63;
	v48 =	vand.u32 $0x380, v48  }
0xda: {  	v35 =	vld.idx.msk [tilespmem:v35+s20+$0x0], $0xffff;
	v46 =	vor.u32 v14, v46;
	v47 =	vor.u32 v48, v47  }
0xdb: {  	v36 =	vld.idx.msk [tilespmem:v36+s20+$0x0], $0xffff;
	v47 =	vor.u32 v15, v47  }
0xdc: {  	v37 =	vld.idx.msk [tilespmem:v37+s20+$0x0], $0xffff  }
0xdd: {  	v38 =	vld.idx.msk [tilespmem:v38+s20+$0x0], $0xffff  }
0xde: {  	s14 =	sand.u32 $0x380, s16;
	v39 =	vld.idx.msk [tilespmem:v39+s20+$0x0], $0xffff  }
0xdf: {  	s5 =	sadd.s32 s14, s7;
	v46 =	vld.idx.msk [tilespmem:v46+s20+$0x0], $0xffff  }
0xe0: {  	v47 =	vld.idx.msk [tilespmem:v47+s20+$0x0], $0xffff;
	[tilespmem:s5+$0x0] =	vst v40  }
0xe1: {  	[tilespmem:s5+$0x10] =	vst v42  }
0xe2: {  	[tilespmem:s5+$0x20] =	vst v56  }
0xe3: {  	[tilespmem:s5+$0x30] =	vst v58  }
0xe4: {  	[tilespmem:s5+$0x40] =	vst v32  }
0xe5: {  	[tilespmem:s5+$0x50] =	vst v43  }
0xe6: {  	s7 =	sadd.s32 $0x180, s9;
	[tilespmem:s5+$0x60] =	vst v45  }
0xe7: {  	s10 =	sor.u32 $0x400, s7;
	[tilespmem:s5+$0x70] =	vst v33  }
0xe8: {  	s12 =	sor.u32 $0x410, s7;
	[tilespmem:s10+$0x10100] =	vst v34  }
0xe9: {  	s0 =	sadd.s32 $0x4, s0;
	s14 =	sor.u32 $0x420, s7;
	[tilespmem:s12+$0x10100] =	vst v35  }
0xea: {  	p2 =	slt.u32 s0, $0x3C;
	s9 =	sor.u32 $0x430, s7;
	[tilespmem:s14+$0x10100] =	vst v36  }
.Ltmp0:
0xeb: {  	s10 =	sor.u32 $0x440, s7;
	[tilespmem:s9+$0x10100] =	vst v37;
	(pc) =	sbr.rel @p2 .LBB2_3-.Ltmp0, $4  }
0xec: {  	s12 =	sor.u32 $0x450, s7;
	[tilespmem:s10+$0x10100] =	vst v38  }
0xed: {  	s14 =	sor.u32 $0x460, s7;
	[tilespmem:s12+$0x10100] =	vst v39  }
0xee: {  	p1 =	por !p1, !p1;
	s21 =	sadd.s32 $0x4, s21;
	s7 =	sor.u32 $0x470, s7;
	[tilespmem:s14+$0x10100] =	vst v46  }
0xef: {  	s17 =	sadd.s32 $0x2, s17;
	s19 =	sadd.s32 $0x400, s19;
	s16 =	sadd.s32 $0x200, s16;
	[tilespmem:s7+$0x10100] =	vst v47  }
0xf0: {  	s0 =	sshll.u32 s31, $0xF  }
0xf1: {  	s5 =	sadd.s32 s6, s0  }
0xf2: {  	s5 =	sshrl.u32 s5, $0x3  }
0xf3: {  	s2 =	sor.u32 $0x1, s2;
	p2 =	sne.s32 s31, $0xF;
	s5 =	sadd.s32 s3, s5  }
0xf4: {  	[hbm4b:s5+s4] =	stream.linear.scatter [tilespmem:s24], [sflag:$0x3], $0x4000, $0x38;
	[tilespmem:$0x18100] =	vst v63  }
.Ltmp1:
0xf5: {  	p1 =	sgt.u32 s2, $0x1E;
	(pc) =	sbr.rel @p2 .LBB2_6-.Ltmp1, $4  }
0xf6: {  	s5 =	simm.s32 @!p1 $0x1  }
0xf7: {  	_ =	swait.ge @!p1 [sflag:s5], $0x4000  }
0xf8: {  	[sflag:s5] =	ssyncset.done @!p1 $0x0  }
0xf9: {  	[sflag:s5] =	ssyncadd.s32 @!p1 $0xFFFFC000  }
.Ltmp2:
0xfa: {  	(pc) =	sbr.rel .LBB2_7-.Ltmp2, $4  }
0xfb: {  	_ = 	snop  }
0xfc: {  	_ =	swait.ge [sflag:s23], $0x800  }
0xfd: {  	[sflag:s23] =	ssyncset.done $0x0  }
0xfe: {  	[sflag:s23] =	ssyncadd.s32 $0xFFFFF800  }
.LBB2_6:
.Ltmp3:
0xff: {  	s0 =	sadd.s32 $0xC000, s0;
	(pc) =	sbr.rel @p0 .LBB2_8-.Ltmp3, $4  }
0x100: {  	s5 =	sor.u32 s6, s0  }
0x101: {  	s0 =	sand.u32 $0xC000, s0;
	s5 =	sshrl.u32 s5, $0x3  }
0x102: {  	s0 =	sor.u32 $0x100, s0;
	s5 =	sadd.s32 s1, s5  }
0x103: {  	[tilespmem:s0], [sflag:$0x2] =	stream.linear.gather [hbm4b:s5+s4], $0x4000, $0x38;
	[tilespmem:$0x18100] =	vst v63  }
.LBB2_7:
0x104: {  	_ =	swait.ge [sflag:s25], $0x4000  }
0x105: {  	[sflag:s25] =	ssyncset.done $0x0  }
0x106: {  	[sflag:s25] =	ssyncadd.s32 $0xFFFFC000  }
.LBB2_8:
0x107: {  	s0 =	simm.s32 $0xFFFFFFFC;
	s16 =	simm.s32 $0x180;
	s17 =	simm.s32 $0x0  }
0x108: {  	p0 =	por $0x0, $0x0;
	s19 =	simm.s32 $0x0;
	s21 =	simm.s32 $0x0  }
.LBB2_9:
0x109: {  	s5 =	sadd.s32 s0, s30  }
0x10a: {  	s7 =	sadd.s32 $0x44, s5  }
0x10b: {  	v32 =	vadd.s32 s7, v16  }
0x10c: {  	v44 =	vadd.s32 s7, v17;
	v35 =	vadd.s32 s7, v18;
	v36 =	vadd.s32 s7, v19  }
0x10d: {  	v50 =	vadd.s32 s7, v20;
	v51 =	vadd.s32 s7, v21;
	v54 =	vadd.s32 s7, v22  }
0x10e: {  	v57 =	vadd.s32 s7, v23;
	v41 =	vadd.s32 s7, v24;
	v42 =	vadd.s32 s7, v25  }
0x10f: {  	v63 =	vadd.s32 s7, v26;
	v33 =	vshll.u32 v32, $0x8;
	v32 =	vshll.u32 v32, $0x7  }
0x110: {  	v45 =	vshll.u32 v44, $0x8;
	v46 =	vshll.u32 v35, $0x8;
	v35 =	vshll.u32 v35, $0x7  }
0x111: {  	v48 =	vshll.u32 v36, $0x8;
	v36 =	vshll.u32 v36, $0x7;
	v38 =	vshll.u32 v50, $0x8  }
0x112: {  	v52 =	vshll.u32 v51, $0x8;
	v53 =	vshll.u32 v51, $0x7;
	v40 =	vshll.u32 v54, $0x8  }
0x113: {  	v58 =	vshll.u32 v57, $0x8;
	v59 =	vshll.u32 v41, $0x8;
	v41 =	vshll.u32 v41, $0x7  }
0x114: {  	v61 =	vshll.u32 v42, $0x8;
	v42 =	vshll.u32 v42, $0x7;
	v51 =	vadd.s32 s7, v28  }
0x115: {  	v33 =	vand.u32 $0xF800, v33;
	v32 =	vand.u32 $0x380, v32;
	v35 =	vand.u32 $0x380, v35  }
0x116: {  	v49 =	vand.u32 $0xF800, v48;
	v36 =	vand.u32 $0x380, v36;
	v38 =	vand.u32 $0xF800, v38  }
0x117: {  	s9 =	sadd.s32 $0x45, s5;
	v55 =	vand.u32 $0xF800, v40;
	v41 =	vand.u32 $0x380, v41;
	v62 =	vand.u32 $0xF800, v61  }
0x118: {  	v42 =	vand.u32 $0x380, v42;
	v48 =	vadd.s32 s7, v27;
	v61 =	vadd.s32 s9, v17  }
0x119: {  	v32 =	vor.u32 v33, v32;
	v33 =	vshll.u32 v44, $0x7;
	v44 =	vshll.u32 v63, $0x8  }
0x11a: {  	v34 =	vor.u32 v0, v32;
	v32 =	vand.u32 $0xF800, v45;
	v33 =	vand.u32 $0x380, v33  }
0x11b: {  	v44 =	vand.u32 $0xF800, v44;
	v32 =	vor.u32 v32, v33;
	v33 =	vand.u32 $0xF800, v46  }
0x11c: {  	v46 =	vshll.u32 v51, $0x8;
	v37 =	vor.u32 v1, v32;
	v47 =	vor.u32 v33, v35  }
0x11d: {  	v33 =	vshll.u32 v50, $0x7;
	v32 =	vor.u32 v49, v36;
	v36 =	vshll.u32 v54, $0x7  }
0x11e: {  	v49 =	vshll.u32 v48, $0x8;
	v50 =	vshll.u32 v48, $0x7;
	v54 =	vadd.s32 s7, v29  }
0x11f: {  	v48 =	vadd.s32 s7, v31;
	v35 =	vor.u32 v2, v47;
	v33 =	vand.u32 $0x380, v33  }
0x120: {  	v36 =	vand.u32 $0x380, v36;
	v47 =	vadd.s32 s7, v30;
	v33 =	vor.u32 v38, v33  }
0x121: {  	v38 =	vor.u32 v3, v32;
	v32 =	vand.u32 $0xF800, v52;
	v56 =	vor.u32 v55, v36  }
0x122: {  	v52 =	vand.u32 $0xF800, v46;
	v55 =	vshll.u32 v54, $0x8;
	v39 =	vor.u32 v4, v33  }
0x123: {  	v33 =	vand.u32 $0x380, v53;
	v36 =	vor.u32 v6, v56;
	v56 =	vshll.u32 v47, $0x8  }
0x124: {  	v47 =	vshll.u32 v47, $0x7;
	v32 =	vor.u32 v32, v33;
	v33 =	vshll.u32 v57, $0x7  }
0x125: {  	v47 =	vand.u32 $0x380, v47;
	v40 =	vor.u32 v5, v32;
	v32 =	vand.u32 $0xF800, v58  }
0x126: {  	v33 =	vand.u32 $0x380, v33;
	v58 =	vshll.u32 v48, $0x8;
	v48 =	vshll.u32 v48, $0x7  }
0x127: {  	v32 =	vor.u32 v32, v33;
	v33 =	vand.u32 $0xF800, v59;
	v59 =	vand.u32 $0xF800, v58  }
0x128: {  	v48 =	vand.u32 $0x380, v48;
	v43 =	vor.u32 v7, v32;
	v60 =	vor.u32 v41, v33  }
0x129: {  	v33 =	vshll.u32 v63, $0x7;
	v32 =	vor.u32 v42, v62;
	v42 =	vshll.u32 v51, $0x7  }
0x12a: {  	v62 =	vshll.u32 v61, $0x8;
	v51 =	vadd.s32 s9, v18;
	v41 =	vor.u32 v8, v60  }
0x12b: {  	v33 =	vand.u32 $0x380, v33;
	v42 =	vand.u32 $0x380, v42;
	v60 =	vadd.s32 s9, v16  }
0x12c: {  	v33 =	vor.u32 v33, v44;
	v44 =	vor.u32 v9, v32;
	v32 =	vand.u32 $0xF800, v49  }
0x12d: {  	v53 =	vor.u32 v42, v52;
	v52 =	vshll.u32 v51, $0x8;
	v51 =	vshll.u32 v51, $0x7  }
0x12e: {  	v45 =	vor.u32 v10, v33;
	v33 =	vand.u32 $0x380, v50;
	v42 =	vor.u32 v12, v53  }
0x12f: {  	v50 =	vshll.u32 v60, $0x8;
	v63 =	vand.u32 $0xF800, v52;
	v51 =	vand.u32 $0x380, v51  }
0x130: {  	v32 =	vor.u32 v33, v32;
	v33 =	vshll.u32 v54, $0x7;
	v50 =	vand.u32 $0xF800, v50  }
0x131: {  	v46 =	vor.u32 v11, v32;
	v32 =	vand.u32 $0xF800, v55;
	v33 =	vand.u32 $0x380, v33  }
0x132: {  	v54 =	vadd.s32 s9, v21;
	v32 =	vor.u32 v33, v32;
	v33 =	vand.u32 $0xF800, v56  }
0x133: {  	v56 =	vor.u32 v63, v51;
	v49 =	vor.u32 v13, v32;
	v57 =	vor.u32 v47, v33  }
0x134: {  	v33 =	vshll.u32 v60, $0x7;
	v32 =	vor.u32 v48, v59;
	v48 =	vshll.u32 v61, $0x7  }
0x135: {  	v52 =	vld.idx.msk [tilespmem:v34+s20+$0x0], $0xffff;
	v34 =	vor.u32 v2, v56;
	v60 =	vadd.s32 s9, v20;
	v47 =	vor.u32 v14, v57  }
0x136: {  	v37 =	vld.idx.msk [tilespmem:v37+s20+$0x0], $0xffff;
	v33 =	vand.u32 $0x380, v33;
	v48 =	vand.u32 $0x380, v48;
	v57 =	vadd.s32 s9, v19  }
0x137: {  	v38 =	vld.idx.msk [tilespmem:v38+s20+$0x0], $0xffff;
	v61 =	vshll.u32 v60, $0x8;
	v51 =	vshll.u32 v60, $0x7;
	v60 =	vadd.s32 s9, v22  }
0x138: {  	v39 =	vld.idx.msk [tilespmem:v39+s20+$0x0], $0xffff;
	v33 =	vor.u32 v50, v33;
	v50 =	vor.u32 v15, v32;
	v58 =	vshll.u32 v57, $0x8  }
0x139: {  	v53 =	vld.idx.msk [tilespmem:v35+s20+$0x0], $0xffff;
	v51 =	vand.u32 $0x380, v51;
	v56 =	vshll.u32 v60, $0x8;
	v32 =	vor.u32 v0, v33  }
0x13a: {  	v40 =	vld.idx.msk [tilespmem:v40+s20+$0x0], $0xffff;
	v33 =	vand.u32 $0xF800, v62;
	v59 =	vand.u32 $0xF800, v58;
	v62 =	vshll.u32 v54, $0x8  }
0x13b: {  	v55 =	vld.idx.msk [tilespmem:v36+s20+$0x0], $0xffff;
	v54 =	vshll.u32 v54, $0x7;
	v56 =	vand.u32 $0xF800, v56;
	v33 =	vor.u32 v33, v48  }
0x13c: {  	v43 =	vld.idx.msk [tilespmem:v43+s20+$0x0], $0xffff;
	v48 =	vshll.u32 v57, $0x7;
	v63 =	vand.u32 $0xF800, v62;
	v54 =	vand.u32 $0x380, v54  }
0x13d: {  	v41 =	vld.idx.msk [tilespmem:v41+s20+$0x0], $0xffff;
	v57 =	vadd.s32 s9, v24;
	v33 =	vor.u32 v1, v33;
	v48 =	vand.u32 $0x380, v48  }
0x13e: {  	v44 =	vld.idx.msk [tilespmem:v44+s20+$0x0], $0xffff;
	v58 =	vshll.u32 v57, $0x8;
	v57 =	vshll.u32 v57, $0x7;
	v35 =	vor.u32 v59, v48  }
0x13f: {  	v45 =	vld.idx.msk [tilespmem:v45+s20+$0x0], $0xffff;
	v48 =	vand.u32 $0xF800, v61;
	v61 =	vadd.s32 s9, v23;
	v57 =	vand.u32 $0x380, v57  }
0x140: {  	v42 =	vld.idx.msk [tilespmem:v42+s20+$0x0], $0xffff;
	v35 =	vor.u32 v3, v35;
	v48 =	vor.u32 v48, v51;
	v51 =	vshll.u32 v60, $0x7  }
0x141: {  	s12 =	sand.u32 $0x3800, s19;
	s10 =	sadd.s32 $0xFFFFFE80, s16;
	v46 =	vld.idx.msk [tilespmem:v46+s20+$0x0], $0xffff;
	v62 =	vshll.u32 v61, $0x8;
	v60 =	vadd.s32 s9, v25;
	v36 =	vor.u32 v4, v48  }
0x142: {  	s10 =	sand.u32 $0x200, s10;
	s7 =	sor.u32 $0x14100, s12;
	v49 =	vld.idx.msk [tilespmem:v49+s20+$0x0], $0xffff;
	v51 =	vand.u32 $0x380, v51;
	v48 =	vor.u32 v63, v54;
	v54 =	vshll.u32 v61, $0x7  }
0x143: {  	s10 =	sor.u32 s10, s7;
	v47 =	vld.idx.msk [tilespmem:v47+s20+$0x0], $0xffff;
	v63 =	vand.u32 $0xF800, v58;
	v61 =	vshll.u32 v60, $0x8;
	v51 =	vor.u32 v56, v51  }
0x144: {  	v50 =	vld.idx.msk [tilespmem:v50+s20+$0x0], $0xffff;
	[tilespmem:s10+$0x0] =	vst v52;
	v48 =	vor.u32 v5, v48;
	v56 =	vand.u32 $0xF800, v62;
	v54 =	vand.u32 $0x380, v54  }
0x145: {  	[tilespmem:s10+$0x10] =	vst v37;
	v62 =	vand.u32 $0xF800, v61;
	v51 =	vor.u32 v6, v51;
	v54 =	vor.u32 v56, v54  }
0x146: {  	[tilespmem:s10+$0x20] =	vst v53;
	v56 =	vor.u32 v57, v63;
	v57 =	vshll.u32 v60, $0x7;
	v63 =	vadd.s32 s9, v26  }
0x147: {  	s12 =	simm.s32 $0x1;
	[tilespmem:s10+$0x30] =	vst v38;
	v54 =	vor.u32 v7, v54;
	v56 =	vor.u32 v8, v56;
	v57 =	vand.u32 $0x380, v57  }
0x148: {  	s12 =	simm.s32 @!p0 $0x0;
	[tilespmem:s10+$0x40] =	vst v39;
	v60 =	vshll.u32 v63, $0x8;
	v61 =	vshll.u32 v63, $0x7;
	v63 =	vadd.s32 s9, v27  }
0x149: {  	s12 =	sshll.u32 s12, $0x9;
	[tilespmem:s10+$0x50] =	vst v40;
	v37 =	vor.u32 v57, v62;
	v52 =	vand.u32 $0xF800, v60;
	v62 =	vand.u32 $0x380, v61  }
0x14a: {  	s12 =	sadd.s32 s12, s19;
	[tilespmem:s10+$0x60] =	vst v55;
	v59 =	vshll.u32 v63, $0x8;
	v61 =	vadd.s32 s9, v28;
	v57 =	vadd.s32 s9, v30  }
0x14b: {  	s14 =	sor.u32 $0x400, s12;
	[tilespmem:s10+$0x70] =	vst v43;
	v37 =	vor.u32 v9, v37;
	v58 =	vor.u32 v62, v52;
	v60 =	vand.u32 $0xF800, v59  }
0x14c: {  	[tilespmem:s14+$0x14100] =	vst v41;
	s14 =	sor.u32 $0x410, s12;
	v62 =	vshll.u32 v63, $0x7;
	v63 =	vshll.u32 v61, $0x8;
	v52 =	vshll.u32 v61, $0x7  }
0x14d: {  	[tilespmem:s14+$0x14100] =	vst v44;
	v44 =	vshll.u32 v57, $0x7;
	v61 =	vadd.s32 s9, v31;
	v38 =	vor.u32 v10, v58  }
0x14e: {  	s14 =	sor.u32 $0x420, s12;
	v40 =	vand.u32 $0x380, v62;
	v53 =	vand.u32 $0xF800, v63;
	v52 =	vand.u32 $0x380, v52  }
0x14f: {  	s10 =	sadd.s32 $0x46, s5;
	[tilespmem:s14+$0x14100] =	vst v45;
	s14 =	sor.u32 $0x430, s12;
	v58 =	vshll.u32 v57, $0x8;
	v44 =	vand.u32 $0x380, v44;
	v62 =	vshll.u32 v61, $0x8  }
0x150: {  	[tilespmem:s14+$0x14100] =	vst v46;
	s14 =	sor.u32 $0x440, s12;
	v63 =	vadd.s32 s10, v16;
	v57 =	vadd.s32 s10, v18;
	v39 =	vor.u32 v40, v60  }
0x151: {  	[tilespmem:s14+$0x14100] =	vst v42;
	s14 =	sor.u32 $0x450, s12;
	v52 =	vor.u32 v52, v53;
	v53 =	vadd.s32 s9, v29;
	v59 =	vand.u32 $0xF800, v58  }
0x152: {  	[tilespmem:s14+$0x14100] =	vst v49;
	s14 =	sor.u32 $0x460, s12;
	v49 =	vshll.u32 v63, $0x8;
	v45 =	vshll.u32 v63, $0x7;
	v58 =	vshll.u32 v57, $0x8  }
0x153: {  	[tilespmem:s14+$0x14100] =	vst v47;
	v47 =	vshll.u32 v57, $0x7;
	v39 =	vor.u32 v11, v39;
	v40 =	vor.u32 v12, v52  }
0x154: {  	s14 =	sor.u32 $0x470, s12;
	v55 =	vshll.u32 v53, $0x8;
	v43 =	vshll.u32 v53, $0x7;
	v60 =	vor.u32 v44, v59  }
0x155: {  	[tilespmem:s14+$0x14100] =	vst v50;
	v44 =	vand.u32 $0xF800, v62;
	v50 =	vand.u32 $0xF800, v49;
	v52 =	vand.u32 $0x380, v45  }
0x156: {  	v46 =	vld.idx.msk [tilespmem:v32+s20+$0x0], $0xffff;
	v53 =	vadd.s32 s10, v17;
	v49 =	vand.u32 $0xF800, v58;
	v47 =	vand.u32 $0x380, v47  }
0x157: {  	v33 =	vld.idx.msk [tilespmem:v33+s20+$0x0], $0xffff;
	v62 =	vadd.s32 s10, v20;
	v58 =	vadd.s32 s10, v21;
	v41 =	vand.u32 $0xF800, v55  }
0x158: {  	v34 =	vld.idx.msk [tilespmem:v34+s20+$0x0], $0xffff;
	v43 =	vand.u32 $0x380, v43;
	v42 =	vor.u32 v14, v60;
	v32 =	vor.u32 v50, v52  }
0x159: {  	v35 =	vld.idx.msk [tilespmem:v35+s20+$0x0], $0xffff;
	v55 =	vshll.u32 v53, $0x8;
	v45 =	vshll.u32 v53, $0x7;
	v59 =	vor.u32 v49, v47  }
0x15a: {  	v36 =	vld.idx.msk [tilespmem:v36+s20+$0x0], $0xffff;
	v60 =	vadd.s32 s10, v19;
	v63 =	vshll.u32 v62, $0x8;
	v52 =	vshll.u32 v62, $0x7  }
0x15b: {  	v48 =	vld.idx.msk [tilespmem:v48+s20+$0x0], $0xffff;
	v62 =	vadd.s32 s10, v23;
	v41 =	vor.u32 v43, v41;
	v43 =	vshll.u32 v61, $0x7  }
0x15c: {  	v49 =	vld.idx.msk [tilespmem:v51+s20+$0x0], $0xffff;
	v32 =	vor.u32 v0, v32;
	v45 =	vand.u32 $0x380, v45;
	v61 =	vshll.u32 v60, $0x8  }
0x15d: {  	v51 =	vld.idx.msk [tilespmem:v54+s20+$0x0], $0xffff;
	v47 =	vshll.u32 v60, $0x7;
	v57 =	vand.u32 $0xF800, v63;
	v52 =	vand.u32 $0x380, v52  }
0x15e: {  	v53 =	vld.idx.msk [tilespmem:v56+s20+$0x0], $0xffff;
	v60 =	vadd.s32 s10, v22;
	v63 =	vshll.u32 v62, $0x8;
	v43 =	vand.u32 $0x380, v43  }
0x15f: {  	v37 =	vld.idx.msk [tilespmem:v37+s20+$0x0], $0xffff;
	v56 =	vshll.u32 v62, $0x7;
	v41 =	vor.u32 v13, v41;
	v43 =	vor.u32 v43, v44  }
0x160: {  	v62 =	vadd.s32 s10, v24;
	v50 =	vand.u32 $0xF800, v61;
	v38 =	vld.idx.msk [tilespmem:v38+s20+$0x0], $0xffff;
	v43 =	vor.u32 v15, v43  }
0x161: {  	v47 =	vand.u32 $0x380, v47;
	v61 =	vshll.u32 v60, $0x8;
	v44 =	vand.u32 $0xF800, v55;
	v39 =	vld.idx.msk [tilespmem:v39+s20+$0x0], $0xffff  }
0x162: {  	s12 =	sadd.s32 $0xFFFFFF00, s16;
	v47 =	vor.u32 v50, v47;
	v50 =	vor.u32 v57, v52;
	v52 =	vshll.u32 v58, $0x7;
	v40 =	vld.idx.msk [tilespmem:v40+s20+$0x0], $0xffff  }
0x163: {  	s9 =	sand.u32 $0x280, s12;
	v55 =	vshll.u32 v60, $0x7;
	v60 =	vand.u32 $0xF800, v63;
	v63 =	vshll.u32 v62, $0x8;
	v42 =	vld.idx.msk [tilespmem:v42+s20+$0x0], $0xffff  }
0x164: {  	s12 =	sor.u32 s9, s7;
	v44 =	vor.u32 v44, v45;
	v45 =	vor.u32 v2, v59;
	v47 =	vor.u32 v3, v47;
	v41 =	vld.idx.msk [tilespmem:v41+s20+$0x0], $0xffff  }
0x165: {  	v50 =	vor.u32 v4, v50;
	v59 =	vshll.u32 v58, $0x8;
	v52 =	vand.u32 $0x380, v52;
	v43 =	vld.idx.msk [tilespmem:v43+s20+$0x0], $0xffff;
	[tilespmem:s12+$0x0] =	vst v46  }
0x166: {  	v55 =	vand.u32 $0x380, v55;
	v57 =	vand.u32 $0xF800, v63;
	v63 =	vadd.s32 s10, v26;
	[tilespmem:s12+$0x10] =	vst v33  }
0x167: {  	v44 =	vor.u32 v1, v44;
	v54 =	vand.u32 $0xF800, v59;
	v59 =	vadd.s32 s10, v25;
	[tilespmem:s12+$0x20] =	vst v34  }
0x168: {  	s14 =	sand.u32 $0x7, s21;
	v52 =	vor.u32 v54, v52;
	v54 =	vand.u32 $0xF800, v61;
	v61 =	vand.u32 $0x380, v56;
	[tilespmem:s12+$0x30] =	vst v35  }
0x169: {  	s9 =	sshll.u32 s14, $0x7;
	v56 =	vshll.u32 v63, $0x8;
	v54 =	vor.u32 v54, v55;
	v46 =	vor.u32 v5, v52;
	[tilespmem:s12+$0x40] =	vst v36  }
0x16a: {  	s9 =	sadd.s32 s19, s9;
	v33 =	vor.u32 v6, v54;
	v52 =	vor.u32 v60, v61;
	v54 =	vshll.u32 v62, $0x7;
	[tilespmem:s12+$0x50] =	vst v48  }
0x16b: {  	s14 =	sadd.s32 $0x80, s9;
	v60 =	vshll.u32 v59, $0x8;
	v61 =	vshll.u32 v59, $0x7;
	[tilespmem:s12+$0x60] =	vst v49;
	v48 =	vand.u32 $0xF800, v56  }
0x16c: {  	[tilespmem:s12+$0x70] =	vst v51;
	s12 =	sor.u32 $0x400, s14;
	v34 =	vor.u32 v7, v52;
	v58 =	vand.u32 $0x380, v54;
	v36 =	vand.u32 $0xF800, v60  }
0x16d: {  	v62 =	vand.u32 $0x380, v61;
	[tilespmem:s12+$0x14100] =	vst v53;
	v53 =	vadd.s32 s10, v29;
	v35 =	vor.u32 v58, v57  }
0x16e: {  	v36 =	vor.u32 v62, v36;
	v57 =	vadd.s32 s10, v27;
	v58 =	vshll.u32 v63, $0x7  }
0x16f: {  	v63 =	vadd.s32 s10, v28;
	v54 =	vshll.u32 v53, $0x8;
	v35 =	vor.u32 v8, v35  }
0x170: {  	s12 =	sor.u32 $0x410, s14;
	v36 =	vor.u32 v9, v36;
	v59 =	vshll.u32 v57, $0x8;
	v49 =	vshll.u32 v57, $0x7  }
0x171: {  	s5 =	sadd.s32 $0x47, s5;
	[tilespmem:s12+$0x14100] =	vst v37;
	s12 =	sor.u32 $0x420, s14;
	v60 =	vand.u32 $0x380, v58;
	v51 =	vshll.u32 v63, $0x8;
	v52 =	vshll.u32 v63, $0x7  }
0x172: {  	[tilespmem:s12+$0x14100] =	vst v38;
	s12 =	sor.u32 $0x430, s14;
	v55 =	vand.u32 $0xF800, v54;
	v57 =	vadd.s32 s10, v30;
	v63 =	vadd.s32 s5, v17  }
0x173: {  	v61 =	vand.u32 $0xF800, v59;
	v49 =	vand.u32 $0x380, v49;
	v37 =	vor.u32 v60, v48;
	[tilespmem:s12+$0x14100] =	vst v39;
	s12 =	sor.u32 $0x440, s14  }
0x174: {  	v39 =	vand.u32 $0xF800, v51;
	v48 =	vshll.u32 v53, $0x7;
	v58 =	vshll.u32 v57, $0x8;
	[tilespmem:s12+$0x14100] =	vst v40;
	s12 =	sor.u32 $0x450, s14  }
0x175: {  	v59 =	vadd.s32 s10, v31;
	v54 =	vshll.u32 v63, $0x8;
	v62 =	vor.u32 v49, v61;
	[tilespmem:s12+$0x14100] =	vst v41;
	s12 =	sor.u32 $0x460, s14  }
0x176: {  	v37 =	vor.u32 v10, v37;
	v40 =	vand.u32 $0x380, v52;
	v56 =	vand.u32 $0x380, v48;
	s14 =	sor.u32 $0x470, s14;
	[tilespmem:s12+$0x14100] =	vst v42  }
0x177: {  	v60 =	vshll.u32 v59, $0x8;
	v61 =	vadd.s32 s5, v16;
	v51 =	vand.u32 $0xF800, v54;
	[tilespmem:s14+$0x14100] =	vst v43  }
0x178: {  	v38 =	vor.u32 v11, v62;
	v39 =	vor.u32 v40, v39;
	v40 =	vor.u32 v56, v55;
	v32 =	vld.idx.msk [tilespmem:v32+s20+$0x0], $0xffff  }
0x179: {  	v41 =	vshll.u32 v57, $0x7;
	v62 =	vshll.u32 v61, $0x8;
	v48 =	vshll.u32 v61, $0x7;
	v43 =	vld.idx.msk [tilespmem:v44+s20+$0x0], $0xffff  }
0x17a: {  	v56 =	vadd.s32 s5, v18;
	v61 =	vadd.s32 s5, v20;
	v39 =	vor.u32 v12, v39;
	v45 =	vld.idx.msk [tilespmem:v45+s20+$0x0], $0xffff  }
0x17b: {  	v40 =	vor.u32 v13, v40;
	v42 =	vand.u32 $0xF800, v58;
	v41 =	vand.u32 $0x380, v41;
	v47 =	vld.idx.msk [tilespmem:v47+s20+$0x0], $0xffff  }
0x17c: {  	v48 =	vand.u32 $0x380, v48;
	v57 =	vshll.u32 v56, $0x8;
	v58 =	vadd.s32 s5, v19;
	v49 =	vld.idx.msk [tilespmem:v50+s20+$0x0], $0xffff  }
0x17d: {  	v41 =	vor.u32 v41, v42;
	v42 =	vand.u32 $0xF800, v60;
	v52 =	vshll.u32 v58, $0x7;
	v46 =	vld.idx.msk [tilespmem:v46+s20+$0x0], $0xffff  }
0x17e: {  	v44 =	vshll.u32 v59, $0x7;
	v41 =	vor.u32 v14, v41;
	v33 =	vld.idx.msk [tilespmem:v33+s20+$0x0], $0xffff;
	v50 =	vshll.u32 v63, $0x7  }
0x17f: {  	v34 =	vld.idx.msk [tilespmem:v34+s20+$0x0], $0xffff;
	v59 =	vshll.u32 v58, $0x8;
	v52 =	vand.u32 $0x380, v52;
	v63 =	vadd.s32 s5, v21  }
0x180: {  	v35 =	vld.idx.msk [tilespmem:v35+s20+$0x0], $0xffff;
	v44 =	vand.u32 $0x380, v44;
	v50 =	vand.u32 $0x380, v50;
	v60 =	vand.u32 $0xF800, v59  }
0x181: {  	v36 =	vld.idx.msk [tilespmem:v36+s20+$0x0], $0xffff;
	v58 =	vshll.u32 v63, $0x7;
	v42 =	vor.u32 v44, v42;
	v44 =	vand.u32 $0xF800, v62  }
0x182: {  	v37 =	vld.idx.msk [tilespmem:v37+s20+$0x0], $0xffff;
	v55 =	vor.u32 v51, v50;
	v51 =	vand.u32 $0xF800, v57;
	v42 =	vor.u32 v15, v42  }
0x183: {  	v50 =	vshll.u32 v56, $0x7;
	v38 =	vld.idx.msk [tilespmem:v38+s20+$0x0], $0xffff;
	v62 =	vshll.u32 v61, $0x8;
	v57 =	vshll.u32 v63, $0x8  }
0x184: {  	s12 =	sadd.s32 $0xFFFFFF80, s16;
	v44 =	vor.u32 v44, v48;
	v48 =	vor.u32 v1, v55;
	v50 =	vand.u32 $0x380, v50;
	v39 =	vld.idx.msk [tilespmem:v39+s20+$0x0], $0xffff  }
0x185: {  	s10 =	sand.u32 $0x300, s12;
	v40 =	vld.idx.msk [tilespmem:v40+s20+$0x0], $0xffff;
	v53 =	vand.u32 $0xF800, v62;
	v59 =	vand.u32 $0xF800, v57;
	v57 =	vadd.s32 s5, v24  }
0x186: {  	s10 =	sadd.s32 s10, s7;
	v44 =	vor.u32 v0, v44;
	v50 =	vor.u32 v51, v50;
	v51 =	vor.u32 v60, v52;
	v41 =	vld.idx.msk [tilespmem:v41+s20+$0x0], $0xffff  }
0x187: {  	v52 =	vshll.u32 v61, $0x7;
	v60 =	vand.u32 $0x380, v58;
	v61 =	vadd.s32 s5, v22;
	v42 =	vld.idx.msk [tilespmem:v42+s20+$0x0], $0xffff;
	[tilespmem:s10+$0x0] =	vst v32  }
0x188: {  	v58 =	vshll.u32 v57, $0x8;
	v50 =	vor.u32 v2, v50;
	v51 =	vor.u32 v3, v51;
	[tilespmem:s10+$0x10] =	vst v43  }
0x189: {  	v52 =	vand.u32 $0x380, v52;
	v62 =	vshll.u32 v61, $0x8;
	v63 =	vshll.u32 v61, $0x7;
	[tilespmem:s10+$0x20] =	vst v45  }
0x18a: {  	s14 =	sand.u32 $0x3, s17;
	v61 =	vadd.s32 s5, v25;
	v56 =	vor.u32 v53, v52;
	v53 =	vadd.s32 s5, v23;
	[tilespmem:s10+$0x30] =	vst v47  }
0x18b: {  	s12 =	sshll.u32 s14, $0x8;
	v52 =	vand.u32 $0x380, v63;
	v63 =	vadd.s32 s5, v26;
	v54 =	vshll.u32 v53, $0x8;
	[tilespmem:s10+$0x40] =	vst v49  }
0x18c: {  	s12 =	sadd.s32 s19, s12;
	v43 =	vor.u32 v59, v60;
	v32 =	vor.u32 v4, v56;
	v45 =	vand.u32 $0xF800, v62;
	[tilespmem:s10+$0x50] =	vst v46  }
0x18d: {  	s12 =	sadd.s32 $0x100, s12;
	v47 =	vshll.u32 v53, $0x7;
	[tilespmem:s10+$0x60] =	vst v33;
	v55 =	vand.u32 $0xF800, v54;
	v59 =	vshll.u32 v57, $0x7  }
0x18e: {  	s14 =	sor.u32 $0x400, s12;
	[tilespmem:s10+$0x70] =	vst v34;
	v34 =	vand.u32 $0xF800, v58;
	v62 =	vshll.u32 v61, $0x8;
	v46 =	vshll.u32 v61, $0x7  }
0x18f: {  	v49 =	vadd.s32 s5, v27;
	v53 =	vadd.s32 s5, v28;
	v57 =	vadd.s32 s5, v29;
	[tilespmem:s14+$0x14100] =	vst v35;
	s14 =	sor.u32 $0x410, s12  }
0x190: {  	v43 =	vor.u32 v5, v43;
	v45 =	vor.u32 v45, v52;
	v56 =	vand.u32 $0x380, v47;
	[tilespmem:s14+$0x14100] =	vst v36;
	s14 =	sor.u32 $0x420, s12  }
0x191: {  	v60 =	vand.u32 $0x380, v59;
	v35 =	vand.u32 $0xF800, v62;
	v47 =	vshll.u32 v63, $0x8;
	[tilespmem:s14+$0x14100] =	vst v37;
	s14 =	sor.u32 $0x430, s12  }
0x192: {  	v52 =	vshll.u32 v49, $0x8;
	v54 =	vshll.u32 v53, $0x8;
	v59 =	vshll.u32 v57, $0x8;
	[tilespmem:s14+$0x14100] =	vst v38;
	s14 =	sor.u32 $0x440, s12  }
0x193: {  	v62 =	vadd.s32 s5, v31;
	v45 =	vor.u32 v6, v45;
	v33 =	vor.u32 v55, v56;
	[tilespmem:s14+$0x14100] =	vst v39;
	s14 =	sor.u32 $0x450, s12  }
0x194: {  	v34 =	vor.u32 v60, v34;
	v36 =	vshll.u32 v63, $0x7;
	v55 =	vand.u32 $0xF800, v54;
	[tilespmem:s14+$0x14100] =	vst v40;
	s14 =	sor.u32 $0x460, s12  }
0x195: {  	v60 =	vadd.s32 s5, v30;
	v63 =	vshll.u32 v62, $0x8;
	v33 =	vor.u32 v7, v33;
	s12 =	sor.u32 $0x470, s12;
	[tilespmem:s14+$0x14100] =	vst v41  }
0x196: {  	v34 =	vor.u32 v8, v34;
	v37 =	vand.u32 $0x380, v46;
	v36 =	vand.u32 $0x380, v36;
	[tilespmem:s12+$0x14100] =	vst v42  }
0x197: {  	v46 =	vand.u32 $0xF800, v59;
	v61 =	vshll.u32 v60, $0x8;
	v38 =	vand.u32 $0xF800, v47;
	v40 =	vld.idx.msk [tilespmem:v44+s20+$0x0], $0xffff  }
0x198: {  	v35 =	vor.u32 v37, v35;
	v37 =	vshll.u32 v49, $0x7;
	v47 =	vshll.u32 v60, $0x7;
	v42 =	vld.idx.msk [tilespmem:v48+s20+$0x0], $0xffff  }
0x199: {  	v36 =	vor.u32 v36, v38;
	v35 =	vor.u32 v9, v35;
	v39 =	vshll.u32 v53, $0x7;
	v56 =	vld.idx.msk [tilespmem:v50+s20+$0x0], $0xffff  }
0x19a: {  	v38 =	vand.u32 $0xF800, v52;
	v37 =	vand.u32 $0x380, v37;
	v39 =	vand.u32 $0x380, v39;
	v58 =	vld.idx.msk [tilespmem:v51+s20+$0x0], $0xffff  }
0x19b: {  	v37 =	vor.u32 v37, v38;
	v38 =	vor.u32 v39, v55;
	v39 =	vshll.u32 v57, $0x7;
	v32 =	vld.idx.msk [tilespmem:v32+s20+$0x0], $0xffff  }
0x19c: {  	v47 =	vand.u32 $0x380, v47;
	v36 =	vor.u32 v10, v36;
	v39 =	vand.u32 $0x380, v39;
	v43 =	vld.idx.msk [tilespmem:v43+s20+$0x0], $0xffff  }
0x19d: {  	v37 =	vor.u32 v11, v37;
	v39 =	vor.u32 v39, v46;
	v45 =	vld.idx.msk [tilespmem:v45+s20+$0x0], $0xffff;
	v46 =	vand.u32 $0xF800, v61  }
0x19e: {  	v38 =	vor.u32 v12, v38;
	v33 =	vld.idx.msk [tilespmem:v33+s20+$0x0], $0xffff;
	v48 =	vshll.u32 v62, $0x7;
	v46 =	vor.u32 v47, v46  }
0x19f: {  	v34 =	vld.idx.msk [tilespmem:v34+s20+$0x0], $0xffff;
	v39 =	vor.u32 v13, v39;
	v47 =	vand.u32 $0xF800, v63;
	v48 =	vand.u32 $0x380, v48  }
0x1a0: {  	v35 =	vld.idx.msk [tilespmem:v35+s20+$0x0], $0xffff;
	v46 =	vor.u32 v14, v46;
	v47 =	vor.u32 v48, v47  }
0x1a1: {  	v36 =	vld.idx.msk [tilespmem:v36+s20+$0x0], $0xffff;
	v47 =	vor.u32 v15, v47  }
0x1a2: {  	v37 =	vld.idx.msk [tilespmem:v37+s20+$0x0], $0xffff  }
0x1a3: {  	v38 =	vld.idx.msk [tilespmem:v38+s20+$0x0], $0xffff  }
0x1a4: {  	s14 =	sand.u32 $0x380, s16;
	v39 =	vld.idx.msk [tilespmem:v39+s20+$0x0], $0xffff  }
0x1a5: {  	s5 =	sadd.s32 s14, s7;
	v46 =	vld.idx.msk [tilespmem:v46+s20+$0x0], $0xffff  }
0x1a6: {  	v47 =	vld.idx.msk [tilespmem:v47+s20+$0x0], $0xffff;
	[tilespmem:s5+$0x0] =	vst v40  }
0x1a7: {  	[tilespmem:s5+$0x10] =	vst v42  }
0x1a8: {  	[tilespmem:s5+$0x20] =	vst v56  }
0x1a9: {  	[tilespmem:s5+$0x30] =	vst v58  }
0x1aa: {  	[tilespmem:s5+$0x40] =	vst v32  }
0x1ab: {  	[tilespmem:s5+$0x50] =	vst v43  }
0x1ac: {  	s7 =	sadd.s32 $0x180, s9;
	[tilespmem:s5+$0x60] =	vst v45  }
0x1ad: {  	s10 =	sor.u32 $0x400, s7;
	[tilespmem:s5+$0x70] =	vst v33  }
0x1ae: {  	s12 =	sor.u32 $0x410, s7;
	[tilespmem:s10+$0x14100] =	vst v34  }
0x1af: {  	s0 =	sadd.s32 $0x4, s0;
	s14 =	sor.u32 $0x420, s7;
	[tilespmem:s12+$0x14100] =	vst v35  }
0x1b0: {  	p1 =	slt.u32 s0, $0x3C;
	s9 =	sor.u32 $0x430, s7;
	[tilespmem:s14+$0x14100] =	vst v36  }
.Ltmp4:
0x1b1: {  	s10 =	sor.u32 $0x440, s7;
	[tilespmem:s9+$0x14100] =	vst v37;
	(pc) =	sbr.rel @p1 .LBB2_9-.Ltmp4, $4  }
0x1b2: {  	s12 =	sor.u32 $0x450, s7;
	[tilespmem:s10+$0x14100] =	vst v38  }
0x1b3: {  	s14 =	sor.u32 $0x460, s7;
	[tilespmem:s12+$0x14100] =	vst v39  }
0x1b4: {  	p0 =	por !p0, !p0;
	s21 =	sadd.s32 $0x4, s21;
	s7 =	sor.u32 $0x470, s7;
	[tilespmem:s14+$0x14100] =	vst v46  }
0x1b5: {  	s17 =	sadd.s32 $0x2, s17;
	s19 =	sadd.s32 $0x400, s19;
	s16 =	sadd.s32 $0x200, s16;
	[tilespmem:s7+$0x14100] =	vst v47  }
0x1b6: {  	s31 =	sadd.s32 $0x1, s31  }
0x1b7: {  	p0 =	sne.s32 s31, $0x10  }
.Ltmp5:
0x1b8: {  	s0 =	sshll.u32 s2, $0xE;
	(pc) =	sbr.rel @p0 .LBB2_2-.Ltmp5, $4  }
0x1b9: {  	s0 =	sadd.s32 s6, s0  }
0x1ba: {  	s0 =	sshrl.u32 s0, $0x3  }
0x1bb: {  	s30 =	sadd.s32 $0x80, s30;
	s0 =	sadd.s32 s3, s0  }
0x1bc: {  	[hbm4b:s0+s4] =	stream.linear.scatter [tilespmem:s26], [sflag:$0x4], $0x4000, $0x38;
	[tilespmem:$0x18100] =	vst v63  }
0x1bd: {  	_ =	swait.ge [sflag:s28], $0x4000  }
0x1be: {  	[sflag:s28] =	ssyncset.done $0x0  }
0x1bf: {  	[sflag:s28] =	ssyncadd.s32 $0xFFFFC000  }
0x1c0: {  	_ =	swait.ge [sflag:s25], $0x4000  }
0x1c1: {  	s30 =	simm.s32 $0x0;
	s2 =	simm.s32 $0x80;
	[sflag:s25] =	ssyncset.done $0x0  }
0x1c2: {  	s5 =	simm.s32 $0x400;
	s0 =	rddreg [dreg:$0x7];
	[sflag:s25] =	ssyncadd.s32 $0xFFFFC000  }
0x1c3: {  	[tilespmem:s30], [sflag:$0x5] =	stream.strided.gather [hbm4b:s0+s2], $0x100, s5, s2, $0x38;
	[tilespmem:$0x18100] =	vst v63  }
0x1c4: {  	_ =	swait.ge [sflag:s18], $0x100  }
0x1c5: {  	[sflag:s18] =	ssyncset.done $0x0  }
0x1c6: {  	[sflag:s18] =	ssyncadd.s32 $0xFFFFFF00  }
0x1c7: {  	v16 =	vld [tilespmem:$0x0]  }
0x1c8: {  	v17 =	vld [tilespmem:$0x10]  }
0x1c9: {  	v18 =	vld [tilespmem:$0x20]  }
0x1ca: {  	v19 =	vld [tilespmem:$0x30]  }
0x1cb: {  	v20 =	vld [tilespmem:$0x40]  }
0x1cc: {  	v21 =	vld [tilespmem:$0x50]  }
0x1cd: {  	v22 =	vld [tilespmem:$0x60]  }
0x1ce: {  	v23 =	vld [tilespmem:$0x70]  }
0x1cf: {  	v24 =	vld [tilespmem:$0x80]  }
0x1d0: {  	v25 =	vld [tilespmem:$0x90]  }
0x1d1: {  	v26 =	vld [tilespmem:$0xA0]  }
0x1d2: {  	v27 =	vld [tilespmem:$0xB0]  }
0x1d3: {  	v28 =	vld [tilespmem:$0xC0]  }
0x1d4: {  	v29 =	vld [tilespmem:$0xD0]  }
0x1d5: {  	s17 =	simm.s32 $0xF900;
	s16 =	rddreg [dreg:$0x8];
	v30 =	vld [tilespmem:$0xE0]  }
0x1d6: {  	v31 =	vld [tilespmem:$0xF0];
	[tilespmem:s17], [sflag:$0x2] =	stream.linear.gather [hbm4b:s16+s30], $0x800, $0x38  }
0x1d7: {  	_ = 	snop  }
0x1d8: {  	[tilespmem:s20], [sflag:$0x1] =	stream.linear.gather [hbm4b:s13+s30], $0x4000, $0x38;
	[tilespmem:$0x18100] =	vst v63  }
0x1d9: {  	s21 =	simm.s32 $0x4100;
	s31 =	simm.s32 $0x0;
	s19 =	rddreg [dreg:$0x9]  }
0x1da: {  	[tilespmem:s21], [sflag:$0x2] =	stream.linear.gather [hbm4b:s19+s30], $0x4000, $0x38;
	[tilespmem:$0x18100] =	vst v63  }
.LBB2_12:
0x1db: {  	p0 =	sne.s32 s31, $0x0  }
0x1dc: {  	s0 =	simm.s32 @!p0 $0x2  }
0x1dd: {  	_ =	swait.ge @!p0 [sflag:s0], $0x800  }
0x1de: {  	[sflag:s0] =	ssyncset.done @!p0 $0x0  }
0x1df: {  	[sflag:s0] =	ssyncadd.s32 @!p0 $0xFFFFF800;
	s0 =	simm.s32 @!p0 $0x1  }
0x1e0: {  	_ =	swait.ge @!p0 [sflag:s0], $0x4000  }
0x1e1: {  	s2 =	sshll.u32 s31, $0x1;
	[sflag:s0] =	ssyncset.done @!p0 $0x0  }
0x1e2: {  	[sflag:s0] =	ssyncadd.s32 @!p0 $0xFFFFC000;
	s0 =	sadd.s32 $0x2, s2;
	p0 =	seq.s32 s31, $0xF  }
0x1e3: {  	s5 =	sshll.u32 @!p0 s0, $0xE  }
0x1e4: {  	_ =	swait.ge [sflag:s22], $0x4000;
	s9 =	simm.s32 @!p0 $0x0;
	s7 =	sadd.s32 @!p0 s11, s5  }
0x1e5: {  	[sflag:s22] =	ssyncset.done $0x0;
	s5 =	sand.u32 @!p0 $0x8000, s5;
	s7 =	sshrl.u32 @!p0 s7, $0x3  }
0x1e6: {  	[sflag:s22] =	ssyncadd.s32 $0xFFFFC000;
	s5 =	sor.u32 @!p0 $0x100, s5;
	s7 =	sadd.s32 @!p0 s1, s7  }
0x1e7: {  	[tilespmem:s5], [sflag:$0x1] =	stream.linear.gather @!p0 [hbm4b:s7+s9], $0x4000, $0x38;
	[tilespmem:$0x18100] =	vst v63  }
0x1e8: {  	p0 =	sne.s32 s0, $0x20  }
0x1e9: {  	s0 =	simm.s32 @!p0 $0x0;
	s5 =	simm.s32 @!p0 $0x100  }
0x1ea: {  	[tilespmem:s5], [sflag:$0x1] =	stream.linear.gather @!p0 [hbm4b:s13+s0], $0x800, $0x38;
	[tilespmem:$0x18100] =	vst v63  }
0x1eb: {  	p0 =	seq.s32 s31, $0x0  }
0x1ec: {  	s0 =	simm.s32 @!p0 $0x3  }
0x1ed: {  	s16 =	simm.s32 $0x180;
	p1 =	por $0x0, $0x0;
	_ =	swait.ge @!p0 [sflag:s0], $0x4000  }
0x1ee: {  	s17 =	simm.s32 $0x0;
	s19 =	simm.s32 $0x0;
	[sflag:s0] =	ssyncset.done @!p0 $0x0  }
0x1ef: {  	s21 =	simm.s32 $0x0;
	[sflag:s0] =	ssyncadd.s32 @!p0 $0xFFFFC000;
	s0 =	simm.s32 $0xFFFFFFFC  }
.LBB2_13:
0x1f0: {  	s5 =	sadd.s32 s0, s30  }
0x1f1: {  	s7 =	sadd.s32 $0x4, s5  }
0x1f2: {  	v32 =	vadd.s32 s7, v16  }
0x1f3: {  	v44 =	vadd.s32 s7, v17;
	v35 =	vadd.s32 s7, v18;
	v36 =	vadd.s32 s7, v19  }
0x1f4: {  	v50 =	vadd.s32 s7, v20;
	v51 =	vadd.s32 s7, v21;
	v54 =	vadd.s32 s7, v22  }
0x1f5: {  	v57 =	vadd.s32 s7, v23;
	v41 =	vadd.s32 s7, v24;
	v42 =	vadd.s32 s7, v25  }
0x1f6: {  	v63 =	vadd.s32 s7, v26;
	v33 =	vshll.u32 v32, $0x8;
	v32 =	vshll.u32 v32, $0x7  }
0x1f7: {  	v45 =	vshll.u32 v44, $0x8;
	v46 =	vshll.u32 v35, $0x8;
	v35 =	vshll.u32 v35, $0x7  }
0x1f8: {  	v48 =	vshll.u32 v36, $0x8;
	v36 =	vshll.u32 v36, $0x7;
	v38 =	vshll.u32 v50, $0x8  }
0x1f9: {  	v52 =	vshll.u32 v51, $0x8;
	v53 =	vshll.u32 v51, $0x7;
	v40 =	vshll.u32 v54, $0x8  }
0x1fa: {  	v58 =	vshll.u32 v57, $0x8;
	v59 =	vshll.u32 v41, $0x8;
	v41 =	vshll.u32 v41, $0x7  }
0x1fb: {  	v61 =	vshll.u32 v42, $0x8;
	v42 =	vshll.u32 v42, $0x7;
	v51 =	vadd.s32 s7, v28  }
0x1fc: {  	v33 =	vand.u32 $0xF800, v33;
	v32 =	vand.u32 $0x380, v32;
	v35 =	vand.u32 $0x380, v35  }
0x1fd: {  	v49 =	vand.u32 $0xF800, v48;
	v36 =	vand.u32 $0x380, v36;
	v38 =	vand.u32 $0xF800, v38  }
0x1fe: {  	s9 =	sadd.s32 $0x5, s5;
	v55 =	vand.u32 $0xF800, v40;
	v41 =	vand.u32 $0x380, v41;
	v62 =	vand.u32 $0xF800, v61  }
0x1ff: {  	v42 =	vand.u32 $0x380, v42;
	v48 =	vadd.s32 s7, v27;
	v61 =	vadd.s32 s9, v17  }
0x200: {  	v32 =	vor.u32 v33, v32;
	v33 =	vshll.u32 v44, $0x7;
	v44 =	vshll.u32 v63, $0x8  }
0x201: {  	v34 =	vor.u32 v0, v32;
	v32 =	vand.u32 $0xF800, v45;
	v33 =	vand.u32 $0x380, v33  }
0x202: {  	v44 =	vand.u32 $0xF800, v44;
	v32 =	vor.u32 v32, v33;
	v33 =	vand.u32 $0xF800, v46  }
0x203: {  	v46 =	vshll.u32 v51, $0x8;
	v37 =	vor.u32 v1, v32;
	v47 =	vor.u32 v33, v35  }
0x204: {  	v33 =	vshll.u32 v50, $0x7;
	v32 =	vor.u32 v49, v36;
	v36 =	vshll.u32 v54, $0x7  }
0x205: {  	v49 =	vshll.u32 v48, $0x8;
	v50 =	vshll.u32 v48, $0x7;
	v54 =	vadd.s32 s7, v29  }
0x206: {  	v48 =	vadd.s32 s7, v31;
	v35 =	vor.u32 v2, v47;
	v33 =	vand.u32 $0x380, v33  }
0x207: {  	v36 =	vand.u32 $0x380, v36;
	v47 =	vadd.s32 s7, v30;
	v33 =	vor.u32 v38, v33  }
0x208: {  	v38 =	vor.u32 v3, v32;
	v32 =	vand.u32 $0xF800, v52;
	v56 =	vor.u32 v55, v36  }
0x209: {  	v52 =	vand.u32 $0xF800, v46;
	v55 =	vshll.u32 v54, $0x8;
	v39 =	vor.u32 v4, v33  }
0x20a: {  	v33 =	vand.u32 $0x380, v53;
	v36 =	vor.u32 v6, v56;
	v56 =	vshll.u32 v47, $0x8  }
0x20b: {  	v47 =	vshll.u32 v47, $0x7;
	v32 =	vor.u32 v32, v33;
	v33 =	vshll.u32 v57, $0x7  }
0x20c: {  	v47 =	vand.u32 $0x380, v47;
	v40 =	vor.u32 v5, v32;
	v32 =	vand.u32 $0xF800, v58  }
0x20d: {  	v33 =	vand.u32 $0x380, v33;
	v58 =	vshll.u32 v48, $0x8;
	v48 =	vshll.u32 v48, $0x7  }
0x20e: {  	v32 =	vor.u32 v32, v33;
	v33 =	vand.u32 $0xF800, v59;
	v59 =	vand.u32 $0xF800, v58  }
0x20f: {  	v48 =	vand.u32 $0x380, v48;
	v43 =	vor.u32 v7, v32;
	v60 =	vor.u32 v41, v33  }
0x210: {  	v33 =	vshll.u32 v63, $0x7;
	v32 =	vor.u32 v42, v62;
	v42 =	vshll.u32 v51, $0x7  }
0x211: {  	v62 =	vshll.u32 v61, $0x8;
	v51 =	vadd.s32 s9, v18;
	v41 =	vor.u32 v8, v60  }
0x212: {  	v33 =	vand.u32 $0x380, v33;
	v42 =	vand.u32 $0x380, v42;
	v60 =	vadd.s32 s9, v16  }
0x213: {  	v33 =	vor.u32 v33, v44;
	v44 =	vor.u32 v9, v32;
	v32 =	vand.u32 $0xF800, v49  }
0x214: {  	v53 =	vor.u32 v42, v52;
	v52 =	vshll.u32 v51, $0x8;
	v51 =	vshll.u32 v51, $0x7  }
0x215: {  	v45 =	vor.u32 v10, v33;
	v33 =	vand.u32 $0x380, v50;
	v42 =	vor.u32 v12, v53  }
0x216: {  	v50 =	vshll.u32 v60, $0x8;
	v63 =	vand.u32 $0xF800, v52;
	v51 =	vand.u32 $0x380, v51  }
0x217: {  	v32 =	vor.u32 v33, v32;
	v33 =	vshll.u32 v54, $0x7;
	v50 =	vand.u32 $0xF800, v50  }
0x218: {  	v46 =	vor.u32 v11, v32;
	v32 =	vand.u32 $0xF800, v55;
	v33 =	vand.u32 $0x380, v33  }
0x219: {  	v54 =	vadd.s32 s9, v21;
	v32 =	vor.u32 v33, v32;
	v33 =	vand.u32 $0xF800, v56  }
0x21a: {  	v56 =	vor.u32 v63, v51;
	v49 =	vor.u32 v13, v32;
	v57 =	vor.u32 v47, v33  }
0x21b: {  	v33 =	vshll.u32 v60, $0x7;
	v32 =	vor.u32 v48, v59;
	v48 =	vshll.u32 v61, $0x7  }
0x21c: {  	v52 =	vld.idx.msk [tilespmem:v34+s20+$0x0], $0xffff;
	v34 =	vor.u32 v2, v56;
	v60 =	vadd.s32 s9, v20;
	v47 =	vor.u32 v14, v57  }
0x21d: {  	v37 =	vld.idx.msk [tilespmem:v37+s20+$0x0], $0xffff;
	v33 =	vand.u32 $0x380, v33;
	v48 =	vand.u32 $0x380, v48;
	v57 =	vadd.s32 s9, v19  }
0x21e: {  	v38 =	vld.idx.msk [tilespmem:v38+s20+$0x0], $0xffff;
	v61 =	vshll.u32 v60, $0x8;
	v51 =	vshll.u32 v60, $0x7;
	v60 =	vadd.s32 s9, v22  }
0x21f: {  	v39 =	vld.idx.msk [tilespmem:v39+s20+$0x0], $0xffff;
	v33 =	vor.u32 v50, v33;
	v50 =	vor.u32 v15, v32;
	v58 =	vshll.u32 v57, $0x8  }
0x220: {  	v53 =	vld.idx.msk [tilespmem:v35+s20+$0x0], $0xffff;
	v51 =	vand.u32 $0x380, v51;
	v56 =	vshll.u32 v60, $0x8;
	v32 =	vor.u32 v0, v33  }
0x221: {  	v40 =	vld.idx.msk [tilespmem:v40+s20+$0x0], $0xffff;
	v33 =	vand.u32 $0xF800, v62;
	v59 =	vand.u32 $0xF800, v58;
	v62 =	vshll.u32 v54, $0x8  }
0x222: {  	v55 =	vld.idx.msk [tilespmem:v36+s20+$0x0], $0xffff;
	v54 =	vshll.u32 v54, $0x7;
	v56 =	vand.u32 $0xF800, v56;
	v33 =	vor.u32 v33, v48  }
0x223: {  	v43 =	vld.idx.msk [tilespmem:v43+s20+$0x0], $0xffff;
	v48 =	vshll.u32 v57, $0x7;
	v63 =	vand.u32 $0xF800, v62;
	v54 =	vand.u32 $0x380, v54  }
0x224: {  	v41 =	vld.idx.msk [tilespmem:v41+s20+$0x0], $0xffff;
	v57 =	vadd.s32 s9, v24;
	v33 =	vor.u32 v1, v33;
	v48 =	vand.u32 $0x380, v48  }
0x225: {  	v44 =	vld.idx.msk [tilespmem:v44+s20+$0x0], $0xffff;
	v58 =	vshll.u32 v57, $0x8;
	v57 =	vshll.u32 v57, $0x7;
	v35 =	vor.u32 v59, v48  }
0x226: {  	v45 =	vld.idx.msk [tilespmem:v45+s20+$0x0], $0xffff;
	v48 =	vand.u32 $0xF800, v61;
	v61 =	vadd.s32 s9, v23;
	v57 =	vand.u32 $0x380, v57  }
0x227: {  	v42 =	vld.idx.msk [tilespmem:v42+s20+$0x0], $0xffff;
	v35 =	vor.u32 v3, v35;
	v48 =	vor.u32 v48, v51;
	v51 =	vshll.u32 v60, $0x7  }
0x228: {  	s12 =	sand.u32 $0x3800, s19;
	s10 =	sadd.s32 $0xFFFFFE80, s16;
	v46 =	vld.idx.msk [tilespmem:v46+s20+$0x0], $0xffff;
	v62 =	vshll.u32 v61, $0x8;
	v60 =	vadd.s32 s9, v25;
	v36 =	vor.u32 v4, v48  }
0x229: {  	s10 =	sand.u32 $0x200, s10;
	s7 =	sor.u32 $0x10100, s12;
	v49 =	vld.idx.msk [tilespmem:v49+s20+$0x0], $0xffff;
	v51 =	vand.u32 $0x380, v51;
	v48 =	vor.u32 v63, v54;
	v54 =	vshll.u32 v61, $0x7  }
0x22a: {  	s10 =	sor.u32 s10, s7;
	v47 =	vld.idx.msk [tilespmem:v47+s20+$0x0], $0xffff;
	v63 =	vand.u32 $0xF800, v58;
	v61 =	vshll.u32 v60, $0x8;
	v51 =	vor.u32 v56, v51  }
0x22b: {  	v50 =	vld.idx.msk [tilespmem:v50+s20+$0x0], $0xffff;
	[tilespmem:s10+$0x0] =	vst v52;
	v48 =	vor.u32 v5, v48;
	v56 =	vand.u32 $0xF800, v62;
	v54 =	vand.u32 $0x380, v54  }
0x22c: {  	[tilespmem:s10+$0x10] =	vst v37;
	v62 =	vand.u32 $0xF800, v61;
	v51 =	vor.u32 v6, v51;
	v54 =	vor.u32 v56, v54  }
0x22d: {  	[tilespmem:s10+$0x20] =	vst v53;
	v56 =	vor.u32 v57, v63;
	v57 =	vshll.u32 v60, $0x7;
	v63 =	vadd.s32 s9, v26  }
0x22e: {  	s12 =	simm.s32 $0x1;
	[tilespmem:s10+$0x30] =	vst v38;
	v54 =	vor.u32 v7, v54;
	v56 =	vor.u32 v8, v56;
	v57 =	vand.u32 $0x380, v57  }
0x22f: {  	s12 =	simm.s32 @!p1 $0x0;
	[tilespmem:s10+$0x40] =	vst v39;
	v60 =	vshll.u32 v63, $0x8;
	v61 =	vshll.u32 v63, $0x7;
	v63 =	vadd.s32 s9, v27  }
0x230: {  	s12 =	sshll.u32 s12, $0x9;
	[tilespmem:s10+$0x50] =	vst v40;
	v37 =	vor.u32 v57, v62;
	v52 =	vand.u32 $0xF800, v60;
	v62 =	vand.u32 $0x380, v61  }
0x231: {  	s12 =	sadd.s32 s12, s19;
	[tilespmem:s10+$0x60] =	vst v55;
	v59 =	vshll.u32 v63, $0x8;
	v61 =	vadd.s32 s9, v28;
	v57 =	vadd.s32 s9, v30  }
0x232: {  	s14 =	sor.u32 $0x400, s12;
	[tilespmem:s10+$0x70] =	vst v43;
	v37 =	vor.u32 v9, v37;
	v58 =	vor.u32 v62, v52;
	v60 =	vand.u32 $0xF800, v59  }
0x233: {  	[tilespmem:s14+$0x10100] =	vst v41;
	s14 =	sor.u32 $0x410, s12;
	v62 =	vshll.u32 v63, $0x7;
	v63 =	vshll.u32 v61, $0x8;
	v52 =	vshll.u32 v61, $0x7  }
0x234: {  	[tilespmem:s14+$0x10100] =	vst v44;
	v44 =	vshll.u32 v57, $0x7;
	v61 =	vadd.s32 s9, v31;
	v38 =	vor.u32 v10, v58  }
0x235: {  	s14 =	sor.u32 $0x420, s12;
	v40 =	vand.u32 $0x380, v62;
	v53 =	vand.u32 $0xF800, v63;
	v52 =	vand.u32 $0x380, v52  }
0x236: {  	s10 =	sadd.s32 $0x6, s5;
	[tilespmem:s14+$0x10100] =	vst v45;
	s14 =	sor.u32 $0x430, s12;
	v58 =	vshll.u32 v57, $0x8;
	v44 =	vand.u32 $0x380, v44;
	v62 =	vshll.u32 v61, $0x8  }
0x237: {  	[tilespmem:s14+$0x10100] =	vst v46;
	s14 =	sor.u32 $0x440, s12;
	v63 =	vadd.s32 s10, v16;
	v57 =	vadd.s32 s10, v18;
	v39 =	vor.u32 v40, v60  }
0x238: {  	[tilespmem:s14+$0x10100] =	vst v42;
	s14 =	sor.u32 $0x450, s12;
	v52 =	vor.u32 v52, v53;
	v53 =	vadd.s32 s9, v29;
	v59 =	vand.u32 $0xF800, v58  }
0x239: {  	[tilespmem:s14+$0x10100] =	vst v49;
	s14 =	sor.u32 $0x460, s12;
	v49 =	vshll.u32 v63, $0x8;
	v45 =	vshll.u32 v63, $0x7;
	v58 =	vshll.u32 v57, $0x8  }
0x23a: {  	[tilespmem:s14+$0x10100] =	vst v47;
	v47 =	vshll.u32 v57, $0x7;
	v39 =	vor.u32 v11, v39;
	v40 =	vor.u32 v12, v52  }
0x23b: {  	s14 =	sor.u32 $0x470, s12;
	v55 =	vshll.u32 v53, $0x8;
	v43 =	vshll.u32 v53, $0x7;
	v60 =	vor.u32 v44, v59  }
0x23c: {  	[tilespmem:s14+$0x10100] =	vst v50;
	v44 =	vand.u32 $0xF800, v62;
	v50 =	vand.u32 $0xF800, v49;
	v52 =	vand.u32 $0x380, v45  }
0x23d: {  	v46 =	vld.idx.msk [tilespmem:v32+s20+$0x0], $0xffff;
	v53 =	vadd.s32 s10, v17;
	v49 =	vand.u32 $0xF800, v58;
	v47 =	vand.u32 $0x380, v47  }
0x23e: {  	v33 =	vld.idx.msk [tilespmem:v33+s20+$0x0], $0xffff;
	v62 =	vadd.s32 s10, v20;
	v58 =	vadd.s32 s10, v21;
	v41 =	vand.u32 $0xF800, v55  }
0x23f: {  	v34 =	vld.idx.msk [tilespmem:v34+s20+$0x0], $0xffff;
	v43 =	vand.u32 $0x380, v43;
	v42 =	vor.u32 v14, v60;
	v32 =	vor.u32 v50, v52  }
0x240: {  	v35 =	vld.idx.msk [tilespmem:v35+s20+$0x0], $0xffff;
	v55 =	vshll.u32 v53, $0x8;
	v45 =	vshll.u32 v53, $0x7;
	v59 =	vor.u32 v49, v47  }
0x241: {  	v36 =	vld.idx.msk [tilespmem:v36+s20+$0x0], $0xffff;
	v60 =	vadd.s32 s10, v19;
	v63 =	vshll.u32 v62, $0x8;
	v52 =	vshll.u32 v62, $0x7  }
0x242: {  	v48 =	vld.idx.msk [tilespmem:v48+s20+$0x0], $0xffff;
	v62 =	vadd.s32 s10, v23;
	v41 =	vor.u32 v43, v41;
	v43 =	vshll.u32 v61, $0x7  }
0x243: {  	v49 =	vld.idx.msk [tilespmem:v51+s20+$0x0], $0xffff;
	v32 =	vor.u32 v0, v32;
	v45 =	vand.u32 $0x380, v45;
	v61 =	vshll.u32 v60, $0x8  }
0x244: {  	v51 =	vld.idx.msk [tilespmem:v54+s20+$0x0], $0xffff;
	v47 =	vshll.u32 v60, $0x7;
	v57 =	vand.u32 $0xF800, v63;
	v52 =	vand.u32 $0x380, v52  }
0x245: {  	v53 =	vld.idx.msk [tilespmem:v56+s20+$0x0], $0xffff;
	v60 =	vadd.s32 s10, v22;
	v63 =	vshll.u32 v62, $0x8;
	v43 =	vand.u32 $0x380, v43  }
0x246: {  	v37 =	vld.idx.msk [tilespmem:v37+s20+$0x0], $0xffff;
	v56 =	vshll.u32 v62, $0x7;
	v41 =	vor.u32 v13, v41;
	v43 =	vor.u32 v43, v44  }
0x247: {  	v62 =	vadd.s32 s10, v24;
	v50 =	vand.u32 $0xF800, v61;
	v38 =	vld.idx.msk [tilespmem:v38+s20+$0x0], $0xffff;
	v43 =	vor.u32 v15, v43  }
0x248: {  	v47 =	vand.u32 $0x380, v47;
	v61 =	vshll.u32 v60, $0x8;
	v44 =	vand.u32 $0xF800, v55;
	v39 =	vld.idx.msk [tilespmem:v39+s20+$0x0], $0xffff  }
0x249: {  	s12 =	sadd.s32 $0xFFFFFF00, s16;
	v47 =	vor.u32 v50, v47;
	v50 =	vor.u32 v57, v52;
	v52 =	vshll.u32 v58, $0x7;
	v40 =	vld.idx.msk [tilespmem:v40+s20+$0x0], $0xffff  }
0x24a: {  	s9 =	sand.u32 $0x280, s12;
	v55 =	vshll.u32 v60, $0x7;
	v60 =	vand.u32 $0xF800, v63;
	v63 =	vshll.u32 v62, $0x8;
	v42 =	vld.idx.msk [tilespmem:v42+s20+$0x0], $0xffff  }
0x24b: {  	s12 =	sor.u32 s9, s7;
	v44 =	vor.u32 v44, v45;
	v45 =	vor.u32 v2, v59;
	v47 =	vor.u32 v3, v47;
	v41 =	vld.idx.msk [tilespmem:v41+s20+$0x0], $0xffff  }
0x24c: {  	v50 =	vor.u32 v4, v50;
	v59 =	vshll.u32 v58, $0x8;
	v52 =	vand.u32 $0x380, v52;
	v43 =	vld.idx.msk [tilespmem:v43+s20+$0x0], $0xffff;
	[tilespmem:s12+$0x0] =	vst v46  }
0x24d: {  	v55 =	vand.u32 $0x380, v55;
	v57 =	vand.u32 $0xF800, v63;
	v63 =	vadd.s32 s10, v26;
	[tilespmem:s12+$0x10] =	vst v33  }
0x24e: {  	v44 =	vor.u32 v1, v44;
	v54 =	vand.u32 $0xF800, v59;
	v59 =	vadd.s32 s10, v25;
	[tilespmem:s12+$0x20] =	vst v34  }
0x24f: {  	s14 =	sand.u32 $0x7, s21;
	v52 =	vor.u32 v54, v52;
	v54 =	vand.u32 $0xF800, v61;
	v61 =	vand.u32 $0x380, v56;
	[tilespmem:s12+$0x30] =	vst v35  }
0x250: {  	s9 =	sshll.u32 s14, $0x7;
	v56 =	vshll.u32 v63, $0x8;
	v54 =	vor.u32 v54, v55;
	v46 =	vor.u32 v5, v52;
	[tilespmem:s12+$0x40] =	vst v36  }
0x251: {  	s9 =	sadd.s32 s19, s9;
	v33 =	vor.u32 v6, v54;
	v52 =	vor.u32 v60, v61;
	v54 =	vshll.u32 v62, $0x7;
	[tilespmem:s12+$0x50] =	vst v48  }
0x252: {  	s14 =	sadd.s32 $0x80, s9;
	v60 =	vshll.u32 v59, $0x8;
	v61 =	vshll.u32 v59, $0x7;
	[tilespmem:s12+$0x60] =	vst v49;
	v48 =	vand.u32 $0xF800, v56  }
0x253: {  	[tilespmem:s12+$0x70] =	vst v51;
	s12 =	sor.u32 $0x400, s14;
	v34 =	vor.u32 v7, v52;
	v58 =	vand.u32 $0x380, v54;
	v36 =	vand.u32 $0xF800, v60  }
0x254: {  	v62 =	vand.u32 $0x380, v61;
	[tilespmem:s12+$0x10100] =	vst v53;
	v53 =	vadd.s32 s10, v29;
	v35 =	vor.u32 v58, v57  }
0x255: {  	v36 =	vor.u32 v62, v36;
	v57 =	vadd.s32 s10, v27;
	v58 =	vshll.u32 v63, $0x7  }
0x256: {  	v63 =	vadd.s32 s10, v28;
	v54 =	vshll.u32 v53, $0x8;
	v35 =	vor.u32 v8, v35  }
0x257: {  	s12 =	sor.u32 $0x410, s14;
	v36 =	vor.u32 v9, v36;
	v59 =	vshll.u32 v57, $0x8;
	v49 =	vshll.u32 v57, $0x7  }
0x258: {  	s5 =	sadd.s32 $0x7, s5;
	[tilespmem:s12+$0x10100] =	vst v37;
	s12 =	sor.u32 $0x420, s14;
	v60 =	vand.u32 $0x380, v58;
	v51 =	vshll.u32 v63, $0x8;
	v52 =	vshll.u32 v63, $0x7  }
0x259: {  	[tilespmem:s12+$0x10100] =	vst v38;
	s12 =	sor.u32 $0x430, s14;
	v55 =	vand.u32 $0xF800, v54;
	v57 =	vadd.s32 s10, v30;
	v63 =	vadd.s32 s5, v17  }
0x25a: {  	v61 =	vand.u32 $0xF800, v59;
	v49 =	vand.u32 $0x380, v49;
	v37 =	vor.u32 v60, v48;
	[tilespmem:s12+$0x10100] =	vst v39;
	s12 =	sor.u32 $0x440, s14  }
0x25b: {  	v39 =	vand.u32 $0xF800, v51;
	v48 =	vshll.u32 v53, $0x7;
	v58 =	vshll.u32 v57, $0x8;
	[tilespmem:s12+$0x10100] =	vst v40;
	s12 =	sor.u32 $0x450, s14  }
0x25c: {  	v59 =	vadd.s32 s10, v31;
	v54 =	vshll.u32 v63, $0x8;
	v62 =	vor.u32 v49, v61;
	[tilespmem:s12+$0x10100] =	vst v41;
	s12 =	sor.u32 $0x460, s14  }
0x25d: {  	v37 =	vor.u32 v10, v37;
	v40 =	vand.u32 $0x380, v52;
	v56 =	vand.u32 $0x380, v48;
	s14 =	sor.u32 $0x470, s14;
	[tilespmem:s12+$0x10100] =	vst v42  }
0x25e: {  	v60 =	vshll.u32 v59, $0x8;
	v61 =	vadd.s32 s5, v16;
	v51 =	vand.u32 $0xF800, v54;
	[tilespmem:s14+$0x10100] =	vst v43  }
0x25f: {  	v38 =	vor.u32 v11, v62;
	v39 =	vor.u32 v40, v39;
	v40 =	vor.u32 v56, v55;
	v32 =	vld.idx.msk [tilespmem:v32+s20+$0x0], $0xffff  }
0x260: {  	v41 =	vshll.u32 v57, $0x7;
	v62 =	vshll.u32 v61, $0x8;
	v48 =	vshll.u32 v61, $0x7;
	v43 =	vld.idx.msk [tilespmem:v44+s20+$0x0], $0xffff  }
0x261: {  	v56 =	vadd.s32 s5, v18;
	v61 =	vadd.s32 s5, v20;
	v39 =	vor.u32 v12, v39;
	v45 =	vld.idx.msk [tilespmem:v45+s20+$0x0], $0xffff  }
0x262: {  	v40 =	vor.u32 v13, v40;
	v42 =	vand.u32 $0xF800, v58;
	v41 =	vand.u32 $0x380, v41;
	v47 =	vld.idx.msk [tilespmem:v47+s20+$0x0], $0xffff  }
0x263: {  	v48 =	vand.u32 $0x380, v48;
	v57 =	vshll.u32 v56, $0x8;
	v58 =	vadd.s32 s5, v19;
	v49 =	vld.idx.msk [tilespmem:v50+s20+$0x0], $0xffff  }
0x264: {  	v41 =	vor.u32 v41, v42;
	v42 =	vand.u32 $0xF800, v60;
	v52 =	vshll.u32 v58, $0x7;
	v46 =	vld.idx.msk [tilespmem:v46+s20+$0x0], $0xffff  }
0x265: {  	v44 =	vshll.u32 v59, $0x7;
	v41 =	vor.u32 v14, v41;
	v33 =	vld.idx.msk [tilespmem:v33+s20+$0x0], $0xffff;
	v50 =	vshll.u32 v63, $0x7  }
0x266: {  	v34 =	vld.idx.msk [tilespmem:v34+s20+$0x0], $0xffff;
	v59 =	vshll.u32 v58, $0x8;
	v52 =	vand.u32 $0x380, v52;
	v63 =	vadd.s32 s5, v21  }
0x267: {  	v35 =	vld.idx.msk [tilespmem:v35+s20+$0x0], $0xffff;
	v44 =	vand.u32 $0x380, v44;
	v50 =	vand.u32 $0x380, v50;
	v60 =	vand.u32 $0xF800, v59  }
0x268: {  	v36 =	vld.idx.msk [tilespmem:v36+s20+$0x0], $0xffff;
	v58 =	vshll.u32 v63, $0x7;
	v42 =	vor.u32 v44, v42;
	v44 =	vand.u32 $0xF800, v62  }
0x269: {  	v37 =	vld.idx.msk [tilespmem:v37+s20+$0x0], $0xffff;
	v55 =	vor.u32 v51, v50;
	v51 =	vand.u32 $0xF800, v57;
	v42 =	vor.u32 v15, v42  }
0x26a: {  	v50 =	vshll.u32 v56, $0x7;
	v38 =	vld.idx.msk [tilespmem:v38+s20+$0x0], $0xffff;
	v62 =	vshll.u32 v61, $0x8;
	v57 =	vshll.u32 v63, $0x8  }
0x26b: {  	s12 =	sadd.s32 $0xFFFFFF80, s16;
	v44 =	vor.u32 v44, v48;
	v48 =	vor.u32 v1, v55;
	v50 =	vand.u32 $0x380, v50;
	v39 =	vld.idx.msk [tilespmem:v39+s20+$0x0], $0xffff  }
0x26c: {  	s10 =	sand.u32 $0x300, s12;
	v40 =	vld.idx.msk [tilespmem:v40+s20+$0x0], $0xffff;
	v53 =	vand.u32 $0xF800, v62;
	v59 =	vand.u32 $0xF800, v57;
	v57 =	vadd.s32 s5, v24  }
0x26d: {  	s10 =	sadd.s32 s10, s7;
	v44 =	vor.u32 v0, v44;
	v50 =	vor.u32 v51, v50;
	v51 =	vor.u32 v60, v52;
	v41 =	vld.idx.msk [tilespmem:v41+s20+$0x0], $0xffff  }
0x26e: {  	v52 =	vshll.u32 v61, $0x7;
	v60 =	vand.u32 $0x380, v58;
	v61 =	vadd.s32 s5, v22;
	v42 =	vld.idx.msk [tilespmem:v42+s20+$0x0], $0xffff;
	[tilespmem:s10+$0x0] =	vst v32  }
0x26f: {  	v58 =	vshll.u32 v57, $0x8;
	v50 =	vor.u32 v2, v50;
	v51 =	vor.u32 v3, v51;
	[tilespmem:s10+$0x10] =	vst v43  }
0x270: {  	v52 =	vand.u32 $0x380, v52;
	v62 =	vshll.u32 v61, $0x8;
	v63 =	vshll.u32 v61, $0x7;
	[tilespmem:s10+$0x20] =	vst v45  }
0x271: {  	s14 =	sand.u32 $0x3, s17;
	v61 =	vadd.s32 s5, v25;
	v56 =	vor.u32 v53, v52;
	v53 =	vadd.s32 s5, v23;
	[tilespmem:s10+$0x30] =	vst v47  }
0x272: {  	s12 =	sshll.u32 s14, $0x8;
	v52 =	vand.u32 $0x380, v63;
	v63 =	vadd.s32 s5, v26;
	v54 =	vshll.u32 v53, $0x8;
	[tilespmem:s10+$0x40] =	vst v49  }
0x273: {  	s12 =	sadd.s32 s19, s12;
	v43 =	vor.u32 v59, v60;
	v32 =	vor.u32 v4, v56;
	v45 =	vand.u32 $0xF800, v62;
	[tilespmem:s10+$0x50] =	vst v46  }
0x274: {  	s12 =	sadd.s32 $0x100, s12;
	v47 =	vshll.u32 v53, $0x7;
	[tilespmem:s10+$0x60] =	vst v33;
	v55 =	vand.u32 $0xF800, v54;
	v59 =	vshll.u32 v57, $0x7  }
0x275: {  	s14 =	sor.u32 $0x400, s12;
	[tilespmem:s10+$0x70] =	vst v34;
	v34 =	vand.u32 $0xF800, v58;
	v62 =	vshll.u32 v61, $0x8;
	v46 =	vshll.u32 v61, $0x7  }
0x276: {  	v49 =	vadd.s32 s5, v27;
	v53 =	vadd.s32 s5, v28;
	v57 =	vadd.s32 s5, v29;
	[tilespmem:s14+$0x10100] =	vst v35;
	s14 =	sor.u32 $0x410, s12  }
0x277: {  	v43 =	vor.u32 v5, v43;
	v45 =	vor.u32 v45, v52;
	v56 =	vand.u32 $0x380, v47;
	[tilespmem:s14+$0x10100] =	vst v36;
	s14 =	sor.u32 $0x420, s12  }
0x278: {  	v60 =	vand.u32 $0x380, v59;
	v35 =	vand.u32 $0xF800, v62;
	v47 =	vshll.u32 v63, $0x8;
	[tilespmem:s14+$0x10100] =	vst v37;
	s14 =	sor.u32 $0x430, s12  }
0x279: {  	v52 =	vshll.u32 v49, $0x8;
	v54 =	vshll.u32 v53, $0x8;
	v59 =	vshll.u32 v57, $0x8;
	[tilespmem:s14+$0x10100] =	vst v38;
	s14 =	sor.u32 $0x440, s12  }
0x27a: {  	v62 =	vadd.s32 s5, v31;
	v45 =	vor.u32 v6, v45;
	v33 =	vor.u32 v55, v56;
	[tilespmem:s14+$0x10100] =	vst v39;
	s14 =	sor.u32 $0x450, s12  }
0x27b: {  	v34 =	vor.u32 v60, v34;
	v36 =	vshll.u32 v63, $0x7;
	v55 =	vand.u32 $0xF800, v54;
	[tilespmem:s14+$0x10100] =	vst v40;
	s14 =	sor.u32 $0x460, s12  }
0x27c: {  	v60 =	vadd.s32 s5, v30;
	v63 =	vshll.u32 v62, $0x8;
	v33 =	vor.u32 v7, v33;
	s12 =	sor.u32 $0x470, s12;
	[tilespmem:s14+$0x10100] =	vst v41  }
0x27d: {  	v34 =	vor.u32 v8, v34;
	v37 =	vand.u32 $0x380, v46;
	v36 =	vand.u32 $0x380, v36;
	[tilespmem:s12+$0x10100] =	vst v42  }
0x27e: {  	v46 =	vand.u32 $0xF800, v59;
	v61 =	vshll.u32 v60, $0x8;
	v38 =	vand.u32 $0xF800, v47;
	v40 =	vld.idx.msk [tilespmem:v44+s20+$0x0], $0xffff  }
0x27f: {  	v35 =	vor.u32 v37, v35;
	v37 =	vshll.u32 v49, $0x7;
	v47 =	vshll.u32 v60, $0x7;
	v42 =	vld.idx.msk [tilespmem:v48+s20+$0x0], $0xffff  }
0x280: {  	v36 =	vor.u32 v36, v38;
	v35 =	vor.u32 v9, v35;
	v39 =	vshll.u32 v53, $0x7;
	v56 =	vld.idx.msk [tilespmem:v50+s20+$0x0], $0xffff  }
0x281: {  	v38 =	vand.u32 $0xF800, v52;
	v37 =	vand.u32 $0x380, v37;
	v39 =	vand.u32 $0x380, v39;
	v58 =	vld.idx.msk [tilespmem:v51+s20+$0x0], $0xffff  }
0x282: {  	v37 =	vor.u32 v37, v38;
	v38 =	vor.u32 v39, v55;
	v39 =	vshll.u32 v57, $0x7;
	v32 =	vld.idx.msk [tilespmem:v32+s20+$0x0], $0xffff  }
0x283: {  	v47 =	vand.u32 $0x380, v47;
	v36 =	vor.u32 v10, v36;
	v39 =	vand.u32 $0x380, v39;
	v43 =	vld.idx.msk [tilespmem:v43+s20+$0x0], $0xffff  }
0x284: {  	v37 =	vor.u32 v11, v37;
	v39 =	vor.u32 v39, v46;
	v45 =	vld.idx.msk [tilespmem:v45+s20+$0x0], $0xffff;
	v46 =	vand.u32 $0xF800, v61  }
0x285: {  	v38 =	vor.u32 v12, v38;
	v33 =	vld.idx.msk [tilespmem:v33+s20+$0x0], $0xffff;
	v48 =	vshll.u32 v62, $0x7;
	v46 =	vor.u32 v47, v46  }
0x286: {  	v34 =	vld.idx.msk [tilespmem:v34+s20+$0x0], $0xffff;
	v39 =	vor.u32 v13, v39;
	v47 =	vand.u32 $0xF800, v63;
	v48 =	vand.u32 $0x380, v48  }
0x287: {  	v35 =	vld.idx.msk [tilespmem:v35+s20+$0x0], $0xffff;
	v46 =	vor.u32 v14, v46;
	v47 =	vor.u32 v48, v47  }
0x288: {  	v36 =	vld.idx.msk [tilespmem:v36+s20+$0x0], $0xffff;
	v47 =	vor.u32 v15, v47  }
0x289: {  	v37 =	vld.idx.msk [tilespmem:v37+s20+$0x0], $0xffff  }
0x28a: {  	v38 =	vld.idx.msk [tilespmem:v38+s20+$0x0], $0xffff  }
0x28b: {  	s14 =	sand.u32 $0x380, s16;
	v39 =	vld.idx.msk [tilespmem:v39+s20+$0x0], $0xffff  }
0x28c: {  	s5 =	sadd.s32 s14, s7;
	v46 =	vld.idx.msk [tilespmem:v46+s20+$0x0], $0xffff  }
0x28d: {  	v47 =	vld.idx.msk [tilespmem:v47+s20+$0x0], $0xffff;
	[tilespmem:s5+$0x0] =	vst v40  }
0x28e: {  	[tilespmem:s5+$0x10] =	vst v42  }
0x28f: {  	[tilespmem:s5+$0x20] =	vst v56  }
0x290: {  	[tilespmem:s5+$0x30] =	vst v58  }
0x291: {  	[tilespmem:s5+$0x40] =	vst v32  }
0x292: {  	[tilespmem:s5+$0x50] =	vst v43  }
0x293: {  	s7 =	sadd.s32 $0x180, s9;
	[tilespmem:s5+$0x60] =	vst v45  }
0x294: {  	s10 =	sor.u32 $0x400, s7;
	[tilespmem:s5+$0x70] =	vst v33  }
0x295: {  	s12 =	sor.u32 $0x410, s7;
	[tilespmem:s10+$0x10100] =	vst v34  }
0x296: {  	s0 =	sadd.s32 $0x4, s0;
	s14 =	sor.u32 $0x420, s7;
	[tilespmem:s12+$0x10100] =	vst v35  }
0x297: {  	p2 =	slt.u32 s0, $0x3C;
	s9 =	sor.u32 $0x430, s7;
	[tilespmem:s14+$0x10100] =	vst v36  }
.Ltmp6:
0x298: {  	s10 =	sor.u32 $0x440, s7;
	[tilespmem:s9+$0x10100] =	vst v37;
	(pc) =	sbr.rel @p2 .LBB2_13-.Ltmp6, $4  }
0x299: {  	s12 =	sor.u32 $0x450, s7;
	[tilespmem:s10+$0x10100] =	vst v38  }
0x29a: {  	s14 =	sor.u32 $0x460, s7;
	[tilespmem:s12+$0x10100] =	vst v39  }
0x29b: {  	p1 =	por !p1, !p1;
	s21 =	sadd.s32 $0x4, s21;
	s7 =	sor.u32 $0x470, s7;
	[tilespmem:s14+$0x10100] =	vst v46  }
0x29c: {  	s17 =	sadd.s32 $0x2, s17;
	s19 =	sadd.s32 $0x400, s19;
	s16 =	sadd.s32 $0x200, s16;
	[tilespmem:s7+$0x10100] =	vst v47  }
0x29d: {  	s0 =	sshll.u32 s31, $0xF  }
0x29e: {  	s5 =	sadd.s32 s11, s0  }
0x29f: {  	s5 =	sshrl.u32 s5, $0x3  }
0x2a0: {  	s2 =	sor.u32 $0x1, s2;
	p2 =	sne.s32 s31, $0xF;
	s5 =	sadd.s32 s3, s5  }
0x2a1: {  	[hbm4b:s5+s4] =	stream.linear.scatter [tilespmem:s24], [sflag:$0x3], $0x4000, $0x38;
	[tilespmem:$0x18100] =	vst v63  }
.Ltmp7:
0x2a2: {  	p1 =	sgt.u32 s2, $0x1E;
	(pc) =	sbr.rel @p2 .LBB2_16-.Ltmp7, $4  }
0x2a3: {  	s5 =	simm.s32 @!p1 $0x1  }
0x2a4: {  	_ =	swait.ge @!p1 [sflag:s5], $0x4000  }
0x2a5: {  	[sflag:s5] =	ssyncset.done @!p1 $0x0  }
0x2a6: {  	[sflag:s5] =	ssyncadd.s32 @!p1 $0xFFFFC000  }
.Ltmp8:
0x2a7: {  	(pc) =	sbr.rel .LBB2_17-.Ltmp8, $4  }
0x2a8: {  	_ = 	snop  }
0x2a9: {  	_ =	swait.ge [sflag:s23], $0x800  }
0x2aa: {  	[sflag:s23] =	ssyncset.done $0x0  }
0x2ab: {  	[sflag:s23] =	ssyncadd.s32 $0xFFFFF800  }
.LBB2_16:
.Ltmp9:
0x2ac: {  	s0 =	sadd.s32 $0xC000, s0;
	(pc) =	sbr.rel @p0 .LBB2_18-.Ltmp9, $4  }
0x2ad: {  	s5 =	sadd.s32 s11, s0  }
0x2ae: {  	s0 =	sand.u32 $0xC000, s0;
	s5 =	sshrl.u32 s5, $0x3  }
0x2af: {  	s0 =	sor.u32 $0x100, s0;
	s5 =	sadd.s32 s1, s5  }
0x2b0: {  	[tilespmem:s0], [sflag:$0x2] =	stream.linear.gather [hbm4b:s5+s4], $0x4000, $0x38;
	[tilespmem:$0x18100] =	vst v63  }
.LBB2_17:
0x2b1: {  	_ =	swait.ge [sflag:s25], $0x4000  }
0x2b2: {  	[sflag:s25] =	ssyncset.done $0x0  }
0x2b3: {  	[sflag:s25] =	ssyncadd.s32 $0xFFFFC000  }
.LBB2_18:
0x2b4: {  	s0 =	simm.s32 $0xFFFFFFFC;
	s16 =	simm.s32 $0x180;
	s17 =	simm.s32 $0x0  }
0x2b5: {  	p0 =	por $0x0, $0x0;
	s19 =	simm.s32 $0x0;
	s21 =	simm.s32 $0x0  }
.LBB2_19:
0x2b6: {  	s5 =	sadd.s32 s0, s30  }
0x2b7: {  	s7 =	sadd.s32 $0x44, s5  }
0x2b8: {  	v32 =	vadd.s32 s7, v16  }
0x2b9: {  	v44 =	vadd.s32 s7, v17;
	v35 =	vadd.s32 s7, v18;
	v36 =	vadd.s32 s7, v19  }
0x2ba: {  	v50 =	vadd.s32 s7, v20;
	v51 =	vadd.s32 s7, v21;
	v54 =	vadd.s32 s7, v22  }
0x2bb: {  	v57 =	vadd.s32 s7, v23;
	v41 =	vadd.s32 s7, v24;
	v42 =	vadd.s32 s7, v25  }
0x2bc: {  	v63 =	vadd.s32 s7, v26;
	v33 =	vshll.u32 v32, $0x8;
	v32 =	vshll.u32 v32, $0x7  }
0x2bd: {  	v45 =	vshll.u32 v44, $0x8;
	v46 =	vshll.u32 v35, $0x8;
	v35 =	vshll.u32 v35, $0x7  }
0x2be: {  	v48 =	vshll.u32 v36, $0x8;
	v36 =	vshll.u32 v36, $0x7;
	v38 =	vshll.u32 v50, $0x8  }
0x2bf: {  	v52 =	vshll.u32 v51, $0x8;
	v53 =	vshll.u32 v51, $0x7;
	v40 =	vshll.u32 v54, $0x8  }
0x2c0: {  	v58 =	vshll.u32 v57, $0x8;
	v59 =	vshll.u32 v41, $0x8;
	v41 =	vshll.u32 v41, $0x7  }
0x2c1: {  	v61 =	vshll.u32 v42, $0x8;
	v42 =	vshll.u32 v42, $0x7;
	v51 =	vadd.s32 s7, v28  }
0x2c2: {  	v33 =	vand.u32 $0xF800, v33;
	v32 =	vand.u32 $0x380, v32;
	v35 =	vand.u32 $0x380, v35  }
0x2c3: {  	v49 =	vand.u32 $0xF800, v48;
	v36 =	vand.u32 $0x380, v36;
	v38 =	vand.u32 $0xF800, v38  }
0x2c4: {  	s9 =	sadd.s32 $0x45, s5;
	v55 =	vand.u32 $0xF800, v40;
	v41 =	vand.u32 $0x380, v41;
	v62 =	vand.u32 $0xF800, v61  }
0x2c5: {  	v42 =	vand.u32 $0x380, v42;
	v48 =	vadd.s32 s7, v27;
	v61 =	vadd.s32 s9, v17  }
0x2c6: {  	v32 =	vor.u32 v33, v32;
	v33 =	vshll.u32 v44, $0x7;
	v44 =	vshll.u32 v63, $0x8  }
0x2c7: {  	v34 =	vor.u32 v0, v32;
	v32 =	vand.u32 $0xF800, v45;
	v33 =	vand.u32 $0x380, v33  }
0x2c8: {  	v44 =	vand.u32 $0xF800, v44;
	v32 =	vor.u32 v32, v33;
	v33 =	vand.u32 $0xF800, v46  }
0x2c9: {  	v46 =	vshll.u32 v51, $0x8;
	v37 =	vor.u32 v1, v32;
	v47 =	vor.u32 v33, v35  }
0x2ca: {  	v33 =	vshll.u32 v50, $0x7;
	v32 =	vor.u32 v49, v36;
	v36 =	vshll.u32 v54, $0x7  }
0x2cb: {  	v49 =	vshll.u32 v48, $0x8;
	v50 =	vshll.u32 v48, $0x7;
	v54 =	vadd.s32 s7, v29  }
0x2cc: {  	v48 =	vadd.s32 s7, v31;
	v35 =	vor.u32 v2, v47;
	v33 =	vand.u32 $0x380, v33  }
0x2cd: {  	v36 =	vand.u32 $0x380, v36;
	v47 =	vadd.s32 s7, v30;
	v33 =	vor.u32 v38, v33  }
0x2ce: {  	v38 =	vor.u32 v3, v32;
	v32 =	vand.u32 $0xF800, v52;
	v56 =	vor.u32 v55, v36  }
0x2cf: {  	v52 =	vand.u32 $0xF800, v46;
	v55 =	vshll.u32 v54, $0x8;
	v39 =	vor.u32 v4, v33  }
0x2d0: {  	v33 =	vand.u32 $0x380, v53;
	v36 =	vor.u32 v6, v56;
	v56 =	vshll.u32 v47, $0x8  }
0x2d1: {  	v47 =	vshll.u32 v47, $0x7;
	v32 =	vor.u32 v32, v33;
	v33 =	vshll.u32 v57, $0x7  }
0x2d2: {  	v47 =	vand.u32 $0x380, v47;
	v40 =	vor.u32 v5, v32;
	v32 =	vand.u32 $0xF800, v58  }
0x2d3: {  	v33 =	vand.u32 $0x380, v33;
	v58 =	vshll.u32 v48, $0x8;
	v48 =	vshll.u32 v48, $0x7  }
0x2d4: {  	v32 =	vor.u32 v32, v33;
	v33 =	vand.u32 $0xF800, v59;
	v59 =	vand.u32 $0xF800, v58  }
0x2d5: {  	v48 =	vand.u32 $0x380, v48;
	v43 =	vor.u32 v7, v32;
	v60 =	vor.u32 v41, v33  }
0x2d6: {  	v33 =	vshll.u32 v63, $0x7;
	v32 =	vor.u32 v42, v62;
	v42 =	vshll.u32 v51, $0x7  }
0x2d7: {  	v62 =	vshll.u32 v61, $0x8;
	v51 =	vadd.s32 s9, v18;
	v41 =	vor.u32 v8, v60  }
0x2d8: {  	v33 =	vand.u32 $0x380, v33;
	v42 =	vand.u32 $0x380, v42;
	v60 =	vadd.s32 s9, v16  }
0x2d9: {  	v33 =	vor.u32 v33, v44;
	v44 =	vor.u32 v9, v32;
	v32 =	vand.u32 $0xF800, v49  }
0x2da: {  	v53 =	vor.u32 v42, v52;
	v52 =	vshll.u32 v51, $0x8;
	v51 =	vshll.u32 v51, $0x7  }
0x2db: {  	v45 =	vor.u32 v10, v33;
	v33 =	vand.u32 $0x380, v50;
	v42 =	vor.u32 v12, v53  }
0x2dc: {  	v50 =	vshll.u32 v60, $0x8;
	v63 =	vand.u32 $0xF800, v52;
	v51 =	vand.u32 $0x380, v51  }
0x2dd: {  	v32 =	vor.u32 v33, v32;
	v33 =	vshll.u32 v54, $0x7;
	v50 =	vand.u32 $0xF800, v50  }
0x2de: {  	v46 =	vor.u32 v11, v32;
	v32 =	vand.u32 $0xF800, v55;
	v33 =	vand.u32 $0x380, v33  }
0x2df: {  	v54 =	vadd.s32 s9, v21;
	v32 =	vor.u32 v33, v32;
	v33 =	vand.u32 $0xF800, v56  }
0x2e0: {  	v56 =	vor.u32 v63, v51;
	v49 =	vor.u32 v13, v32;
	v57 =	vor.u32 v47, v33  }
0x2e1: {  	v33 =	vshll.u32 v60, $0x7;
	v32 =	vor.u32 v48, v59;
	v48 =	vshll.u32 v61, $0x7  }
0x2e2: {  	v52 =	vld.idx.msk [tilespmem:v34+s20+$0x0], $0xffff;
	v34 =	vor.u32 v2, v56;
	v60 =	vadd.s32 s9, v20;
	v47 =	vor.u32 v14, v57  }
0x2e3: {  	v37 =	vld.idx.msk [tilespmem:v37+s20+$0x0], $0xffff;
	v33 =	vand.u32 $0x380, v33;
	v48 =	vand.u32 $0x380, v48;
	v57 =	vadd.s32 s9, v19  }
0x2e4: {  	v38 =	vld.idx.msk [tilespmem:v38+s20+$0x0], $0xffff;
	v61 =	vshll.u32 v60, $0x8;
	v51 =	vshll.u32 v60, $0x7;
	v60 =	vadd.s32 s9, v22  }
0x2e5: {  	v39 =	vld.idx.msk [tilespmem:v39+s20+$0x0], $0xffff;
	v33 =	vor.u32 v50, v33;
	v50 =	vor.u32 v15, v32;
	v58 =	vshll.u32 v57, $0x8  }
0x2e6: {  	v53 =	vld.idx.msk [tilespmem:v35+s20+$0x0], $0xffff;
	v51 =	vand.u32 $0x380, v51;
	v56 =	vshll.u32 v60, $0x8;
	v32 =	vor.u32 v0, v33  }
0x2e7: {  	v40 =	vld.idx.msk [tilespmem:v40+s20+$0x0], $0xffff;
	v33 =	vand.u32 $0xF800, v62;
	v59 =	vand.u32 $0xF800, v58;
	v62 =	vshll.u32 v54, $0x8  }
0x2e8: {  	v55 =	vld.idx.msk [tilespmem:v36+s20+$0x0], $0xffff;
	v54 =	vshll.u32 v54, $0x7;
	v56 =	vand.u32 $0xF800, v56;
	v33 =	vor.u32 v33, v48  }
0x2e9: {  	v43 =	vld.idx.msk [tilespmem:v43+s20+$0x0], $0xffff;
	v48 =	vshll.u32 v57, $0x7;
	v63 =	vand.u32 $0xF800, v62;
	v54 =	vand.u32 $0x380, v54  }
0x2ea: {  	v41 =	vld.idx.msk [tilespmem:v41+s20+$0x0], $0xffff;
	v57 =	vadd.s32 s9, v24;
	v33 =	vor.u32 v1, v33;
	v48 =	vand.u32 $0x380, v48  }
0x2eb: {  	v44 =	vld.idx.msk [tilespmem:v44+s20+$0x0], $0xffff;
	v58 =	vshll.u32 v57, $0x8;
	v57 =	vshll.u32 v57, $0x7;
	v35 =	vor.u32 v59, v48  }
0x2ec: {  	v45 =	vld.idx.msk [tilespmem:v45+s20+$0x0], $0xffff;
	v48 =	vand.u32 $0xF800, v61;
	v61 =	vadd.s32 s9, v23;
	v57 =	vand.u32 $0x380, v57  }
0x2ed: {  	v42 =	vld.idx.msk [tilespmem:v42+s20+$0x0], $0xffff;
	v35 =	vor.u32 v3, v35;
	v48 =	vor.u32 v48, v51;
	v51 =	vshll.u32 v60, $0x7  }
0x2ee: {  	s12 =	sand.u32 $0x3800, s19;
	s10 =	sadd.s32 $0xFFFFFE80, s16;
	v46 =	vld.idx.msk [tilespmem:v46+s20+$0x0], $0xffff;
	v62 =	vshll.u32 v61, $0x8;
	v60 =	vadd.s32 s9, v25;
	v36 =	vor.u32 v4, v48  }
0x2ef: {  	s10 =	sand.u32 $0x200, s10;
	s7 =	sor.u32 $0x14100, s12;
	v49 =	vld.idx.msk [tilespmem:v49+s20+$0x0], $0xffff;
	v51 =	vand.u32 $0x380, v51;
	v48 =	vor.u32 v63, v54;
	v54 =	vshll.u32 v61, $0x7  }
0x2f0: {  	s10 =	sor.u32 s10, s7;
	v47 =	vld.idx.msk [tilespmem:v47+s20+$0x0], $0xffff;
	v63 =	vand.u32 $0xF800, v58;
	v61 =	vshll.u32 v60, $0x8;
	v51 =	vor.u32 v56, v51  }
0x2f1: {  	v50 =	vld.idx.msk [tilespmem:v50+s20+$0x0], $0xffff;
	[tilespmem:s10+$0x0] =	vst v52;
	v48 =	vor.u32 v5, v48;
	v56 =	vand.u32 $0xF800, v62;
	v54 =	vand.u32 $0x380, v54  }
0x2f2: {  	[tilespmem:s10+$0x10] =	vst v37;
	v62 =	vand.u32 $0xF800, v61;
	v51 =	vor.u32 v6, v51;
	v54 =	vor.u32 v56, v54  }
0x2f3: {  	[tilespmem:s10+$0x20] =	vst v53;
	v56 =	vor.u32 v57, v63;
	v57 =	vshll.u32 v60, $0x7;
	v63 =	vadd.s32 s9, v26  }
0x2f4: {  	s12 =	simm.s32 $0x1;
	[tilespmem:s10+$0x30] =	vst v38;
	v54 =	vor.u32 v7, v54;
	v56 =	vor.u32 v8, v56;
	v57 =	vand.u32 $0x380, v57  }
0x2f5: {  	s12 =	simm.s32 @!p0 $0x0;
	[tilespmem:s10+$0x40] =	vst v39;
	v60 =	vshll.u32 v63, $0x8;
	v61 =	vshll.u32 v63, $0x7;
	v63 =	vadd.s32 s9, v27  }
0x2f6: {  	s12 =	sshll.u32 s12, $0x9;
	[tilespmem:s10+$0x50] =	vst v40;
	v37 =	vor.u32 v57, v62;
	v52 =	vand.u32 $0xF800, v60;
	v62 =	vand.u32 $0x380, v61  }
0x2f7: {  	s12 =	sadd.s32 s12, s19;
	[tilespmem:s10+$0x60] =	vst v55;
	v59 =	vshll.u32 v63, $0x8;
	v61 =	vadd.s32 s9, v28;
	v57 =	vadd.s32 s9, v30  }
0x2f8: {  	s14 =	sor.u32 $0x400, s12;
	[tilespmem:s10+$0x70] =	vst v43;
	v37 =	vor.u32 v9, v37;
	v58 =	vor.u32 v62, v52;
	v60 =	vand.u32 $0xF800, v59  }
0x2f9: {  	[tilespmem:s14+$0x14100] =	vst v41;
	s14 =	sor.u32 $0x410, s12;
	v62 =	vshll.u32 v63, $0x7;
	v63 =	vshll.u32 v61, $0x8;
	v52 =	vshll.u32 v61, $0x7  }
0x2fa: {  	[tilespmem:s14+$0x14100] =	vst v44;
	v44 =	vshll.u32 v57, $0x7;
	v61 =	vadd.s32 s9, v31;
	v38 =	vor.u32 v10, v58  }
0x2fb: {  	s14 =	sor.u32 $0x420, s12;
	v40 =	vand.u32 $0x380, v62;
	v53 =	vand.u32 $0xF800, v63;
	v52 =	vand.u32 $0x380, v52  }
0x2fc: {  	s10 =	sadd.s32 $0x46, s5;
	[tilespmem:s14+$0x14100] =	vst v45;
	s14 =	sor.u32 $0x430, s12;
	v58 =	vshll.u32 v57, $0x8;
	v44 =	vand.u32 $0x380, v44;
	v62 =	vshll.u32 v61, $0x8  }
0x2fd: {  	[tilespmem:s14+$0x14100] =	vst v46;
	s14 =	sor.u32 $0x440, s12;
	v63 =	vadd.s32 s10, v16;
	v57 =	vadd.s32 s10, v18;
	v39 =	vor.u32 v40, v60  }
0x2fe: {  	[tilespmem:s14+$0x14100] =	vst v42;
	s14 =	sor.u32 $0x450, s12;
	v52 =	vor.u32 v52, v53;
	v53 =	vadd.s32 s9, v29;
	v59 =	vand.u32 $0xF800, v58  }
0x2ff: {  	[tilespmem:s14+$0x14100] =	vst v49;
	s14 =	sor.u32 $0x460, s12;
	v49 =	vshll.u32 v63, $0x8;
	v45 =	vshll.u32 v63, $0x7;
	v58 =	vshll.u32 v57, $0x8  }
0x300: {  	[tilespmem:s14+$0x14100] =	vst v47;
	v47 =	vshll.u32 v57, $0x7;
	v39 =	vor.u32 v11, v39;
	v40 =	vor.u32 v12, v52  }
0x301: {  	s14 =	sor.u32 $0x470, s12;
	v55 =	vshll.u32 v53, $0x8;
	v43 =	vshll.u32 v53, $0x7;
	v60 =	vor.u32 v44, v59  }
0x302: {  	[tilespmem:s14+$0x14100] =	vst v50;
	v44 =	vand.u32 $0xF800, v62;
	v50 =	vand.u32 $0xF800, v49;
	v52 =	vand.u32 $0x380, v45  }
0x303: {  	v46 =	vld.idx.msk [tilespmem:v32+s20+$0x0], $0xffff;
	v53 =	vadd.s32 s10, v17;
	v49 =	vand.u32 $0xF800, v58;
	v47 =	vand.u32 $0x380, v47  }
0x304: {  	v33 =	vld.idx.msk [tilespmem:v33+s20+$0x0], $0xffff;
	v62 =	vadd.s32 s10, v20;
	v58 =	vadd.s32 s10, v21;
	v41 =	vand.u32 $0xF800, v55  }
0x305: {  	v34 =	vld.idx.msk [tilespmem:v34+s20+$0x0], $0xffff;
	v43 =	vand.u32 $0x380, v43;
	v42 =	vor.u32 v14, v60;
	v32 =	vor.u32 v50, v52  }
0x306: {  	v35 =	vld.idx.msk [tilespmem:v35+s20+$0x0], $0xffff;
	v55 =	vshll.u32 v53, $0x8;
	v45 =	vshll.u32 v53, $0x7;
	v59 =	vor.u32 v49, v47  }
0x307: {  	v36 =	vld.idx.msk [tilespmem:v36+s20+$0x0], $0xffff;
	v60 =	vadd.s32 s10, v19;
	v63 =	vshll.u32 v62, $0x8;
	v52 =	vshll.u32 v62, $0x7  }
0x308: {  	v48 =	vld.idx.msk [tilespmem:v48+s20+$0x0], $0xffff;
	v62 =	vadd.s32 s10, v23;
	v41 =	vor.u32 v43, v41;
	v43 =	vshll.u32 v61, $0x7  }
0x309: {  	v49 =	vld.idx.msk [tilespmem:v51+s20+$0x0], $0xffff;
	v32 =	vor.u32 v0, v32;
	v45 =	vand.u32 $0x380, v45;
	v61 =	vshll.u32 v60, $0x8  }
0x30a: {  	v51 =	vld.idx.msk [tilespmem:v54+s20+$0x0], $0xffff;
	v47 =	vshll.u32 v60, $0x7;
	v57 =	vand.u32 $0xF800, v63;
	v52 =	vand.u32 $0x380, v52  }
0x30b: {  	v53 =	vld.idx.msk [tilespmem:v56+s20+$0x0], $0xffff;
	v60 =	vadd.s32 s10, v22;
	v63 =	vshll.u32 v62, $0x8;
	v43 =	vand.u32 $0x380, v43  }
0x30c: {  	v37 =	vld.idx.msk [tilespmem:v37+s20+$0x0], $0xffff;
	v56 =	vshll.u32 v62, $0x7;
	v41 =	vor.u32 v13, v41;
	v43 =	vor.u32 v43, v44  }
0x30d: {  	v62 =	vadd.s32 s10, v24;
	v50 =	vand.u32 $0xF800, v61;
	v38 =	vld.idx.msk [tilespmem:v38+s20+$0x0], $0xffff;
	v43 =	vor.u32 v15, v43  }
0x30e: {  	v47 =	vand.u32 $0x380, v47;
	v61 =	vshll.u32 v60, $0x8;
	v44 =	vand.u32 $0xF800, v55;
	v39 =	vld.idx.msk [tilespmem:v39+s20+$0x0], $0xffff  }
0x30f: {  	s12 =	sadd.s32 $0xFFFFFF00, s16;
	v47 =	vor.u32 v50, v47;
	v50 =	vor.u32 v57, v52;
	v52 =	vshll.u32 v58, $0x7;
	v40 =	vld.idx.msk [tilespmem:v40+s20+$0x0], $0xffff  }
0x310: {  	s9 =	sand.u32 $0x280, s12;
	v55 =	vshll.u32 v60, $0x7;
	v60 =	vand.u32 $0xF800, v63;
	v63 =	vshll.u32 v62, $0x8;
	v42 =	vld.idx.msk [tilespmem:v42+s20+$0x0], $0xffff  }
0x311: {  	s12 =	sor.u32 s9, s7;
	v44 =	vor.u32 v44, v45;
	v45 =	vor.u32 v2, v59;
	v47 =	vor.u32 v3, v47;
	v41 =	vld.idx.msk [tilespmem:v41+s20+$0x0], $0xffff  }
0x312: {  	v50 =	vor.u32 v4, v50;
	v59 =	vshll.u32 v58, $0x8;
	v52 =	vand.u32 $0x380, v52;
	v43 =	vld.idx.msk [tilespmem:v43+s20+$0x0], $0xffff;
	[tilespmem:s12+$0x0] =	vst v46  }
0x313: {  	v55 =	vand.u32 $0x380, v55;
	v57 =	vand.u32 $0xF800, v63;
	v63 =	vadd.s32 s10, v26;
	[tilespmem:s12+$0x10] =	vst v33  }
0x314: {  	v44 =	vor.u32 v1, v44;
	v54 =	vand.u32 $0xF800, v59;
	v59 =	vadd.s32 s10, v25;
	[tilespmem:s12+$0x20] =	vst v34  }
0x315: {  	s14 =	sand.u32 $0x7, s21;
	v52 =	vor.u32 v54, v52;
	v54 =	vand.u32 $0xF800, v61;
	v61 =	vand.u32 $0x380, v56;
	[tilespmem:s12+$0x30] =	vst v35  }
0x316: {  	s9 =	sshll.u32 s14, $0x7;
	v56 =	vshll.u32 v63, $0x8;
	v54 =	vor.u32 v54, v55;
	v46 =	vor.u32 v5, v52;
	[tilespmem:s12+$0x40] =	vst v36  }
0x317: {  	s9 =	sadd.s32 s19, s9;
	v33 =	vor.u32 v6, v54;
	v52 =	vor.u32 v60, v61;
	v54 =	vshll.u32 v62, $0x7;
	[tilespmem:s12+$0x50] =	vst v48  }
0x318: {  	s14 =	sadd.s32 $0x80, s9;
	v60 =	vshll.u32 v59, $0x8;
	v61 =	vshll.u32 v59, $0x7;
	[tilespmem:s12+$0x60] =	vst v49;
	v48 =	vand.u32 $0xF800, v56  }
0x319: {  	[tilespmem:s12+$0x70] =	vst v51;
	s12 =	sor.u32 $0x400, s14;
	v34 =	vor.u32 v7, v52;
	v58 =	vand.u32 $0x380, v54;
	v36 =	vand.u32 $0xF800, v60  }
0x31a: {  	v62 =	vand.u32 $0x380, v61;
	[tilespmem:s12+$0x14100] =	vst v53;
	v53 =	vadd.s32 s10, v29;
	v35 =	vor.u32 v58, v57  }
0x31b: {  	v36 =	vor.u32 v62, v36;
	v57 =	vadd.s32 s10, v27;
	v58 =	vshll.u32 v63, $0x7  }
0x31c: {  	v63 =	vadd.s32 s10, v28;
	v54 =	vshll.u32 v53, $0x8;
	v35 =	vor.u32 v8, v35  }
0x31d: {  	s12 =	sor.u32 $0x410, s14;
	v36 =	vor.u32 v9, v36;
	v59 =	vshll.u32 v57, $0x8;
	v49 =	vshll.u32 v57, $0x7  }
0x31e: {  	s5 =	sadd.s32 $0x47, s5;
	[tilespmem:s12+$0x14100] =	vst v37;
	s12 =	sor.u32 $0x420, s14;
	v60 =	vand.u32 $0x380, v58;
	v51 =	vshll.u32 v63, $0x8;
	v52 =	vshll.u32 v63, $0x7  }
0x31f: {  	[tilespmem:s12+$0x14100] =	vst v38;
	s12 =	sor.u32 $0x430, s14;
	v55 =	vand.u32 $0xF800, v54;
	v57 =	vadd.s32 s10, v30;
	v63 =	vadd.s32 s5, v17  }
0x320: {  	v61 =	vand.u32 $0xF800, v59;
	v49 =	vand.u32 $0x380, v49;
	v37 =	vor.u32 v60, v48;
	[tilespmem:s12+$0x14100] =	vst v39;
	s12 =	sor.u32 $0x440, s14  }
0x321: {  	v39 =	vand.u32 $0xF800, v51;
	v48 =	vshll.u32 v53, $0x7;
	v58 =	vshll.u32 v57, $0x8;
	[tilespmem:s12+$0x14100] =	vst v40;
	s12 =	sor.u32 $0x450, s14  }
0x322: {  	v59 =	vadd.s32 s10, v31;
	v54 =	vshll.u32 v63, $0x8;
	v62 =	vor.u32 v49, v61;
	[tilespmem:s12+$0x14100] =	vst v41;
	s12 =	sor.u32 $0x460, s14  }
0x323: {  	v37 =	vor.u32 v10, v37;
	v40 =	vand.u32 $0x380, v52;
	v56 =	vand.u32 $0x380, v48;
	s14 =	sor.u32 $0x470, s14;
	[tilespmem:s12+$0x14100] =	vst v42  }
0x324: {  	v60 =	vshll.u32 v59, $0x8;
	v61 =	vadd.s32 s5, v16;
	v51 =	vand.u32 $0xF800, v54;
	[tilespmem:s14+$0x14100] =	vst v43  }
0x325: {  	v38 =	vor.u32 v11, v62;
	v39 =	vor.u32 v40, v39;
	v40 =	vor.u32 v56, v55;
	v32 =	vld.idx.msk [tilespmem:v32+s20+$0x0], $0xffff  }
0x326: {  	v41 =	vshll.u32 v57, $0x7;
	v62 =	vshll.u32 v61, $0x8;
	v48 =	vshll.u32 v61, $0x7;
	v43 =	vld.idx.msk [tilespmem:v44+s20+$0x0], $0xffff  }
0x327: {  	v56 =	vadd.s32 s5, v18;
	v61 =	vadd.s32 s5, v20;
	v39 =	vor.u32 v12, v39;
	v45 =	vld.idx.msk [tilespmem:v45+s20+$0x0], $0xffff  }
0x328: {  	v40 =	vor.u32 v13, v40;
	v42 =	vand.u32 $0xF800, v58;
	v41 =	vand.u32 $0x380, v41;
	v47 =	vld.idx.msk [tilespmem:v47+s20+$0x0], $0xffff  }
0x329: {  	v48 =	vand.u32 $0x380, v48;
	v57 =	vshll.u32 v56, $0x8;
	v58 =	vadd.s32 s5, v19;
	v49 =	vld.idx.msk [tilespmem:v50+s20+$0x0], $0xffff  }
0x32a: {  	v41 =	vor.u32 v41, v42;
	v42 =	vand.u32 $0xF800, v60;
	v52 =	vshll.u32 v58, $0x7;
	v46 =	vld.idx.msk [tilespmem:v46+s20+$0x0], $0xffff  }
0x32b: {  	v44 =	vshll.u32 v59, $0x7;
	v41 =	vor.u32 v14, v41;
	v33 =	vld.idx.msk [tilespmem:v33+s20+$0x0], $0xffff;
	v50 =	vshll.u32 v63, $0x7  }
0x32c: {  	v34 =	vld.idx.msk [tilespmem:v34+s20+$0x0], $0xffff;
	v59 =	vshll.u32 v58, $0x8;
	v52 =	vand.u32 $0x380, v52;
	v63 =	vadd.s32 s5, v21  }
0x32d: {  	v35 =	vld.idx.msk [tilespmem:v35+s20+$0x0], $0xffff;
	v44 =	vand.u32 $0x380, v44;
	v50 =	vand.u32 $0x380, v50;
	v60 =	vand.u32 $0xF800, v59  }
0x32e: {  	v36 =	vld.idx.msk [tilespmem:v36+s20+$0x0], $0xffff;
	v58 =	vshll.u32 v63, $0x7;
	v42 =	vor.u32 v44, v42;
	v44 =	vand.u32 $0xF800, v62  }
0x32f: {  	v37 =	vld.idx.msk [tilespmem:v37+s20+$0x0], $0xffff;
	v55 =	vor.u32 v51, v50;
	v51 =	vand.u32 $0xF800, v57;
	v42 =	vor.u32 v15, v42  }
0x330: {  	v50 =	vshll.u32 v56, $0x7;
	v38 =	vld.idx.msk [tilespmem:v38+s20+$0x0], $0xffff;
	v62 =	vshll.u32 v61, $0x8;
	v57 =	vshll.u32 v63, $0x8  }
0x331: {  	s12 =	sadd.s32 $0xFFFFFF80, s16;
	v44 =	vor.u32 v44, v48;
	v48 =	vor.u32 v1, v55;
	v50 =	vand.u32 $0x380, v50;
	v39 =	vld.idx.msk [tilespmem:v39+s20+$0x0], $0xffff  }
0x332: {  	s10 =	sand.u32 $0x300, s12;
	v40 =	vld.idx.msk [tilespmem:v40+s20+$0x0], $0xffff;
	v53 =	vand.u32 $0xF800, v62;
	v59 =	vand.u32 $0xF800, v57;
	v57 =	vadd.s32 s5, v24  }
0x333: {  	s10 =	sadd.s32 s10, s7;
	v44 =	vor.u32 v0, v44;
	v50 =	vor.u32 v51, v50;
	v51 =	vor.u32 v60, v52;
	v41 =	vld.idx.msk [tilespmem:v41+s20+$0x0], $0xffff  }
0x334: {  	v52 =	vshll.u32 v61, $0x7;
	v60 =	vand.u32 $0x380, v58;
	v61 =	vadd.s32 s5, v22;
	v42 =	vld.idx.msk [tilespmem:v42+s20+$0x0], $0xffff;
	[tilespmem:s10+$0x0] =	vst v32  }
0x335: {  	v58 =	vshll.u32 v57, $0x8;
	v50 =	vor.u32 v2, v50;
	v51 =	vor.u32 v3, v51;
	[tilespmem:s10+$0x10] =	vst v43  }
0x336: {  	v52 =	vand.u32 $0x380, v52;
	v62 =	vshll.u32 v61, $0x8;
	v63 =	vshll.u32 v61, $0x7;
	[tilespmem:s10+$0x20] =	vst v45  }
0x337: {  	s14 =	sand.u32 $0x3, s17;
	v61 =	vadd.s32 s5, v25;
	v56 =	vor.u32 v53, v52;
	v53 =	vadd.s32 s5, v23;
	[tilespmem:s10+$0x30] =	vst v47  }
0x338: {  	s12 =	sshll.u32 s14, $0x8;
	v52 =	vand.u32 $0x380, v63;
	v63 =	vadd.s32 s5, v26;
	v54 =	vshll.u32 v53, $0x8;
	[tilespmem:s10+$0x40] =	vst v49  }
0x339: {  	s12 =	sadd.s32 s19, s12;
	v43 =	vor.u32 v59, v60;
	v32 =	vor.u32 v4, v56;
	v45 =	vand.u32 $0xF800, v62;
	[tilespmem:s10+$0x50] =	vst v46  }
0x33a: {  	s12 =	sadd.s32 $0x100, s12;
	v47 =	vshll.u32 v53, $0x7;
	[tilespmem:s10+$0x60] =	vst v33;
	v55 =	vand.u32 $0xF800, v54;
	v59 =	vshll.u32 v57, $0x7  }
0x33b: {  	s14 =	sor.u32 $0x400, s12;
	[tilespmem:s10+$0x70] =	vst v34;
	v34 =	vand.u32 $0xF800, v58;
	v62 =	vshll.u32 v61, $0x8;
	v46 =	vshll.u32 v61, $0x7  }
0x33c: {  	v49 =	vadd.s32 s5, v27;
	v53 =	vadd.s32 s5, v28;
	v57 =	vadd.s32 s5, v29;
	[tilespmem:s14+$0x14100] =	vst v35;
	s14 =	sor.u32 $0x410, s12  }
0x33d: {  	v43 =	vor.u32 v5, v43;
	v45 =	vor.u32 v45, v52;
	v56 =	vand.u32 $0x380, v47;
	[tilespmem:s14+$0x14100] =	vst v36;
	s14 =	sor.u32 $0x420, s12  }
0x33e: {  	v60 =	vand.u32 $0x380, v59;
	v35 =	vand.u32 $0xF800, v62;
	v47 =	vshll.u32 v63, $0x8;
	[tilespmem:s14+$0x14100] =	vst v37;
	s14 =	sor.u32 $0x430, s12  }
0x33f: {  	v52 =	vshll.u32 v49, $0x8;
	v54 =	vshll.u32 v53, $0x8;
	v59 =	vshll.u32 v57, $0x8;
	[tilespmem:s14+$0x14100] =	vst v38;
	s14 =	sor.u32 $0x440, s12  }
0x340: {  	v62 =	vadd.s32 s5, v31;
	v45 =	vor.u32 v6, v45;
	v33 =	vor.u32 v55, v56;
	[tilespmem:s14+$0x14100] =	vst v39;
	s14 =	sor.u32 $0x450, s12  }
0x341: {  	v34 =	vor.u32 v60, v34;
	v36 =	vshll.u32 v63, $0x7;
	v55 =	vand.u32 $0xF800, v54;
	[tilespmem:s14+$0x14100] =	vst v40;
	s14 =	sor.u32 $0x460, s12  }
0x342: {  	v60 =	vadd.s32 s5, v30;
	v63 =	vshll.u32 v62, $0x8;
	v33 =	vor.u32 v7, v33;
	s12 =	sor.u32 $0x470, s12;
	[tilespmem:s14+$0x14100] =	vst v41  }
0x343: {  	v34 =	vor.u32 v8, v34;
	v37 =	vand.u32 $0x380, v46;
	v36 =	vand.u32 $0x380, v36;
	[tilespmem:s12+$0x14100] =	vst v42  }
0x344: {  	v46 =	vand.u32 $0xF800, v59;
	v61 =	vshll.u32 v60, $0x8;
	v38 =	vand.u32 $0xF800, v47;
	v40 =	vld.idx.msk [tilespmem:v44+s20+$0x0], $0xffff  }
0x345: {  	v35 =	vor.u32 v37, v35;
	v37 =	vshll.u32 v49, $0x7;
	v47 =	vshll.u32 v60, $0x7;
	v42 =	vld.idx.msk [tilespmem:v48+s20+$0x0], $0xffff  }
0x346: {  	v36 =	vor.u32 v36, v38;
	v35 =	vor.u32 v9, v35;
	v39 =	vshll.u32 v53, $0x7;
	v56 =	vld.idx.msk [tilespmem:v50+s20+$0x0], $0xffff  }
0x347: {  	v38 =	vand.u32 $0xF800, v52;
	v37 =	vand.u32 $0x380, v37;
	v39 =	vand.u32 $0x380, v39;
	v58 =	vld.idx.msk [tilespmem:v51+s20+$0x0], $0xffff  }
0x348: {  	v37 =	vor.u32 v37, v38;
	v38 =	vor.u32 v39, v55;
	v39 =	vshll.u32 v57, $0x7;
	v32 =	vld.idx.msk [tilespmem:v32+s20+$0x0], $0xffff  }
0x349: {  	v47 =	vand.u32 $0x380, v47;
	v36 =	vor.u32 v10, v36;
	v39 =	vand.u32 $0x380, v39;
	v43 =	vld.idx.msk [tilespmem:v43+s20+$0x0], $0xffff  }
0x34a: {  	v37 =	vor.u32 v11, v37;
	v39 =	vor.u32 v39, v46;
	v45 =	vld.idx.msk [tilespmem:v45+s20+$0x0], $0xffff;
	v46 =	vand.u32 $0xF800, v61  }
0x34b: {  	v38 =	vor.u32 v12, v38;
	v33 =	vld.idx.msk [tilespmem:v33+s20+$0x0], $0xffff;
	v48 =	vshll.u32 v62, $0x7;
	v46 =	vor.u32 v47, v46  }
0x34c: {  	v34 =	vld.idx.msk [tilespmem:v34+s20+$0x0], $0xffff;
	v39 =	vor.u32 v13, v39;
	v47 =	vand.u32 $0xF800, v63;
	v48 =	vand.u32 $0x380, v48  }
0x34d: {  	v35 =	vld.idx.msk [tilespmem:v35+s20+$0x0], $0xffff;
	v46 =	vor.u32 v14, v46;
	v47 =	vor.u32 v48, v47  }
0x34e: {  	v36 =	vld.idx.msk [tilespmem:v36+s20+$0x0], $0xffff;
	v47 =	vor.u32 v15, v47  }
0x34f: {  	v37 =	vld.idx.msk [tilespmem:v37+s20+$0x0], $0xffff  }
0x350: {  	v38 =	vld.idx.msk [tilespmem:v38+s20+$0x0], $0xffff  }
0x351: {  	s14 =	sand.u32 $0x380, s16;
	v39 =	vld.idx.msk [tilespmem:v39+s20+$0x0], $0xffff  }
0x352: {  	s5 =	sadd.s32 s14, s7;
	v46 =	vld.idx.msk [tilespmem:v46+s20+$0x0], $0xffff  }
0x353: {  	v47 =	vld.idx.msk [tilespmem:v47+s20+$0x0], $0xffff;
	[tilespmem:s5+$0x0] =	vst v40  }
0x354: {  	[tilespmem:s5+$0x10] =	vst v42  }
0x355: {  	[tilespmem:s5+$0x20] =	vst v56  }
0x356: {  	[tilespmem:s5+$0x30] =	vst v58  }
0x357: {  	[tilespmem:s5+$0x40] =	vst v32  }
0x358: {  	[tilespmem:s5+$0x50] =	vst v43  }
0x359: {  	s7 =	sadd.s32 $0x180, s9;
	[tilespmem:s5+$0x60] =	vst v45  }
0x35a: {  	s10 =	sor.u32 $0x400, s7;
	[tilespmem:s5+$0x70] =	vst v33  }
0x35b: {  	s12 =	sor.u32 $0x410, s7;
	[tilespmem:s10+$0x14100] =	vst v34  }
0x35c: {  	s0 =	sadd.s32 $0x4, s0;
	s14 =	sor.u32 $0x420, s7;
	[tilespmem:s12+$0x14100] =	vst v35  }
0x35d: {  	p1 =	slt.u32 s0, $0x3C;
	s9 =	sor.u32 $0x430, s7;
	[tilespmem:s14+$0x14100] =	vst v36  }
.Ltmp10:
0x35e: {  	s10 =	sor.u32 $0x440, s7;
	[tilespmem:s9+$0x14100] =	vst v37;
	(pc) =	sbr.rel @p1 .LBB2_19-.Ltmp10, $4  }
0x35f: {  	s12 =	sor.u32 $0x450, s7;
	[tilespmem:s10+$0x14100] =	vst v38  }
0x360: {  	s14 =	sor.u32 $0x460, s7;
	[tilespmem:s12+$0x14100] =	vst v39  }
0x361: {  	p0 =	por !p0, !p0;
	s21 =	sadd.s32 $0x4, s21;
	s7 =	sor.u32 $0x470, s7;
	[tilespmem:s14+$0x14100] =	vst v46  }
0x362: {  	s17 =	sadd.s32 $0x2, s17;
	s19 =	sadd.s32 $0x400, s19;
	s16 =	sadd.s32 $0x200, s16;
	[tilespmem:s7+$0x14100] =	vst v47  }
0x363: {  	s31 =	sadd.s32 $0x1, s31  }
0x364: {  	p0 =	sne.s32 s31, $0x10  }
.Ltmp11:
0x365: {  	s0 =	sshll.u32 s2, $0xE;
	(pc) =	sbr.rel @p0 .LBB2_12-.Ltmp11, $4  }
0x366: {  	s0 =	sadd.s32 s11, s0  }
0x367: {  	s0 =	sshrl.u32 s0, $0x3  }
0x368: {  	s30 =	sadd.s32 $0x80, s30;
	s0 =	sadd.s32 s3, s0  }
0x369: {  	[hbm4b:s0+s4] =	stream.linear.scatter [tilespmem:s26], [sflag:$0x4], $0x4000, $0x38;
	[tilespmem:$0x18100] =	vst v63  }
0x36a: {  	s29 =	sadd.s32 $0x1, s29  }
0x36b: {  	_ =	swait.ge [sflag:s28], $0x4000;
	p0 =	sne.s32 s29, s15  }
.Ltmp12:
0x36c: {  	[sflag:s28] =	ssyncset.done $0x0;
	(pc) =	sbr.rel @p0 .LBB2_1-.Ltmp12, $4  }
0x36d: {  	[sflag:s28] =	ssyncadd.s32 $0xFFFFC000  }
0x36e: {  	_ =	swait.ge [sflag:s25], $0x4000  }
0x36f: {  	[sflag:s25] =	ssyncset.done $0x0  }
0x370: {  	[sflag:s25] =	ssyncadd.s32 $0xFFFFC000  }
0x371: {  	_ =	sfence.sel $0x180000  }
0x372: {  	[bflag:$0x0] =	sbarrier.arrive $0xFFFF  }
0x373: {  	_ =	strace $0x90000047  }
0x374: {  	s0 =	stileid.u32;
	[bflag:$0x2] =	sbarrier.arrive $0xFFFF  }
0x375: {  	p0 =	sne.s32 s0, $0x0;
	s0 =	rddreg [dreg:$0x3]  }
0x376: {  	s0 =	sadd.s32 @!p0 $0x100000, s0  }
0x377: {  	[sflag:s0] =	ssyncadd.tile.s32 @!p0 $0x1;
	_ =	shalt  }
.Lfunc_end2:
_tile_overlayer_lowered:
.L_overlay_start_2:
0x378: {  	(tag) =	ssettag $0x2  }
0x379: {  	s0 =	rddreg [dreg:$0x0];
	s2 =	stileid.u32  }
0x37a: {  	s1 =	rddreg [dreg:$0x1];
	p0 =	sne.s32 s2, $0x0  }
0x37b: {  	s3 =	rddreg [dreg:$0x2];
	[bflag:$0x3] =	sbarrier.arrive $0xFFFF;
	s2 =	simm.s32 @!p0 $0x1C05  }
0x37c: {  	[timem:s3], [sflag:s2] =	dma.local @!p0 [hbm:s0], s1  }
0x37d: {  	s0 =	simm.s32 @!p0 $0x5  }
0x37e: {  	_ =	swait.ge @!p0 [sflag:s0], s1  }
0x37f: {  	s1 =	ssub.s32 @!p0 $0x0, s1;
	[sflag:s0] =	ssyncset.done @!p0 $0x0  }
0x380: {  	[sflag:s0] =	ssyncadd.s32 @!p0 s1  }
0x381: {  	[bflag:$0x3] =	sbarrier.arrive $0xFFFF  }
0x382: {  	_ =	shalt  }

</sc_bundles>
